<compile_context>
chip_gen: v7x
topology: tpu7x:2x2x1
jax: 0.10.2.dev20260603
libtpu: 0.0.44.dev20260713+nightly
codegen_flags: <defaults>
</compile_context>

<pallas_src>
import functools

import jax
import jax.numpy as jnp
from jax import lax
from jax.experimental import pallas as pl
from jax.experimental.pallas import tpu as pltpu
from jax.experimental.pallas import tpu_sc as plsc

D = 64
BOS_ID = 1
EOS_ID = 2

NC = 2
NS = 16
NW = NC * NS

BLK = 128
GBUF = 6
TBUF = 2
PITCH = 129


@functools.lru_cache(maxsize=None)
def _make_kernel(b, t):
    nbb = b // BLK
    bb_per_w = nbb // NW
    nunits = bb_per_w * t
    assert nunits >= GBUF
    mesh = plsc.VectorSubcoreMesh(core_axis_name="c", subcore_axis_name="s")

    @functools.partial(
        pl.kernel,
        mesh=mesh,
        compiler_params=pltpu.CompilerParams(
            use_tc_tiling_on_sc=False, needs_layout_passes=False),
        out_type=jax.ShapeDtypeStruct((t, D // 8, nbb, 8, BLK),
                                      jnp.float32),
        scratch_types=[
            pltpu.VMEM((t, bb_per_w * BLK), jnp.int32),
            pltpu.VMEM((GBUF, BLK, D), jnp.float32),
            pltpu.VMEM((TBUF, D // 8, 8, PITCH), jnp.float32),
            pltpu.VMEM((2, D), jnp.float32),
            pltpu.SemaphoreType.DMA((GBUF,)),
            pltpu.SemaphoreType.DMA((TBUF,)),
        ],
    )
    def k(ids_hbm, table_hbm, spec_hbm, out_hbm, ids_v, gbuf, tbuf, spec_v,
          gsem, osem):
        wid = lax.axis_index("s") * NC + lax.axis_index("c")
        bb0 = wid * bb_per_w
        pltpu.sync_copy(spec_hbm, spec_v)
        pltpu.sync_copy(ids_hbm.at[:, pl.ds(bb0 * BLK, bb_per_w * BLK)],
                        ids_v)

        riota = lax.iota(jnp.int32, 16)
        dblk_dg = [(riota + dg * 16) >> 3 for dg in range(4)]
        dsub_dg = [(riota + dg * 16) & 7 for dg in range(4)]

        def unit_tb(u):
            return u // bb_per_w, u % bb_per_w

        def fire_gather(u):
            ut, ub = unit_tb(u)
            pltpu.async_copy(
                table_hbm.at[ids_v.at[ut].at[pl.ds(ub * BLK, BLK)]],
                gbuf.at[u % GBUF],
                gsem.at[u % GBUF],
            )

        def wait_gather(u):
            pltpu.make_async_copy(
                table_hbm.at[pl.ds(0, BLK)], gbuf.at[u % GBUF],
                gsem.at[u % GBUF]
            ).wait()

        def wait_outs(slot):
            pltpu.make_async_copy(
                tbuf.at[slot, :, :, pl.ds(0, BLK)],
                out_hbm.at[0, :, 0],
                osem.at[slot],
            ).wait()

        for p in range(GBUF - 1):
            fire_gather(p)

        def unit_body(u, carry):
            gslot = u % GBUF
            tslot = u % TBUF
            ut, ub = unit_tb(u)
            wait_gather(u)

            def patch_body(v, c2):
                ids = ids_v[ut, pl.ds(ub * BLK + v * 16, 16)]
                hit = (ids == BOS_ID) | (ids == EOS_ID)
                cnt = plsc.all_reduce_population_count(hit)[0]

                @pl.when(cnt > 0)
                def _():
                    for lane in range(16):
                        sid = ids[lane]

                        @pl.when((sid == BOS_ID) | (sid == EOS_ID))
                        def _():
                            srow = sid - BOS_ID
                            row = v * 16 + lane
                            for dg in range(4):
                                gbuf[gslot, row, pl.ds(dg * 16, 16)] = (
                                    spec_v[srow, pl.ds(dg * 16, 16)])

                return c2

            lax.fori_loop(0, BLK // 16, patch_body, 0, unroll=4)

            @pl.when(u + GBUF - 1 < nunits)
            def _():
                fire_gather(u + GBUF - 1)

            @pl.when(u >= TBUF)
            def _():
                wait_outs(tslot)

            def tr_body(tok, c2):
                tokv = jnp.full((16,), tok, jnp.int32)
                for dg in range(4):
                    val = gbuf[gslot, tok, pl.ds(dg * 16, 16)]
                    plsc.store_scatter(
                        tbuf.at[tslot],
                        [dblk_dg[dg], dsub_dg[dg], tokv], val)
                return c2

            lax.fori_loop(0, BLK, tr_body, 0, unroll=8)

            pltpu.async_copy(
                tbuf.at[tslot, :, :, pl.ds(0, BLK)],
                out_hbm.at[ut, :, bb0 + ub],
                osem.at[tslot],
            )

            return carry

        lax.fori_loop(0, nunits, unit_body, 0)
        wait_outs((nunits - 2) % TBUF)
        wait_outs((nunits - 1) % TBUF)

    return k


def kernel(input_ids, word_table, special_table):
    b, t = input_ids.shape
    ids_t = input_ids.astype(jnp.int32).T
    out = _make_kernel(b, t)(ids_t, word_table, special_table)
    out = out.reshape(t, D // 8, b // BLK, 8, BLK)
    return out.transpose(2, 4, 0, 1, 3).reshape(b, t, D)

# --- scband reference (transcript-rebuilt; emitter-appended) ---
"""Pipeline reference for scband-composite-embedding-28114855920054 (READ-ONLY COPY).

The authoritative reference and input builder live on the scoring server;
editing this copy changes nothing except your own understanding.
"""

import jax, jax.numpy as jnp
import numpy as np

VOCAB = 1000000
D = 64
B = 16384
T = 50
BOS_ID = 1
EOS_ID = 2


def setup_inputs(seed: int = 0) -> dict:
    key = jax.random.key(seed)
    k1, k2, k3 = jax.random.split(key, 3)
    input_ids = jax.random.randint(k1, (B, T), 0, VOCAB, dtype=jnp.int64) if jax.config.jax_enable_x64 else jax.random.randint(k1, (B, T), 0, VOCAB, dtype=jnp.int32)
    word_table = jax.random.normal(k2, (VOCAB, D), dtype=jnp.float32)
    special_table = jax.random.normal(k3, (2, D), dtype=jnp.float32)
    return {"input_ids": input_ids, "word_table": word_table, "special_table": special_table}


def reference(input_ids, word_table, special_table):
    # masks for special tokens
    bos_mask = (input_ids == BOS_ID)
    eos_mask = (input_ids == EOS_ID)
    # gather word embeddings for all positions (equivalent to masked scatter into zeros:
    # every position is covered by exactly one of {bos, eos, normal})
    word_emb = jnp.take(word_table, input_ids, axis=0)  # [B, T, D]
    bos_emb = special_table[0]  # [D]
    eos_emb = special_table[1]  # [D]
    out = jnp.where(bos_mask[..., None], bos_emb,
                    jnp.where(eos_mask[..., None], eos_emb, word_emb))
    return out

if __name__ == "__main__":
    import jax
    _d = setup_inputs()
    print(jax.jit(kernel)(*tuple(_d.values())))

</pallas_src>

<mosaic_0001>
#map = affine_map<(d0, d1) -> (0, 0)>
#map1 = affine_map<(d0, d1) -> (0, 0, 0, 0, 0)>
module attributes {stable_mosaic.version = 14 : i64} {
  func.func @k(%arg0: i32, %arg1: i32, %arg2: memref<50x16384xi32, #tpu.memory_space<hbm>>, %arg3: memref<1000000x64xf32, #tpu.memory_space<hbm>>, %arg4: memref<2x64xf32, #tpu.memory_space<hbm>>, %arg5: memref<50x8x128x8x128xf32, #tpu.memory_space<hbm>>, %arg6: memref<50x512xi32, #tpu.memory_space<vmem>>, %arg7: memref<6x128x64xf32, #tpu.memory_space<vmem>>, %arg8: memref<2x8x8x129xf32, #tpu.memory_space<vmem>>, %arg9: memref<2x64xf32, #tpu.memory_space<vmem>>, %arg10: memref<6x!tpu.dma_semaphore, #tpu.memory_space<semaphore_mem>>, %arg11: memref<2x!tpu.dma_semaphore, #tpu.memory_space<semaphore_mem>>) attributes {dimension_semantics = [#tpu.dimension_semantics<core_parallel>, #tpu.dimension_semantics<subcore_parallel>], iteration_bounds = array<i64: 2, 16>, scalar_prefetch = 0 : i64, scratch_operands = 6 : i64, tpu.core_type = #tpu.core_type<sc_vector_subcore>, window_params = [{transform_indices = #map}, {transform_indices = #map}, {transform_indices = #map}, {transform_indices = #map1}]} {
    %mul3A = arith.constant 2 : i32
    %mul3A_0 = arith.muli %arg1, %mul3A : i32
    %add3A = arith.addi %mul3A_0, %arg0 : i32
    %mul3A_1 = arith.constant 4 : i32
    %mul3A_2 = arith.muli %add3A, %mul3A_1 : i32
    "tpu.region"() ({
      %run_scoped3A = tpu.sem_alloc : memref<!tpu.dma_semaphore, #tpu.memory_space<semaphore_mem>>
      tpu.enqueue_dma source(%arg4 : memref<2x64xf32, #tpu.memory_space<hbm>>) target(%arg9 : memref<2x64xf32, #tpu.memory_space<vmem>>) target_semaphore(%run_scoped3A : memref<!tpu.dma_semaphore, #tpu.memory_space<semaphore_mem>>)
      tpu.wait_dma2 semaphore(%run_scoped3A : memref<!tpu.dma_semaphore, #tpu.memory_space<semaphore_mem>>) src(%arg4 : memref<2x64xf32, #tpu.memory_space<hbm>>) dst(%arg9 : memref<2x64xf32, #tpu.memory_space<vmem>>)
      tpu.yield
    }) : () -> ()
    %mul3A_3 = arith.constant 128 : i32
    %mul3A_4 = arith.muli %mul3A_2, %mul3A_3 : i32
    "tpu.region"() ({
      %run_scoped3A = tpu.sem_alloc : memref<!tpu.dma_semaphore, #tpu.memory_space<semaphore_mem>>
      %dma_start3A_191 = arith.constant 0 : i32
      %dma_start3A_192 = tpu.memref_slice %arg2[%dma_start3A_191, %mul3A_4] : memref<50x16384xi32, #tpu.memory_space<hbm>> -> memref<50x512xi32, #tpu.memory_space<hbm>>
      %dma_start3A_193 = arith.constant 0 : i32
      %dma_start3A_194 = tpu.memref_slice %arg2[%dma_start3A_193, %mul3A_4] : memref<50x16384xi32, #tpu.memory_space<hbm>> -> memref<50x512xi32, #tpu.memory_space<hbm>>
      tpu.enqueue_dma source(%dma_start3A_194 : memref<50x512xi32, #tpu.memory_space<hbm>>) target(%arg6 : memref<50x512xi32, #tpu.memory_space<vmem>>) target_semaphore(%run_scoped3A : memref<!tpu.dma_semaphore, #tpu.memory_space<semaphore_mem>>)
      %dma_wait3A_195 = arith.constant 0 : i32
      %dma_wait3A_196 = tpu.memref_slice %arg2[%dma_wait3A_195, %mul3A_4] : memref<50x16384xi32, #tpu.memory_space<hbm>> -> memref<50x512xi32, #tpu.memory_space<hbm>>
      %dma_wait3A_197 = arith.constant 0 : i32
      %dma_wait3A_198 = tpu.memref_slice %arg2[%dma_wait3A_197, %mul3A_4] : memref<50x16384xi32, #tpu.memory_space<hbm>> -> memref<50x512xi32, #tpu.memory_space<hbm>>
      tpu.wait_dma2 semaphore(%run_scoped3A : memref<!tpu.dma_semaphore, #tpu.memory_space<semaphore_mem>>) src(%dma_wait3A_198 : memref<50x512xi32, #tpu.memory_space<hbm>>) dst(%arg6 : memref<50x512xi32, #tpu.memory_space<vmem>>)
      tpu.yield
    }) : () -> ()
    %iota3A = tpu.iota {dimensions = array<i32: 0>} : vector<16xi32>
    %add3A_5 = arith.constant 0 : i32
    %add3A_6 = vector.broadcast %add3A_5 : i32 to vector<16xi32>
    %add3A_7 = arith.addi %iota3A, %add3A_6 : vector<16xi32>
    %shift_right_arithmetic3A = arith.constant 3 : i32
    %shift_right_arithmetic3A_8 = vector.broadcast %shift_right_arithmetic3A : i32 to vector<16xi32>
    %shift_right_arithmetic3A_9 = arith.shrsi %add3A_7, %shift_right_arithmetic3A_8 : vector<16xi32>
    %add3A_10 = arith.constant 16 : i32
    %add3A_11 = vector.broadcast %add3A_10 : i32 to vector<16xi32>
    %add3A_12 = arith.addi %iota3A, %add3A_11 : vector<16xi32>
    %shift_right_arithmetic3A_13 = arith.constant 3 : i32
    %shift_right_arithmetic3A_14 = vector.broadcast %shift_right_arithmetic3A_13 : i32 to vector<16xi32>
    %shift_right_arithmetic3A_15 = arith.shrsi %add3A_12, %shift_right_arithmetic3A_14 : vector<16xi32>
    %add3A_16 = arith.constant 32 : i32
    %add3A_17 = vector.broadcast %add3A_16 : i32 to vector<16xi32>
    %add3A_18 = arith.addi %iota3A, %add3A_17 : vector<16xi32>
    %shift_right_arithmetic3A_19 = arith.constant 3 : i32
    %shift_right_arithmetic3A_20 = vector.broadcast %shift_right_arithmetic3A_19 : i32 to vector<16xi32>
    %shift_right_arithmetic3A_21 = arith.shrsi %add3A_18, %shift_right_arithmetic3A_20 : vector<16xi32>
    %add3A_22 = arith.constant 48 : i32
    %add3A_23 = vector.broadcast %add3A_22 : i32 to vector<16xi32>
    %add3A_24 = arith.addi %iota3A, %add3A_23 : vector<16xi32>
    %shift_right_arithmetic3A_25 = arith.constant 3 : i32
    %shift_right_arithmetic3A_26 = vector.broadcast %shift_right_arithmetic3A_25 : i32 to vector<16xi32>
    %shift_right_arithmetic3A_27 = arith.shrsi %add3A_24, %shift_right_arithmetic3A_26 : vector<16xi32>
    %add3A_28 = arith.constant 0 : i32
    %add3A_29 = vector.broadcast %add3A_28 : i32 to vector<16xi32>
    %add3A_30 = arith.addi %iota3A, %add3A_29 : vector<16xi32>
    %and3A = arith.constant 7 : i32
    %and3A_31 = vector.broadcast %and3A : i32 to vector<16xi32>
    %and3A_32 = arith.andi %add3A_30, %and3A_31 : vector<16xi32>
    %add3A_33 = arith.constant 16 : i32
    %add3A_34 = vector.broadcast %add3A_33 : i32 to vector<16xi32>
    %add3A_35 = arith.addi %iota3A, %add3A_34 : vector<16xi32>
    %and3A_36 = arith.constant 7 : i32
    %and3A_37 = vector.broadcast %and3A_36 : i32 to vector<16xi32>
    %and3A_38 = arith.andi %add3A_35, %and3A_37 : vector<16xi32>
    %add3A_39 = arith.constant 32 : i32
    %add3A_40 = vector.broadcast %add3A_39 : i32 to vector<16xi32>
    %add3A_41 = arith.addi %iota3A, %add3A_40 : vector<16xi32>
    %and3A_42 = arith.constant 7 : i32
    %and3A_43 = vector.broadcast %and3A_42 : i32 to vector<16xi32>
    %and3A_44 = arith.andi %add3A_41, %and3A_43 : vector<16xi32>
    %add3A_45 = arith.constant 48 : i32
    %add3A_46 = vector.broadcast %add3A_45 : i32 to vector<16xi32>
    %add3A_47 = arith.addi %iota3A, %add3A_46 : vector<16xi32>
    %and3A_48 = arith.constant 7 : i32
    %and3A_49 = vector.broadcast %and3A_48 : i32 to vector<16xi32>
    %and3A_50 = arith.andi %add3A_47, %and3A_49 : vector<16xi32>
    %dma_start3A = arith.constant 0 : i32
    %dma_start3A_51 = arith.constant 0 : i32
    %dma_start3A_52 = arith.constant 0 : i32
    %dma_start3A_53 = arith.constant 0 : i32
    %dma_start3A_54 = arith.constant 0 : i32
    %dma_start3A_55 = tpu.memref_slice %arg7[%dma_start3A_51, %dma_start3A_53, %dma_start3A_54] : memref<6x128x64xf32, #tpu.memory_space<vmem>> -> memref<1x128x64xf32, #tpu.memory_space<vmem>>
    %dma_start3A_56 = tpu.memref_squeeze %dma_start3A_55 : memref<1x128x64xf32, #tpu.memory_space<vmem>> -> memref<128x64xf32, #tpu.memory_space<vmem>>
    %dma_start3A_57 = arith.constant 0 : i32
    %dma_start3A_58 = tpu.memref_slice %arg6[%dma_start3A, %dma_start3A_57] : memref<50x512xi32, #tpu.memory_space<vmem>> -> memref<1x512xi32, #tpu.memory_space<vmem>>
    %dma_start3A_59 = tpu.memref_squeeze %dma_start3A_58 : memref<1x512xi32, #tpu.memory_space<vmem>> -> memref<512xi32, #tpu.memory_space<vmem>>
    %dma_start3A_60 = arith.constant 0 : i32
    %dma_start3A_61 = tpu.memref_slice %dma_start3A_59[%dma_start3A_60] : memref<512xi32, #tpu.memory_space<vmem>> -> memref<128xi32, #tpu.memory_space<vmem>>
    %dma_start3A_62 = arith.constant 0 : i32
    %dma_start3A_63 = arith.constant 0 : i32
    %dma_start3A_64 = tpu.memref_slice %arg3[%dma_start3A_62, %dma_start3A_63] : memref<1000000x64xf32, #tpu.memory_space<hbm>> -> memref<1000000x64xf32, #tpu.memory_space<hbm>>
    %dma_start3A_65 = tpu.memref_slice %arg10[%dma_start3A_52] : memref<6x!tpu.dma_semaphore, #tpu.memory_space<semaphore_mem>> -> memref<1x!tpu.dma_semaphore, #tpu.memory_space<semaphore_mem>>
    %dma_start3A_66 = tpu.memref_squeeze %dma_start3A_65 : memref<1x!tpu.dma_semaphore, #tpu.memory_space<semaphore_mem>> -> memref<!tpu.dma_semaphore, #tpu.memory_space<semaphore_mem>>
    tpu.enqueue_indirect_dma source(%dma_start3A_64 : memref<1000000x64xf32, #tpu.memory_space<hbm>>) target(%dma_start3A_56 : memref<128x64xf32, #tpu.memory_space<vmem>>) offsets(%dma_start3A_61 : memref<128xi32, #tpu.memory_space<vmem>>) semaphore(%dma_start3A_66 : memref<!tpu.dma_semaphore, #tpu.memory_space<semaphore_mem>>)
    %dma_start3A_67 = arith.constant 0 : i32
    %dma_start3A_68 = arith.constant 1 : i32
    %dma_start3A_69 = arith.constant 1 : i32
    %dma_start3A_70 = arith.constant 0 : i32
    %dma_start3A_71 = arith.constant 0 : i32
    %dma_start3A_72 = tpu.memref_slice %arg7[%dma_start3A_68, %dma_start3A_70, %dma_start3A_71] : memref<6x128x64xf32, #tpu.memory_space<vmem>> -> memref<1x128x64xf32, #tpu.memory_space<vmem>>
    %dma_start3A_73 = tpu.memref_squeeze %dma_start3A_72 : memref<1x128x64xf32, #tpu.memory_space<vmem>> -> memref<128x64xf32, #tpu.memory_space<vmem>>
    %dma_start3A_74 = arith.constant 0 : i32
    %dma_start3A_75 = tpu.memref_slice %arg6[%dma_start3A_67, %dma_start3A_74] : memref<50x512xi32, #tpu.memory_space<vmem>> -> memref<1x512xi32, #tpu.memory_space<vmem>>
    %dma_start3A_76 = tpu.memref_squeeze %dma_start3A_75 : memref<1x512xi32, #tpu.memory_space<vmem>> -> memref<512xi32, #tpu.memory_space<vmem>>
    %dma_start3A_77 = arith.constant 128 : i32
    %dma_start3A_78 = tpu.memref_slice %dma_start3A_76[%dma_start3A_77] : memref<512xi32, #tpu.memory_space<vmem>> -> memref<128xi32, #tpu.memory_space<vmem>>
    %dma_start3A_79 = arith.constant 0 : i32
    %dma_start3A_80 = arith.constant 0 : i32
    %dma_start3A_81 = tpu.memref_slice %arg3[%dma_start3A_79, %dma_start3A_80] : memref<1000000x64xf32, #tpu.memory_space<hbm>> -> memref<1000000x64xf32, #tpu.memory_space<hbm>>
    %dma_start3A_82 = tpu.memref_slice %arg10[%dma_start3A_69] : memref<6x!tpu.dma_semaphore, #tpu.memory_space<semaphore_mem>> -> memref<1x!tpu.dma_semaphore, #tpu.memory_space<semaphore_mem>>
    %dma_start3A_83 = tpu.memref_squeeze %dma_start3A_82 : memref<1x!tpu.dma_semaphore, #tpu.memory_space<semaphore_mem>> -> memref<!tpu.dma_semaphore, #tpu.memory_space<semaphore_mem>>
    tpu.enqueue_indirect_dma source(%dma_start3A_81 : memref<1000000x64xf32, #tpu.memory_space<hbm>>) target(%dma_start3A_73 : memref<128x64xf32, #tpu.memory_space<vmem>>) offsets(%dma_start3A_78 : memref<128xi32, #tpu.memory_space<vmem>>) semaphore(%dma_start3A_83 : memref<!tpu.dma_semaphore, #tpu.memory_space<semaphore_mem>>)
    %dma_start3A_84 = arith.constant 0 : i32
    %dma_start3A_85 = arith.constant 2 : i32
    %dma_start3A_86 = arith.constant 2 : i32
    %dma_start3A_87 = arith.constant 0 : i32
    %dma_start3A_88 = arith.constant 0 : i32
    %dma_start3A_89 = tpu.memref_slice %arg7[%dma_start3A_85, %dma_start3A_87, %dma_start3A_88] : memref<6x128x64xf32, #tpu.memory_space<vmem>> -> memref<1x128x64xf32, #tpu.memory_space<vmem>>
    %dma_start3A_90 = tpu.memref_squeeze %dma_start3A_89 : memref<1x128x64xf32, #tpu.memory_space<vmem>> -> memref<128x64xf32, #tpu.memory_space<vmem>>
    %dma_start3A_91 = arith.constant 0 : i32
    %dma_start3A_92 = tpu.memref_slice %arg6[%dma_start3A_84, %dma_start3A_91] : memref<50x512xi32, #tpu.memory_space<vmem>> -> memref<1x512xi32, #tpu.memory_space<vmem>>
    %dma_start3A_93 = tpu.memref_squeeze %dma_start3A_92 : memref<1x512xi32, #tpu.memory_space<vmem>> -> memref<512xi32, #tpu.memory_space<vmem>>
    %dma_start3A_94 = arith.constant 256 : i32
    %dma_start3A_95 = tpu.memref_slice %dma_start3A_93[%dma_start3A_94] : memref<512xi32, #tpu.memory_space<vmem>> -> memref<128xi32, #tpu.memory_space<vmem>>
    %dma_start3A_96 = arith.constant 0 : i32
    %dma_start3A_97 = arith.constant 0 : i32
    %dma_start3A_98 = tpu.memref_slice %arg3[%dma_start3A_96, %dma_start3A_97] : memref<1000000x64xf32, #tpu.memory_space<hbm>> -> memref<1000000x64xf32, #tpu.memory_space<hbm>>
    %dma_start3A_99 = tpu.memref_slice %arg10[%dma_start3A_86] : memref<6x!tpu.dma_semaphore, #tpu.memory_space<semaphore_mem>> -> memref<1x!tpu.dma_semaphore, #tpu.memory_space<semaphore_mem>>
    %dma_start3A_100 = tpu.memref_squeeze %dma_start3A_99 : memref<1x!tpu.dma_semaphore, #tpu.memory_space<semaphore_mem>> -> memref<!tpu.dma_semaphore, #tpu.memory_space<semaphore_mem>>
    tpu.enqueue_indirect_dma source(%dma_start3A_98 : memref<1000000x64xf32, #tpu.memory_space<hbm>>) target(%dma_start3A_90 : memref<128x64xf32, #tpu.memory_space<vmem>>) offsets(%dma_start3A_95 : memref<128xi32, #tpu.memory_space<vmem>>) semaphore(%dma_start3A_100 : memref<!tpu.dma_semaphore, #tpu.memory_space<semaphore_mem>>)
    %dma_start3A_101 = arith.constant 0 : i32
    %dma_start3A_102 = arith.constant 3 : i32
    %dma_start3A_103 = arith.constant 3 : i32
    %dma_start3A_104 = arith.constant 0 : i32
    %dma_start3A_105 = arith.constant 0 : i32
    %dma_start3A_106 = tpu.memref_slice %arg7[%dma_start3A_102, %dma_start3A_104, %dma_start3A_105] : memref<6x128x64xf32, #tpu.memory_space<vmem>> -> memref<1x128x64xf32, #tpu.memory_space<vmem>>
    %dma_start3A_107 = tpu.memref_squeeze %dma_start3A_106 : memref<1x128x64xf32, #tpu.memory_space<vmem>> -> memref<128x64xf32, #tpu.memory_space<vmem>>
    %dma_start3A_108 = arith.constant 0 : i32
    %dma_start3A_109 = tpu.memref_slice %arg6[%dma_start3A_101, %dma_start3A_108] : memref<50x512xi32, #tpu.memory_space<vmem>> -> memref<1x512xi32, #tpu.memory_space<vmem>>
    %dma_start3A_110 = tpu.memref_squeeze %dma_start3A_109 : memref<1x512xi32, #tpu.memory_space<vmem>> -> memref<512xi32, #tpu.memory_space<vmem>>
    %dma_start3A_111 = arith.constant 384 : i32
    %dma_start3A_112 = tpu.memref_slice %dma_start3A_110[%dma_start3A_111] : memref<512xi32, #tpu.memory_space<vmem>> -> memref<128xi32, #tpu.memory_space<vmem>>
    %dma_start3A_113 = arith.constant 0 : i32
    %dma_start3A_114 = arith.constant 0 : i32
    %dma_start3A_115 = tpu.memref_slice %arg3[%dma_start3A_113, %dma_start3A_114] : memref<1000000x64xf32, #tpu.memory_space<hbm>> -> memref<1000000x64xf32, #tpu.memory_space<hbm>>
    %dma_start3A_116 = tpu.memref_slice %arg10[%dma_start3A_103] : memref<6x!tpu.dma_semaphore, #tpu.memory_space<semaphore_mem>> -> memref<1x!tpu.dma_semaphore, #tpu.memory_space<semaphore_mem>>
    %dma_start3A_117 = tpu.memref_squeeze %dma_start3A_116 : memref<1x!tpu.dma_semaphore, #tpu.memory_space<semaphore_mem>> -> memref<!tpu.dma_semaphore, #tpu.memory_space<semaphore_mem>>
    tpu.enqueue_indirect_dma source(%dma_start3A_115 : memref<1000000x64xf32, #tpu.memory_space<hbm>>) target(%dma_start3A_107 : memref<128x64xf32, #tpu.memory_space<vmem>>) offsets(%dma_start3A_112 : memref<128xi32, #tpu.memory_space<vmem>>) semaphore(%dma_start3A_117 : memref<!tpu.dma_semaphore, #tpu.memory_space<semaphore_mem>>)
    %dma_start3A_118 = arith.constant 1 : i32
    %dma_start3A_119 = arith.constant 4 : i32
    %dma_start3A_120 = arith.constant 4 : i32
    %dma_start3A_121 = arith.constant 0 : i32
    %dma_start3A_122 = arith.constant 0 : i32
    %dma_start3A_123 = tpu.memref_slice %arg7[%dma_start3A_119, %dma_start3A_121, %dma_start3A_122] : memref<6x128x64xf32, #tpu.memory_space<vmem>> -> memref<1x128x64xf32, #tpu.memory_space<vmem>>
    %dma_start3A_124 = tpu.memref_squeeze %dma_start3A_123 : memref<1x128x64xf32, #tpu.memory_space<vmem>> -> memref<128x64xf32, #tpu.memory_space<vmem>>
    %dma_start3A_125 = arith.constant 0 : i32
    %dma_start3A_126 = tpu.memref_slice %arg6[%dma_start3A_118, %dma_start3A_125] : memref<50x512xi32, #tpu.memory_space<vmem>> -> memref<1x512xi32, #tpu.memory_space<vmem>>
    %dma_start3A_127 = tpu.memref_squeeze %dma_start3A_126 : memref<1x512xi32, #tpu.memory_space<vmem>> -> memref<512xi32, #tpu.memory_space<vmem>>
    %dma_start3A_128 = arith.constant 0 : i32
    %dma_start3A_129 = tpu.memref_slice %dma_start3A_127[%dma_start3A_128] : memref<512xi32, #tpu.memory_space<vmem>> -> memref<128xi32, #tpu.memory_space<vmem>>
    %dma_start3A_130 = arith.constant 0 : i32
    %dma_start3A_131 = arith.constant 0 : i32
    %dma_start3A_132 = tpu.memref_slice %arg3[%dma_start3A_130, %dma_start3A_131] : memref<1000000x64xf32, #tpu.memory_space<hbm>> -> memref<1000000x64xf32, #tpu.memory_space<hbm>>
    %dma_start3A_133 = tpu.memref_slice %arg10[%dma_start3A_120] : memref<6x!tpu.dma_semaphore, #tpu.memory_space<semaphore_mem>> -> memref<1x!tpu.dma_semaphore, #tpu.memory_space<semaphore_mem>>
    %dma_start3A_134 = tpu.memref_squeeze %dma_start3A_133 : memref<1x!tpu.dma_semaphore, #tpu.memory_space<semaphore_mem>> -> memref<!tpu.dma_semaphore, #tpu.memory_space<semaphore_mem>>
    tpu.enqueue_indirect_dma source(%dma_start3A_132 : memref<1000000x64xf32, #tpu.memory_space<hbm>>) target(%dma_start3A_124 : memref<128x64xf32, #tpu.memory_space<vmem>>) offsets(%dma_start3A_129 : memref<128xi32, #tpu.memory_space<vmem>>) semaphore(%dma_start3A_134 : memref<!tpu.dma_semaphore, #tpu.memory_space<semaphore_mem>>)
    %scan3A = arith.constant 0 : i32
    %scan3A_135 = arith.constant 0 : i32
    %scan3A_136 = arith.constant 200 : i32
    %scan3A_137 = arith.addi %scan3A_135, %scan3A_136 : i32
    %scan3A_138 = arith.constant 1 : i32
    scf.for %scan3A_191 = %scan3A_135 to %scan3A_137 step %scan3A_138  : i32 {
      %jit3A = arith.constant 6 : i32
      %eq3A = arith.constant 0 : i32
      %eq3A_192 = arith.cmpi eq, %jit3A, %eq3A : i32
      %jit3A_193 = arith.constant 1 : i32
      %select_n3A = arith.select %eq3A_192, %jit3A_193, %jit3A : i32
      %rem3A = arith.remsi %scan3A_191, %select_n3A : i32
      %ne3A = arith.constant 0 : i32
      %ne3A_194 = arith.cmpi ne, %rem3A, %ne3A : i32
      %lt3A = arith.constant 0 : i32
      %lt3A_195 = arith.cmpi slt, %rem3A, %lt3A : i32
      %lt3A_196 = arith.constant 0 : i32
      %lt3A_197 = arith.cmpi slt, %select_n3A, %lt3A_196 : i32
      %ne3A_198 = arith.xori %lt3A_195, %lt3A_197 : i1
      %and3A_199 = arith.andi %ne3A_198, %ne3A_194 : i1
      %add3A_200 = arith.addi %rem3A, %select_n3A : i32
      %select_n3A_201 = arith.select %and3A_199, %add3A_200, %rem3A : i32
      %jit3A_202 = arith.constant 2 : i32
      %eq3A_203 = arith.constant 0 : i32
      %eq3A_204 = arith.cmpi eq, %jit3A_202, %eq3A_203 : i32
      %jit3A_205 = arith.constant 1 : i32
      %select_n3A_206 = arith.select %eq3A_204, %jit3A_205, %jit3A_202 : i32
      %rem3A_207 = arith.remsi %scan3A_191, %select_n3A_206 : i32
      %ne3A_208 = arith.constant 0 : i32
      %ne3A_209 = arith.cmpi ne, %rem3A_207, %ne3A_208 : i32
      %lt3A_210 = arith.constant 0 : i32
      %lt3A_211 = arith.cmpi slt, %rem3A_207, %lt3A_210 : i32
      %lt3A_212 = arith.constant 0 : i32
      %lt3A_213 = arith.cmpi slt, %select_n3A_206, %lt3A_212 : i32
      %ne3A_214 = arith.xori %lt3A_211, %lt3A_213 : i1
      %and3A_215 = arith.andi %ne3A_214, %ne3A_209 : i1
      %add3A_216 = arith.addi %rem3A_207, %select_n3A_206 : i32
      %select_n3A_217 = arith.select %and3A_215, %add3A_216, %rem3A_207 : i32
      %jit3A_218 = arith.constant 4 : i32
      %div3A = arith.divsi %scan3A_191, %jit3A_218 : i32
      %sign3A = arith.constant 0 : i32
      %sign3A_219 = arith.cmpi sgt, %scan3A_191, %sign3A : i32
      %sign3A_220 = arith.extui %sign3A_219 : i1 to i32
      %sign3A_221 = arith.constant 0 : i32
      %sign3A_222 = arith.cmpi slt, %scan3A_191, %sign3A_221 : i32
      %sign3A_223 = arith.extui %sign3A_222 : i1 to i32
      %sign3A_224 = arith.subi %sign3A_220, %sign3A_223 : i32
      %sign3A_225 = arith.constant 0 : i32
      %sign3A_226 = arith.cmpi sgt, %jit3A_218, %sign3A_225 : i32
      %sign3A_227 = arith.extui %sign3A_226 : i1 to i32
      %sign3A_228 = arith.constant 0 : i32
      %sign3A_229 = arith.cmpi slt, %jit3A_218, %sign3A_228 : i32
      %sign3A_230 = arith.extui %sign3A_229 : i1 to i32
      %sign3A_231 = arith.subi %sign3A_227, %sign3A_230 : i32
      %ne3A_232 = arith.cmpi ne, %sign3A_224, %sign3A_231 : i32
      %rem3A_233 = arith.remsi %scan3A_191, %jit3A_218 : i32
      %ne3A_234 = arith.constant 0 : i32
      %ne3A_235 = arith.cmpi ne, %rem3A_233, %ne3A_234 : i32
      %and3A_236 = arith.andi %ne3A_232, %ne3A_235 : i1
      %sub3A = arith.constant 1 : i32
      %sub3A_237 = arith.subi %div3A, %sub3A : i32
      %select_n3A_238 = arith.select %and3A_236, %sub3A_237, %div3A : i32
      %jit3A_239 = arith.constant 4 : i32
      %eq3A_240 = arith.constant 0 : i32
      %eq3A_241 = arith.cmpi eq, %jit3A_239, %eq3A_240 : i32
      %jit3A_242 = arith.constant 1 : i32
      %select_n3A_243 = arith.select %eq3A_241, %jit3A_242, %jit3A_239 : i32
      %rem3A_244 = arith.remsi %scan3A_191, %select_n3A_243 : i32
      %ne3A_245 = arith.constant 0 : i32
      %ne3A_246 = arith.cmpi ne, %rem3A_244, %ne3A_245 : i32
      %lt3A_247 = arith.constant 0 : i32
      %lt3A_248 = arith.cmpi slt, %rem3A_244, %lt3A_247 : i32
      %lt3A_249 = arith.constant 0 : i32
      %lt3A_250 = arith.cmpi slt, %select_n3A_243, %lt3A_249 : i32
      %ne3A_251 = arith.xori %lt3A_248, %lt3A_250 : i1
      %and3A_252 = arith.andi %ne3A_251, %ne3A_246 : i1
      %add3A_253 = arith.addi %rem3A_244, %select_n3A_243 : i32
      %select_n3A_254 = arith.select %and3A_252, %add3A_253, %rem3A_244 : i32
      %jit3A_255 = arith.constant 6 : i32
      %eq3A_256 = arith.constant 0 : i32
      %eq3A_257 = arith.cmpi eq, %jit3A_255, %eq3A_256 : i32
      %jit3A_258 = arith.constant 1 : i32
      %select_n3A_259 = arith.select %eq3A_257, %jit3A_258, %jit3A_255 : i32
      %rem3A_260 = arith.remsi %scan3A_191, %select_n3A_259 : i32
      %ne3A_261 = arith.constant 0 : i32
      %ne3A_262 = arith.cmpi ne, %rem3A_260, %ne3A_261 : i32
      %lt3A_263 = arith.constant 0 : i32
      %lt3A_264 = arith.cmpi slt, %rem3A_260, %lt3A_263 : i32
      %lt3A_265 = arith.constant 0 : i32
      %lt3A_266 = arith.cmpi slt, %select_n3A_259, %lt3A_265 : i32
      %ne3A_267 = arith.xori %lt3A_264, %lt3A_266 : i1
      %and3A_268 = arith.andi %ne3A_267, %ne3A_262 : i1
      %add3A_269 = arith.addi %rem3A_260, %select_n3A_259 : i32
      %select_n3A_270 = arith.select %and3A_268, %add3A_269, %rem3A_260 : i32
      %jit3A_271 = arith.constant 6 : i32
      %eq3A_272 = arith.constant 0 : i32
      %eq3A_273 = arith.cmpi eq, %jit3A_271, %eq3A_272 : i32
      %jit3A_274 = arith.constant 1 : i32
      %select_n3A_275 = arith.select %eq3A_273, %jit3A_274, %jit3A_271 : i32
      %rem3A_276 = arith.remsi %scan3A_191, %select_n3A_275 : i32
      %ne3A_277 = arith.constant 0 : i32
      %ne3A_278 = arith.cmpi ne, %rem3A_276, %ne3A_277 : i32
      %lt3A_279 = arith.constant 0 : i32
      %lt3A_280 = arith.cmpi slt, %rem3A_276, %lt3A_279 : i32
      %lt3A_281 = arith.constant 0 : i32
      %lt3A_282 = arith.cmpi slt, %select_n3A_275, %lt3A_281 : i32
      %ne3A_283 = arith.xori %lt3A_280, %lt3A_282 : i1
      %and3A_284 = arith.andi %ne3A_283, %ne3A_278 : i1
      %add3A_285 = arith.addi %rem3A_276, %select_n3A_275 : i32
      %select_n3A_286 = arith.select %and3A_284, %add3A_285, %rem3A_276 : i32
      %dma_wait3A_287 = arith.constant 0 : i32
      %dma_wait3A_288 = arith.constant 0 : i32
      %dma_wait3A_289 = tpu.memref_slice %arg7[%select_n3A_270, %dma_wait3A_287, %dma_wait3A_288] : memref<6x128x64xf32, #tpu.memory_space<vmem>> -> memref<1x128x64xf32, #tpu.memory_space<vmem>>
      %dma_wait3A_290 = tpu.memref_squeeze %dma_wait3A_289 : memref<1x128x64xf32, #tpu.memory_space<vmem>> -> memref<128x64xf32, #tpu.memory_space<vmem>>
      %dma_wait3A_291 = arith.constant 0 : i32
      %dma_wait3A_292 = arith.constant 0 : i32
      %dma_wait3A_293 = tpu.memref_slice %arg3[%dma_wait3A_291, %dma_wait3A_292] : memref<1000000x64xf32, #tpu.memory_space<hbm>> -> memref<128x64xf32, #tpu.memory_space<hbm>>
      %dma_wait3A_294 = tpu.memref_slice %arg10[%select_n3A_286] : memref<6x!tpu.dma_semaphore, #tpu.memory_space<semaphore_mem>> -> memref<1x!tpu.dma_semaphore, #tpu.memory_space<semaphore_mem>>
      %dma_wait3A_295 = tpu.memref_squeeze %dma_wait3A_294 : memref<1x!tpu.dma_semaphore, #tpu.memory_space<semaphore_mem>> -> memref<!tpu.dma_semaphore, #tpu.memory_space<semaphore_mem>>
      %dma_wait3A_296 = arith.constant 0 : i32
      %dma_wait3A_297 = arith.constant 0 : i32
      %dma_wait3A_298 = tpu.memref_slice %arg7[%select_n3A_270, %dma_wait3A_296, %dma_wait3A_297] : memref<6x128x64xf32, #tpu.memory_space<vmem>> -> memref<1x128x64xf32, #tpu.memory_space<vmem>>
      %dma_wait3A_299 = tpu.memref_squeeze %dma_wait3A_298 : memref<1x128x64xf32, #tpu.memory_space<vmem>> -> memref<128x64xf32, #tpu.memory_space<vmem>>
      %dma_wait3A_300 = arith.constant 0 : i32
      %dma_wait3A_301 = arith.constant 0 : i32
      %dma_wait3A_302 = tpu.memref_slice %arg3[%dma_wait3A_300, %dma_wait3A_301] : memref<1000000x64xf32, #tpu.memory_space<hbm>> -> memref<128x64xf32, #tpu.memory_space<hbm>>
      tpu.wait_dma2 semaphore(%dma_wait3A_295 : memref<!tpu.dma_semaphore, #tpu.memory_space<semaphore_mem>>) src(%dma_wait3A_302 : memref<128x64xf32, #tpu.memory_space<hbm>>) dst(%dma_wait3A_299 : memref<128x64xf32, #tpu.memory_space<vmem>>)
      %scan3A_303 = arith.constant 0 : i32
      %scan3A_304 = arith.constant 0 : i32
      %scan3A_305 = arith.constant 8 : i32
      %scan3A_306 = arith.addi %scan3A_304, %scan3A_305 : i32
      %scan3A_307 = arith.constant 4 : i32
      scf.for %scan3A_349 = %scan3A_304 to %scan3A_306 step %scan3A_307  : i32 {
        %mul3A_350 = arith.constant 128 : i32
        %mul3A_351 = arith.muli %select_n3A_254, %mul3A_350 : i32
        %mul3A_352 = arith.constant 16 : i32
        %mul3A_353 = arith.muli %scan3A_349, %mul3A_352 : i32
        %add3A_354 = arith.addi %mul3A_351, %mul3A_353 : i32
        %get3A = arith.index_cast %select_n3A_238 : i32 to index
        %get3A_355 = arith.index_cast %add3A_354 : i32 to index
        %get3A_356 = tpu.vector_load %arg6[%get3A, %get3A_355] {strides = array<i32>} : memref<50x512xi32, #tpu.memory_space<vmem>>, vector<16xi32>,
        %eq3A_357 = arith.constant 1 : i32
        %eq3A_358 = vector.broadcast %eq3A_357 : i32 to vector<16xi32>
        %eq3A_359 = arith.cmpi eq, %get3A_356, %eq3A_358 : vector<16xi32>
        %eq3A_360 = arith.constant 2 : i32
        %eq3A_361 = vector.broadcast %eq3A_360 : i32 to vector<16xi32>
        %eq3A_362 = arith.cmpi eq, %get3A_356, %eq3A_361 : vector<16xi32>
        %or3A = arith.ori %eq3A_359, %eq3A_362 : vector<16xi1>
        %all_reduce_population_count3A = tpu.all_reduce %or3A {dim = 0 : i64, kind = #tpu.reduction_kind<sum>} : vector<16xi1> -> vector<16xi32>
        %slice3A = vector.extract_strided_slice %all_reduce_population_count3A {offsets = [0], sizes = [1], strides = [1]} : vector<16xi32> to vector<1xi32>
        %squeeze3A = vector.extract %slice3A[0] : i32 from vector<1xi32>
        %gt3A = arith.constant 0 : i32
        %gt3A_363 = arith.cmpi sgt, %squeeze3A, %gt3A : i32
        %convert_element_type3A_364 = arith.extui %gt3A_363 : i1 to i32
        %cond3A_365 = arith.constant 0 : i32
        %cond3A_366 = arith.cmpi ne, %convert_element_type3A_364, %cond3A_365 : i32
        scf.if %cond3A_366 {
          %slice3A_442 = vector.extract_strided_slice %get3A_356 {offsets = [0], sizes = [1], strides = [1]} : vector<16xi32> to vector<1xi32>
          %squeeze3A_443 = vector.extract %slice3A_442[0] : i32 from vector<1xi32>
          %eq3A_444 = arith.constant 1 : i32
          %eq3A_445 = arith.cmpi eq, %squeeze3A_443, %eq3A_444 : i32
          %eq3A_446 = arith.constant 2 : i32
          %eq3A_447 = arith.cmpi eq, %squeeze3A_443, %eq3A_446 : i32
          %or3A_448 = arith.ori %eq3A_445, %eq3A_447 : i1
          %convert_element_type3A_449 = arith.extui %or3A_448 : i1 to i32
          %cond3A_450 = arith.constant 0 : i32
          %cond3A_451 = arith.cmpi ne, %convert_element_type3A_449, %cond3A_450 : i32
          scf.if %cond3A_451 {
            %sub3A_602 = arith.constant 1 : i32
            %sub3A_603 = arith.subi %squeeze3A_443, %sub3A_602 : i32
            %mul3A_604 = arith.constant 16 : i32
            %mul3A_605 = arith.muli %scan3A_349, %mul3A_604 : i32
            %add3A_606 = arith.constant 0 : i32
            %add3A_607 = arith.addi %mul3A_605, %add3A_606 : i32
            %get3A_608 = arith.index_cast %sub3A_603 : i32 to index
            %get3A_609 = arith.constant 0 : index
            %get3A_610 = tpu.vector_load %arg9[%get3A_608, %get3A_609] {strides = array<i32>} : memref<2x64xf32, #tpu.memory_space<vmem>>, vector<16xf32>,
            %swap3A = arith.index_cast %select_n3A_201 : i32 to index
            %swap3A_611 = arith.index_cast %add3A_607 : i32 to index
            %swap3A_612 = arith.constant 0 : index
            %swap3A_613 = tpu.vector_load %arg7[%swap3A, %swap3A_611, %swap3A_612] {strides = array<i32>} : memref<6x128x64xf32, #tpu.memory_space<vmem>>, vector<16xf32>,
            tpu.vector_store %arg7[%swap3A, %swap3A_611, %swap3A_612], %get3A_610 {strides = array<i32>} : memref<6x128x64xf32, #tpu.memory_space<vmem>>, vector<16xf32>,
            %get3A_614 = arith.index_cast %sub3A_603 : i32 to index
            %get3A_615 = arith.constant 16 : index
            %get3A_616 = tpu.vector_load %arg9[%get3A_614, %get3A_615] {strides = array<i32>} : memref<2x64xf32, #tpu.memory_space<vmem>>, vector<16xf32>,
            %swap3A_617 = arith.index_cast %select_n3A_201 : i32 to index
            %swap3A_618 = arith.index_cast %add3A_607 : i32 to index
            %swap3A_619 = arith.constant 16 : index
            %swap3A_620 = tpu.vector_load %arg7[%swap3A_617, %swap3A_618, %swap3A_619] {strides = array<i32>} : memref<6x128x64xf32, #tpu.memory_space<vmem>>, vector<16xf32>,
            tpu.vector_store %arg7[%swap3A_617, %swap3A_618, %swap3A_619], %get3A_616 {strides = array<i32>} : memref<6x128x64xf32, #tpu.memory_space<vmem>>, vector<16xf32>,
            %get3A_621 = arith.index_cast %sub3A_603 : i32 to index
            %get3A_622 = arith.constant 32 : index
            %get3A_623 = tpu.vector_load %arg9[%get3A_621, %get3A_622] {strides = array<i32>} : memref<2x64xf32, #tpu.memory_space<vmem>>, vector<16xf32>,
            %swap3A_624 = arith.index_cast %select_n3A_201 : i32 to index
            %swap3A_625 = arith.index_cast %add3A_607 : i32 to index
            %swap3A_626 = arith.constant 32 : index
            %swap3A_627 = tpu.vector_load %arg7[%swap3A_624, %swap3A_625, %swap3A_626] {strides = array<i32>} : memref<6x128x64xf32, #tpu.memory_space<vmem>>, vector<16xf32>,
            tpu.vector_store %arg7[%swap3A_624, %swap3A_625, %swap3A_626], %get3A_623 {strides = array<i32>} : memref<6x128x64xf32, #tpu.memory_space<vmem>>, vector<16xf32>,
            %get3A_628 = arith.index_cast %sub3A_603 : i32 to index
            %get3A_629 = arith.constant 48 : index
            %get3A_630 = tpu.vector_load %arg9[%get3A_628, %get3A_629] {strides = array<i32>} : memref<2x64xf32, #tpu.memory_space<vmem>>, vector<16xf32>,
            %swap3A_631 = arith.index_cast %select_n3A_201 : i32 to index
            %swap3A_632 = arith.index_cast %add3A_607 : i32 to index
            %swap3A_633 = arith.constant 48 : index
            %swap3A_634 = tpu.vector_load %arg7[%swap3A_631, %swap3A_632, %swap3A_633] {strides = array<i32>} : memref<6x128x64xf32, #tpu.memory_space<vmem>>, vector<16xf32>,
            tpu.vector_store %arg7[%swap3A_631, %swap3A_632, %swap3A_633], %get3A_630 {strides = array<i32>} : memref<6x128x64xf32, #tpu.memory_space<vmem>>, vector<16xf32>,
          } else {
          }
          %slice3A_452 = vector.extract_strided_slice %get3A_356 {offsets = [1], sizes = [1], strides = [1]} : vector<16xi32> to vector<1xi32>
          %squeeze3A_453 = vector.extract %slice3A_452[0] : i32 from vector<1xi32>
          %eq3A_454 = arith.constant 1 : i32
          %eq3A_455 = arith.cmpi eq, %squeeze3A_453, %eq3A_454 : i32
          %eq3A_456 = arith.constant 2 : i32
          %eq3A_457 = arith.cmpi eq, %squeeze3A_453, %eq3A_456 : i32
          %or3A_458 = arith.ori %eq3A_455, %eq3A_457 : i1
          %convert_element_type3A_459 = arith.extui %or3A_458 : i1 to i32
          %cond3A_460 = arith.constant 0 : i32
          %cond3A_461 = arith.cmpi ne, %convert_element_type3A_459, %cond3A_460 : i32
          scf.if %cond3A_461 {
            %sub3A_602 = arith.constant 1 : i32
            %sub3A_603 = arith.subi %squeeze3A_453, %sub3A_602 : i32
            %mul3A_604 = arith.constant 16 : i32
            %mul3A_605 = arith.muli %scan3A_349, %mul3A_604 : i32
            %add3A_606 = arith.constant 1 : i32
            %add3A_607 = arith.addi %mul3A_605, %add3A_606 : i32
            %get3A_608 = arith.index_cast %sub3A_603 : i32 to index
            %get3A_609 = arith.constant 0 : index
            %get3A_610 = tpu.vector_load %arg9[%get3A_608, %get3A_609] {strides = array<i32>} : memref<2x64xf32, #tpu.memory_space<vmem>>, vector<16xf32>,
            %swap3A = arith.index_cast %select_n3A_201 : i32 to index
            %swap3A_611 = arith.index_cast %add3A_607 : i32 to index
            %swap3A_612 = arith.constant 0 : index
            %swap3A_613 = tpu.vector_load %arg7[%swap3A, %swap3A_611, %swap3A_612] {strides = array<i32>} : memref<6x128x64xf32, #tpu.memory_space<vmem>>, vector<16xf32>,
            tpu.vector_store %arg7[%swap3A, %swap3A_611, %swap3A_612], %get3A_610 {strides = array<i32>} : memref<6x128x64xf32, #tpu.memory_space<vmem>>, vector<16xf32>,
            %get3A_614 = arith.index_cast %sub3A_603 : i32 to index
            %get3A_615 = arith.constant 16 : index
            %get3A_616 = tpu.vector_load %arg9[%get3A_614, %get3A_615] {strides = array<i32>} : memref<2x64xf32, #tpu.memory_space<vmem>>, vector<16xf32>,
            %swap3A_617 = arith.index_cast %select_n3A_201 : i32 to index
            %swap3A_618 = arith.index_cast %add3A_607 : i32 to index
            %swap3A_619 = arith.constant 16 : index
            %swap3A_620 = tpu.vector_load %arg7[%swap3A_617, %swap3A_618, %swap3A_619] {strides = array<i32>} : memref<6x128x64xf32, #tpu.memory_space<vmem>>, vector<16xf32>,
            tpu.vector_store %arg7[%swap3A_617, %swap3A_618, %swap3A_619], %get3A_616 {strides = array<i32>} : memref<6x128x64xf32, #tpu.memory_space<vmem>>, vector<16xf32>,
            %get3A_621 = arith.index_cast %sub3A_603 : i32 to index
            %get3A_622 = arith.constant 32 : index
            %get3A_623 = tpu.vector_load %arg9[%get3A_621, %get3A_622] {strides = array<i32>} : memref<2x64xf32, #tpu.memory_space<vmem>>, vector<16xf32>,
            %swap3A_624 = arith.index_cast %select_n3A_201 : i32 to index
            %swap3A_625 = arith.index_cast %add3A_607 : i32 to index
            %swap3A_626 = arith.constant 32 : index
            %swap3A_627 = tpu.vector_load %arg7[%swap3A_624, %swap3A_625, %swap3A_626] {strides = array<i32>} : memref<6x128x64xf32, #tpu.memory_space<vmem>>, vector<16xf32>,
            tpu.vector_store %arg7[%swap3A_624, %swap3A_625, %swap3A_626], %get3A_623 {strides = array<i32>} : memref<6x128x64xf32, #tpu.memory_space<vmem>>, vector<16xf32>,
            %get3A_628 = arith.index_cast %sub3A_603 : i32 to index
            %get3A_629 = arith.constant 48 : index
            %get3A_630 = tpu.vector_load %arg9[%get3A_628, %get3A_629] {strides = array<i32>} : memref<2x64xf32, #tpu.memory_space<vmem>>, vector<16xf32>,
            %swap3A_631 = arith.index_cast %select_n3A_201 : i32 to index
            %swap3A_632 = arith.index_cast %add3A_607 : i32 to index
            %swap3A_633 = arith.constant 48 : index
            %swap3A_634 = tpu.vector_load %arg7[%swap3A_631, %swap3A_632, %swap3A_633] {strides = array<i32>} : memref<6x128x64xf32, #tpu.memory_space<vmem>>, vector<16xf32>,
            tpu.vector_store %arg7[%swap3A_631, %swap3A_632, %swap3A_633], %get3A_630 {strides = array<i32>} : memref<6x128x64xf32, #tpu.memory_space<vmem>>, vector<16xf32>,
          } else {
          }
          %slice3A_462 = vector.extract_strided_slice %get3A_356 {offsets = [2], sizes = [1], strides = [1]} : vector<16xi32> to vector<1xi32>
          %squeeze3A_463 = vector.extract %slice3A_462[0] : i32 from vector<1xi32>
          %eq3A_464 = arith.constant 1 : i32
          %eq3A_465 = arith.cmpi eq, %squeeze3A_463, %eq3A_464 : i32
          %eq3A_466 = arith.constant 2 : i32
          %eq3A_467 = arith.cmpi eq, %squeeze3A_463, %eq3A_466 : i32
          %or3A_468 = arith.ori %eq3A_465, %eq3A_467 : i1
          %convert_element_type3A_469 = arith.extui %or3A_468 : i1 to i32
          %cond3A_470 = arith.constant 0 : i32
          %cond3A_471 = arith.cmpi ne, %convert_element_type3A_469, %cond3A_470 : i32
          scf.if %cond3A_471 {
            %sub3A_602 = arith.constant 1 : i32
            %sub3A_603 = arith.subi %squeeze3A_463, %sub3A_602 : i32
            %mul3A_604 = arith.constant 16 : i32
            %mul3A_605 = arith.muli %scan3A_349, %mul3A_604 : i32
            %add3A_606 = arith.constant 2 : i32
            %add3A_607 = arith.addi %mul3A_605, %add3A_606 : i32
            %get3A_608 = arith.index_cast %sub3A_603 : i32 to index
            %get3A_609 = arith.constant 0 : index
            %get3A_610 = tpu.vector_load %arg9[%get3A_608, %get3A_609] {strides = array<i32>} : memref<2x64xf32, #tpu.memory_space<vmem>>, vector<16xf32>,
            %swap3A = arith.index_cast %select_n3A_201 : i32 to index
            %swap3A_611 = arith.index_cast %add3A_607 : i32 to index
            %swap3A_612 = arith.constant 0 : index
            %swap3A_613 = tpu.vector_load %arg7[%swap3A, %swap3A_611, %swap3A_612] {strides = array<i32>} : memref<6x128x64xf32, #tpu.memory_space<vmem>>, vector<16xf32>,
            tpu.vector_store %arg7[%swap3A, %swap3A_611, %swap3A_612], %get3A_610 {strides = array<i32>} : memref<6x128x64xf32, #tpu.memory_space<vmem>>, vector<16xf32>,
            %get3A_614 = arith.index_cast %sub3A_603 : i32 to index
            %get3A_615 = arith.constant 16 : index
            %get3A_616 = tpu.vector_load %arg9[%get3A_614, %get3A_615] {strides = array<i32>} : memref<2x64xf32, #tpu.memory_space<vmem>>, vector<16xf32>,
            %swap3A_617 = arith.index_cast %select_n3A_201 : i32 to index
            %swap3A_618 = arith.index_cast %add3A_607 : i32 to index
            %swap3A_619 = arith.constant 16 : index
            %swap3A_620 = tpu.vector_load %arg7[%swap3A_617, %swap3A_618, %swap3A_619] {strides = array<i32>} : memref<6x128x64xf32, #tpu.memory_space<vmem>>, vector<16xf32>,
            tpu.vector_store %arg7[%swap3A_617, %swap3A_618, %swap3A_619], %get3A_616 {strides = array<i32>} : memref<6x128x64xf32, #tpu.memory_space<vmem>>, vector<16xf32>,
            %get3A_621 = arith.index_cast %sub3A_603 : i32 to index
            %get3A_622 = arith.constant 32 : index
            %get3A_623 = tpu.vector_load %arg9[%get3A_621, %get3A_622] {strides = array<i32>} : memref<2x64xf32, #tpu.memory_space<vmem>>, vector<16xf32>,
            %swap3A_624 = arith.index_cast %select_n3A_201 : i32 to index
            %swap3A_625 = arith.index_cast %add3A_607 : i32 to index
            %swap3A_626 = arith.constant 32 : index
            %swap3A_627 = tpu.vector_load %arg7[%swap3A_624, %swap3A_625, %swap3A_626] {strides = array<i32>} : memref<6x128x64xf32, #tpu.memory_space<vmem>>, vector<16xf32>,
            tpu.vector_store %arg7[%swap3A_624, %swap3A_625, %swap3A_626], %get3A_623 {strides = array<i32>} : memref<6x128x64xf32, #tpu.memory_space<vmem>>, vector<16xf32>,
            %get3A_628 = arith.index_cast %sub3A_603 : i32 to index
            %get3A_629 = arith.constant 48 : index
            %get3A_630 = tpu.vector_load %arg9[%get3A_628, %get3A_629] {strides = array<i32>} : memref<2x64xf32, #tpu.memory_space<vmem>>, vector<16xf32>,
            %swap3A_631 = arith.index_cast %select_n3A_201 : i32 to index
            %swap3A_632 = arith.index_cast %add3A_607 : i32 to index
            %swap3A_633 = arith.constant 48 : index
            %swap3A_634 = tpu.vector_load %arg7[%swap3A_631, %swap3A_632, %swap3A_633] {strides = array<i32>} : memref<6x128x64xf32, #tpu.memory_space<vmem>>, vector<16xf32>,
            tpu.vector_store %arg7[%swap3A_631, %swap3A_632, %swap3A_633], %get3A_630 {strides = array<i32>} : memref<6x128x64xf32, #tpu.memory_space<vmem>>, vector<16xf32>,
          } else {
          }
          %slice3A_472 = vector.extract_strided_slice %get3A_356 {offsets = [3], sizes = [1], strides = [1]} : vector<16xi32> to vector<1xi32>
          %squeeze3A_473 = vector.extract %slice3A_472[0] : i32 from vector<1xi32>
          %eq3A_474 = arith.constant 1 : i32
          %eq3A_475 = arith.cmpi eq, %squeeze3A_473, %eq3A_474 : i32
          %eq3A_476 = arith.constant 2 : i32
          %eq3A_477 = arith.cmpi eq, %squeeze3A_473, %eq3A_476 : i32
          %or3A_478 = arith.ori %eq3A_475, %eq3A_477 : i1
          %convert_element_type3A_479 = arith.extui %or3A_478 : i1 to i32
          %cond3A_480 = arith.constant 0 : i32
          %cond3A_481 = arith.cmpi ne, %convert_element_type3A_479, %cond3A_480 : i32
          scf.if %cond3A_481 {
            %sub3A_602 = arith.constant 1 : i32
            %sub3A_603 = arith.subi %squeeze3A_473, %sub3A_602 : i32
            %mul3A_604 = arith.constant 16 : i32
            %mul3A_605 = arith.muli %scan3A_349, %mul3A_604 : i32
            %add3A_606 = arith.constant 3 : i32
            %add3A_607 = arith.addi %mul3A_605, %add3A_606 : i32
            %get3A_608 = arith.index_cast %sub3A_603 : i32 to index
            %get3A_609 = arith.constant 0 : index
            %get3A_610 = tpu.vector_load %arg9[%get3A_608, %get3A_609] {strides = array<i32>} : memref<2x64xf32, #tpu.memory_space<vmem>>, vector<16xf32>,
            %swap3A = arith.index_cast %select_n3A_201 : i32 to index
            %swap3A_611 = arith.index_cast %add3A_607 : i32 to index
            %swap3A_612 = arith.constant 0 : index
            %swap3A_613 = tpu.vector_load %arg7[%swap3A, %swap3A_611, %swap3A_612] {strides = array<i32>} : memref<6x128x64xf32, #tpu.memory_space<vmem>>, vector<16xf32>,
            tpu.vector_store %arg7[%swap3A, %swap3A_611, %swap3A_612], %get3A_610 {strides = array<i32>} : memref<6x128x64xf32, #tpu.memory_space<vmem>>, vector<16xf32>,
            %get3A_614 = arith.index_cast %sub3A_603 : i32 to index
            %get3A_615 = arith.constant 16 : index
            %get3A_616 = tpu.vector_load %arg9[%get3A_614, %get3A_615] {strides = array<i32>} : memref<2x64xf32, #tpu.memory_space<vmem>>, vector<16xf32>,
            %swap3A_617 = arith.index_cast %select_n3A_201 : i32 to index
            %swap3A_618 = arith.index_cast %add3A_607 : i32 to index
            %swap3A_619 = arith.constant 16 : index
            %swap3A_620 = tpu.vector_load %arg7[%swap3A_617, %swap3A_618, %swap3A_619] {strides = array<i32>} : memref<6x128x64xf32, #tpu.memory_space<vmem>>, vector<16xf32>,
            tpu.vector_store %arg7[%swap3A_617, %swap3A_618, %swap3A_619], %get3A_616 {strides = array<i32>} : memref<6x128x64xf32, #tpu.memory_space<vmem>>, vector<16xf32>,
            %get3A_621 = arith.index_cast %sub3A_603 : i32 to index
            %get3A_622 = arith.constant 32 : index
            %get3A_623 = tpu.vector_load %arg9[%get3A_621, %get3A_622] {strides = array<i32>} : memref<2x64xf32, #tpu.memory_space<vmem>>, vector<16xf32>,
            %swap3A_624 = arith.index_cast %select_n3A_201 : i32 to index
            %swap3A_625 = arith.index_cast %add3A_607 : i32 to index
            %swap3A_626 = arith.constant 32 : index
            %swap3A_627 = tpu.vector_load %arg7[%swap3A_624, %swap3A_625, %swap3A_626] {strides = array<i32>} : memref<6x128x64xf32, #tpu.memory_space<vmem>>, vector<16xf32>,
            tpu.vector_store %arg7[%swap3A_624, %swap3A_625, %swap3A_626], %get3A_623 {strides = array<i32>} : memref<6x128x64xf32, #tpu.memory_space<vmem>>, vector<16xf32>,
            %get3A_628 = arith.index_cast %sub3A_603 : i32 to index
            %get3A_629 = arith.constant 48 : index
            %get3A_630 = tpu.vector_load %arg9[%get3A_628, %get3A_629] {strides = array<i32>} : memref<2x64xf32, #tpu.memory_space<vmem>>, vector<16xf32>,
            %swap3A_631 = arith.index_cast %select_n3A_201 : i32 to index
            %swap3A_632 = arith.index_cast %add3A_607 : i32 to index
            %swap3A_633 = arith.constant 48 : index
            %swap3A_634 = tpu.vector_load %arg7[%swap3A_631, %swap3A_632, %swap3A_633] {strides = array<i32>} : memref<6x128x64xf32, #tpu.memory_space<vmem>>, vector<16xf32>,
            tpu.vector_store %arg7[%swap3A_631, %swap3A_632, %swap3A_633], %get3A_630 {strides = array<i32>} : memref<6x128x64xf32, #tpu.memory_space<vmem>>, vector<16xf32>,
          } else {
          }
          %slice3A_482 = vector.extract_strided_slice %get3A_356 {offsets = [4], sizes = [1], strides = [1]} : vector<16xi32> to vector<1xi32>
          %squeeze3A_483 = vector.extract %slice3A_482[0] : i32 from vector<1xi32>
          %eq3A_484 = arith.constant 1 : i32
          %eq3A_485 = arith.cmpi eq, %squeeze3A_483, %eq3A_484 : i32
          %eq3A_486 = arith.constant 2 : i32
          %eq3A_487 = arith.cmpi eq, %squeeze3A_483, %eq3A_486 : i32
          %or3A_488 = arith.ori %eq3A_485, %eq3A_487 : i1
          %convert_element_type3A_489 = arith.extui %or3A_488 : i1 to i32
          %cond3A_490 = arith.constant 0 : i32
          %cond3A_491 = arith.cmpi ne, %convert_element_type3A_489, %cond3A_490 : i32
          scf.if %cond3A_491 {
            %sub3A_602 = arith.constant 1 : i32
            %sub3A_603 = arith.subi %squeeze3A_483, %sub3A_602 : i32
            %mul3A_604 = arith.constant 16 : i32
            %mul3A_605 = arith.muli %scan3A_349, %mul3A_604 : i32
            %add3A_606 = arith.constant 4 : i32
            %add3A_607 = arith.addi %mul3A_605, %add3A_606 : i32
            %get3A_608 = arith.index_cast %sub3A_603 : i32 to index
            %get3A_609 = arith.constant 0 : index
            %get3A_610 = tpu.vector_load %arg9[%get3A_608, %get3A_609] {strides = array<i32>} : memref<2x64xf32, #tpu.memory_space<vmem>>, vector<16xf32>,
            %swap3A = arith.index_cast %select_n3A_201 : i32 to index
            %swap3A_611 = arith.index_cast %add3A_607 : i32 to index
            %swap3A_612 = arith.constant 0 : index
            %swap3A_613 = tpu.vector_load %arg7[%swap3A, %swap3A_611, %swap3A_612] {strides = array<i32>} : memref<6x128x64xf32, #tpu.memory_space<vmem>>, vector<16xf32>,
            tpu.vector_store %arg7[%swap3A, %swap3A_611, %swap3A_612], %get3A_610 {strides = array<i32>} : memref<6x128x64xf32, #tpu.memory_space<vmem>>, vector<16xf32>,
            %get3A_614 = arith.index_cast %sub3A_603 : i32 to index
            %get3A_615 = arith.constant 16 : index
            %get3A_616 = tpu.vector_load %arg9[%get3A_614, %get3A_615] {strides = array<i32>} : memref<2x64xf32, #tpu.memory_space<vmem>>, vector<16xf32>,
            %swap3A_617 = arith.index_cast %select_n3A_201 : i32 to index
            %swap3A_618 = arith.index_cast %add3A_607 : i32 to index
            %swap3A_619 = arith.constant 16 : index
            %swap3A_620 = tpu.vector_load %arg7[%swap3A_617, %swap3A_618, %swap3A_619] {strides = array<i32>} : memref<6x128x64xf32, #tpu.memory_space<vmem>>, vector<16xf32>,
            tpu.vector_store %arg7[%swap3A_617, %swap3A_618, %swap3A_619], %get3A_616 {strides = array<i32>} : memref<6x128x64xf32, #tpu.memory_space<vmem>>, vector<16xf32>,
            %get3A_621 = arith.index_cast %sub3A_603 : i32 to index
            %get3A_622 = arith.constant 32 : index
            %get3A_623 = tpu.vector_load %arg9[%get3A_621, %get3A_622] {strides = array<i32>} : memref<2x64xf32, #tpu.memory_space<vmem>>, vector<16xf32>,
            %swap3A_624 = arith.index_cast %select_n3A_201 : i32 to index
            %swap3A_625 = arith.index_cast %add3A_607 : i32 to index
            %swap3A_626 = arith.constant 32 : index
            %swap3A_627 = tpu.vector_load %arg7[%swap3A_624, %swap3A_625, %swap3A_626] {strides = array<i32>} : memref<6x128x64xf32, #tpu.memory_space<vmem>>, vector<16xf32>,
            tpu.vector_store %arg7[%swap3A_624, %swap3A_625, %swap3A_626], %get3A_623 {strides = array<i32>} : memref<6x128x64xf32, #tpu.memory_space<vmem>>, vector<16xf32>,
            %get3A_628 = arith.index_cast %sub3A_603 : i32 to index
            %get3A_629 = arith.constant 48 : index
            %get3A_630 = tpu.vector_load %arg9[%get3A_628, %get3A_629] {strides = array<i32>} : memref<2x64xf32, #tpu.memory_space<vmem>>, vector<16xf32>,
            %swap3A_631 = arith.index_cast %select_n3A_201 : i32 to index
            %swap3A_632 = arith.index_cast %add3A_607 : i32 to index
            %swap3A_633 = arith.constant 48 : index
            %swap3A_634 = tpu.vector_load %arg7[%swap3A_631, %swap3A_632, %swap3A_633] {strides = array<i32>} : memref<6x128x64xf32, #tpu.memory_space<vmem>>, vector<16xf32>,
            tpu.vector_store %arg7[%swap3A_631, %swap3A_632, %swap3A_633], %get3A_630 {strides = array<i32>} : memref<6x128x64xf32, #tpu.memory_space<vmem>>, vector<16xf32>,
          } else {
          }
          %slice3A_492 = vector.extract_strided_slice %get3A_356 {offsets = [5], sizes = [1], strides = [1]} : vector<16xi32> to vector<1xi32>
          %squeeze3A_493 = vector.extract %slice3A_492[0] : i32 from vector<1xi32>
          %eq3A_494 = arith.constant 1 : i32
          %eq3A_495 = arith.cmpi eq, %squeeze3A_493, %eq3A_494 : i32
          %eq3A_496 = arith.constant 2 : i32
          %eq3A_497 = arith.cmpi eq, %squeeze3A_493, %eq3A_496 : i32
          %or3A_498 = arith.ori %eq3A_495, %eq3A_497 : i1
          %convert_element_type3A_499 = arith.extui %or3A_498 : i1 to i32
          %cond3A_500 = arith.constant 0 : i32
          %cond3A_501 = arith.cmpi ne, %convert_element_type3A_499, %cond3A_500 : i32
          scf.if %cond3A_501 {
            %sub3A_602 = arith.constant 1 : i32
            %sub3A_603 = arith.subi %squeeze3A_493, %sub3A_602 : i32
            %mul3A_604 = arith.constant 16 : i32
            %mul3A_605 = arith.muli %scan3A_349, %mul3A_604 : i32
            %add3A_606 = arith.constant 5 : i32
            %add3A_607 = arith.addi %mul3A_605, %add3A_606 : i32
            %get3A_608 = arith.index_cast %sub3A_603 : i32 to index
            %get3A_609 = arith.constant 0 : index
            %get3A_610 = tpu.vector_load %arg9[%get3A_608, %get3A_609] {strides = array<i32>} : memref<2x64xf32, #tpu.memory_space<vmem>>, vector<16xf32>,
            %swap3A = arith.index_cast %select_n3A_201 : i32 to index
            %swap3A_611 = arith.index_cast %add3A_607 : i32 to index
            %swap3A_612 = arith.constant 0 : index
            %swap3A_613 = tpu.vector_load %arg7[%swap3A, %swap3A_611, %swap3A_612] {strides = array<i32>} : memref<6x128x64xf32, #tpu.memory_space<vmem>>, vector<16xf32>,
            tpu.vector_store %arg7[%swap3A, %swap3A_611, %swap3A_612], %get3A_610 {strides = array<i32>} : memref<6x128x64xf32, #tpu.memory_space<vmem>>, vector<16xf32>,
            %get3A_614 = arith.index_cast %sub3A_603 : i32 to index
            %get3A_615 = arith.constant 16 : index
            %get3A_616 = tpu.vector_load %arg9[%get3A_614, %get3A_615] {strides = array<i32>} : memref<2x64xf32, #tpu.memory_space<vmem>>, vector<16xf32>,
            %swap3A_617 = arith.index_cast %select_n3A_201 : i32 to index
            %swap3A_618 = arith.index_cast %add3A_607 : i32 to index
            %swap3A_619 = arith.constant 16 : index
            %swap3A_620 = tpu.vector_load %arg7[%swap3A_617, %swap3A_618, %swap3A_619] {strides = array<i32>} : memref<6x128x64xf32, #tpu.memory_space<vmem>>, vector<16xf32>,
            tpu.vector_store %arg7[%swap3A_617, %swap3A_618, %swap3A_619], %get3A_616 {strides = array<i32>} : memref<6x128x64xf32, #tpu.memory_space<vmem>>, vector<16xf32>,
            %get3A_621 = arith.index_cast %sub3A_603 : i32 to index
            %get3A_622 = arith.constant 32 : index
            %get3A_623 = tpu.vector_load %arg9[%get3A_621, %get3A_622] {strides = array<i32>} : memref<2x64xf32, #tpu.memory_space<vmem>>, vector<16xf32>,
            %swap3A_624 = arith.index_cast %select_n3A_201 : i32 to index
            %swap3A_625 = arith.index_cast %add3A_607 : i32 to index
            %swap3A_626 = arith.constant 32 : index
            %swap3A_627 = tpu.vector_load %arg7[%swap3A_624, %swap3A_625, %swap3A_626] {strides = array<i32>} : memref<6x128x64xf32, #tpu.memory_space<vmem>>, vector<16xf32>,
            tpu.vector_store %arg7[%swap3A_624, %swap3A_625, %swap3A_626], %get3A_623 {strides = array<i32>} : memref<6x128x64xf32, #tpu.memory_space<vmem>>, vector<16xf32>,
            %get3A_628 = arith.index_cast %sub3A_603 : i32 to index
            %get3A_629 = arith.constant 48 : index
            %get3A_630 = tpu.vector_load %arg9[%get3A_628, %get3A_629] {strides = array<i32>} : memref<2x64xf32, #tpu.memory_space<vmem>>, vector<16xf32>,
            %swap3A_631 = arith.index_cast %select_n3A_201 : i32 to index
            %swap3A_632 = arith.index_cast %add3A_607 : i32 to index
            %swap3A_633 = arith.constant 48 : index
            %swap3A_634 = tpu.vector_load %arg7[%swap3A_631, %swap3A_632, %swap3A_633] {strides = array<i32>} : memref<6x128x64xf32, #tpu.memory_space<vmem>>, vector<16xf32>,
            tpu.vector_store %arg7[%swap3A_631, %swap3A_632, %swap3A_633], %get3A_630 {strides = array<i32>} : memref<6x128x64xf32, #tpu.memory_space<vmem>>, vector<16xf32>,
          } else {
          }
          %slice3A_502 = vector.extract_strided_slice %get3A_356 {offsets = [6], sizes = [1], strides = [1]} : vector<16xi32> to vector<1xi32>
          %squeeze3A_503 = vector.extract %slice3A_502[0] : i32 from vector<1xi32>
          %eq3A_504 = arith.constant 1 : i32
          %eq3A_505 = arith.cmpi eq, %squeeze3A_503, %eq3A_504 : i32
          %eq3A_506 = arith.constant 2 : i32
          %eq3A_507 = arith.cmpi eq, %squeeze3A_503, %eq3A_506 : i32
          %or3A_508 = arith.ori %eq3A_505, %eq3A_507 : i1
          %convert_element_type3A_509 = arith.extui %or3A_508 : i1 to i32
          %cond3A_510 = arith.constant 0 : i32
          %cond3A_511 = arith.cmpi ne, %convert_element_type3A_509, %cond3A_510 : i32
          scf.if %cond3A_511 {
            %sub3A_602 = arith.constant 1 : i32
            %sub3A_603 = arith.subi %squeeze3A_503, %sub3A_602 : i32
            %mul3A_604 = arith.constant 16 : i32
            %mul3A_605 = arith.muli %scan3A_349, %mul3A_604 : i32
            %add3A_606 = arith.constant 6 : i32
            %add3A_607 = arith.addi %mul3A_605, %add3A_606 : i32
            %get3A_608 = arith.index_cast %sub3A_603 : i32 to index
            %get3A_609 = arith.constant 0 : index
            %get3A_610 = tpu.vector_load %arg9[%get3A_608, %get3A_609] {strides = array<i32>} : memref<2x64xf32, #tpu.memory_space<vmem>>, vector<16xf32>,
            %swap3A = arith.index_cast %select_n3A_201 : i32 to index
            %swap3A_611 = arith.index_cast %add3A_607 : i32 to index
            %swap3A_612 = arith.constant 0 : index
            %swap3A_613 = tpu.vector_load %arg7[%swap3A, %swap3A_611, %swap3A_612] {strides = array<i32>} : memref<6x128x64xf32, #tpu.memory_space<vmem>>, vector<16xf32>,
            tpu.vector_store %arg7[%swap3A, %swap3A_611, %swap3A_612], %get3A_610 {strides = array<i32>} : memref<6x128x64xf32, #tpu.memory_space<vmem>>, vector<16xf32>,
            %get3A_614 = arith.index_cast %sub3A_603 : i32 to index
            %get3A_615 = arith.constant 16 : index
            %get3A_616 = tpu.vector_load %arg9[%get3A_614, %get3A_615] {strides = array<i32>} : memref<2x64xf32, #tpu.memory_space<vmem>>, vector<16xf32>,
            %swap3A_617 = arith.index_cast %select_n3A_201 : i32 to index
            %swap3A_618 = arith.index_cast %add3A_607 : i32 to index
            %swap3A_619 = arith.constant 16 : index
            %swap3A_620 = tpu.vector_load %arg7[%swap3A_617, %swap3A_618, %swap3A_619] {strides = array<i32>} : memref<6x128x64xf32, #tpu.memory_space<vmem>>, vector<16xf32>,
            tpu.vector_store %arg7[%swap3A_617, %swap3A_618, %swap3A_619], %get3A_616 {strides = array<i32>} : memref<6x128x64xf32, #tpu.memory_space<vmem>>, vector<16xf32>,
            %get3A_621 = arith.index_cast %sub3A_603 : i32 to index
            %get3A_622 = arith.constant 32 : index
            %get3A_623 = tpu.vector_load %arg9[%get3A_621, %get3A_622] {strides = array<i32>} : memref<2x64xf32, #tpu.memory_space<vmem>>, vector<16xf32>,
            %swap3A_624 = arith.index_cast %select_n3A_201 : i32 to index
            %swap3A_625 = arith.index_cast %add3A_607 : i32 to index
            %swap3A_626 = arith.constant 32 : index
            %swap3A_627 = tpu.vector_load %arg7[%swap3A_624, %swap3A_625, %swap3A_626] {strides = array<i32>} : memref<6x128x64xf32, #tpu.memory_space<vmem>>, vector<16xf32>,
            tpu.vector_store %arg7[%swap3A_624, %swap3A_625, %swap3A_626], %get3A_623 {strides = array<i32>} : memref<6x128x64xf32, #tpu.memory_space<vmem>>, vector<16xf32>,
            %get3A_628 = arith.index_cast %sub3A_603 : i32 to index
            %get3A_629 = arith.constant 48 : index
            %get3A_630 = tpu.vector_load %arg9[%get3A_628, %get3A_629] {strides = array<i32>} : memref<2x64xf32, #tpu.memory_space<vmem>>, vector<16xf32>,
            %swap3A_631 = arith.index_cast %select_n3A_201 : i32 to index
            %swap3A_632 = arith.index_cast %add3A_607 : i32 to index
            %swap3A_633 = arith.constant 48 : index
            %swap3A_634 = tpu.vector_load %arg7[%swap3A_631, %swap3A_632, %swap3A_633] {strides = array<i32>} : memref<6x128x64xf32, #tpu.memory_space<vmem>>, vector<16xf32>,
            tpu.vector_store %arg7[%swap3A_631, %swap3A_632, %swap3A_633], %get3A_630 {strides = array<i32>} : memref<6x128x64xf32, #tpu.memory_space<vmem>>, vector<16xf32>,
          } else {
          }
          %slice3A_512 = vector.extract_strided_slice %get3A_356 {offsets = [7], sizes = [1], strides = [1]} : vector<16xi32> to vector<1xi32>
          %squeeze3A_513 = vector.extract %slice3A_512[0] : i32 from vector<1xi32>
          %eq3A_514 = arith.constant 1 : i32
          %eq3A_515 = arith.cmpi eq, %squeeze3A_513, %eq3A_514 : i32
          %eq3A_516 = arith.constant 2 : i32
          %eq3A_517 = arith.cmpi eq, %squeeze3A_513, %eq3A_516 : i32
          %or3A_518 = arith.ori %eq3A_515, %eq3A_517 : i1
          %convert_element_type3A_519 = arith.extui %or3A_518 : i1 to i32
          %cond3A_520 = arith.constant 0 : i32
          %cond3A_521 = arith.cmpi ne, %convert_element_type3A_519, %cond3A_520 : i32
          scf.if %cond3A_521 {
            %sub3A_602 = arith.constant 1 : i32
            %sub3A_603 = arith.subi %squeeze3A_513, %sub3A_602 : i32
            %mul3A_604 = arith.constant 16 : i32
            %mul3A_605 = arith.muli %scan3A_349, %mul3A_604 : i32
            %add3A_606 = arith.constant 7 : i32
            %add3A_607 = arith.addi %mul3A_605, %add3A_606 : i32
            %get3A_608 = arith.index_cast %sub3A_603 : i32 to index
            %get3A_609 = arith.constant 0 : index
            %get3A_610 = tpu.vector_load %arg9[%get3A_608, %get3A_609] {strides = array<i32>} : memref<2x64xf32, #tpu.memory_space<vmem>>, vector<16xf32>,
            %swap3A = arith.index_cast %select_n3A_201 : i32 to index
            %swap3A_611 = arith.index_cast %add3A_607 : i32 to index
            %swap3A_612 = arith.constant 0 : index
            %swap3A_613 = tpu.vector_load %arg7[%swap3A, %swap3A_611, %swap3A_612] {strides = array<i32>} : memref<6x128x64xf32, #tpu.memory_space<vmem>>, vector<16xf32>,
            tpu.vector_store %arg7[%swap3A, %swap3A_611, %swap3A_612], %get3A_610 {strides = array<i32>} : memref<6x128x64xf32, #tpu.memory_space<vmem>>, vector<16xf32>,
            %get3A_614 = arith.index_cast %sub3A_603 : i32 to index
            %get3A_615 = arith.constant 16 : index
            %get3A_616 = tpu.vector_load %arg9[%get3A_614, %get3A_615] {strides = array<i32>} : memref<2x64xf32, #tpu.memory_space<vmem>>, vector<16xf32>,
            %swap3A_617 = arith.index_cast %select_n3A_201 : i32 to index
            %swap3A_618 = arith.index_cast %add3A_607 : i32 to index
            %swap3A_619 = arith.constant 16 : index
            %swap3A_620 = tpu.vector_load %arg7[%swap3A_617, %swap3A_618, %swap3A_619] {strides = array<i32>} : memref<6x128x64xf32, #tpu.memory_space<vmem>>, vector<16xf32>,
            tpu.vector_store %arg7[%swap3A_617, %swap3A_618, %swap3A_619], %get3A_616 {strides = array<i32>} : memref<6x128x64xf32, #tpu.memory_space<vmem>>, vector<16xf32>,
            %get3A_621 = arith.index_cast %sub3A_603 : i32 to index
            %get3A_622 = arith.constant 32 : index
            %get3A_623 = tpu.vector_load %arg9[%get3A_621, %get3A_622] {strides = array<i32>} : memref<2x64xf32, #tpu.memory_space<vmem>>, vector<16xf32>,
            %swap3A_624 = arith.index_cast %select_n3A_201 : i32 to index
            %swap3A_625 = arith.index_cast %add3A_607 : i32 to index
            %swap3A_626 = arith.constant 32 : index
            %swap3A_627 = tpu.vector_load %arg7[%swap3A_624, %swap3A_625, %swap3A_626] {strides = array<i32>} : memref<6x128x64xf32, #tpu.memory_space<vmem>>, vector<16xf32>,
            tpu.vector_store %arg7[%swap3A_624, %swap3A_625, %swap3A_626], %get3A_623 {strides = array<i32>} : memref<6x128x64xf32, #tpu.memory_space<vmem>>, vector<16xf32>,
            %get3A_628 = arith.index_cast %sub3A_603 : i32 to index
            %get3A_629 = arith.constant 48 : index
            %get3A_630 = tpu.vector_load %arg9[%get3A_628, %get3A_629] {strides = array<i32>} : memref<2x64xf32, #tpu.memory_space<vmem>>, vector<16xf32>,
            %swap3A_631 = arith.index_cast %select_n3A_201 : i32 to index
            %swap3A_632 = arith.index_cast %add3A_607 : i32 to index
            %swap3A_633 = arith.constant 48 : index
            %swap3A_634 = tpu.vector_load %arg7[%swap3A_631, %swap3A_632, %swap3A_633] {strides = array<i32>} : memref<6x128x64xf32, #tpu.memory_space<vmem>>, vector<16xf32>,
            tpu.vector_store %arg7[%swap3A_631, %swap3A_632, %swap3A_633], %get3A_630 {strides = array<i32>} : memref<6x128x64xf32, #tpu.memory_space<vmem>>, vector<16xf32>,
          } else {
          }
          %slice3A_522 = vector.extract_strided_slice %get3A_356 {offsets = [8], sizes = [1], strides = [1]} : vector<16xi32> to vector<1xi32>
          %squeeze3A_523 = vector.extract %slice3A_522[0] : i32 from vector<1xi32>
          %eq3A_524 = arith.constant 1 : i32
          %eq3A_525 = arith.cmpi eq, %squeeze3A_523, %eq3A_524 : i32
          %eq3A_526 = arith.constant 2 : i32
          %eq3A_527 = arith.cmpi eq, %squeeze3A_523, %eq3A_526 : i32
          %or3A_528 = arith.ori %eq3A_525, %eq3A_527 : i1
          %convert_element_type3A_529 = arith.extui %or3A_528 : i1 to i32
          %cond3A_530 = arith.constant 0 : i32
          %cond3A_531 = arith.cmpi ne, %convert_element_type3A_529, %cond3A_530 : i32
          scf.if %cond3A_531 {
            %sub3A_602 = arith.constant 1 : i32
            %sub3A_603 = arith.subi %squeeze3A_523, %sub3A_602 : i32
            %mul3A_604 = arith.constant 16 : i32
            %mul3A_605 = arith.muli %scan3A_349, %mul3A_604 : i32
            %add3A_606 = arith.constant 8 : i32
            %add3A_607 = arith.addi %mul3A_605, %add3A_606 : i32
            %get3A_608 = arith.index_cast %sub3A_603 : i32 to index
            %get3A_609 = arith.constant 0 : index
            %get3A_610 = tpu.vector_load %arg9[%get3A_608, %get3A_609] {strides = array<i32>} : memref<2x64xf32, #tpu.memory_space<vmem>>, vector<16xf32>,
            %swap3A = arith.index_cast %select_n3A_201 : i32 to index
            %swap3A_611 = arith.index_cast %add3A_607 : i32 to index
            %swap3A_612 = arith.constant 0 : index
            %swap3A_613 = tpu.vector_load %arg7[%swap3A, %swap3A_611, %swap3A_612] {strides = array<i32>} : memref<6x128x64xf32, #tpu.memory_space<vmem>>, vector<16xf32>,
            tpu.vector_store %arg7[%swap3A, %swap3A_611, %swap3A_612], %get3A_610 {strides = array<i32>} : memref<6x128x64xf32, #tpu.memory_space<vmem>>, vector<16xf32>,
            %get3A_614 = arith.index_cast %sub3A_603 : i32 to index
            %get3A_615 = arith.constant 16 : index
            %get3A_616 = tpu.vector_load %arg9[%get3A_614, %get3A_615] {strides = array<i32>} : memref<2x64xf32, #tpu.memory_space<vmem>>, vector<16xf32>,
            %swap3A_617 = arith.index_cast %select_n3A_201 : i32 to index
            %swap3A_618 = arith.index_cast %add3A_607 : i32 to index
            %swap3A_619 = arith.constant 16 : index
            %swap3A_620 = tpu.vector_load %arg7[%swap3A_617, %swap3A_618, %swap3A_619] {strides = array<i32>} : memref<6x128x64xf32, #tpu.memory_space<vmem>>, vector<16xf32>,
            tpu.vector_store %arg7[%swap3A_617, %swap3A_618, %swap3A_619], %get3A_616 {strides = array<i32>} : memref<6x128x64xf32, #tpu.memory_space<vmem>>, vector<16xf32>,
            %get3A_621 = arith.index_cast %sub3A_603 : i32 to index
            %get3A_622 = arith.constant 32 : index
            %get3A_623 = tpu.vector_load %arg9[%get3A_621, %get3A_622] {strides = array<i32>} : memref<2x64xf32, #tpu.memory_space<vmem>>, vector<16xf32>,
            %swap3A_624 = arith.index_cast %select_n3A_201 : i32 to index
            %swap3A_625 = arith.index_cast %add3A_607 : i32 to index
            %swap3A_626 = arith.constant 32 : index
            %swap3A_627 = tpu.vector_load %arg7[%swap3A_624, %swap3A_625, %swap3A_626] {strides = array<i32>} : memref<6x128x64xf32, #tpu.memory_space<vmem>>, vector<16xf32>,
            tpu.vector_store %arg7[%swap3A_624, %swap3A_625, %swap3A_626], %get3A_623 {strides = array<i32>} : memref<6x128x64xf32, #tpu.memory_space<vmem>>, vector<16xf32>,
            %get3A_628 = arith.index_cast %sub3A_603 : i32 to index
            %get3A_629 = arith.constant 48 : index
            %get3A_630 = tpu.vector_load %arg9[%get3A_628, %get3A_629] {strides = array<i32>} : memref<2x64xf32, #tpu.memory_space<vmem>>, vector<16xf32>,
            %swap3A_631 = arith.index_cast %select_n3A_201 : i32 to index
            %swap3A_632 = arith.index_cast %add3A_607 : i32 to index
            %swap3A_633 = arith.constant 48 : index
            %swap3A_634 = tpu.vector_load %arg7[%swap3A_631, %swap3A_632, %swap3A_633] {strides = array<i32>} : memref<6x128x64xf32, #tpu.memory_space<vmem>>, vector<16xf32>,
            tpu.vector_store %arg7[%swap3A_631, %swap3A_632, %swap3A_633], %get3A_630 {strides = array<i32>} : memref<6x128x64xf32, #tpu.memory_space<vmem>>, vector<16xf32>,
          } else {
          }
          %slice3A_532 = vector.extract_strided_slice %get3A_356 {offsets = [9], sizes = [1], strides = [1]} : vector<16xi32> to vector<1xi32>
          %squeeze3A_533 = vector.extract %slice3A_532[0] : i32 from vector<1xi32>
          %eq3A_534 = arith.constant 1 : i32
          %eq3A_535 = arith.cmpi eq, %squeeze3A_533, %eq3A_534 : i32
          %eq3A_536 = arith.constant 2 : i32
          %eq3A_537 = arith.cmpi eq, %squeeze3A_533, %eq3A_536 : i32
          %or3A_538 = arith.ori %eq3A_535, %eq3A_537 : i1
          %convert_element_type3A_539 = arith.extui %or3A_538 : i1 to i32
          %cond3A_540 = arith.constant 0 : i32
          %cond3A_541 = arith.cmpi ne, %convert_element_type3A_539, %cond3A_540 : i32
          scf.if %cond3A_541 {
            %sub3A_602 = arith.constant 1 : i32
            %sub3A_603 = arith.subi %squeeze3A_533, %sub3A_602 : i32
            %mul3A_604 = arith.constant 16 : i32
            %mul3A_605 = arith.muli %scan3A_349, %mul3A_604 : i32
            %add3A_606 = arith.constant 9 : i32
            %add3A_607 = arith.addi %mul3A_605, %add3A_606 : i32
            %get3A_608 = arith.index_cast %sub3A_603 : i32 to index
            %get3A_609 = arith.constant 0 : index
            %get3A_610 = tpu.vector_load %arg9[%get3A_608, %get3A_609] {strides = array<i32>} : memref<2x64xf32, #tpu.memory_space<vmem>>, vector<16xf32>,
            %swap3A = arith.index_cast %select_n3A_201 : i32 to index
            %swap3A_611 = arith.index_cast %add3A_607 : i32 to index
            %swap3A_612 = arith.constant 0 : index
            %swap3A_613 = tpu.vector_load %arg7[%swap3A, %swap3A_611, %swap3A_612] {strides = array<i32>} : memref<6x128x64xf32, #tpu.memory_space<vmem>>, vector<16xf32>,
            tpu.vector_store %arg7[%swap3A, %swap3A_611, %swap3A_612], %get3A_610 {strides = array<i32>} : memref<6x128x64xf32, #tpu.memory_space<vmem>>, vector<16xf32>,
            %get3A_614 = arith.index_cast %sub3A_603 : i32 to index
            %get3A_615 = arith.constant 16 : index
            %get3A_616 = tpu.vector_load %arg9[%get3A_614, %get3A_615] {strides = array<i32>} : memref<2x64xf32, #tpu.memory_space<vmem>>, vector<16xf32>,
            %swap3A_617 = arith.index_cast %select_n3A_201 : i32 to index
            %swap3A_618 = arith.index_cast %add3A_607 : i32 to index
            %swap3A_619 = arith.constant 16 : index
            %swap3A_620 = tpu.vector_load %arg7[%swap3A_617, %swap3A_618, %swap3A_619] {strides = array<i32>} : memref<6x128x64xf32, #tpu.memory_space<vmem>>, vector<16xf32>,
            tpu.vector_store %arg7[%swap3A_617, %swap3A_618, %swap3A_619], %get3A_616 {strides = array<i32>} : memref<6x128x64xf32, #tpu.memory_space<vmem>>, vector<16xf32>,
            %get3A_621 = arith.index_cast %sub3A_603 : i32 to index
            %get3A_622 = arith.constant 32 : index
            %get3A_623 = tpu.vector_load %arg9[%get3A_621, %get3A_622] {strides = array<i32>} : memref<2x64xf32, #tpu.memory_space<vmem>>, vector<16xf32>,
            %swap3A_624 = arith.index_cast %select_n3A_201 : i32 to index
            %swap3A_625 = arith.index_cast %add3A_607 : i32 to index
            %swap3A_626 = arith.constant 32 : index
            %swap3A_627 = tpu.vector_load %arg7[%swap3A_624, %swap3A_625, %swap3A_626] {strides = array<i32>} : memref<6x128x64xf32, #tpu.memory_space<vmem>>, vector<16xf32>,
            tpu.vector_store %arg7[%swap3A_624, %swap3A_625, %swap3A_626], %get3A_623 {strides = array<i32>} : memref<6x128x64xf32, #tpu.memory_space<vmem>>, vector<16xf32>,
            %get3A_628 = arith.index_cast %sub3A_603 : i32 to index
            %get3A_629 = arith.constant 48 : index
            %get3A_630 = tpu.vector_load %arg9[%get3A_628, %get3A_629] {strides = array<i32>} : memref<2x64xf32, #tpu.memory_space<vmem>>, vector<16xf32>,
            %swap3A_631 = arith.index_cast %select_n3A_201 : i32 to index
            %swap3A_632 = arith.index_cast %add3A_607 : i32 to index
            %swap3A_633 = arith.constant 48 : index
            %swap3A_634 = tpu.vector_load %arg7[%swap3A_631, %swap3A_632, %swap3A_633] {strides = array<i32>} : memref<6x128x64xf32, #tpu.memory_space<vmem>>, vector<16xf32>,
            tpu.vector_store %arg7[%swap3A_631, %swap3A_632, %swap3A_633], %get3A_630 {strides = array<i32>} : memref<6x128x64xf32, #tpu.memory_space<vmem>>, vector<16xf32>,
          } else {
          }
          %slice3A_542 = vector.extract_strided_slice %get3A_356 {offsets = [10], sizes = [1], strides = [1]} : vector<16xi32> to vector<1xi32>
          %squeeze3A_543 = vector.extract %slice3A_542[0] : i32 from vector<1xi32>
          %eq3A_544 = arith.constant 1 : i32
          %eq3A_545 = arith.cmpi eq, %squeeze3A_543, %eq3A_544 : i32
          %eq3A_546 = arith.constant 2 : i32
          %eq3A_547 = arith.cmpi eq, %squeeze3A_543, %eq3A_546 : i32
          %or3A_548 = arith.ori %eq3A_545, %eq3A_547 : i1
          %convert_element_type3A_549 = arith.extui %or3A_548 : i1 to i32
          %cond3A_550 = arith.constant 0 : i32
          %cond3A_551 = arith.cmpi ne, %convert_element_type3A_549, %cond3A_550 : i32
          scf.if %cond3A_551 {
            %sub3A_602 = arith.constant 1 : i32
            %sub3A_603 = arith.subi %squeeze3A_543, %sub3A_602 : i32
            %mul3A_604 = arith.constant 16 : i32
            %mul3A_605 = arith.muli %scan3A_349, %mul3A_604 : i32
            %add3A_606 = arith.constant 10 : i32
            %add3A_607 = arith.addi %mul3A_605, %add3A_606 : i32
            %get3A_608 = arith.index_cast %sub3A_603 : i32 to index
            %get3A_609 = arith.constant 0 : index
            %get3A_610 = tpu.vector_load %arg9[%get3A_608, %get3A_609] {strides = array<i32>} : memref<2x64xf32, #tpu.memory_space<vmem>>, vector<16xf32>,
            %swap3A = arith.index_cast %select_n3A_201 : i32 to index
            %swap3A_611 = arith.index_cast %add3A_607 : i32 to index
            %swap3A_612 = arith.constant 0 : index
            %swap3A_613 = tpu.vector_load %arg7[%swap3A, %swap3A_611, %swap3A_612] {strides = array<i32>} : memref<6x128x64xf32, #tpu.memory_space<vmem>>, vector<16xf32>,
            tpu.vector_store %arg7[%swap3A, %swap3A_611, %swap3A_612], %get3A_610 {strides = array<i32>} : memref<6x128x64xf32, #tpu.memory_space<vmem>>, vector<16xf32>,
            %get3A_614 = arith.index_cast %sub3A_603 : i32 to index
            %get3A_615 = arith.constant 16 : index
            %get3A_616 = tpu.vector_load %arg9[%get3A_614, %get3A_615] {strides = array<i32>} : memref<2x64xf32, #tpu.memory_space<vmem>>, vector<16xf32>,
            %swap3A_617 = arith.index_cast %select_n3A_201 : i32 to index
            %swap3A_618 = arith.index_cast %add3A_607 : i32 to index
            %swap3A_619 = arith.constant 16 : index
            %swap3A_620 = tpu.vector_load %arg7[%swap3A_617, %swap3A_618, %swap3A_619] {strides = array<i32>} : memref<6x128x64xf32, #tpu.memory_space<vmem>>, vector<16xf32>,
            tpu.vector_store %arg7[%swap3A_617, %swap3A_618, %swap3A_619], %get3A_616 {strides = array<i32>} : memref<6x128x64xf32, #tpu.memory_space<vmem>>, vector<16xf32>,
            %get3A_621 = arith.index_cast %sub3A_603 : i32 to index
            %get3A_622 = arith.constant 32 : index
            %get3A_623 = tpu.vector_load %arg9[%get3A_621, %get3A_622] {strides = array<i32>} : memref<2x64xf32, #tpu.memory_space<vmem>>, vector<16xf32>,
            %swap3A_624 = arith.index_cast %select_n3A_201 : i32 to index
            %swap3A_625 = arith.index_cast %add3A_607 : i32 to index
            %swap3A_626 = arith.constant 32 : index
            %swap3A_627 = tpu.vector_load %arg7[%swap3A_624, %swap3A_625, %swap3A_626] {strides = array<i32>} : memref<6x128x64xf32, #tpu.memory_space<vmem>>, vector<16xf32>,
            tpu.vector_store %arg7[%swap3A_624, %swap3A_625, %swap3A_626], %get3A_623 {strides = array<i32>} : memref<6x128x64xf32, #tpu.memory_space<vmem>>, vector<16xf32>,
            %get3A_628 = arith.index_cast %sub3A_603 : i32 to index
            %get3A_629 = arith.constant 48 : index
            %get3A_630 = tpu.vector_load %arg9[%get3A_628, %get3A_629] {strides = array<i32>} : memref<2x64xf32, #tpu.memory_space<vmem>>, vector<16xf32>,
            %swap3A_631 = arith.index_cast %select_n3A_201 : i32 to index
            %swap3A_632 = arith.index_cast %add3A_607 : i32 to index
            %swap3A_633 = arith.constant 48 : index
            %swap3A_634 = tpu.vector_load %arg7[%swap3A_631, %swap3A_632, %swap3A_633] {strides = array<i32>} : memref<6x128x64xf32, #tpu.memory_space<vmem>>, vector<16xf32>,
            tpu.vector_store %arg7[%swap3A_631, %swap3A_632, %swap3A_633], %get3A_630 {strides = array<i32>} : memref<6x128x64xf32, #tpu.memory_space<vmem>>, vector<16xf32>,
          } else {
          }
          %slice3A_552 = vector.extract_strided_slice %get3A_356 {offsets = [11], sizes = [1], strides = [1]} : vector<16xi32> to vector<1xi32>
          %squeeze3A_553 = vector.extract %slice3A_552[0] : i32 from vector<1xi32>
          %eq3A_554 = arith.constant 1 : i32
          %eq3A_555 = arith.cmpi eq, %squeeze3A_553, %eq3A_554 : i32
          %eq3A_556 = arith.constant 2 : i32
          %eq3A_557 = arith.cmpi eq, %squeeze3A_553, %eq3A_556 : i32
          %or3A_558 = arith.ori %eq3A_555, %eq3A_557 : i1
          %convert_element_type3A_559 = arith.extui %or3A_558 : i1 to i32
          %cond3A_560 = arith.constant 0 : i32
          %cond3A_561 = arith.cmpi ne, %convert_element_type3A_559, %cond3A_560 : i32
          scf.if %cond3A_561 {
            %sub3A_602 = arith.constant 1 : i32
            %sub3A_603 = arith.subi %squeeze3A_553, %sub3A_602 : i32
            %mul3A_604 = arith.constant 16 : i32
            %mul3A_605 = arith.muli %scan3A_349, %mul3A_604 : i32
            %add3A_606 = arith.constant 11 : i32
            %add3A_607 = arith.addi %mul3A_605, %add3A_606 : i32
            %get3A_608 = arith.index_cast %sub3A_603 : i32 to index
            %get3A_609 = arith.constant 0 : index
            %get3A_610 = tpu.vector_load %arg9[%get3A_608, %get3A_609] {strides = array<i32>} : memref<2x64xf32, #tpu.memory_space<vmem>>, vector<16xf32>,
            %swap3A = arith.index_cast %select_n3A_201 : i32 to index
            %swap3A_611 = arith.index_cast %add3A_607 : i32 to index
            %swap3A_612 = arith.constant 0 : index
            %swap3A_613 = tpu.vector_load %arg7[%swap3A, %swap3A_611, %swap3A_612] {strides = array<i32>} : memref<6x128x64xf32, #tpu.memory_space<vmem>>, vector<16xf32>,
            tpu.vector_store %arg7[%swap3A, %swap3A_611, %swap3A_612], %get3A_610 {strides = array<i32>} : memref<6x128x64xf32, #tpu.memory_space<vmem>>, vector<16xf32>,
            %get3A_614 = arith.index_cast %sub3A_603 : i32 to index
            %get3A_615 = arith.constant 16 : index
            %get3A_616 = tpu.vector_load %arg9[%get3A_614, %get3A_615] {strides = array<i32>} : memref<2x64xf32, #tpu.memory_space<vmem>>, vector<16xf32>,
            %swap3A_617 = arith.index_cast %select_n3A_201 : i32 to index
            %swap3A_618 = arith.index_cast %add3A_607 : i32 to index
            %swap3A_619 = arith.constant 16 : index
            %swap3A_620 = tpu.vector_load %arg7[%swap3A_617, %swap3A_618, %swap3A_619] {strides = array<i32>} : memref<6x128x64xf32, #tpu.memory_space<vmem>>, vector<16xf32>,
            tpu.vector_store %arg7[%swap3A_617, %swap3A_618, %swap3A_619], %get3A_616 {strides = array<i32>} : memref<6x128x64xf32, #tpu.memory_space<vmem>>, vector<16xf32>,
            %get3A_621 = arith.index_cast %sub3A_603 : i32 to index
            %get3A_622 = arith.constant 32 : index
            %get3A_623 = tpu.vector_load %arg9[%get3A_621, %get3A_622] {strides = array<i32>} : memref<2x64xf32, #tpu.memory_space<vmem>>, vector<16xf32>,
            %swap3A_624 = arith.index_cast %select_n3A_201 : i32 to index
            %swap3A_625 = arith.index_cast %add3A_607 : i32 to index
            %swap3A_626 = arith.constant 32 : index
            %swap3A_627 = tpu.vector_load %arg7[%swap3A_624, %swap3A_625, %swap3A_626] {strides = array<i32>} : memref<6x128x64xf32, #tpu.memory_space<vmem>>, vector<16xf32>,
            tpu.vector_store %arg7[%swap3A_624, %swap3A_625, %swap3A_626], %get3A_623 {strides = array<i32>} : memref<6x128x64xf32, #tpu.memory_space<vmem>>, vector<16xf32>,
            %get3A_628 = arith.index_cast %sub3A_603 : i32 to index
            %get3A_629 = arith.constant 48 : index
            %get3A_630 = tpu.vector_load %arg9[%get3A_628, %get3A_629] {strides = array<i32>} : memref<2x64xf32, #tpu.memory_space<vmem>>, vector<16xf32>,
            %swap3A_631 = arith.index_cast %select_n3A_201 : i32 to index
            %swap3A_632 = arith.index_cast %add3A_607 : i32 to index
            %swap3A_633 = arith.constant 48 : index
            %swap3A_634 = tpu.vector_load %arg7[%swap3A_631, %swap3A_632, %swap3A_633] {strides = array<i32>} : memref<6x128x64xf32, #tpu.memory_space<vmem>>, vector<16xf32>,
            tpu.vector_store %arg7[%swap3A_631, %swap3A_632, %swap3A_633], %get3A_630 {strides = array<i32>} : memref<6x128x64xf32, #tpu.memory_space<vmem>>, vector<16xf32>,
          } else {
          }
          %slice3A_562 = vector.extract_strided_slice %get3A_356 {offsets = [12], sizes = [1], strides = [1]} : vector<16xi32> to vector<1xi32>
          %squeeze3A_563 = vector.extract %slice3A_562[0] : i32 from vector<1xi32>
          %eq3A_564 = arith.constant 1 : i32
          %eq3A_565 = arith.cmpi eq, %squeeze3A_563, %eq3A_564 : i32
          %eq3A_566 = arith.constant 2 : i32
          %eq3A_567 = arith.cmpi eq, %squeeze3A_563, %eq3A_566 : i32
          %or3A_568 = arith.ori %eq3A_565, %eq3A_567 : i1
          %convert_element_type3A_569 = arith.extui %or3A_568 : i1 to i32
          %cond3A_570 = arith.constant 0 : i32
          %cond3A_571 = arith.cmpi ne, %convert_element_type3A_569, %cond3A_570 : i32
          scf.if %cond3A_571 {
            %sub3A_602 = arith.constant 1 : i32
            %sub3A_603 = arith.subi %squeeze3A_563, %sub3A_602 : i32
            %mul3A_604 = arith.constant 16 : i32
            %mul3A_605 = arith.muli %scan3A_349, %mul3A_604 : i32
            %add3A_606 = arith.constant 12 : i32
            %add3A_607 = arith.addi %mul3A_605, %add3A_606 : i32
            %get3A_608 = arith.index_cast %sub3A_603 : i32 to index
            %get3A_609 = arith.constant 0 : index
            %get3A_610 = tpu.vector_load %arg9[%get3A_608, %get3A_609] {strides = array<i32>} : memref<2x64xf32, #tpu.memory_space<vmem>>, vector<16xf32>,
            %swap3A = arith.index_cast %select_n3A_201 : i32 to index
            %swap3A_611 = arith.index_cast %add3A_607 : i32 to index
            %swap3A_612 = arith.constant 0 : index
            %swap3A_613 = tpu.vector_load %arg7[%swap3A, %swap3A_611, %swap3A_612] {strides = array<i32>} : memref<6x128x64xf32, #tpu.memory_space<vmem>>, vector<16xf32>,
            tpu.vector_store %arg7[%swap3A, %swap3A_611, %swap3A_612], %get3A_610 {strides = array<i32>} : memref<6x128x64xf32, #tpu.memory_space<vmem>>, vector<16xf32>,
            %get3A_614 = arith.index_cast %sub3A_603 : i32 to index
            %get3A_615 = arith.constant 16 : index
            %get3A_616 = tpu.vector_load %arg9[%get3A_614, %get3A_615] {strides = array<i32>} : memref<2x64xf32, #tpu.memory_space<vmem>>, vector<16xf32>,
            %swap3A_617 = arith.index_cast %select_n3A_201 : i32 to index
            %swap3A_618 = arith.index_cast %add3A_607 : i32 to index
            %swap3A_619 = arith.constant 16 : index
            %swap3A_620 = tpu.vector_load %arg7[%swap3A_617, %swap3A_618, %swap3A_619] {strides = array<i32>} : memref<6x128x64xf32, #tpu.memory_space<vmem>>, vector<16xf32>,
            tpu.vector_store %arg7[%swap3A_617, %swap3A_618, %swap3A_619], %get3A_616 {strides = array<i32>} : memref<6x128x64xf32, #tpu.memory_space<vmem>>, vector<16xf32>,
            %get3A_621 = arith.index_cast %sub3A_603 : i32 to index
            %get3A_622 = arith.constant 32 : index
            %get3A_623 = tpu.vector_load %arg9[%get3A_621, %get3A_622] {strides = array<i32>} : memref<2x64xf32, #tpu.memory_space<vmem>>, vector<16xf32>,
            %swap3A_624 = arith.index_cast %select_n3A_201 : i32 to index
            %swap3A_625 = arith.index_cast %add3A_607 : i32 to index
            %swap3A_626 = arith.constant 32 : index
            %swap3A_627 = tpu.vector_load %arg7[%swap3A_624, %swap3A_625, %swap3A_626] {strides = array<i32>} : memref<6x128x64xf32, #tpu.memory_space<vmem>>, vector<16xf32>,
            tpu.vector_store %arg7[%swap3A_624, %swap3A_625, %swap3A_626], %get3A_623 {strides = array<i32>} : memref<6x128x64xf32, #tpu.memory_space<vmem>>, vector<16xf32>,
            %get3A_628 = arith.index_cast %sub3A_603 : i32 to index
            %get3A_629 = arith.constant 48 : index
            %get3A_630 = tpu.vector_load %arg9[%get3A_628, %get3A_629] {strides = array<i32>} : memref<2x64xf32, #tpu.memory_space<vmem>>, vector<16xf32>,
            %swap3A_631 = arith.index_cast %select_n3A_201 : i32 to index
            %swap3A_632 = arith.index_cast %add3A_607 : i32 to index
            %swap3A_633 = arith.constant 48 : index
            %swap3A_634 = tpu.vector_load %arg7[%swap3A_631, %swap3A_632, %swap3A_633] {strides = array<i32>} : memref<6x128x64xf32, #tpu.memory_space<vmem>>, vector<16xf32>,
            tpu.vector_store %arg7[%swap3A_631, %swap3A_632, %swap3A_633], %get3A_630 {strides = array<i32>} : memref<6x128x64xf32, #tpu.memory_space<vmem>>, vector<16xf32>,
          } else {
          }
          %slice3A_572 = vector.extract_strided_slice %get3A_356 {offsets = [13], sizes = [1], strides = [1]} : vector<16xi32> to vector<1xi32>
          %squeeze3A_573 = vector.extract %slice3A_572[0] : i32 from vector<1xi32>
          %eq3A_574 = arith.constant 1 : i32
          %eq3A_575 = arith.cmpi eq, %squeeze3A_573, %eq3A_574 : i32
          %eq3A_576 = arith.constant 2 : i32
          %eq3A_577 = arith.cmpi eq, %squeeze3A_573, %eq3A_576 : i32
          %or3A_578 = arith.ori %eq3A_575, %eq3A_577 : i1
          %convert_element_type3A_579 = arith.extui %or3A_578 : i1 to i32
          %cond3A_580 = arith.constant 0 : i32
          %cond3A_581 = arith.cmpi ne, %convert_element_type3A_579, %cond3A_580 : i32
          scf.if %cond3A_581 {
            %sub3A_602 = arith.constant 1 : i32
            %sub3A_603 = arith.subi %squeeze3A_573, %sub3A_602 : i32
            %mul3A_604 = arith.constant 16 : i32
            %mul3A_605 = arith.muli %scan3A_349, %mul3A_604 : i32
            %add3A_606 = arith.constant 13 : i32
            %add3A_607 = arith.addi %mul3A_605, %add3A_606 : i32
            %get3A_608 = arith.index_cast %sub3A_603 : i32 to index
            %get3A_609 = arith.constant 0 : index
            %get3A_610 = tpu.vector_load %arg9[%get3A_608, %get3A_609] {strides = array<i32>} : memref<2x64xf32, #tpu.memory_space<vmem>>, vector<16xf32>,
            %swap3A = arith.index_cast %select_n3A_201 : i32 to index
            %swap3A_611 = arith.index_cast %add3A_607 : i32 to index
            %swap3A_612 = arith.constant 0 : index
            %swap3A_613 = tpu.vector_load %arg7[%swap3A, %swap3A_611, %swap3A_612] {strides = array<i32>} : memref<6x128x64xf32, #tpu.memory_space<vmem>>, vector<16xf32>,
            tpu.vector_store %arg7[%swap3A, %swap3A_611, %swap3A_612], %get3A_610 {strides = array<i32>} : memref<6x128x64xf32, #tpu.memory_space<vmem>>, vector<16xf32>,
            %get3A_614 = arith.index_cast %sub3A_603 : i32 to index
            %get3A_615 = arith.constant 16 : index
            %get3A_616 = tpu.vector_load %arg9[%get3A_614, %get3A_615] {strides = array<i32>} : memref<2x64xf32, #tpu.memory_space<vmem>>, vector<16xf32>,
            %swap3A_617 = arith.index_cast %select_n3A_201 : i32 to index
            %swap3A_618 = arith.index_cast %add3A_607 : i32 to index
            %swap3A_619 = arith.constant 16 : index
            %swap3A_620 = tpu.vector_load %arg7[%swap3A_617, %swap3A_618, %swap3A_619] {strides = array<i32>} : memref<6x128x64xf32, #tpu.memory_space<vmem>>, vector<16xf32>,
            tpu.vector_store %arg7[%swap3A_617, %swap3A_618, %swap3A_619], %get3A_616 {strides = array<i32>} : memref<6x128x64xf32, #tpu.memory_space<vmem>>, vector<16xf32>,
            %get3A_621 = arith.index_cast %sub3A_603 : i32 to index
            %get3A_622 = arith.constant 32 : index
            %get3A_623 = tpu.vector_load %arg9[%get3A_621, %get3A_622] {strides = array<i32>} : memref<2x64xf32, #tpu.memory_space<vmem>>, vector<16xf32>,
            %swap3A_624 = arith.index_cast %select_n3A_201 : i32 to index
            %swap3A_625 = arith.index_cast %add3A_607 : i32 to index
            %swap3A_626 = arith.constant 32 : index
            %swap3A_627 = tpu.vector_load %arg7[%swap3A_624, %swap3A_625, %swap3A_626] {strides = array<i32>} : memref<6x128x64xf32, #tpu.memory_space<vmem>>, vector<16xf32>,
            tpu.vector_store %arg7[%swap3A_624, %swap3A_625, %swap3A_626], %get3A_623 {strides = array<i32>} : memref<6x128x64xf32, #tpu.memory_space<vmem>>, vector<16xf32>,
            %get3A_628 = arith.index_cast %sub3A_603 : i32 to index
            %get3A_629 = arith.constant 48 : index
            %get3A_630 = tpu.vector_load %arg9[%get3A_628, %get3A_629] {strides = array<i32>} : memref<2x64xf32, #tpu.memory_space<vmem>>, vector<16xf32>,
            %swap3A_631 = arith.index_cast %select_n3A_201 : i32 to index
            %swap3A_632 = arith.index_cast %add3A_607 : i32 to index
            %swap3A_633 = arith.constant 48 : index
            %swap3A_634 = tpu.vector_load %arg7[%swap3A_631, %swap3A_632, %swap3A_633] {strides = array<i32>} : memref<6x128x64xf32, #tpu.memory_space<vmem>>, vector<16xf32>,
            tpu.vector_store %arg7[%swap3A_631, %swap3A_632, %swap3A_633], %get3A_630 {strides = array<i32>} : memref<6x128x64xf32, #tpu.memory_space<vmem>>, vector<16xf32>,
          } else {
          }
          %slice3A_582 = vector.extract_strided_slice %get3A_356 {offsets = [14], sizes = [1], strides = [1]} : vector<16xi32> to vector<1xi32>
          %squeeze3A_583 = vector.extract %slice3A_582[0] : i32 from vector<1xi32>
          %eq3A_584 = arith.constant 1 : i32
          %eq3A_585 = arith.cmpi eq, %squeeze3A_583, %eq3A_584 : i32
          %eq3A_586 = arith.constant 2 : i32
          %eq3A_587 = arith.cmpi eq, %squeeze3A_583, %eq3A_586 : i32
          %or3A_588 = arith.ori %eq3A_585, %eq3A_587 : i1
          %convert_element_type3A_589 = arith.extui %or3A_588 : i1 to i32
          %cond3A_590 = arith.constant 0 : i32
          %cond3A_591 = arith.cmpi ne, %convert_element_type3A_589, %cond3A_590 : i32
          scf.if %cond3A_591 {
            %sub3A_602 = arith.constant 1 : i32
            %sub3A_603 = arith.subi %squeeze3A_583, %sub3A_602 : i32
            %mul3A_604 = arith.constant 16 : i32
            %mul3A_605 = arith.muli %scan3A_349, %mul3A_604 : i32
            %add3A_606 = arith.constant 14 : i32
            %add3A_607 = arith.addi %mul3A_605, %add3A_606 : i32
            %get3A_608 = arith.index_cast %sub3A_603 : i32 to index
            %get3A_609 = arith.constant 0 : index
            %get3A_610 = tpu.vector_load %arg9[%get3A_608, %get3A_609] {strides = array<i32>} : memref<2x64xf32, #tpu.memory_space<vmem>>, vector<16xf32>,
            %swap3A = arith.index_cast %select_n3A_201 : i32 to index
            %swap3A_611 = arith.index_cast %add3A_607 : i32 to index
            %swap3A_612 = arith.constant 0 : index
            %swap3A_613 = tpu.vector_load %arg7[%swap3A, %swap3A_611, %swap3A_612] {strides = array<i32>} : memref<6x128x64xf32, #tpu.memory_space<vmem>>, vector<16xf32>,
            tpu.vector_store %arg7[%swap3A, %swap3A_611, %swap3A_612], %get3A_610 {strides = array<i32>} : memref<6x128x64xf32, #tpu.memory_space<vmem>>, vector<16xf32>,
            %get3A_614 = arith.index_cast %sub3A_603 : i32 to index
            %get3A_615 = arith.constant 16 : index
            %get3A_616 = tpu.vector_load %arg9[%get3A_614, %get3A_615] {strides = array<i32>} : memref<2x64xf32, #tpu.memory_space<vmem>>, vector<16xf32>,
            %swap3A_617 = arith.index_cast %select_n3A_201 : i32 to index
            %swap3A_618 = arith.index_cast %add3A_607 : i32 to index
            %swap3A_619 = arith.constant 16 : index
            %swap3A_620 = tpu.vector_load %arg7[%swap3A_617, %swap3A_618, %swap3A_619] {strides = array<i32>} : memref<6x128x64xf32, #tpu.memory_space<vmem>>, vector<16xf32>,
            tpu.vector_store %arg7[%swap3A_617, %swap3A_618, %swap3A_619], %get3A_616 {strides = array<i32>} : memref<6x128x64xf32, #tpu.memory_space<vmem>>, vector<16xf32>,
            %get3A_621 = arith.index_cast %sub3A_603 : i32 to index
            %get3A_622 = arith.constant 32 : index
            %get3A_623 = tpu.vector_load %arg9[%get3A_621, %get3A_622] {strides = array<i32>} : memref<2x64xf32, #tpu.memory_space<vmem>>, vector<16xf32>,
            %swap3A_624 = arith.index_cast %select_n3A_201 : i32 to index
            %swap3A_625 = arith.index_cast %add3A_607 : i32 to index
            %swap3A_626 = arith.constant 32 : index
            %swap3A_627 = tpu.vector_load %arg7[%swap3A_624, %swap3A_625, %swap3A_626] {strides = array<i32>} : memref<6x128x64xf32, #tpu.memory_space<vmem>>, vector<16xf32>,
            tpu.vector_store %arg7[%swap3A_624, %swap3A_625, %swap3A_626], %get3A_623 {strides = array<i32>} : memref<6x128x64xf32, #tpu.memory_space<vmem>>, vector<16xf32>,
            %get3A_628 = arith.index_cast %sub3A_603 : i32 to index
            %get3A_629 = arith.constant 48 : index
            %get3A_630 = tpu.vector_load %arg9[%get3A_628, %get3A_629] {strides = array<i32>} : memref<2x64xf32, #tpu.memory_space<vmem>>, vector<16xf32>,
            %swap3A_631 = arith.index_cast %select_n3A_201 : i32 to index
            %swap3A_632 = arith.index_cast %add3A_607 : i32 to index
            %swap3A_633 = arith.constant 48 : index
            %swap3A_634 = tpu.vector_load %arg7[%swap3A_631, %swap3A_632, %swap3A_633] {strides = array<i32>} : memref<6x128x64xf32, #tpu.memory_space<vmem>>, vector<16xf32>,
            tpu.vector_store %arg7[%swap3A_631, %swap3A_632, %swap3A_633], %get3A_630 {strides = array<i32>} : memref<6x128x64xf32, #tpu.memory_space<vmem>>, vector<16xf32>,
          } else {
          }
          %slice3A_592 = vector.extract_strided_slice %get3A_356 {offsets = [15], sizes = [1], strides = [1]} : vector<16xi32> to vector<1xi32>
          %squeeze3A_593 = vector.extract %slice3A_592[0] : i32 from vector<1xi32>
          %eq3A_594 = arith.constant 1 : i32
          %eq3A_595 = arith.cmpi eq, %squeeze3A_593, %eq3A_594 : i32
          %eq3A_596 = arith.constant 2 : i32
          %eq3A_597 = arith.cmpi eq, %squeeze3A_593, %eq3A_596 : i32
          %or3A_598 = arith.ori %eq3A_595, %eq3A_597 : i1
          %convert_element_type3A_599 = arith.extui %or3A_598 : i1 to i32
          %cond3A_600 = arith.constant 0 : i32
          %cond3A_601 = arith.cmpi ne, %convert_element_type3A_599, %cond3A_600 : i32
          scf.if %cond3A_601 {
            %sub3A_602 = arith.constant 1 : i32
            %sub3A_603 = arith.subi %squeeze3A_593, %sub3A_602 : i32
            %mul3A_604 = arith.constant 16 : i32
            %mul3A_605 = arith.muli %scan3A_349, %mul3A_604 : i32
            %add3A_606 = arith.constant 15 : i32
            %add3A_607 = arith.addi %mul3A_605, %add3A_606 : i32
            %get3A_608 = arith.index_cast %sub3A_603 : i32 to index
            %get3A_609 = arith.constant 0 : index
            %get3A_610 = tpu.vector_load %arg9[%get3A_608, %get3A_609] {strides = array<i32>} : memref<2x64xf32, #tpu.memory_space<vmem>>, vector<16xf32>,
            %swap3A = arith.index_cast %select_n3A_201 : i32 to index
            %swap3A_611 = arith.index_cast %add3A_607 : i32 to index
            %swap3A_612 = arith.constant 0 : index
            %swap3A_613 = tpu.vector_load %arg7[%swap3A, %swap3A_611, %swap3A_612] {strides = array<i32>} : memref<6x128x64xf32, #tpu.memory_space<vmem>>, vector<16xf32>,
            tpu.vector_store %arg7[%swap3A, %swap3A_611, %swap3A_612], %get3A_610 {strides = array<i32>} : memref<6x128x64xf32, #tpu.memory_space<vmem>>, vector<16xf32>,
            %get3A_614 = arith.index_cast %sub3A_603 : i32 to index
            %get3A_615 = arith.constant 16 : index
            %get3A_616 = tpu.vector_load %arg9[%get3A_614, %get3A_615] {strides = array<i32>} : memref<2x64xf32, #tpu.memory_space<vmem>>, vector<16xf32>,
            %swap3A_617 = arith.index_cast %select_n3A_201 : i32 to index
            %swap3A_618 = arith.index_cast %add3A_607 : i32 to index
            %swap3A_619 = arith.constant 16 : index
            %swap3A_620 = tpu.vector_load %arg7[%swap3A_617, %swap3A_618, %swap3A_619] {strides = array<i32>} : memref<6x128x64xf32, #tpu.memory_space<vmem>>, vector<16xf32>,
            tpu.vector_store %arg7[%swap3A_617, %swap3A_618, %swap3A_619], %get3A_616 {strides = array<i32>} : memref<6x128x64xf32, #tpu.memory_space<vmem>>, vector<16xf32>,
            %get3A_621 = arith.index_cast %sub3A_603 : i32 to index
            %get3A_622 = arith.constant 32 : index
            %get3A_623 = tpu.vector_load %arg9[%get3A_621, %get3A_622] {strides = array<i32>} : memref<2x64xf32, #tpu.memory_space<vmem>>, vector<16xf32>,
            %swap3A_624 = arith.index_cast %select_n3A_201 : i32 to index
            %swap3A_625 = arith.index_cast %add3A_607 : i32 to index
            %swap3A_626 = arith.constant 32 : index
            %swap3A_627 = tpu.vector_load %arg7[%swap3A_624, %swap3A_625, %swap3A_626] {strides = array<i32>} : memref<6x128x64xf32, #tpu.memory_space<vmem>>, vector<16xf32>,
            tpu.vector_store %arg7[%swap3A_624, %swap3A_625, %swap3A_626], %get3A_623 {strides = array<i32>} : memref<6x128x64xf32, #tpu.memory_space<vmem>>, vector<16xf32>,
            %get3A_628 = arith.index_cast %sub3A_603 : i32 to index
            %get3A_629 = arith.constant 48 : index
            %get3A_630 = tpu.vector_load %arg9[%get3A_628, %get3A_629] {strides = array<i32>} : memref<2x64xf32, #tpu.memory_space<vmem>>, vector<16xf32>,
            %swap3A_631 = arith.index_cast %select_n3A_201 : i32 to index
            %swap3A_632 = arith.index_cast %add3A_607 : i32 to index
            %swap3A_633 = arith.constant 48 : index
            %swap3A_634 = tpu.vector_load %arg7[%swap3A_631, %swap3A_632, %swap3A_633] {strides = array<i32>} : memref<6x128x64xf32, #tpu.memory_space<vmem>>, vector<16xf32>,
            tpu.vector_store %arg7[%swap3A_631, %swap3A_632, %swap3A_633], %get3A_630 {strides = array<i32>} : memref<6x128x64xf32, #tpu.memory_space<vmem>>, vector<16xf32>,
          } else {
          }
        } else {
        }
        %scan3A_367 = arith.constant 1 : i32
        %scan3A_368 = arith.addi %scan3A_349, %scan3A_367 : i32
        %mul3A_369 = arith.constant 128 : i32
        %mul3A_370 = arith.muli %select_n3A_254, %mul3A_369 : i32
        %mul3A_371 = arith.constant 16 : i32
        %mul3A_372 = arith.muli %scan3A_368, %mul3A_371 : i32
        %add3A_373 = arith.addi %mul3A_370, %mul3A_372 : i32
        %get3A_374 = arith.index_cast %select_n3A_238 : i32 to index
        %get3A_375 = arith.index_cast %add3A_373 : i32 to index
        %get3A_376 = tpu.vector_load %arg6[%get3A_374, %get3A_375] {strides = array<i32>} : memref<50x512xi32, #tpu.memory_space<vmem>>, vector<16xi32>,
        %eq3A_377 = arith.constant 1 : i32
        %eq3A_378 = vector.broadcast %eq3A_377 : i32 to vector<16xi32>
        %eq3A_379 = arith.cmpi eq, %get3A_376, %eq3A_378 : vector<16xi32>
        %eq3A_380 = arith.constant 2 : i32
        %eq3A_381 = vector.broadcast %eq3A_380 : i32 to vector<16xi32>
        %eq3A_382 = arith.cmpi eq, %get3A_376, %eq3A_381 : vector<16xi32>
        %or3A_383 = arith.ori %eq3A_379, %eq3A_382 : vector<16xi1>
        %all_reduce_population_count3A_384 = tpu.all_reduce %or3A_383 {dim = 0 : i64, kind = #tpu.reduction_kind<sum>} : vector<16xi1> -> vector<16xi32>
        %slice3A_385 = vector.extract_strided_slice %all_reduce_population_count3A_384 {offsets = [0], sizes = [1], strides = [1]} : vector<16xi32> to vector<1xi32>
        %squeeze3A_386 = vector.extract %slice3A_385[0] : i32 from vector<1xi32>
        %gt3A_387 = arith.constant 0 : i32
        %gt3A_388 = arith.cmpi sgt, %squeeze3A_386, %gt3A_387 : i32
        %convert_element_type3A_389 = arith.extui %gt3A_388 : i1 to i32
        %cond3A_390 = arith.constant 0 : i32
        %cond3A_391 = arith.cmpi ne, %convert_element_type3A_389, %cond3A_390 : i32
        scf.if %cond3A_391 {
          %slice3A_442 = vector.extract_strided_slice %get3A_376 {offsets = [0], sizes = [1], strides = [1]} : vector<16xi32> to vector<1xi32>
          %squeeze3A_443 = vector.extract %slice3A_442[0] : i32 from vector<1xi32>
          %eq3A_444 = arith.constant 1 : i32
          %eq3A_445 = arith.cmpi eq, %squeeze3A_443, %eq3A_444 : i32
          %eq3A_446 = arith.constant 2 : i32
          %eq3A_447 = arith.cmpi eq, %squeeze3A_443, %eq3A_446 : i32
          %or3A_448 = arith.ori %eq3A_445, %eq3A_447 : i1
          %convert_element_type3A_449 = arith.extui %or3A_448 : i1 to i32
          %cond3A_450 = arith.constant 0 : i32
          %cond3A_451 = arith.cmpi ne, %convert_element_type3A_449, %cond3A_450 : i32
          scf.if %cond3A_451 {
            %sub3A_602 = arith.constant 1 : i32
            %sub3A_603 = arith.subi %squeeze3A_443, %sub3A_602 : i32
            %mul3A_604 = arith.constant 16 : i32
            %mul3A_605 = arith.muli %scan3A_368, %mul3A_604 : i32
            %add3A_606 = arith.constant 0 : i32
            %add3A_607 = arith.addi %mul3A_605, %add3A_606 : i32
            %get3A_608 = arith.index_cast %sub3A_603 : i32 to index
            %get3A_609 = arith.constant 0 : index
            %get3A_610 = tpu.vector_load %arg9[%get3A_608, %get3A_609] {strides = array<i32>} : memref<2x64xf32, #tpu.memory_space<vmem>>, vector<16xf32>,
            %swap3A = arith.index_cast %select_n3A_201 : i32 to index
            %swap3A_611 = arith.index_cast %add3A_607 : i32 to index
            %swap3A_612 = arith.constant 0 : index
            %swap3A_613 = tpu.vector_load %arg7[%swap3A, %swap3A_611, %swap3A_612] {strides = array<i32>} : memref<6x128x64xf32, #tpu.memory_space<vmem>>, vector<16xf32>,
            tpu.vector_store %arg7[%swap3A, %swap3A_611, %swap3A_612], %get3A_610 {strides = array<i32>} : memref<6x128x64xf32, #tpu.memory_space<vmem>>, vector<16xf32>,
            %get3A_614 = arith.index_cast %sub3A_603 : i32 to index
            %get3A_615 = arith.constant 16 : index
            %get3A_616 = tpu.vector_load %arg9[%get3A_614, %get3A_615] {strides = array<i32>} : memref<2x64xf32, #tpu.memory_space<vmem>>, vector<16xf32>,
            %swap3A_617 = arith.index_cast %select_n3A_201 : i32 to index
            %swap3A_618 = arith.index_cast %add3A_607 : i32 to index
            %swap3A_619 = arith.constant 16 : index
            %swap3A_620 = tpu.vector_load %arg7[%swap3A_617, %swap3A_618, %swap3A_619] {strides = array<i32>} : memref<6x128x64xf32, #tpu.memory_space<vmem>>, vector<16xf32>,
            tpu.vector_store %arg7[%swap3A_617, %swap3A_618, %swap3A_619], %get3A_616 {strides = array<i32>} : memref<6x128x64xf32, #tpu.memory_space<vmem>>, vector<16xf32>,
            %get3A_621 = arith.index_cast %sub3A_603 : i32 to index
            %get3A_622 = arith.constant 32 : index
            %get3A_623 = tpu.vector_load %arg9[%get3A_621, %get3A_622] {strides = array<i32>} : memref<2x64xf32, #tpu.memory_space<vmem>>, vector<16xf32>,
            %swap3A_624 = arith.index_cast %select_n3A_201 : i32 to index
            %swap3A_625 = arith.index_cast %add3A_607 : i32 to index
            %swap3A_626 = arith.constant 32 : index
            %swap3A_627 = tpu.vector_load %arg7[%swap3A_624, %swap3A_625, %swap3A_626] {strides = array<i32>} : memref<6x128x64xf32, #tpu.memory_space<vmem>>, vector<16xf32>,
            tpu.vector_store %arg7[%swap3A_624, %swap3A_625, %swap3A_626], %get3A_623 {strides = array<i32>} : memref<6x128x64xf32, #tpu.memory_space<vmem>>, vector<16xf32>,
            %get3A_628 = arith.index_cast %sub3A_603 : i32 to index
            %get3A_629 = arith.constant 48 : index
            %get3A_630 = tpu.vector_load %arg9[%get3A_628, %get3A_629] {strides = array<i32>} : memref<2x64xf32, #tpu.memory_space<vmem>>, vector<16xf32>,
            %swap3A_631 = arith.index_cast %select_n3A_201 : i32 to index
            %swap3A_632 = arith.index_cast %add3A_607 : i32 to index
            %swap3A_633 = arith.constant 48 : index
            %swap3A_634 = tpu.vector_load %arg7[%swap3A_631, %swap3A_632, %swap3A_633] {strides = array<i32>} : memref<6x128x64xf32, #tpu.memory_space<vmem>>, vector<16xf32>,
            tpu.vector_store %arg7[%swap3A_631, %swap3A_632, %swap3A_633], %get3A_630 {strides = array<i32>} : memref<6x128x64xf32, #tpu.memory_space<vmem>>, vector<16xf32>,
          } else {
          }
          %slice3A_452 = vector.extract_strided_slice %get3A_376 {offsets = [1], sizes = [1], strides = [1]} : vector<16xi32> to vector<1xi32>
          %squeeze3A_453 = vector.extract %slice3A_452[0] : i32 from vector<1xi32>
          %eq3A_454 = arith.constant 1 : i32
          %eq3A_455 = arith.cmpi eq, %squeeze3A_453, %eq3A_454 : i32
          %eq3A_456 = arith.constant 2 : i32
          %eq3A_457 = arith.cmpi eq, %squeeze3A_453, %eq3A_456 : i32
          %or3A_458 = arith.ori %eq3A_455, %eq3A_457 : i1
          %convert_element_type3A_459 = arith.extui %or3A_458 : i1 to i32
          %cond3A_460 = arith.constant 0 : i32
          %cond3A_461 = arith.cmpi ne, %convert_element_type3A_459, %cond3A_460 : i32
          scf.if %cond3A_461 {
            %sub3A_602 = arith.constant 1 : i32
            %sub3A_603 = arith.subi %squeeze3A_453, %sub3A_602 : i32
            %mul3A_604 = arith.constant 16 : i32
            %mul3A_605 = arith.muli %scan3A_368, %mul3A_604 : i32
            %add3A_606 = arith.constant 1 : i32
            %add3A_607 = arith.addi %mul3A_605, %add3A_606 : i32
            %get3A_608 = arith.index_cast %sub3A_603 : i32 to index
            %get3A_609 = arith.constant 0 : index
            %get3A_610 = tpu.vector_load %arg9[%get3A_608, %get3A_609] {strides = array<i32>} : memref<2x64xf32, #tpu.memory_space<vmem>>, vector<16xf32>,
            %swap3A = arith.index_cast %select_n3A_201 : i32 to index
            %swap3A_611 = arith.index_cast %add3A_607 : i32 to index
            %swap3A_612 = arith.constant 0 : index
            %swap3A_613 = tpu.vector_load %arg7[%swap3A, %swap3A_611, %swap3A_612] {strides = array<i32>} : memref<6x128x64xf32, #tpu.memory_space<vmem>>, vector<16xf32>,
            tpu.vector_store %arg7[%swap3A, %swap3A_611, %swap3A_612], %get3A_610 {strides = array<i32>} : memref<6x128x64xf32, #tpu.memory_space<vmem>>, vector<16xf32>,
            %get3A_614 = arith.index_cast %sub3A_603 : i32 to index
            %get3A_615 = arith.constant 16 : index
            %get3A_616 = tpu.vector_load %arg9[%get3A_614, %get3A_615] {strides = array<i32>} : memref<2x64xf32, #tpu.memory_space<vmem>>, vector<16xf32>,
            %swap3A_617 = arith.index_cast %select_n3A_201 : i32 to index
            %swap3A_618 = arith.index_cast %add3A_607 : i32 to index
            %swap3A_619 = arith.constant 16 : index
            %swap3A_620 = tpu.vector_load %arg7[%swap3A_617, %swap3A_618, %swap3A_619] {strides = array<i32>} : memref<6x128x64xf32, #tpu.memory_space<vmem>>, vector<16xf32>,
            tpu.vector_store %arg7[%swap3A_617, %swap3A_618, %swap3A_619], %get3A_616 {strides = array<i32>} : memref<6x128x64xf32, #tpu.memory_space<vmem>>, vector<16xf32>,
            %get3A_621 = arith.index_cast %sub3A_603 : i32 to index
            %get3A_622 = arith.constant 32 : index
            %get3A_623 = tpu.vector_load %arg9[%get3A_621, %get3A_622] {strides = array<i32>} : memref<2x64xf32, #tpu.memory_space<vmem>>, vector<16xf32>,
            %swap3A_624 = arith.index_cast %select_n3A_201 : i32 to index
            %swap3A_625 = arith.index_cast %add3A_607 : i32 to index
            %swap3A_626 = arith.constant 32 : index
            %swap3A_627 = tpu.vector_load %arg7[%swap3A_624, %swap3A_625, %swap3A_626] {strides = array<i32>} : memref<6x128x64xf32, #tpu.memory_space<vmem>>, vector<16xf32>,
            tpu.vector_store %arg7[%swap3A_624, %swap3A_625, %swap3A_626], %get3A_623 {strides = array<i32>} : memref<6x128x64xf32, #tpu.memory_space<vmem>>, vector<16xf32>,
            %get3A_628 = arith.index_cast %sub3A_603 : i32 to index
            %get3A_629 = arith.constant 48 : index
            %get3A_630 = tpu.vector_load %arg9[%get3A_628, %get3A_629] {strides = array<i32>} : memref<2x64xf32, #tpu.memory_space<vmem>>, vector<16xf32>,
            %swap3A_631 = arith.index_cast %select_n3A_201 : i32 to index
            %swap3A_632 = arith.index_cast %add3A_607 : i32 to index
            %swap3A_633 = arith.constant 48 : index
            %swap3A_634 = tpu.vector_load %arg7[%swap3A_631, %swap3A_632, %swap3A_633] {strides = array<i32>} : memref<6x128x64xf32, #tpu.memory_space<vmem>>, vector<16xf32>,
            tpu.vector_store %arg7[%swap3A_631, %swap3A_632, %swap3A_633], %get3A_630 {strides = array<i32>} : memref<6x128x64xf32, #tpu.memory_space<vmem>>, vector<16xf32>,
          } else {
          }
          %slice3A_462 = vector.extract_strided_slice %get3A_376 {offsets = [2], sizes = [1], strides = [1]} : vector<16xi32> to vector<1xi32>
          %squeeze3A_463 = vector.extract %slice3A_462[0] : i32 from vector<1xi32>
          %eq3A_464 = arith.constant 1 : i32
          %eq3A_465 = arith.cmpi eq, %squeeze3A_463, %eq3A_464 : i32
          %eq3A_466 = arith.constant 2 : i32
          %eq3A_467 = arith.cmpi eq, %squeeze3A_463, %eq3A_466 : i32
          %or3A_468 = arith.ori %eq3A_465, %eq3A_467 : i1
          %convert_element_type3A_469 = arith.extui %or3A_468 : i1 to i32
          %cond3A_470 = arith.constant 0 : i32
          %cond3A_471 = arith.cmpi ne, %convert_element_type3A_469, %cond3A_470 : i32
          scf.if %cond3A_471 {
            %sub3A_602 = arith.constant 1 : i32
            %sub3A_603 = arith.subi %squeeze3A_463, %sub3A_602 : i32
            %mul3A_604 = arith.constant 16 : i32
            %mul3A_605 = arith.muli %scan3A_368, %mul3A_604 : i32
            %add3A_606 = arith.constant 2 : i32
            %add3A_607 = arith.addi %mul3A_605, %add3A_606 : i32
            %get3A_608 = arith.index_cast %sub3A_603 : i32 to index
            %get3A_609 = arith.constant 0 : index
            %get3A_610 = tpu.vector_load %arg9[%get3A_608, %get3A_609] {strides = array<i32>} : memref<2x64xf32, #tpu.memory_space<vmem>>, vector<16xf32>,
            %swap3A = arith.index_cast %select_n3A_201 : i32 to index
            %swap3A_611 = arith.index_cast %add3A_607 : i32 to index
            %swap3A_612 = arith.constant 0 : index
            %swap3A_613 = tpu.vector_load %arg7[%swap3A, %swap3A_611, %swap3A_612] {strides = array<i32>} : memref<6x128x64xf32, #tpu.memory_space<vmem>>, vector<16xf32>,
            tpu.vector_store %arg7[%swap3A, %swap3A_611, %swap3A_612], %get3A_610 {strides = array<i32>} : memref<6x128x64xf32, #tpu.memory_space<vmem>>, vector<16xf32>,
            %get3A_614 = arith.index_cast %sub3A_603 : i32 to index
            %get3A_615 = arith.constant 16 : index
            %get3A_616 = tpu.vector_load %arg9[%get3A_614, %get3A_615] {strides = array<i32>} : memref<2x64xf32, #tpu.memory_space<vmem>>, vector<16xf32>,
            %swap3A_617 = arith.index_cast %select_n3A_201 : i32 to index
            %swap3A_618 = arith.index_cast %add3A_607 : i32 to index
            %swap3A_619 = arith.constant 16 : index
            %swap3A_620 = tpu.vector_load %arg7[%swap3A_617, %swap3A_618, %swap3A_619] {strides = array<i32>} : memref<6x128x64xf32, #tpu.memory_space<vmem>>, vector<16xf32>,
            tpu.vector_store %arg7[%swap3A_617, %swap3A_618, %swap3A_619], %get3A_616 {strides = array<i32>} : memref<6x128x64xf32, #tpu.memory_space<vmem>>, vector<16xf32>,
            %get3A_621 = arith.index_cast %sub3A_603 : i32 to index
            %get3A_622 = arith.constant 32 : index
            %get3A_623 = tpu.vector_load %arg9[%get3A_621, %get3A_622] {strides = array<i32>} : memref<2x64xf32, #tpu.memory_space<vmem>>, vector<16xf32>,
            %swap3A_624 = arith.index_cast %select_n3A_201 : i32 to index
            %swap3A_625 = arith.index_cast %add3A_607 : i32 to index
            %swap3A_626 = arith.constant 32 : index
            %swap3A_627 = tpu.vector_load %arg7[%swap3A_624, %swap3A_625, %swap3A_626] {strides = array<i32>} : memref<6x128x64xf32, #tpu.memory_space<vmem>>, vector<16xf32>,
            tpu.vector_store %arg7[%swap3A_624, %swap3A_625, %swap3A_626], %get3A_623 {strides = array<i32>} : memref<6x128x64xf32, #tpu.memory_space<vmem>>, vector<16xf32>,
            %get3A_628 = arith.index_cast %sub3A_603 : i32 to index
            %get3A_629 = arith.constant 48 : index
            %get3A_630 = tpu.vector_load %arg9[%get3A_628, %get3A_629] {strides = array<i32>} : memref<2x64xf32, #tpu.memory_space<vmem>>, vector<16xf32>,
            %swap3A_631 = arith.index_cast %select_n3A_201 : i32 to index
            %swap3A_632 = arith.index_cast %add3A_607 : i32 to index
            %swap3A_633 = arith.constant 48 : index
            %swap3A_634 = tpu.vector_load %arg7[%swap3A_631, %swap3A_632, %swap3A_633] {strides = array<i32>} : memref<6x128x64xf32, #tpu.memory_space<vmem>>, vector<16xf32>,
            tpu.vector_store %arg7[%swap3A_631, %swap3A_632, %swap3A_633], %get3A_630 {strides = array<i32>} : memref<6x128x64xf32, #tpu.memory_space<vmem>>, vector<16xf32>,
          } else {
          }
          %slice3A_472 = vector.extract_strided_slice %get3A_376 {offsets = [3], sizes = [1], strides = [1]} : vector<16xi32> to vector<1xi32>
          %squeeze3A_473 = vector.extract %slice3A_472[0] : i32 from vector<1xi32>
          %eq3A_474 = arith.constant 1 : i32
          %eq3A_475 = arith.cmpi eq, %squeeze3A_473, %eq3A_474 : i32
          %eq3A_476 = arith.constant 2 : i32
          %eq3A_477 = arith.cmpi eq, %squeeze3A_473, %eq3A_476 : i32
          %or3A_478 = arith.ori %eq3A_475, %eq3A_477 : i1
          %convert_element_type3A_479 = arith.extui %or3A_478 : i1 to i32
          %cond3A_480 = arith.constant 0 : i32
          %cond3A_481 = arith.cmpi ne, %convert_element_type3A_479, %cond3A_480 : i32
          scf.if %cond3A_481 {
            %sub3A_602 = arith.constant 1 : i32
            %sub3A_603 = arith.subi %squeeze3A_473, %sub3A_602 : i32
            %mul3A_604 = arith.constant 16 : i32
            %mul3A_605 = arith.muli %scan3A_368, %mul3A_604 : i32
            %add3A_606 = arith.constant 3 : i32
            %add3A_607 = arith.addi %mul3A_605, %add3A_606 : i32
            %get3A_608 = arith.index_cast %sub3A_603 : i32 to index
            %get3A_609 = arith.constant 0 : index
            %get3A_610 = tpu.vector_load %arg9[%get3A_608, %get3A_609] {strides = array<i32>} : memref<2x64xf32, #tpu.memory_space<vmem>>, vector<16xf32>,
            %swap3A = arith.index_cast %select_n3A_201 : i32 to index
            %swap3A_611 = arith.index_cast %add3A_607 : i32 to index
            %swap3A_612 = arith.constant 0 : index
            %swap3A_613 = tpu.vector_load %arg7[%swap3A, %swap3A_611, %swap3A_612] {strides = array<i32>} : memref<6x128x64xf32, #tpu.memory_space<vmem>>, vector<16xf32>,
            tpu.vector_store %arg7[%swap3A, %swap3A_611, %swap3A_612], %get3A_610 {strides = array<i32>} : memref<6x128x64xf32, #tpu.memory_space<vmem>>, vector<16xf32>,
            %get3A_614 = arith.index_cast %sub3A_603 : i32 to index
            %get3A_615 = arith.constant 16 : index
            %get3A_616 = tpu.vector_load %arg9[%get3A_614, %get3A_615] {strides = array<i32>} : memref<2x64xf32, #tpu.memory_space<vmem>>, vector<16xf32>,
            %swap3A_617 = arith.index_cast %select_n3A_201 : i32 to index
            %swap3A_618 = arith.index_cast %add3A_607 : i32 to index
            %swap3A_619 = arith.constant 16 : index
            %swap3A_620 = tpu.vector_load %arg7[%swap3A_617, %swap3A_618, %swap3A_619] {strides = array<i32>} : memref<6x128x64xf32, #tpu.memory_space<vmem>>, vector<16xf32>,
            tpu.vector_store %arg7[%swap3A_617, %swap3A_618, %swap3A_619], %get3A_616 {strides = array<i32>} : memref<6x128x64xf32, #tpu.memory_space<vmem>>, vector<16xf32>,
            %get3A_621 = arith.index_cast %sub3A_603 : i32 to index
            %get3A_622 = arith.constant 32 : index
            %get3A_623 = tpu.vector_load %arg9[%get3A_621, %get3A_622] {strides = array<i32>} : memref<2x64xf32, #tpu.memory_space<vmem>>, vector<16xf32>,
            %swap3A_624 = arith.index_cast %select_n3A_201 : i32 to index
            %swap3A_625 = arith.index_cast %add3A_607 : i32 to index
            %swap3A_626 = arith.constant 32 : index
            %swap3A_627 = tpu.vector_load %arg7[%swap3A_624, %swap3A_625, %swap3A_626] {strides = array<i32>} : memref<6x128x64xf32, #tpu.memory_space<vmem>>, vector<16xf32>,
            tpu.vector_store %arg7[%swap3A_624, %swap3A_625, %swap3A_626], %get3A_623 {strides = array<i32>} : memref<6x128x64xf32, #tpu.memory_space<vmem>>, vector<16xf32>,
            %get3A_628 = arith.index_cast %sub3A_603 : i32 to index
            %get3A_629 = arith.constant 48 : index
            %get3A_630 = tpu.vector_load %arg9[%get3A_628, %get3A_629] {strides = array<i32>} : memref<2x64xf32, #tpu.memory_space<vmem>>, vector<16xf32>,
            %swap3A_631 = arith.index_cast %select_n3A_201 : i32 to index
            %swap3A_632 = arith.index_cast %add3A_607 : i32 to index
            %swap3A_633 = arith.constant 48 : index
            %swap3A_634 = tpu.vector_load %arg7[%swap3A_631, %swap3A_632, %swap3A_633] {strides = array<i32>} : memref<6x128x64xf32, #tpu.memory_space<vmem>>, vector<16xf32>,
            tpu.vector_store %arg7[%swap3A_631, %swap3A_632, %swap3A_633], %get3A_630 {strides = array<i32>} : memref<6x128x64xf32, #tpu.memory_space<vmem>>, vector<16xf32>,
          } else {
          }
          %slice3A_482 = vector.extract_strided_slice %get3A_376 {offsets = [4], sizes = [1], strides = [1]} : vector<16xi32> to vector<1xi32>
          %squeeze3A_483 = vector.extract %slice3A_482[0] : i32 from vector<1xi32>
          %eq3A_484 = arith.constant 1 : i32
          %eq3A_485 = arith.cmpi eq, %squeeze3A_483, %eq3A_484 : i32
          %eq3A_486 = arith.constant 2 : i32
          %eq3A_487 = arith.cmpi eq, %squeeze3A_483, %eq3A_486 : i32
          %or3A_488 = arith.ori %eq3A_485, %eq3A_487 : i1
          %convert_element_type3A_489 = arith.extui %or3A_488 : i1 to i32
          %cond3A_490 = arith.constant 0 : i32
          %cond3A_491 = arith.cmpi ne, %convert_element_type3A_489, %cond3A_490 : i32
          scf.if %cond3A_491 {
            %sub3A_602 = arith.constant 1 : i32
            %sub3A_603 = arith.subi %squeeze3A_483, %sub3A_602 : i32
            %mul3A_604 = arith.constant 16 : i32
            %mul3A_605 = arith.muli %scan3A_368, %mul3A_604 : i32
            %add3A_606 = arith.constant 4 : i32
            %add3A_607 = arith.addi %mul3A_605, %add3A_606 : i32
            %get3A_608 = arith.index_cast %sub3A_603 : i32 to index
            %get3A_609 = arith.constant 0 : index
            %get3A_610 = tpu.vector_load %arg9[%get3A_608, %get3A_609] {strides = array<i32>} : memref<2x64xf32, #tpu.memory_space<vmem>>, vector<16xf32>,
            %swap3A = arith.index_cast %select_n3A_201 : i32 to index
            %swap3A_611 = arith.index_cast %add3A_607 : i32 to index
            %swap3A_612 = arith.constant 0 : index
            %swap3A_613 = tpu.vector_load %arg7[%swap3A, %swap3A_611, %swap3A_612] {strides = array<i32>} : memref<6x128x64xf32, #tpu.memory_space<vmem>>, vector<16xf32>,
            tpu.vector_store %arg7[%swap3A, %swap3A_611, %swap3A_612], %get3A_610 {strides = array<i32>} : memref<6x128x64xf32, #tpu.memory_space<vmem>>, vector<16xf32>,
            %get3A_614 = arith.index_cast %sub3A_603 : i32 to index
            %get3A_615 = arith.constant 16 : index
            %get3A_616 = tpu.vector_load %arg9[%get3A_614, %get3A_615] {strides = array<i32>} : memref<2x64xf32, #tpu.memory_space<vmem>>, vector<16xf32>,
            %swap3A_617 = arith.index_cast %select_n3A_201 : i32 to index
            %swap3A_618 = arith.index_cast %add3A_607 : i32 to index
            %swap3A_619 = arith.constant 16 : index
            %swap3A_620 = tpu.vector_load %arg7[%swap3A_617, %swap3A_618, %swap3A_619] {strides = array<i32>} : memref<6x128x64xf32, #tpu.memory_space<vmem>>, vector<16xf32>,
            tpu.vector_store %arg7[%swap3A_617, %swap3A_618, %swap3A_619], %get3A_616 {strides = array<i32>} : memref<6x128x64xf32, #tpu.memory_space<vmem>>, vector<16xf32>,
            %get3A_621 = arith.index_cast %sub3A_603 : i32 to index
            %get3A_622 = arith.constant 32 : index
            %get3A_623 = tpu.vector_load %arg9[%get3A_621, %get3A_622] {strides = array<i32>} : memref<2x64xf32, #tpu.memory_space<vmem>>, vector<16xf32>,
            %swap3A_624 = arith.index_cast %select_n3A_201 : i32 to index
            %swap3A_625 = arith.index_cast %add3A_607 : i32 to index
            %swap3A_626 = arith.constant 32 : index
            %swap3A_627 = tpu.vector_load %arg7[%swap3A_624, %swap3A_625, %swap3A_626] {strides = array<i32>} : memref<6x128x64xf32, #tpu.memory_space<vmem>>, vector<16xf32>,
            tpu.vector_store %arg7[%swap3A_624, %swap3A_625, %swap3A_626], %get3A_623 {strides = array<i32>} : memref<6x128x64xf32, #tpu.memory_space<vmem>>, vector<16xf32>,
            %get3A_628 = arith.index_cast %sub3A_603 : i32 to index
            %get3A_629 = arith.constant 48 : index
            %get3A_630 = tpu.vector_load %arg9[%get3A_628, %get3A_629] {strides = array<i32>} : memref<2x64xf32, #tpu.memory_space<vmem>>, vector<16xf32>,
            %swap3A_631 = arith.index_cast %select_n3A_201 : i32 to index
            %swap3A_632 = arith.index_cast %add3A_607 : i32 to index
            %swap3A_633 = arith.constant 48 : index
            %swap3A_634 = tpu.vector_load %arg7[%swap3A_631, %swap3A_632, %swap3A_633] {strides = array<i32>} : memref<6x128x64xf32, #tpu.memory_space<vmem>>, vector<16xf32>,
            tpu.vector_store %arg7[%swap3A_631, %swap3A_632, %swap3A_633], %get3A_630 {strides = array<i32>} : memref<6x128x64xf32, #tpu.memory_space<vmem>>, vector<16xf32>,
          } else {
          }
          %slice3A_492 = vector.extract_strided_slice %get3A_376 {offsets = [5], sizes = [1], strides = [1]} : vector<16xi32> to vector<1xi32>
          %squeeze3A_493 = vector.extract %slice3A_492[0] : i32 from vector<1xi32>
          %eq3A_494 = arith.constant 1 : i32
          %eq3A_495 = arith.cmpi eq, %squeeze3A_493, %eq3A_494 : i32
          %eq3A_496 = arith.constant 2 : i32
          %eq3A_497 = arith.cmpi eq, %squeeze3A_493, %eq3A_496 : i32
          %or3A_498 = arith.ori %eq3A_495, %eq3A_497 : i1
          %convert_element_type3A_499 = arith.extui %or3A_498 : i1 to i32
          %cond3A_500 = arith.constant 0 : i32
          %cond3A_501 = arith.cmpi ne, %convert_element_type3A_499, %cond3A_500 : i32
          scf.if %cond3A_501 {
            %sub3A_602 = arith.constant 1 : i32
            %sub3A_603 = arith.subi %squeeze3A_493, %sub3A_602 : i32
            %mul3A_604 = arith.constant 16 : i32
            %mul3A_605 = arith.muli %scan3A_368, %mul3A_604 : i32
            %add3A_606 = arith.constant 5 : i32
            %add3A_607 = arith.addi %mul3A_605, %add3A_606 : i32
            %get3A_608 = arith.index_cast %sub3A_603 : i32 to index
            %get3A_609 = arith.constant 0 : index
            %get3A_610 = tpu.vector_load %arg9[%get3A_608, %get3A_609] {strides = array<i32>} : memref<2x64xf32, #tpu.memory_space<vmem>>, vector<16xf32>,
            %swap3A = arith.index_cast %select_n3A_201 : i32 to index
            %swap3A_611 = arith.index_cast %add3A_607 : i32 to index
            %swap3A_612 = arith.constant 0 : index
            %swap3A_613 = tpu.vector_load %arg7[%swap3A, %swap3A_611, %swap3A_612] {strides = array<i32>} : memref<6x128x64xf32, #tpu.memory_space<vmem>>, vector<16xf32>,
            tpu.vector_store %arg7[%swap3A, %swap3A_611, %swap3A_612], %get3A_610 {strides = array<i32>} : memref<6x128x64xf32, #tpu.memory_space<vmem>>, vector<16xf32>,
            %get3A_614 = arith.index_cast %sub3A_603 : i32 to index
            %get3A_615 = arith.constant 16 : index
            %get3A_616 = tpu.vector_load %arg9[%get3A_614, %get3A_615] {strides = array<i32>} : memref<2x64xf32, #tpu.memory_space<vmem>>, vector<16xf32>,
            %swap3A_617 = arith.index_cast %select_n3A_201 : i32 to index
            %swap3A_618 = arith.index_cast %add3A_607 : i32 to index
            %swap3A_619 = arith.constant 16 : index
            %swap3A_620 = tpu.vector_load %arg7[%swap3A_617, %swap3A_618, %swap3A_619] {strides = array<i32>} : memref<6x128x64xf32, #tpu.memory_space<vmem>>, vector<16xf32>,
            tpu.vector_store %arg7[%swap3A_617, %swap3A_618, %swap3A_619], %get3A_616 {strides = array<i32>} : memref<6x128x64xf32, #tpu.memory_space<vmem>>, vector<16xf32>,
            %get3A_621 = arith.index_cast %sub3A_603 : i32 to index
            %get3A_622 = arith.constant 32 : index
            %get3A_623 = tpu.vector_load %arg9[%get3A_621, %get3A_622] {strides = array<i32>} : memref<2x64xf32, #tpu.memory_space<vmem>>, vector<16xf32>,
            %swap3A_624 = arith.index_cast %select_n3A_201 : i32 to index
            %swap3A_625 = arith.index_cast %add3A_607 : i32 to index
            %swap3A_626 = arith.constant 32 : index
            %swap3A_627 = tpu.vector_load %arg7[%swap3A_624, %swap3A_625, %swap3A_626] {strides = array<i32>} : memref<6x128x64xf32, #tpu.memory_space<vmem>>, vector<16xf32>,
            tpu.vector_store %arg7[%swap3A_624, %swap3A_625, %swap3A_626], %get3A_623 {strides = array<i32>} : memref<6x128x64xf32, #tpu.memory_space<vmem>>, vector<16xf32>,
            %get3A_628 = arith.index_cast %sub3A_603 : i32 to index
            %get3A_629 = arith.constant 48 : index
            %get3A_630 = tpu.vector_load %arg9[%get3A_628, %get3A_629] {strides = array<i32>} : memref<2x64xf32, #tpu.memory_space<vmem>>, vector<16xf32>,
            %swap3A_631 = arith.index_cast %select_n3A_201 : i32 to index
            %swap3A_632 = arith.index_cast %add3A_607 : i32 to index
            %swap3A_633 = arith.constant 48 : index
            %swap3A_634 = tpu.vector_load %arg7[%swap3A_631, %swap3A_632, %swap3A_633] {strides = array<i32>} : memref<6x128x64xf32, #tpu.memory_space<vmem>>, vector<16xf32>,
            tpu.vector_store %arg7[%swap3A_631, %swap3A_632, %swap3A_633], %get3A_630 {strides = array<i32>} : memref<6x128x64xf32, #tpu.memory_space<vmem>>, vector<16xf32>,
          } else {
          }
          %slice3A_502 = vector.extract_strided_slice %get3A_376 {offsets = [6], sizes = [1], strides = [1]} : vector<16xi32> to vector<1xi32>
          %squeeze3A_503 = vector.extract %slice3A_502[0] : i32 from vector<1xi32>
          %eq3A_504 = arith.constant 1 : i32
          %eq3A_505 = arith.cmpi eq, %squeeze3A_503, %eq3A_504 : i32
          %eq3A_506 = arith.constant 2 : i32
          %eq3A_507 = arith.cmpi eq, %squeeze3A_503, %eq3A_506 : i32
          %or3A_508 = arith.ori %eq3A_505, %eq3A_507 : i1
          %convert_element_type3A_509 = arith.extui %or3A_508 : i1 to i32
          %cond3A_510 = arith.constant 0 : i32
          %cond3A_511 = arith.cmpi ne, %convert_element_type3A_509, %cond3A_510 : i32
          scf.if %cond3A_511 {
            %sub3A_602 = arith.constant 1 : i32
            %sub3A_603 = arith.subi %squeeze3A_503, %sub3A_602 : i32
            %mul3A_604 = arith.constant 16 : i32
            %mul3A_605 = arith.muli %scan3A_368, %mul3A_604 : i32
            %add3A_606 = arith.constant 6 : i32
            %add3A_607 = arith.addi %mul3A_605, %add3A_606 : i32
            %get3A_608 = arith.index_cast %sub3A_603 : i32 to index
            %get3A_609 = arith.constant 0 : index
            %get3A_610 = tpu.vector_load %arg9[%get3A_608, %get3A_609] {strides = array<i32>} : memref<2x64xf32, #tpu.memory_space<vmem>>, vector<16xf32>,
            %swap3A = arith.index_cast %select_n3A_201 : i32 to index
            %swap3A_611 = arith.index_cast %add3A_607 : i32 to index
            %swap3A_612 = arith.constant 0 : index
            %swap3A_613 = tpu.vector_load %arg7[%swap3A, %swap3A_611, %swap3A_612] {strides = array<i32>} : memref<6x128x64xf32, #tpu.memory_space<vmem>>, vector<16xf32>,
            tpu.vector_store %arg7[%swap3A, %swap3A_611, %swap3A_612], %get3A_610 {strides = array<i32>} : memref<6x128x64xf32, #tpu.memory_space<vmem>>, vector<16xf32>,
            %get3A_614 = arith.index_cast %sub3A_603 : i32 to index
            %get3A_615 = arith.constant 16 : index
            %get3A_616 = tpu.vector_load %arg9[%get3A_614, %get3A_615] {strides = array<i32>} : memref<2x64xf32, #tpu.memory_space<vmem>>, vector<16xf32>,
            %swap3A_617 = arith.index_cast %select_n3A_201 : i32 to index
            %swap3A_618 = arith.index_cast %add3A_607 : i32 to index
            %swap3A_619 = arith.constant 16 : index
            %swap3A_620 = tpu.vector_load %arg7[%swap3A_617, %swap3A_618, %swap3A_619] {strides = array<i32>} : memref<6x128x64xf32, #tpu.memory_space<vmem>>, vector<16xf32>,
            tpu.vector_store %arg7[%swap3A_617, %swap3A_618, %swap3A_619], %get3A_616 {strides = array<i32>} : memref<6x128x64xf32, #tpu.memory_space<vmem>>, vector<16xf32>,
            %get3A_621 = arith.index_cast %sub3A_603 : i32 to index
            %get3A_622 = arith.constant 32 : index
            %get3A_623 = tpu.vector_load %arg9[%get3A_621, %get3A_622] {strides = array<i32>} : memref<2x64xf32, #tpu.memory_space<vmem>>, vector<16xf32>,
            %swap3A_624 = arith.index_cast %select_n3A_201 : i32 to index
            %swap3A_625 = arith.index_cast %add3A_607 : i32 to index
            %swap3A_626 = arith.constant 32 : index
            %swap3A_627 = tpu.vector_load %arg7[%swap3A_624, %swap3A_625, %swap3A_626] {strides = array<i32>} : memref<6x128x64xf32, #tpu.memory_space<vmem>>, vector<16xf32>,
            tpu.vector_store %arg7[%swap3A_624, %swap3A_625, %swap3A_626], %get3A_623 {strides = array<i32>} : memref<6x128x64xf32, #tpu.memory_space<vmem>>, vector<16xf32>,
            %get3A_628 = arith.index_cast %sub3A_603 : i32 to index
            %get3A_629 = arith.constant 48 : index
            %get3A_630 = tpu.vector_load %arg9[%get3A_628, %get3A_629] {strides = array<i32>} : memref<2x64xf32, #tpu.memory_space<vmem>>, vector<16xf32>,
            %swap3A_631 = arith.index_cast %select_n3A_201 : i32 to index
            %swap3A_632 = arith.index_cast %add3A_607 : i32 to index
            %swap3A_633 = arith.constant 48 : index
            %swap3A_634 = tpu.vector_load %arg7[%swap3A_631, %swap3A_632, %swap3A_633] {strides = array<i32>} : memref<6x128x64xf32, #tpu.memory_space<vmem>>, vector<16xf32>,
            tpu.vector_store %arg7[%swap3A_631, %swap3A_632, %swap3A_633], %get3A_630 {strides = array<i32>} : memref<6x128x64xf32, #tpu.memory_space<vmem>>, vector<16xf32>,
          } else {
          }
          %slice3A_512 = vector.extract_strided_slice %get3A_376 {offsets = [7], sizes = [1], strides = [1]} : vector<16xi32> to vector<1xi32>
          %squeeze3A_513 = vector.extract %slice3A_512[0] : i32 from vector<1xi32>
          %eq3A_514 = arith.constant 1 : i32
          %eq3A_515 = arith.cmpi eq, %squeeze3A_513, %eq3A_514 : i32
          %eq3A_516 = arith.constant 2 : i32
          %eq3A_517 = arith.cmpi eq, %squeeze3A_513, %eq3A_516 : i32
          %or3A_518 = arith.ori %eq3A_515, %eq3A_517 : i1
          %convert_element_type3A_519 = arith.extui %or3A_518 : i1 to i32
          %cond3A_520 = arith.constant 0 : i32
          %cond3A_521 = arith.cmpi ne, %convert_element_type3A_519, %cond3A_520 : i32
          scf.if %cond3A_521 {
            %sub3A_602 = arith.constant 1 : i32
            %sub3A_603 = arith.subi %squeeze3A_513, %sub3A_602 : i32
            %mul3A_604 = arith.constant 16 : i32
            %mul3A_605 = arith.muli %scan3A_368, %mul3A_604 : i32
            %add3A_606 = arith.constant 7 : i32
            %add3A_607 = arith.addi %mul3A_605, %add3A_606 : i32
            %get3A_608 = arith.index_cast %sub3A_603 : i32 to index
            %get3A_609 = arith.constant 0 : index
            %get3A_610 = tpu.vector_load %arg9[%get3A_608, %get3A_609] {strides = array<i32>} : memref<2x64xf32, #tpu.memory_space<vmem>>, vector<16xf32>,
            %swap3A = arith.index_cast %select_n3A_201 : i32 to index
            %swap3A_611 = arith.index_cast %add3A_607 : i32 to index
            %swap3A_612 = arith.constant 0 : index
            %swap3A_613 = tpu.vector_load %arg7[%swap3A, %swap3A_611, %swap3A_612] {strides = array<i32>} : memref<6x128x64xf32, #tpu.memory_space<vmem>>, vector<16xf32>,
            tpu.vector_store %arg7[%swap3A, %swap3A_611, %swap3A_612], %get3A_610 {strides = array<i32>} : memref<6x128x64xf32, #tpu.memory_space<vmem>>, vector<16xf32>,
            %get3A_614 = arith.index_cast %sub3A_603 : i32 to index
            %get3A_615 = arith.constant 16 : index
            %get3A_616 = tpu.vector_load %arg9[%get3A_614, %get3A_615] {strides = array<i32>} : memref<2x64xf32, #tpu.memory_space<vmem>>, vector<16xf32>,
            %swap3A_617 = arith.index_cast %select_n3A_201 : i32 to index
            %swap3A_618 = arith.index_cast %add3A_607 : i32 to index
            %swap3A_619 = arith.constant 16 : index
            %swap3A_620 = tpu.vector_load %arg7[%swap3A_617, %swap3A_618, %swap3A_619] {strides = array<i32>} : memref<6x128x64xf32, #tpu.memory_space<vmem>>, vector<16xf32>,
            tpu.vector_store %arg7[%swap3A_617, %swap3A_618, %swap3A_619], %get3A_616 {strides = array<i32>} : memref<6x128x64xf32, #tpu.memory_space<vmem>>, vector<16xf32>,
            %get3A_621 = arith.index_cast %sub3A_603 : i32 to index
            %get3A_622 = arith.constant 32 : index
            %get3A_623 = tpu.vector_load %arg9[%get3A_621, %get3A_622] {strides = array<i32>} : memref<2x64xf32, #tpu.memory_space<vmem>>, vector<16xf32>,
            %swap3A_624 = arith.index_cast %select_n3A_201 : i32 to index
            %swap3A_625 = arith.index_cast %add3A_607 : i32 to index
            %swap3A_626 = arith.constant 32 : index
            %swap3A_627 = tpu.vector_load %arg7[%swap3A_624, %swap3A_625, %swap3A_626] {strides = array<i32>} : memref<6x128x64xf32, #tpu.memory_space<vmem>>, vector<16xf32>,
            tpu.vector_store %arg7[%swap3A_624, %swap3A_625, %swap3A_626], %get3A_623 {strides = array<i32>} : memref<6x128x64xf32, #tpu.memory_space<vmem>>, vector<16xf32>,
            %get3A_628 = arith.index_cast %sub3A_603 : i32 to index
            %get3A_629 = arith.constant 48 : index
            %get3A_630 = tpu.vector_load %arg9[%get3A_628, %get3A_629] {strides = array<i32>} : memref<2x64xf32, #tpu.memory_space<vmem>>, vector<16xf32>,
            %swap3A_631 = arith.index_cast %select_n3A_201 : i32 to index
            %swap3A_632 = arith.index_cast %add3A_607 : i32 to index
            %swap3A_633 = arith.constant 48 : index
            %swap3A_634 = tpu.vector_load %arg7[%swap3A_631, %swap3A_632, %swap3A_633] {strides = array<i32>} : memref<6x128x64xf32, #tpu.memory_space<vmem>>, vector<16xf32>,
            tpu.vector_store %arg7[%swap3A_631, %swap3A_632, %swap3A_633], %get3A_630 {strides = array<i32>} : memref<6x128x64xf32, #tpu.memory_space<vmem>>, vector<16xf32>,
          } else {
          }
          %slice3A_522 = vector.extract_strided_slice %get3A_376 {offsets = [8], sizes = [1], strides = [1]} : vector<16xi32> to vector<1xi32>
          %squeeze3A_523 = vector.extract %slice3A_522[0] : i32 from vector<1xi32>
          %eq3A_524 = arith.constant 1 : i32
          %eq3A_525 = arith.cmpi eq, %squeeze3A_523, %eq3A_524 : i32
          %eq3A_526 = arith.constant 2 : i32
          %eq3A_527 = arith.cmpi eq, %squeeze3A_523, %eq3A_526 : i32
          %or3A_528 = arith.ori %eq3A_525, %eq3A_527 : i1
          %convert_element_type3A_529 = arith.extui %or3A_528 : i1 to i32
          %cond3A_530 = arith.constant 0 : i32
          %cond3A_531 = arith.cmpi ne, %convert_element_type3A_529, %cond3A_530 : i32
          scf.if %cond3A_531 {
            %sub3A_602 = arith.constant 1 : i32
            %sub3A_603 = arith.subi %squeeze3A_523, %sub3A_602 : i32
            %mul3A_604 = arith.constant 16 : i32
            %mul3A_605 = arith.muli %scan3A_368, %mul3A_604 : i32
            %add3A_606 = arith.constant 8 : i32
            %add3A_607 = arith.addi %mul3A_605, %add3A_606 : i32
            %get3A_608 = arith.index_cast %sub3A_603 : i32 to index
            %get3A_609 = arith.constant 0 : index
            %get3A_610 = tpu.vector_load %arg9[%get3A_608, %get3A_609] {strides = array<i32>} : memref<2x64xf32, #tpu.memory_space<vmem>>, vector<16xf32>,
            %swap3A = arith.index_cast %select_n3A_201 : i32 to index
            %swap3A_611 = arith.index_cast %add3A_607 : i32 to index
            %swap3A_612 = arith.constant 0 : index
            %swap3A_613 = tpu.vector_load %arg7[%swap3A, %swap3A_611, %swap3A_612] {strides = array<i32>} : memref<6x128x64xf32, #tpu.memory_space<vmem>>, vector<16xf32>,
            tpu.vector_store %arg7[%swap3A, %swap3A_611, %swap3A_612], %get3A_610 {strides = array<i32>} : memref<6x128x64xf32, #tpu.memory_space<vmem>>, vector<16xf32>,
            %get3A_614 = arith.index_cast %sub3A_603 : i32 to index
            %get3A_615 = arith.constant 16 : index
            %get3A_616 = tpu.vector_load %arg9[%get3A_614, %get3A_615] {strides = array<i32>} : memref<2x64xf32, #tpu.memory_space<vmem>>, vector<16xf32>,
            %swap3A_617 = arith.index_cast %select_n3A_201 : i32 to index
            %swap3A_618 = arith.index_cast %add3A_607 : i32 to index
            %swap3A_619 = arith.constant 16 : index
            %swap3A_620 = tpu.vector_load %arg7[%swap3A_617, %swap3A_618, %swap3A_619] {strides = array<i32>} : memref<6x128x64xf32, #tpu.memory_space<vmem>>, vector<16xf32>,
            tpu.vector_store %arg7[%swap3A_617, %swap3A_618, %swap3A_619], %get3A_616 {strides = array<i32>} : memref<6x128x64xf32, #tpu.memory_space<vmem>>, vector<16xf32>,
            %get3A_621 = arith.index_cast %sub3A_603 : i32 to index
            %get3A_622 = arith.constant 32 : index
            %get3A_623 = tpu.vector_load %arg9[%get3A_621, %get3A_622] {strides = array<i32>} : memref<2x64xf32, #tpu.memory_space<vmem>>, vector<16xf32>,
            %swap3A_624 = arith.index_cast %select_n3A_201 : i32 to index
            %swap3A_625 = arith.index_cast %add3A_607 : i32 to index
            %swap3A_626 = arith.constant 32 : index
            %swap3A_627 = tpu.vector_load %arg7[%swap3A_624, %swap3A_625, %swap3A_626] {strides = array<i32>} : memref<6x128x64xf32, #tpu.memory_space<vmem>>, vector<16xf32>,
            tpu.vector_store %arg7[%swap3A_624, %swap3A_625, %swap3A_626], %get3A_623 {strides = array<i32>} : memref<6x128x64xf32, #tpu.memory_space<vmem>>, vector<16xf32>,
            %get3A_628 = arith.index_cast %sub3A_603 : i32 to index
            %get3A_629 = arith.constant 48 : index
            %get3A_630 = tpu.vector_load %arg9[%get3A_628, %get3A_629] {strides = array<i32>} : memref<2x64xf32, #tpu.memory_space<vmem>>, vector<16xf32>,
            %swap3A_631 = arith.index_cast %select_n3A_201 : i32 to index
            %swap3A_632 = arith.index_cast %add3A_607 : i32 to index
            %swap3A_633 = arith.constant 48 : index
            %swap3A_634 = tpu.vector_load %arg7[%swap3A_631, %swap3A_632, %swap3A_633] {strides = array<i32>} : memref<6x128x64xf32, #tpu.memory_space<vmem>>, vector<16xf32>,
            tpu.vector_store %arg7[%swap3A_631, %swap3A_632, %swap3A_633], %get3A_630 {strides = array<i32>} : memref<6x128x64xf32, #tpu.memory_space<vmem>>, vector<16xf32>,
          } else {
          }
          %slice3A_532 = vector.extract_strided_slice %get3A_376 {offsets = [9], sizes = [1], strides = [1]} : vector<16xi32> to vector<1xi32>
          %squeeze3A_533 = vector.extract %slice3A_532[0] : i32 from vector<1xi32>
          %eq3A_534 = arith.constant 1 : i32
          %eq3A_535 = arith.cmpi eq, %squeeze3A_533, %eq3A_534 : i32
          %eq3A_536 = arith.constant 2 : i32
          %eq3A_537 = arith.cmpi eq, %squeeze3A_533, %eq3A_536 : i32
          %or3A_538 = arith.ori %eq3A_535, %eq3A_537 : i1
          %convert_element_type3A_539 = arith.extui %or3A_538 : i1 to i32
          %cond3A_540 = arith.constant 0 : i32
          %cond3A_541 = arith.cmpi ne, %convert_element_type3A_539, %cond3A_540 : i32
          scf.if %cond3A_541 {
            %sub3A_602 = arith.constant 1 : i32
            %sub3A_603 = arith.subi %squeeze3A_533, %sub3A_602 : i32
            %mul3A_604 = arith.constant 16 : i32
            %mul3A_605 = arith.muli %scan3A_368, %mul3A_604 : i32
            %add3A_606 = arith.constant 9 : i32
            %add3A_607 = arith.addi %mul3A_605, %add3A_606 : i32
            %get3A_608 = arith.index_cast %sub3A_603 : i32 to index
            %get3A_609 = arith.constant 0 : index
            %get3A_610 = tpu.vector_load %arg9[%get3A_608, %get3A_609] {strides = array<i32>} : memref<2x64xf32, #tpu.memory_space<vmem>>, vector<16xf32>,
            %swap3A = arith.index_cast %select_n3A_201 : i32 to index
            %swap3A_611 = arith.index_cast %add3A_607 : i32 to index
            %swap3A_612 = arith.constant 0 : index
            %swap3A_613 = tpu.vector_load %arg7[%swap3A, %swap3A_611, %swap3A_612] {strides = array<i32>} : memref<6x128x64xf32, #tpu.memory_space<vmem>>, vector<16xf32>,
            tpu.vector_store %arg7[%swap3A, %swap3A_611, %swap3A_612], %get3A_610 {strides = array<i32>} : memref<6x128x64xf32, #tpu.memory_space<vmem>>, vector<16xf32>,
            %get3A_614 = arith.index_cast %sub3A_603 : i32 to index
            %get3A_615 = arith.constant 16 : index
            %get3A_616 = tpu.vector_load %arg9[%get3A_614, %get3A_615] {strides = array<i32>} : memref<2x64xf32, #tpu.memory_space<vmem>>, vector<16xf32>,
            %swap3A_617 = arith.index_cast %select_n3A_201 : i32 to index
            %swap3A_618 = arith.index_cast %add3A_607 : i32 to index
            %swap3A_619 = arith.constant 16 : index
            %swap3A_620 = tpu.vector_load %arg7[%swap3A_617, %swap3A_618, %swap3A_619] {strides = array<i32>} : memref<6x128x64xf32, #tpu.memory_space<vmem>>, vector<16xf32>,
            tpu.vector_store %arg7[%swap3A_617, %swap3A_618, %swap3A_619], %get3A_616 {strides = array<i32>} : memref<6x128x64xf32, #tpu.memory_space<vmem>>, vector<16xf32>,
            %get3A_621 = arith.index_cast %sub3A_603 : i32 to index
            %get3A_622 = arith.constant 32 : index
            %get3A_623 = tpu.vector_load %arg9[%get3A_621, %get3A_622] {strides = array<i32>} : memref<2x64xf32, #tpu.memory_space<vmem>>, vector<16xf32>,
            %swap3A_624 = arith.index_cast %select_n3A_201 : i32 to index
            %swap3A_625 = arith.index_cast %add3A_607 : i32 to index
            %swap3A_626 = arith.constant 32 : index
            %swap3A_627 = tpu.vector_load %arg7[%swap3A_624, %swap3A_625, %swap3A_626] {strides = array<i32>} : memref<6x128x64xf32, #tpu.memory_space<vmem>>, vector<16xf32>,
            tpu.vector_store %arg7[%swap3A_624, %swap3A_625, %swap3A_626], %get3A_623 {strides = array<i32>} : memref<6x128x64xf32, #tpu.memory_space<vmem>>, vector<16xf32>,
            %get3A_628 = arith.index_cast %sub3A_603 : i32 to index
            %get3A_629 = arith.constant 48 : index
            %get3A_630 = tpu.vector_load %arg9[%get3A_628, %get3A_629] {strides = array<i32>} : memref<2x64xf32, #tpu.memory_space<vmem>>, vector<16xf32>,
            %swap3A_631 = arith.index_cast %select_n3A_201 : i32 to index
            %swap3A_632 = arith.index_cast %add3A_607 : i32 to index
            %swap3A_633 = arith.constant 48 : index
            %swap3A_634 = tpu.vector_load %arg7[%swap3A_631, %swap3A_632, %swap3A_633] {strides = array<i32>} : memref<6x128x64xf32, #tpu.memory_space<vmem>>, vector<16xf32>,
            tpu.vector_store %arg7[%swap3A_631, %swap3A_632, %swap3A_633], %get3A_630 {strides = array<i32>} : memref<6x128x64xf32, #tpu.memory_space<vmem>>, vector<16xf32>,
          } else {
          }
          %slice3A_542 = vector.extract_strided_slice %get3A_376 {offsets = [10], sizes = [1], strides = [1]} : vector<16xi32> to vector<1xi32>
          %squeeze3A_543 = vector.extract %slice3A_542[0] : i32 from vector<1xi32>
          %eq3A_544 = arith.constant 1 : i32
          %eq3A_545 = arith.cmpi eq, %squeeze3A_543, %eq3A_544 : i32
          %eq3A_546 = arith.constant 2 : i32
          %eq3A_547 = arith.cmpi eq, %squeeze3A_543, %eq3A_546 : i32
          %or3A_548 = arith.ori %eq3A_545, %eq3A_547 : i1
          %convert_element_type3A_549 = arith.extui %or3A_548 : i1 to i32
          %cond3A_550 = arith.constant 0 : i32
          %cond3A_551 = arith.cmpi ne, %convert_element_type3A_549, %cond3A_550 : i32
          scf.if %cond3A_551 {
            %sub3A_602 = arith.constant 1 : i32
            %sub3A_603 = arith.subi %squeeze3A_543, %sub3A_602 : i32
            %mul3A_604 = arith.constant 16 : i32
            %mul3A_605 = arith.muli %scan3A_368, %mul3A_604 : i32
            %add3A_606 = arith.constant 10 : i32
            %add3A_607 = arith.addi %mul3A_605, %add3A_606 : i32
            %get3A_608 = arith.index_cast %sub3A_603 : i32 to index
            %get3A_609 = arith.constant 0 : index
            %get3A_610 = tpu.vector_load %arg9[%get3A_608, %get3A_609] {strides = array<i32>} : memref<2x64xf32, #tpu.memory_space<vmem>>, vector<16xf32>,
            %swap3A = arith.index_cast %select_n3A_201 : i32 to index
            %swap3A_611 = arith.index_cast %add3A_607 : i32 to index
            %swap3A_612 = arith.constant 0 : index
            %swap3A_613 = tpu.vector_load %arg7[%swap3A, %swap3A_611, %swap3A_612] {strides = array<i32>} : memref<6x128x64xf32, #tpu.memory_space<vmem>>, vector<16xf32>,
            tpu.vector_store %arg7[%swap3A, %swap3A_611, %swap3A_612], %get3A_610 {strides = array<i32>} : memref<6x128x64xf32, #tpu.memory_space<vmem>>, vector<16xf32>,
            %get3A_614 = arith.index_cast %sub3A_603 : i32 to index
            %get3A_615 = arith.constant 16 : index
            %get3A_616 = tpu.vector_load %arg9[%get3A_614, %get3A_615] {strides = array<i32>} : memref<2x64xf32, #tpu.memory_space<vmem>>, vector<16xf32>,
            %swap3A_617 = arith.index_cast %select_n3A_201 : i32 to index
            %swap3A_618 = arith.index_cast %add3A_607 : i32 to index
            %swap3A_619 = arith.constant 16 : index
            %swap3A_620 = tpu.vector_load %arg7[%swap3A_617, %swap3A_618, %swap3A_619] {strides = array<i32>} : memref<6x128x64xf32, #tpu.memory_space<vmem>>, vector<16xf32>,
            tpu.vector_store %arg7[%swap3A_617, %swap3A_618, %swap3A_619], %get3A_616 {strides = array<i32>} : memref<6x128x64xf32, #tpu.memory_space<vmem>>, vector<16xf32>,
            %get3A_621 = arith.index_cast %sub3A_603 : i32 to index
            %get3A_622 = arith.constant 32 : index
            %get3A_623 = tpu.vector_load %arg9[%get3A_621, %get3A_622] {strides = array<i32>} : memref<2x64xf32, #tpu.memory_space<vmem>>, vector<16xf32>,
            %swap3A_624 = arith.index_cast %select_n3A_201 : i32 to index
            %swap3A_625 = arith.index_cast %add3A_607 : i32 to index
            %swap3A_626 = arith.constant 32 : index
            %swap3A_627 = tpu.vector_load %arg7[%swap3A_624, %swap3A_625, %swap3A_626] {strides = array<i32>} : memref<6x128x64xf32, #tpu.memory_space<vmem>>, vector<16xf32>,
            tpu.vector_store %arg7[%swap3A_624, %swap3A_625, %swap3A_626], %get3A_623 {strides = array<i32>} : memref<6x128x64xf32, #tpu.memory_space<vmem>>, vector<16xf32>,
            %get3A_628 = arith.index_cast %sub3A_603 : i32 to index
            %get3A_629 = arith.constant 48 : index
            %get3A_630 = tpu.vector_load %arg9[%get3A_628, %get3A_629] {strides = array<i32>} : memref<2x64xf32, #tpu.memory_space<vmem>>, vector<16xf32>,
            %swap3A_631 = arith.index_cast %select_n3A_201 : i32 to index
            %swap3A_632 = arith.index_cast %add3A_607 : i32 to index
            %swap3A_633 = arith.constant 48 : index
            %swap3A_634 = tpu.vector_load %arg7[%swap3A_631, %swap3A_632, %swap3A_633] {strides = array<i32>} : memref<6x128x64xf32, #tpu.memory_space<vmem>>, vector<16xf32>,
            tpu.vector_store %arg7[%swap3A_631, %swap3A_632, %swap3A_633], %get3A_630 {strides = array<i32>} : memref<6x128x64xf32, #tpu.memory_space<vmem>>, vector<16xf32>,
          } else {
          }
          %slice3A_552 = vector.extract_strided_slice %get3A_376 {offsets = [11], sizes = [1], strides = [1]} : vector<16xi32> to vector<1xi32>
          %squeeze3A_553 = vector.extract %slice3A_552[0] : i32 from vector<1xi32>
          %eq3A_554 = arith.constant 1 : i32
          %eq3A_555 = arith.cmpi eq, %squeeze3A_553, %eq3A_554 : i32
          %eq3A_556 = arith.constant 2 : i32
          %eq3A_557 = arith.cmpi eq, %squeeze3A_553, %eq3A_556 : i32
          %or3A_558 = arith.ori %eq3A_555, %eq3A_557 : i1
          %convert_element_type3A_559 = arith.extui %or3A_558 : i1 to i32
          %cond3A_560 = arith.constant 0 : i32
          %cond3A_561 = arith.cmpi ne, %convert_element_type3A_559, %cond3A_560 : i32
          scf.if %cond3A_561 {
            %sub3A_602 = arith.constant 1 : i32
            %sub3A_603 = arith.subi %squeeze3A_553, %sub3A_602 : i32
            %mul3A_604 = arith.constant 16 : i32
            %mul3A_605 = arith.muli %scan3A_368, %mul3A_604 : i32
            %add3A_606 = arith.constant 11 : i32
            %add3A_607 = arith.addi %mul3A_605, %add3A_606 : i32
            %get3A_608 = arith.index_cast %sub3A_603 : i32 to index
            %get3A_609 = arith.constant 0 : index
            %get3A_610 = tpu.vector_load %arg9[%get3A_608, %get3A_609] {strides = array<i32>} : memref<2x64xf32, #tpu.memory_space<vmem>>, vector<16xf32>,
            %swap3A = arith.index_cast %select_n3A_201 : i32 to index
            %swap3A_611 = arith.index_cast %add3A_607 : i32 to index
            %swap3A_612 = arith.constant 0 : index
            %swap3A_613 = tpu.vector_load %arg7[%swap3A, %swap3A_611, %swap3A_612] {strides = array<i32>} : memref<6x128x64xf32, #tpu.memory_space<vmem>>, vector<16xf32>,
            tpu.vector_store %arg7[%swap3A, %swap3A_611, %swap3A_612], %get3A_610 {strides = array<i32>} : memref<6x128x64xf32, #tpu.memory_space<vmem>>, vector<16xf32>,
            %get3A_614 = arith.index_cast %sub3A_603 : i32 to index
            %get3A_615 = arith.constant 16 : index
            %get3A_616 = tpu.vector_load %arg9[%get3A_614, %get3A_615] {strides = array<i32>} : memref<2x64xf32, #tpu.memory_space<vmem>>, vector<16xf32>,
            %swap3A_617 = arith.index_cast %select_n3A_201 : i32 to index
            %swap3A_618 = arith.index_cast %add3A_607 : i32 to index
            %swap3A_619 = arith.constant 16 : index
            %swap3A_620 = tpu.vector_load %arg7[%swap3A_617, %swap3A_618, %swap3A_619] {strides = array<i32>} : memref<6x128x64xf32, #tpu.memory_space<vmem>>, vector<16xf32>,
            tpu.vector_store %arg7[%swap3A_617, %swap3A_618, %swap3A_619], %get3A_616 {strides = array<i32>} : memref<6x128x64xf32, #tpu.memory_space<vmem>>, vector<16xf32>,
            %get3A_621 = arith.index_cast %sub3A_603 : i32 to index
            %get3A_622 = arith.constant 32 : index
            %get3A_623 = tpu.vector_load %arg9[%get3A_621, %get3A_622] {strides = array<i32>} : memref<2x64xf32, #tpu.memory_space<vmem>>, vector<16xf32>,
            %swap3A_624 = arith.index_cast %select_n3A_201 : i32 to index
            %swap3A_625 = arith.index_cast %add3A_607 : i32 to index
            %swap3A_626 = arith.constant 32 : index
            %swap3A_627 = tpu.vector_load %arg7[%swap3A_624, %swap3A_625, %swap3A_626] {strides = array<i32>} : memref<6x128x64xf32, #tpu.memory_space<vmem>>, vector<16xf32>,
            tpu.vector_store %arg7[%swap3A_624, %swap3A_625, %swap3A_626], %get3A_623 {strides = array<i32>} : memref<6x128x64xf32, #tpu.memory_space<vmem>>, vector<16xf32>,
            %get3A_628 = arith.index_cast %sub3A_603 : i32 to index
            %get3A_629 = arith.constant 48 : index
            %get3A_630 = tpu.vector_load %arg9[%get3A_628, %get3A_629] {strides = array<i32>} : memref<2x64xf32, #tpu.memory_space<vmem>>, vector<16xf32>,
            %swap3A_631 = arith.index_cast %select_n3A_201 : i32 to index
            %swap3A_632 = arith.index_cast %add3A_607 : i32 to index
            %swap3A_633 = arith.constant 48 : index
            %swap3A_634 = tpu.vector_load %arg7[%swap3A_631, %swap3A_632, %swap3A_633] {strides = array<i32>} : memref<6x128x64xf32, #tpu.memory_space<vmem>>, vector<16xf32>,
            tpu.vector_store %arg7[%swap3A_631, %swap3A_632, %swap3A_633], %get3A_630 {strides = array<i32>} : memref<6x128x64xf32, #tpu.memory_space<vmem>>, vector<16xf32>,
          } else {
          }
          %slice3A_562 = vector.extract_strided_slice %get3A_376 {offsets = [12], sizes = [1], strides = [1]} : vector<16xi32> to vector<1xi32>
          %squeeze3A_563 = vector.extract %slice3A_562[0] : i32 from vector<1xi32>
          %eq3A_564 = arith.constant 1 : i32
          %eq3A_565 = arith.cmpi eq, %squeeze3A_563, %eq3A_564 : i32
          %eq3A_566 = arith.constant 2 : i32
          %eq3A_567 = arith.cmpi eq, %squeeze3A_563, %eq3A_566 : i32
          %or3A_568 = arith.ori %eq3A_565, %eq3A_567 : i1
          %convert_element_type3A_569 = arith.extui %or3A_568 : i1 to i32
          %cond3A_570 = arith.constant 0 : i32
          %cond3A_571 = arith.cmpi ne, %convert_element_type3A_569, %cond3A_570 : i32
          scf.if %cond3A_571 {
            %sub3A_602 = arith.constant 1 : i32
            %sub3A_603 = arith.subi %squeeze3A_563, %sub3A_602 : i32
            %mul3A_604 = arith.constant 16 : i32
            %mul3A_605 = arith.muli %scan3A_368, %mul3A_604 : i32
            %add3A_606 = arith.constant 12 : i32
            %add3A_607 = arith.addi %mul3A_605, %add3A_606 : i32
            %get3A_608 = arith.index_cast %sub3A_603 : i32 to index
            %get3A_609 = arith.constant 0 : index
            %get3A_610 = tpu.vector_load %arg9[%get3A_608, %get3A_609] {strides = array<i32>} : memref<2x64xf32, #tpu.memory_space<vmem>>, vector<16xf32>,
            %swap3A = arith.index_cast %select_n3A_201 : i32 to index
            %swap3A_611 = arith.index_cast %add3A_607 : i32 to index
            %swap3A_612 = arith.constant 0 : index
            %swap3A_613 = tpu.vector_load %arg7[%swap3A, %swap3A_611, %swap3A_612] {strides = array<i32>} : memref<6x128x64xf32, #tpu.memory_space<vmem>>, vector<16xf32>,
            tpu.vector_store %arg7[%swap3A, %swap3A_611, %swap3A_612], %get3A_610 {strides = array<i32>} : memref<6x128x64xf32, #tpu.memory_space<vmem>>, vector<16xf32>,
            %get3A_614 = arith.index_cast %sub3A_603 : i32 to index
            %get3A_615 = arith.constant 16 : index
            %get3A_616 = tpu.vector_load %arg9[%get3A_614, %get3A_615] {strides = array<i32>} : memref<2x64xf32, #tpu.memory_space<vmem>>, vector<16xf32>,
            %swap3A_617 = arith.index_cast %select_n3A_201 : i32 to index
            %swap3A_618 = arith.index_cast %add3A_607 : i32 to index
            %swap3A_619 = arith.constant 16 : index
            %swap3A_620 = tpu.vector_load %arg7[%swap3A_617, %swap3A_618, %swap3A_619] {strides = array<i32>} : memref<6x128x64xf32, #tpu.memory_space<vmem>>, vector<16xf32>,
            tpu.vector_store %arg7[%swap3A_617, %swap3A_618, %swap3A_619], %get3A_616 {strides = array<i32>} : memref<6x128x64xf32, #tpu.memory_space<vmem>>, vector<16xf32>,
            %get3A_621 = arith.index_cast %sub3A_603 : i32 to index
            %get3A_622 = arith.constant 32 : index
            %get3A_623 = tpu.vector_load %arg9[%get3A_621, %get3A_622] {strides = array<i32>} : memref<2x64xf32, #tpu.memory_space<vmem>>, vector<16xf32>,
            %swap3A_624 = arith.index_cast %select_n3A_201 : i32 to index
            %swap3A_625 = arith.index_cast %add3A_607 : i32 to index
            %swap3A_626 = arith.constant 32 : index
            %swap3A_627 = tpu.vector_load %arg7[%swap3A_624, %swap3A_625, %swap3A_626] {strides = array<i32>} : memref<6x128x64xf32, #tpu.memory_space<vmem>>, vector<16xf32>,
            tpu.vector_store %arg7[%swap3A_624, %swap3A_625, %swap3A_626], %get3A_623 {strides = array<i32>} : memref<6x128x64xf32, #tpu.memory_space<vmem>>, vector<16xf32>,
            %get3A_628 = arith.index_cast %sub3A_603 : i32 to index
            %get3A_629 = arith.constant 48 : index
            %get3A_630 = tpu.vector_load %arg9[%get3A_628, %get3A_629] {strides = array<i32>} : memref<2x64xf32, #tpu.memory_space<vmem>>, vector<16xf32>,
            %swap3A_631 = arith.index_cast %select_n3A_201 : i32 to index
            %swap3A_632 = arith.index_cast %add3A_607 : i32 to index
            %swap3A_633 = arith.constant 48 : index
            %swap3A_634 = tpu.vector_load %arg7[%swap3A_631, %swap3A_632, %swap3A_633] {strides = array<i32>} : memref<6x128x64xf32, #tpu.memory_space<vmem>>, vector<16xf32>,
            tpu.vector_store %arg7[%swap3A_631, %swap3A_632, %swap3A_633], %get3A_630 {strides = array<i32>} : memref<6x128x64xf32, #tpu.memory_space<vmem>>, vector<16xf32>,
          } else {
          }
          %slice3A_572 = vector.extract_strided_slice %get3A_376 {offsets = [13], sizes = [1], strides = [1]} : vector<16xi32> to vector<1xi32>
          %squeeze3A_573 = vector.extract %slice3A_572[0] : i32 from vector<1xi32>
          %eq3A_574 = arith.constant 1 : i32
          %eq3A_575 = arith.cmpi eq, %squeeze3A_573, %eq3A_574 : i32
          %eq3A_576 = arith.constant 2 : i32
          %eq3A_577 = arith.cmpi eq, %squeeze3A_573, %eq3A_576 : i32
          %or3A_578 = arith.ori %eq3A_575, %eq3A_577 : i1
          %convert_element_type3A_579 = arith.extui %or3A_578 : i1 to i32
          %cond3A_580 = arith.constant 0 : i32
          %cond3A_581 = arith.cmpi ne, %convert_element_type3A_579, %cond3A_580 : i32
          scf.if %cond3A_581 {
            %sub3A_602 = arith.constant 1 : i32
            %sub3A_603 = arith.subi %squeeze3A_573, %sub3A_602 : i32
            %mul3A_604 = arith.constant 16 : i32
            %mul3A_605 = arith.muli %scan3A_368, %mul3A_604 : i32
            %add3A_606 = arith.constant 13 : i32
            %add3A_607 = arith.addi %mul3A_605, %add3A_606 : i32
            %get3A_608 = arith.index_cast %sub3A_603 : i32 to index
            %get3A_609 = arith.constant 0 : index
            %get3A_610 = tpu.vector_load %arg9[%get3A_608, %get3A_609] {strides = array<i32>} : memref<2x64xf32, #tpu.memory_space<vmem>>, vector<16xf32>,
            %swap3A = arith.index_cast %select_n3A_201 : i32 to index
            %swap3A_611 = arith.index_cast %add3A_607 : i32 to index
            %swap3A_612 = arith.constant 0 : index
            %swap3A_613 = tpu.vector_load %arg7[%swap3A, %swap3A_611, %swap3A_612] {strides = array<i32>} : memref<6x128x64xf32, #tpu.memory_space<vmem>>, vector<16xf32>,
            tpu.vector_store %arg7[%swap3A, %swap3A_611, %swap3A_612], %get3A_610 {strides = array<i32>} : memref<6x128x64xf32, #tpu.memory_space<vmem>>, vector<16xf32>,
            %get3A_614 = arith.index_cast %sub3A_603 : i32 to index
            %get3A_615 = arith.constant 16 : index
            %get3A_616 = tpu.vector_load %arg9[%get3A_614, %get3A_615] {strides = array<i32>} : memref<2x64xf32, #tpu.memory_space<vmem>>, vector<16xf32>,
            %swap3A_617 = arith.index_cast %select_n3A_201 : i32 to index
            %swap3A_618 = arith.index_cast %add3A_607 : i32 to index
            %swap3A_619 = arith.constant 16 : index
            %swap3A_620 = tpu.vector_load %arg7[%swap3A_617, %swap3A_618, %swap3A_619] {strides = array<i32>} : memref<6x128x64xf32, #tpu.memory_space<vmem>>, vector<16xf32>,
            tpu.vector_store %arg7[%swap3A_617, %swap3A_618, %swap3A_619], %get3A_616 {strides = array<i32>} : memref<6x128x64xf32, #tpu.memory_space<vmem>>, vector<16xf32>,
            %get3A_621 = arith.index_cast %sub3A_603 : i32 to index
            %get3A_622 = arith.constant 32 : index
            %get3A_623 = tpu.vector_load %arg9[%get3A_621, %get3A_622] {strides = array<i32>} : memref<2x64xf32, #tpu.memory_space<vmem>>, vector<16xf32>,
            %swap3A_624 = arith.index_cast %select_n3A_201 : i32 to index
            %swap3A_625 = arith.index_cast %add3A_607 : i32 to index
            %swap3A_626 = arith.constant 32 : index
            %swap3A_627 = tpu.vector_load %arg7[%swap3A_624, %swap3A_625, %swap3A_626] {strides = array<i32>} : memref<6x128x64xf32, #tpu.memory_space<vmem>>, vector<16xf32>,
            tpu.vector_store %arg7[%swap3A_624, %swap3A_625, %swap3A_626], %get3A_623 {strides = array<i32>} : memref<6x128x64xf32, #tpu.memory_space<vmem>>, vector<16xf32>,
            %get3A_628 = arith.index_cast %sub3A_603 : i32 to index
            %get3A_629 = arith.constant 48 : index
            %get3A_630 = tpu.vector_load %arg9[%get3A_628, %get3A_629] {strides = array<i32>} : memref<2x64xf32, #tpu.memory_space<vmem>>, vector<16xf32>,
            %swap3A_631 = arith.index_cast %select_n3A_201 : i32 to index
            %swap3A_632 = arith.index_cast %add3A_607 : i32 to index
            %swap3A_633 = arith.constant 48 : index
            %swap3A_634 = tpu.vector_load %arg7[%swap3A_631, %swap3A_632, %swap3A_633] {strides = array<i32>} : memref<6x128x64xf32, #tpu.memory_space<vmem>>, vector<16xf32>,
            tpu.vector_store %arg7[%swap3A_631, %swap3A_632, %swap3A_633], %get3A_630 {strides = array<i32>} : memref<6x128x64xf32, #tpu.memory_space<vmem>>, vector<16xf32>,
          } else {
          }
          %slice3A_582 = vector.extract_strided_slice %get3A_376 {offsets = [14], sizes = [1], strides = [1]} : vector<16xi32> to vector<1xi32>
          %squeeze3A_583 = vector.extract %slice3A_582[0] : i32 from vector<1xi32>
          %eq3A_584 = arith.constant 1 : i32
          %eq3A_585 = arith.cmpi eq, %squeeze3A_583, %eq3A_584 : i32
          %eq3A_586 = arith.constant 2 : i32
          %eq3A_587 = arith.cmpi eq, %squeeze3A_583, %eq3A_586 : i32
          %or3A_588 = arith.ori %eq3A_585, %eq3A_587 : i1
          %convert_element_type3A_589 = arith.extui %or3A_588 : i1 to i32
          %cond3A_590 = arith.constant 0 : i32
          %cond3A_591 = arith.cmpi ne, %convert_element_type3A_589, %cond3A_590 : i32
          scf.if %cond3A_591 {
            %sub3A_602 = arith.constant 1 : i32
            %sub3A_603 = arith.subi %squeeze3A_583, %sub3A_602 : i32
            %mul3A_604 = arith.constant 16 : i32
            %mul3A_605 = arith.muli %scan3A_368, %mul3A_604 : i32
            %add3A_606 = arith.constant 14 : i32
            %add3A_607 = arith.addi %mul3A_605, %add3A_606 : i32
            %get3A_608 = arith.index_cast %sub3A_603 : i32 to index
            %get3A_609 = arith.constant 0 : index
            %get3A_610 = tpu.vector_load %arg9[%get3A_608, %get3A_609] {strides = array<i32>} : memref<2x64xf32, #tpu.memory_space<vmem>>, vector<16xf32>,
            %swap3A = arith.index_cast %select_n3A_201 : i32 to index
            %swap3A_611 = arith.index_cast %add3A_607 : i32 to index
            %swap3A_612 = arith.constant 0 : index
            %swap3A_613 = tpu.vector_load %arg7[%swap3A, %swap3A_611, %swap3A_612] {strides = array<i32>} : memref<6x128x64xf32, #tpu.memory_space<vmem>>, vector<16xf32>,
            tpu.vector_store %arg7[%swap3A, %swap3A_611, %swap3A_612], %get3A_610 {strides = array<i32>} : memref<6x128x64xf32, #tpu.memory_space<vmem>>, vector<16xf32>,
            %get3A_614 = arith.index_cast %sub3A_603 : i32 to index
            %get3A_615 = arith.constant 16 : index
            %get3A_616 = tpu.vector_load %arg9[%get3A_614, %get3A_615] {strides = array<i32>} : memref<2x64xf32, #tpu.memory_space<vmem>>, vector<16xf32>,
            %swap3A_617 = arith.index_cast %select_n3A_201 : i32 to index
            %swap3A_618 = arith.index_cast %add3A_607 : i32 to index
            %swap3A_619 = arith.constant 16 : index
            %swap3A_620 = tpu.vector_load %arg7[%swap3A_617, %swap3A_618, %swap3A_619] {strides = array<i32>} : memref<6x128x64xf32, #tpu.memory_space<vmem>>, vector<16xf32>,
            tpu.vector_store %arg7[%swap3A_617, %swap3A_618, %swap3A_619], %get3A_616 {strides = array<i32>} : memref<6x128x64xf32, #tpu.memory_space<vmem>>, vector<16xf32>,
            %get3A_621 = arith.index_cast %sub3A_603 : i32 to index
            %get3A_622 = arith.constant 32 : index
            %get3A_623 = tpu.vector_load %arg9[%get3A_621, %get3A_622] {strides = array<i32>} : memref<2x64xf32, #tpu.memory_space<vmem>>, vector<16xf32>,
            %swap3A_624 = arith.index_cast %select_n3A_201 : i32 to index
            %swap3A_625 = arith.index_cast %add3A_607 : i32 to index
            %swap3A_626 = arith.constant 32 : index
            %swap3A_627 = tpu.vector_load %arg7[%swap3A_624, %swap3A_625, %swap3A_626] {strides = array<i32>} : memref<6x128x64xf32, #tpu.memory_space<vmem>>, vector<16xf32>,
            tpu.vector_store %arg7[%swap3A_624, %swap3A_625, %swap3A_626], %get3A_623 {strides = array<i32>} : memref<6x128x64xf32, #tpu.memory_space<vmem>>, vector<16xf32>,
            %get3A_628 = arith.index_cast %sub3A_603 : i32 to index
            %get3A_629 = arith.constant 48 : index
            %get3A_630 = tpu.vector_load %arg9[%get3A_628, %get3A_629] {strides = array<i32>} : memref<2x64xf32, #tpu.memory_space<vmem>>, vector<16xf32>,
            %swap3A_631 = arith.index_cast %select_n3A_201 : i32 to index
            %swap3A_632 = arith.index_cast %add3A_607 : i32 to index
            %swap3A_633 = arith.constant 48 : index
            %swap3A_634 = tpu.vector_load %arg7[%swap3A_631, %swap3A_632, %swap3A_633] {strides = array<i32>} : memref<6x128x64xf32, #tpu.memory_space<vmem>>, vector<16xf32>,
            tpu.vector_store %arg7[%swap3A_631, %swap3A_632, %swap3A_633], %get3A_630 {strides = array<i32>} : memref<6x128x64xf32, #tpu.memory_space<vmem>>, vector<16xf32>,
          } else {
          }
          %slice3A_592 = vector.extract_strided_slice %get3A_376 {offsets = [15], sizes = [1], strides = [1]} : vector<16xi32> to vector<1xi32>
          %squeeze3A_593 = vector.extract %slice3A_592[0] : i32 from vector<1xi32>
          %eq3A_594 = arith.constant 1 : i32
          %eq3A_595 = arith.cmpi eq, %squeeze3A_593, %eq3A_594 : i32
          %eq3A_596 = arith.constant 2 : i32
          %eq3A_597 = arith.cmpi eq, %squeeze3A_593, %eq3A_596 : i32
          %or3A_598 = arith.ori %eq3A_595, %eq3A_597 : i1
          %convert_element_type3A_599 = arith.extui %or3A_598 : i1 to i32
          %cond3A_600 = arith.constant 0 : i32
          %cond3A_601 = arith.cmpi ne, %convert_element_type3A_599, %cond3A_600 : i32
          scf.if %cond3A_601 {
            %sub3A_602 = arith.constant 1 : i32
            %sub3A_603 = arith.subi %squeeze3A_593, %sub3A_602 : i32
            %mul3A_604 = arith.constant 16 : i32
            %mul3A_605 = arith.muli %scan3A_368, %mul3A_604 : i32
            %add3A_606 = arith.constant 15 : i32
            %add3A_607 = arith.addi %mul3A_605, %add3A_606 : i32
            %get3A_608 = arith.index_cast %sub3A_603 : i32 to index
            %get3A_609 = arith.constant 0 : index
            %get3A_610 = tpu.vector_load %arg9[%get3A_608, %get3A_609] {strides = array<i32>} : memref<2x64xf32, #tpu.memory_space<vmem>>, vector<16xf32>,
            %swap3A = arith.index_cast %select_n3A_201 : i32 to index
            %swap3A_611 = arith.index_cast %add3A_607 : i32 to index
            %swap3A_612 = arith.constant 0 : index
            %swap3A_613 = tpu.vector_load %arg7[%swap3A, %swap3A_611, %swap3A_612] {strides = array<i32>} : memref<6x128x64xf32, #tpu.memory_space<vmem>>, vector<16xf32>,
            tpu.vector_store %arg7[%swap3A, %swap3A_611, %swap3A_612], %get3A_610 {strides = array<i32>} : memref<6x128x64xf32, #tpu.memory_space<vmem>>, vector<16xf32>,
            %get3A_614 = arith.index_cast %sub3A_603 : i32 to index
            %get3A_615 = arith.constant 16 : index
            %get3A_616 = tpu.vector_load %arg9[%get3A_614, %get3A_615] {strides = array<i32>} : memref<2x64xf32, #tpu.memory_space<vmem>>, vector<16xf32>,
            %swap3A_617 = arith.index_cast %select_n3A_201 : i32 to index
            %swap3A_618 = arith.index_cast %add3A_607 : i32 to index
            %swap3A_619 = arith.constant 16 : index
            %swap3A_620 = tpu.vector_load %arg7[%swap3A_617, %swap3A_618, %swap3A_619] {strides = array<i32>} : memref<6x128x64xf32, #tpu.memory_space<vmem>>, vector<16xf32>,
            tpu.vector_store %arg7[%swap3A_617, %swap3A_618, %swap3A_619], %get3A_616 {strides = array<i32>} : memref<6x128x64xf32, #tpu.memory_space<vmem>>, vector<16xf32>,
            %get3A_621 = arith.index_cast %sub3A_603 : i32 to index
            %get3A_622 = arith.constant 32 : index
            %get3A_623 = tpu.vector_load %arg9[%get3A_621, %get3A_622] {strides = array<i32>} : memref<2x64xf32, #tpu.memory_space<vmem>>, vector<16xf32>,
            %swap3A_624 = arith.index_cast %select_n3A_201 : i32 to index
            %swap3A_625 = arith.index_cast %add3A_607 : i32 to index
            %swap3A_626 = arith.constant 32 : index
            %swap3A_627 = tpu.vector_load %arg7[%swap3A_624, %swap3A_625, %swap3A_626] {strides = array<i32>} : memref<6x128x64xf32, #tpu.memory_space<vmem>>, vector<16xf32>,
            tpu.vector_store %arg7[%swap3A_624, %swap3A_625, %swap3A_626], %get3A_623 {strides = array<i32>} : memref<6x128x64xf32, #tpu.memory_space<vmem>>, vector<16xf32>,
            %get3A_628 = arith.index_cast %sub3A_603 : i32 to index
            %get3A_629 = arith.constant 48 : index
            %get3A_630 = tpu.vector_load %arg9[%get3A_628, %get3A_629] {strides = array<i32>} : memref<2x64xf32, #tpu.memory_space<vmem>>, vector<16xf32>,
            %swap3A_631 = arith.index_cast %select_n3A_201 : i32 to index
            %swap3A_632 = arith.index_cast %add3A_607 : i32 to index
            %swap3A_633 = arith.constant 48 : index
            %swap3A_634 = tpu.vector_load %arg7[%swap3A_631, %swap3A_632, %swap3A_633] {strides = array<i32>} : memref<6x128x64xf32, #tpu.memory_space<vmem>>, vector<16xf32>,
            tpu.vector_store %arg7[%swap3A_631, %swap3A_632, %swap3A_633], %get3A_630 {strides = array<i32>} : memref<6x128x64xf32, #tpu.memory_space<vmem>>, vector<16xf32>,
          } else {
          }
        } else {
        }
        %scan3A_392 = arith.constant 2 : i32
        %scan3A_393 = arith.addi %scan3A_349, %scan3A_392 : i32
        %mul3A_394 = arith.constant 128 : i32
        %mul3A_395 = arith.muli %select_n3A_254, %mul3A_394 : i32
        %mul3A_396 = arith.constant 16 : i32
        %mul3A_397 = arith.muli %scan3A_393, %mul3A_396 : i32
        %add3A_398 = arith.addi %mul3A_395, %mul3A_397 : i32
        %get3A_399 = arith.index_cast %select_n3A_238 : i32 to index
        %get3A_400 = arith.index_cast %add3A_398 : i32 to index
        %get3A_401 = tpu.vector_load %arg6[%get3A_399, %get3A_400] {strides = array<i32>} : memref<50x512xi32, #tpu.memory_space<vmem>>, vector<16xi32>,
        %eq3A_402 = arith.constant 1 : i32
        %eq3A_403 = vector.broadcast %eq3A_402 : i32 to vector<16xi32>
        %eq3A_404 = arith.cmpi eq, %get3A_401, %eq3A_403 : vector<16xi32>
        %eq3A_405 = arith.constant 2 : i32
        %eq3A_406 = vector.broadcast %eq3A_405 : i32 to vector<16xi32>
        %eq3A_407 = arith.cmpi eq, %get3A_401, %eq3A_406 : vector<16xi32>
        %or3A_408 = arith.ori %eq3A_404, %eq3A_407 : vector<16xi1>
        %all_reduce_population_count3A_409 = tpu.all_reduce %or3A_408 {dim = 0 : i64, kind = #tpu.reduction_kind<sum>} : vector<16xi1> -> vector<16xi32>
        %slice3A_410 = vector.extract_strided_slice %all_reduce_population_count3A_409 {offsets = [0], sizes = [1], strides = [1]} : vector<16xi32> to vector<1xi32>
        %squeeze3A_411 = vector.extract %slice3A_410[0] : i32 from vector<1xi32>
        %gt3A_412 = arith.constant 0 : i32
        %gt3A_413 = arith.cmpi sgt, %squeeze3A_411, %gt3A_412 : i32
        %convert_element_type3A_414 = arith.extui %gt3A_413 : i1 to i32
        %cond3A_415 = arith.constant 0 : i32
        %cond3A_416 = arith.cmpi ne, %convert_element_type3A_414, %cond3A_415 : i32
        scf.if %cond3A_416 {
          %slice3A_442 = vector.extract_strided_slice %get3A_401 {offsets = [0], sizes = [1], strides = [1]} : vector<16xi32> to vector<1xi32>
          %squeeze3A_443 = vector.extract %slice3A_442[0] : i32 from vector<1xi32>
          %eq3A_444 = arith.constant 1 : i32
          %eq3A_445 = arith.cmpi eq, %squeeze3A_443, %eq3A_444 : i32
          %eq3A_446 = arith.constant 2 : i32
          %eq3A_447 = arith.cmpi eq, %squeeze3A_443, %eq3A_446 : i32
          %or3A_448 = arith.ori %eq3A_445, %eq3A_447 : i1
          %convert_element_type3A_449 = arith.extui %or3A_448 : i1 to i32
          %cond3A_450 = arith.constant 0 : i32
          %cond3A_451 = arith.cmpi ne, %convert_element_type3A_449, %cond3A_450 : i32
          scf.if %cond3A_451 {
            %sub3A_602 = arith.constant 1 : i32
            %sub3A_603 = arith.subi %squeeze3A_443, %sub3A_602 : i32
            %mul3A_604 = arith.constant 16 : i32
            %mul3A_605 = arith.muli %scan3A_393, %mul3A_604 : i32
            %add3A_606 = arith.constant 0 : i32
            %add3A_607 = arith.addi %mul3A_605, %add3A_606 : i32
            %get3A_608 = arith.index_cast %sub3A_603 : i32 to index
            %get3A_609 = arith.constant 0 : index
            %get3A_610 = tpu.vector_load %arg9[%get3A_608, %get3A_609] {strides = array<i32>} : memref<2x64xf32, #tpu.memory_space<vmem>>, vector<16xf32>,
            %swap3A = arith.index_cast %select_n3A_201 : i32 to index
            %swap3A_611 = arith.index_cast %add3A_607 : i32 to index
            %swap3A_612 = arith.constant 0 : index
            %swap3A_613 = tpu.vector_load %arg7[%swap3A, %swap3A_611, %swap3A_612] {strides = array<i32>} : memref<6x128x64xf32, #tpu.memory_space<vmem>>, vector<16xf32>,
            tpu.vector_store %arg7[%swap3A, %swap3A_611, %swap3A_612], %get3A_610 {strides = array<i32>} : memref<6x128x64xf32, #tpu.memory_space<vmem>>, vector<16xf32>,
            %get3A_614 = arith.index_cast %sub3A_603 : i32 to index
            %get3A_615 = arith.constant 16 : index
            %get3A_616 = tpu.vector_load %arg9[%get3A_614, %get3A_615] {strides = array<i32>} : memref<2x64xf32, #tpu.memory_space<vmem>>, vector<16xf32>,
            %swap3A_617 = arith.index_cast %select_n3A_201 : i32 to index
            %swap3A_618 = arith.index_cast %add3A_607 : i32 to index
            %swap3A_619 = arith.constant 16 : index
            %swap3A_620 = tpu.vector_load %arg7[%swap3A_617, %swap3A_618, %swap3A_619] {strides = array<i32>} : memref<6x128x64xf32, #tpu.memory_space<vmem>>, vector<16xf32>,
            tpu.vector_store %arg7[%swap3A_617, %swap3A_618, %swap3A_619], %get3A_616 {strides = array<i32>} : memref<6x128x64xf32, #tpu.memory_space<vmem>>, vector<16xf32>,
            %get3A_621 = arith.index_cast %sub3A_603 : i32 to index
            %get3A_622 = arith.constant 32 : index
            %get3A_623 = tpu.vector_load %arg9[%get3A_621, %get3A_622] {strides = array<i32>} : memref<2x64xf32, #tpu.memory_space<vmem>>, vector<16xf32>,
            %swap3A_624 = arith.index_cast %select_n3A_201 : i32 to index
            %swap3A_625 = arith.index_cast %add3A_607 : i32 to index
            %swap3A_626 = arith.constant 32 : index
            %swap3A_627 = tpu.vector_load %arg7[%swap3A_624, %swap3A_625, %swap3A_626] {strides = array<i32>} : memref<6x128x64xf32, #tpu.memory_space<vmem>>, vector<16xf32>,
            tpu.vector_store %arg7[%swap3A_624, %swap3A_625, %swap3A_626], %get3A_623 {strides = array<i32>} : memref<6x128x64xf32, #tpu.memory_space<vmem>>, vector<16xf32>,
            %get3A_628 = arith.index_cast %sub3A_603 : i32 to index
            %get3A_629 = arith.constant 48 : index
            %get3A_630 = tpu.vector_load %arg9[%get3A_628, %get3A_629] {strides = array<i32>} : memref<2x64xf32, #tpu.memory_space<vmem>>, vector<16xf32>,
            %swap3A_631 = arith.index_cast %select_n3A_201 : i32 to index
            %swap3A_632 = arith.index_cast %add3A_607 : i32 to index
            %swap3A_633 = arith.constant 48 : index
            %swap3A_634 = tpu.vector_load %arg7[%swap3A_631, %swap3A_632, %swap3A_633] {strides = array<i32>} : memref<6x128x64xf32, #tpu.memory_space<vmem>>, vector<16xf32>,
            tpu.vector_store %arg7[%swap3A_631, %swap3A_632, %swap3A_633], %get3A_630 {strides = array<i32>} : memref<6x128x64xf32, #tpu.memory_space<vmem>>, vector<16xf32>,
          } else {
          }
          %slice3A_452 = vector.extract_strided_slice %get3A_401 {offsets = [1], sizes = [1], strides = [1]} : vector<16xi32> to vector<1xi32>
          %squeeze3A_453 = vector.extract %slice3A_452[0] : i32 from vector<1xi32>
          %eq3A_454 = arith.constant 1 : i32
          %eq3A_455 = arith.cmpi eq, %squeeze3A_453, %eq3A_454 : i32
          %eq3A_456 = arith.constant 2 : i32
          %eq3A_457 = arith.cmpi eq, %squeeze3A_453, %eq3A_456 : i32
          %or3A_458 = arith.ori %eq3A_455, %eq3A_457 : i1
          %convert_element_type3A_459 = arith.extui %or3A_458 : i1 to i32
          %cond3A_460 = arith.constant 0 : i32
          %cond3A_461 = arith.cmpi ne, %convert_element_type3A_459, %cond3A_460 : i32
          scf.if %cond3A_461 {
            %sub3A_602 = arith.constant 1 : i32
            %sub3A_603 = arith.subi %squeeze3A_453, %sub3A_602 : i32
            %mul3A_604 = arith.constant 16 : i32
            %mul3A_605 = arith.muli %scan3A_393, %mul3A_604 : i32
            %add3A_606 = arith.constant 1 : i32
            %add3A_607 = arith.addi %mul3A_605, %add3A_606 : i32
            %get3A_608 = arith.index_cast %sub3A_603 : i32 to index
            %get3A_609 = arith.constant 0 : index
            %get3A_610 = tpu.vector_load %arg9[%get3A_608, %get3A_609] {strides = array<i32>} : memref<2x64xf32, #tpu.memory_space<vmem>>, vector<16xf32>,
            %swap3A = arith.index_cast %select_n3A_201 : i32 to index
            %swap3A_611 = arith.index_cast %add3A_607 : i32 to index
            %swap3A_612 = arith.constant 0 : index
            %swap3A_613 = tpu.vector_load %arg7[%swap3A, %swap3A_611, %swap3A_612] {strides = array<i32>} : memref<6x128x64xf32, #tpu.memory_space<vmem>>, vector<16xf32>,
            tpu.vector_store %arg7[%swap3A, %swap3A_611, %swap3A_612], %get3A_610 {strides = array<i32>} : memref<6x128x64xf32, #tpu.memory_space<vmem>>, vector<16xf32>,
            %get3A_614 = arith.index_cast %sub3A_603 : i32 to index
            %get3A_615 = arith.constant 16 : index
            %get3A_616 = tpu.vector_load %arg9[%get3A_614, %get3A_615] {strides = array<i32>} : memref<2x64xf32, #tpu.memory_space<vmem>>, vector<16xf32>,
            %swap3A_617 = arith.index_cast %select_n3A_201 : i32 to index
            %swap3A_618 = arith.index_cast %add3A_607 : i32 to index
            %swap3A_619 = arith.constant 16 : index
            %swap3A_620 = tpu.vector_load %arg7[%swap3A_617, %swap3A_618, %swap3A_619] {strides = array<i32>} : memref<6x128x64xf32, #tpu.memory_space<vmem>>, vector<16xf32>,
            tpu.vector_store %arg7[%swap3A_617, %swap3A_618, %swap3A_619], %get3A_616 {strides = array<i32>} : memref<6x128x64xf32, #tpu.memory_space<vmem>>, vector<16xf32>,
            %get3A_621 = arith.index_cast %sub3A_603 : i32 to index
            %get3A_622 = arith.constant 32 : index
            %get3A_623 = tpu.vector_load %arg9[%get3A_621, %get3A_622] {strides = array<i32>} : memref<2x64xf32, #tpu.memory_space<vmem>>, vector<16xf32>,
            %swap3A_624 = arith.index_cast %select_n3A_201 : i32 to index
            %swap3A_625 = arith.index_cast %add3A_607 : i32 to index
            %swap3A_626 = arith.constant 32 : index
            %swap3A_627 = tpu.vector_load %arg7[%swap3A_624, %swap3A_625, %swap3A_626] {strides = array<i32>} : memref<6x128x64xf32, #tpu.memory_space<vmem>>, vector<16xf32>,
            tpu.vector_store %arg7[%swap3A_624, %swap3A_625, %swap3A_626], %get3A_623 {strides = array<i32>} : memref<6x128x64xf32, #tpu.memory_space<vmem>>, vector<16xf32>,
            %get3A_628 = arith.index_cast %sub3A_603 : i32 to index
            %get3A_629 = arith.constant 48 : index
            %get3A_630 = tpu.vector_load %arg9[%get3A_628, %get3A_629] {strides = array<i32>} : memref<2x64xf32, #tpu.memory_space<vmem>>, vector<16xf32>,
            %swap3A_631 = arith.index_cast %select_n3A_201 : i32 to index
            %swap3A_632 = arith.index_cast %add3A_607 : i32 to index
            %swap3A_633 = arith.constant 48 : index
            %swap3A_634 = tpu.vector_load %arg7[%swap3A_631, %swap3A_632, %swap3A_633] {strides = array<i32>} : memref<6x128x64xf32, #tpu.memory_space<vmem>>, vector<16xf32>,
            tpu.vector_store %arg7[%swap3A_631, %swap3A_632, %swap3A_633], %get3A_630 {strides = array<i32>} : memref<6x128x64xf32, #tpu.memory_space<vmem>>, vector<16xf32>,
          } else {
          }
          %slice3A_462 = vector.extract_strided_slice %get3A_401 {offsets = [2], sizes = [1], strides = [1]} : vector<16xi32> to vector<1xi32>
          %squeeze3A_463 = vector.extract %slice3A_462[0] : i32 from vector<1xi32>
          %eq3A_464 = arith.constant 1 : i32
          %eq3A_465 = arith.cmpi eq, %squeeze3A_463, %eq3A_464 : i32
          %eq3A_466 = arith.constant 2 : i32
          %eq3A_467 = arith.cmpi eq, %squeeze3A_463, %eq3A_466 : i32
          %or3A_468 = arith.ori %eq3A_465, %eq3A_467 : i1
          %convert_element_type3A_469 = arith.extui %or3A_468 : i1 to i32
          %cond3A_470 = arith.constant 0 : i32
          %cond3A_471 = arith.cmpi ne, %convert_element_type3A_469, %cond3A_470 : i32
          scf.if %cond3A_471 {
            %sub3A_602 = arith.constant 1 : i32
            %sub3A_603 = arith.subi %squeeze3A_463, %sub3A_602 : i32
            %mul3A_604 = arith.constant 16 : i32
            %mul3A_605 = arith.muli %scan3A_393, %mul3A_604 : i32
            %add3A_606 = arith.constant 2 : i32
            %add3A_607 = arith.addi %mul3A_605, %add3A_606 : i32
            %get3A_608 = arith.index_cast %sub3A_603 : i32 to index
            %get3A_609 = arith.constant 0 : index
            %get3A_610 = tpu.vector_load %arg9[%get3A_608, %get3A_609] {strides = array<i32>} : memref<2x64xf32, #tpu.memory_space<vmem>>, vector<16xf32>,
            %swap3A = arith.index_cast %select_n3A_201 : i32 to index
            %swap3A_611 = arith.index_cast %add3A_607 : i32 to index
            %swap3A_612 = arith.constant 0 : index
            %swap3A_613 = tpu.vector_load %arg7[%swap3A, %swap3A_611, %swap3A_612] {strides = array<i32>} : memref<6x128x64xf32, #tpu.memory_space<vmem>>, vector<16xf32>,
            tpu.vector_store %arg7[%swap3A, %swap3A_611, %swap3A_612], %get3A_610 {strides = array<i32>} : memref<6x128x64xf32, #tpu.memory_space<vmem>>, vector<16xf32>,
            %get3A_614 = arith.index_cast %sub3A_603 : i32 to index
            %get3A_615 = arith.constant 16 : index
            %get3A_616 = tpu.vector_load %arg9[%get3A_614, %get3A_615] {strides = array<i32>} : memref<2x64xf32, #tpu.memory_space<vmem>>, vector<16xf32>,
            %swap3A_617 = arith.index_cast %select_n3A_201 : i32 to index
            %swap3A_618 = arith.index_cast %add3A_607 : i32 to index
            %swap3A_619 = arith.constant 16 : index
            %swap3A_620 = tpu.vector_load %arg7[%swap3A_617, %swap3A_618, %swap3A_619] {strides = array<i32>} : memref<6x128x64xf32, #tpu.memory_space<vmem>>, vector<16xf32>,
            tpu.vector_store %arg7[%swap3A_617, %swap3A_618, %swap3A_619], %get3A_616 {strides = array<i32>} : memref<6x128x64xf32, #tpu.memory_space<vmem>>, vector<16xf32>,
            %get3A_621 = arith.index_cast %sub3A_603 : i32 to index
            %get3A_622 = arith.constant 32 : index
            %get3A_623 = tpu.vector_load %arg9[%get3A_621, %get3A_622] {strides = array<i32>} : memref<2x64xf32, #tpu.memory_space<vmem>>, vector<16xf32>,
            %swap3A_624 = arith.index_cast %select_n3A_201 : i32 to index
            %swap3A_625 = arith.index_cast %add3A_607 : i32 to index
            %swap3A_626 = arith.constant 32 : index
            %swap3A_627 = tpu.vector_load %arg7[%swap3A_624, %swap3A_625, %swap3A_626] {strides = array<i32>} : memref<6x128x64xf32, #tpu.memory_space<vmem>>, vector<16xf32>,
            tpu.vector_store %arg7[%swap3A_624, %swap3A_625, %swap3A_626], %get3A_623 {strides = array<i32>} : memref<6x128x64xf32, #tpu.memory_space<vmem>>, vector<16xf32>,
            %get3A_628 = arith.index_cast %sub3A_603 : i32 to index
            %get3A_629 = arith.constant 48 : index
            %get3A_630 = tpu.vector_load %arg9[%get3A_628, %get3A_629] {strides = array<i32>} : memref<2x64xf32, #tpu.memory_space<vmem>>, vector<16xf32>,
            %swap3A_631 = arith.index_cast %select_n3A_201 : i32 to index
            %swap3A_632 = arith.index_cast %add3A_607 : i32 to index
            %swap3A_633 = arith.constant 48 : index
            %swap3A_634 = tpu.vector_load %arg7[%swap3A_631, %swap3A_632, %swap3A_633] {strides = array<i32>} : memref<6x128x64xf32, #tpu.memory_space<vmem>>, vector<16xf32>,
            tpu.vector_store %arg7[%swap3A_631, %swap3A_632, %swap3A_633], %get3A_630 {strides = array<i32>} : memref<6x128x64xf32, #tpu.memory_space<vmem>>, vector<16xf32>,
          } else {
          }
          %slice3A_472 = vector.extract_strided_slice %get3A_401 {offsets = [3], sizes = [1], strides = [1]} : vector<16xi32> to vector<1xi32>
          %squeeze3A_473 = vector.extract %slice3A_472[0] : i32 from vector<1xi32>
          %eq3A_474 = arith.constant 1 : i32
          %eq3A_475 = arith.cmpi eq, %squeeze3A_473, %eq3A_474 : i32
          %eq3A_476 = arith.constant 2 : i32
          %eq3A_477 = arith.cmpi eq, %squeeze3A_473, %eq3A_476 : i32
          %or3A_478 = arith.ori %eq3A_475, %eq3A_477 : i1
          %convert_element_type3A_479 = arith.extui %or3A_478 : i1 to i32
          %cond3A_480 = arith.constant 0 : i32
          %cond3A_481 = arith.cmpi ne, %convert_element_type3A_479, %cond3A_480 : i32
          scf.if %cond3A_481 {
            %sub3A_602 = arith.constant 1 : i32
            %sub3A_603 = arith.subi %squeeze3A_473, %sub3A_602 : i32
            %mul3A_604 = arith.constant 16 : i32
            %mul3A_605 = arith.muli %scan3A_393, %mul3A_604 : i32
            %add3A_606 = arith.constant 3 : i32
            %add3A_607 = arith.addi %mul3A_605, %add3A_606 : i32
            %get3A_608 = arith.index_cast %sub3A_603 : i32 to index
            %get3A_609 = arith.constant 0 : index
            %get3A_610 = tpu.vector_load %arg9[%get3A_608, %get3A_609] {strides = array<i32>} : memref<2x64xf32, #tpu.memory_space<vmem>>, vector<16xf32>,
            %swap3A = arith.index_cast %select_n3A_201 : i32 to index
            %swap3A_611 = arith.index_cast %add3A_607 : i32 to index
            %swap3A_612 = arith.constant 0 : index
            %swap3A_613 = tpu.vector_load %arg7[%swap3A, %swap3A_611, %swap3A_612] {strides = array<i32>} : memref<6x128x64xf32, #tpu.memory_space<vmem>>, vector<16xf32>,
            tpu.vector_store %arg7[%swap3A, %swap3A_611, %swap3A_612], %get3A_610 {strides = array<i32>} : memref<6x128x64xf32, #tpu.memory_space<vmem>>, vector<16xf32>,
            %get3A_614 = arith.index_cast %sub3A_603 : i32 to index
            %get3A_615 = arith.constant 16 : index
            %get3A_616 = tpu.vector_load %arg9[%get3A_614, %get3A_615] {strides = array<i32>} : memref<2x64xf32, #tpu.memory_space<vmem>>, vector<16xf32>,
            %swap3A_617 = arith.index_cast %select_n3A_201 : i32 to index
            %swap3A_618 = arith.index_cast %add3A_607 : i32 to index
            %swap3A_619 = arith.constant 16 : index
            %swap3A_620 = tpu.vector_load %arg7[%swap3A_617, %swap3A_618, %swap3A_619] {strides = array<i32>} : memref<6x128x64xf32, #tpu.memory_space<vmem>>, vector<16xf32>,
            tpu.vector_store %arg7[%swap3A_617, %swap3A_618, %swap3A_619], %get3A_616 {strides = array<i32>} : memref<6x128x64xf32, #tpu.memory_space<vmem>>, vector<16xf32>,
            %get3A_621 = arith.index_cast %sub3A_603 : i32 to index
            %get3A_622 = arith.constant 32 : index
            %get3A_623 = tpu.vector_load %arg9[%get3A_621, %get3A_622] {strides = array<i32>} : memref<2x64xf32, #tpu.memory_space<vmem>>, vector<16xf32>,
            %swap3A_624 = arith.index_cast %select_n3A_201 : i32 to index
            %swap3A_625 = arith.index_cast %add3A_607 : i32 to index
            %swap3A_626 = arith.constant 32 : index
            %swap3A_627 = tpu.vector_load %arg7[%swap3A_624, %swap3A_625, %swap3A_626] {strides = array<i32>} : memref<6x128x64xf32, #tpu.memory_space<vmem>>, vector<16xf32>,
            tpu.vector_store %arg7[%swap3A_624, %swap3A_625, %swap3A_626], %get3A_623 {strides = array<i32>} : memref<6x128x64xf32, #tpu.memory_space<vmem>>, vector<16xf32>,
            %get3A_628 = arith.index_cast %sub3A_603 : i32 to index
            %get3A_629 = arith.constant 48 : index
            %get3A_630 = tpu.vector_load %arg9[%get3A_628, %get3A_629] {strides = array<i32>} : memref<2x64xf32, #tpu.memory_space<vmem>>, vector<16xf32>,
            %swap3A_631 = arith.index_cast %select_n3A_201 : i32 to index
            %swap3A_632 = arith.index_cast %add3A_607 : i32 to index
            %swap3A_633 = arith.constant 48 : index
            %swap3A_634 = tpu.vector_load %arg7[%swap3A_631, %swap3A_632, %swap3A_633] {strides = array<i32>} : memref<6x128x64xf32, #tpu.memory_space<vmem>>, vector<16xf32>,
            tpu.vector_store %arg7[%swap3A_631, %swap3A_632, %swap3A_633], %get3A_630 {strides = array<i32>} : memref<6x128x64xf32, #tpu.memory_space<vmem>>, vector<16xf32>,
          } else {
          }
          %slice3A_482 = vector.extract_strided_slice %get3A_401 {offsets = [4], sizes = [1], strides = [1]} : vector<16xi32> to vector<1xi32>
          %squeeze3A_483 = vector.extract %slice3A_482[0] : i32 from vector<1xi32>
          %eq3A_484 = arith.constant 1 : i32
          %eq3A_485 = arith.cmpi eq, %squeeze3A_483, %eq3A_484 : i32
          %eq3A_486 = arith.constant 2 : i32
          %eq3A_487 = arith.cmpi eq, %squeeze3A_483, %eq3A_486 : i32
          %or3A_488 = arith.ori %eq3A_485, %eq3A_487 : i1
          %convert_element_type3A_489 = arith.extui %or3A_488 : i1 to i32
          %cond3A_490 = arith.constant 0 : i32
          %cond3A_491 = arith.cmpi ne, %convert_element_type3A_489, %cond3A_490 : i32
          scf.if %cond3A_491 {
            %sub3A_602 = arith.constant 1 : i32
            %sub3A_603 = arith.subi %squeeze3A_483, %sub3A_602 : i32
            %mul3A_604 = arith.constant 16 : i32
            %mul3A_605 = arith.muli %scan3A_393, %mul3A_604 : i32
            %add3A_606 = arith.constant 4 : i32
            %add3A_607 = arith.addi %mul3A_605, %add3A_606 : i32
            %get3A_608 = arith.index_cast %sub3A_603 : i32 to index
            %get3A_609 = arith.constant 0 : index
            %get3A_610 = tpu.vector_load %arg9[%get3A_608, %get3A_609] {strides = array<i32>} : memref<2x64xf32, #tpu.memory_space<vmem>>, vector<16xf32>,
            %swap3A = arith.index_cast %select_n3A_201 : i32 to index
            %swap3A_611 = arith.index_cast %add3A_607 : i32 to index
            %swap3A_612 = arith.constant 0 : index
            %swap3A_613 = tpu.vector_load %arg7[%swap3A, %swap3A_611, %swap3A_612] {strides = array<i32>} : memref<6x128x64xf32, #tpu.memory_space<vmem>>, vector<16xf32>,
            tpu.vector_store %arg7[%swap3A, %swap3A_611, %swap3A_612], %get3A_610 {strides = array<i32>} : memref<6x128x64xf32, #tpu.memory_space<vmem>>, vector<16xf32>,
            %get3A_614 = arith.index_cast %sub3A_603 : i32 to index
            %get3A_615 = arith.constant 16 : index
            %get3A_616 = tpu.vector_load %arg9[%get3A_614, %get3A_615] {strides = array<i32>} : memref<2x64xf32, #tpu.memory_space<vmem>>, vector<16xf32>,
            %swap3A_617 = arith.index_cast %select_n3A_201 : i32 to index
            %swap3A_618 = arith.index_cast %add3A_607 : i32 to index
            %swap3A_619 = arith.constant 16 : index
            %swap3A_620 = tpu.vector_load %arg7[%swap3A_617, %swap3A_618, %swap3A_619] {strides = array<i32>} : memref<6x128x64xf32, #tpu.memory_space<vmem>>, vector<16xf32>,
            tpu.vector_store %arg7[%swap3A_617, %swap3A_618, %swap3A_619], %get3A_616 {strides = array<i32>} : memref<6x128x64xf32, #tpu.memory_space<vmem>>, vector<16xf32>,
            %get3A_621 = arith.index_cast %sub3A_603 : i32 to index
            %get3A_622 = arith.constant 32 : index
            %get3A_623 = tpu.vector_load %arg9[%get3A_621, %get3A_622] {strides = array<i32>} : memref<2x64xf32, #tpu.memory_space<vmem>>, vector<16xf32>,
            %swap3A_624 = arith.index_cast %select_n3A_201 : i32 to index
            %swap3A_625 = arith.index_cast %add3A_607 : i32 to index
            %swap3A_626 = arith.constant 32 : index
            %swap3A_627 = tpu.vector_load %arg7[%swap3A_624, %swap3A_625, %swap3A_626] {strides = array<i32>} : memref<6x128x64xf32, #tpu.memory_space<vmem>>, vector<16xf32>,
            tpu.vector_store %arg7[%swap3A_624, %swap3A_625, %swap3A_626], %get3A_623 {strides = array<i32>} : memref<6x128x64xf32, #tpu.memory_space<vmem>>, vector<16xf32>,
            %get3A_628 = arith.index_cast %sub3A_603 : i32 to index
            %get3A_629 = arith.constant 48 : index
            %get3A_630 = tpu.vector_load %arg9[%get3A_628, %get3A_629] {strides = array<i32>} : memref<2x64xf32, #tpu.memory_space<vmem>>, vector<16xf32>,
            %swap3A_631 = arith.index_cast %select_n3A_201 : i32 to index
            %swap3A_632 = arith.index_cast %add3A_607 : i32 to index
            %swap3A_633 = arith.constant 48 : index
            %swap3A_634 = tpu.vector_load %arg7[%swap3A_631, %swap3A_632, %swap3A_633] {strides = array<i32>} : memref<6x128x64xf32, #tpu.memory_space<vmem>>, vector<16xf32>,
            tpu.vector_store %arg7[%swap3A_631, %swap3A_632, %swap3A_633], %get3A_630 {strides = array<i32>} : memref<6x128x64xf32, #tpu.memory_space<vmem>>, vector<16xf32>,
          } else {
          }
          %slice3A_492 = vector.extract_strided_slice %get3A_401 {offsets = [5], sizes = [1], strides = [1]} : vector<16xi32> to vector<1xi32>
          %squeeze3A_493 = vector.extract %slice3A_492[0] : i32 from vector<1xi32>
          %eq3A_494 = arith.constant 1 : i32
          %eq3A_495 = arith.cmpi eq, %squeeze3A_493, %eq3A_494 : i32
          %eq3A_496 = arith.constant 2 : i32
          %eq3A_497 = arith.cmpi eq, %squeeze3A_493, %eq3A_496 : i32
          %or3A_498 = arith.ori %eq3A_495, %eq3A_497 : i1
          %convert_element_type3A_499 = arith.extui %or3A_498 : i1 to i32
          %cond3A_500 = arith.constant 0 : i32
          %cond3A_501 = arith.cmpi ne, %convert_element_type3A_499, %cond3A_500 : i32
          scf.if %cond3A_501 {
            %sub3A_602 = arith.constant 1 : i32
            %sub3A_603 = arith.subi %squeeze3A_493, %sub3A_602 : i32
            %mul3A_604 = arith.constant 16 : i32
            %mul3A_605 = arith.muli %scan3A_393, %mul3A_604 : i32
            %add3A_606 = arith.constant 5 : i32
            %add3A_607 = arith.addi %mul3A_605, %add3A_606 : i32
            %get3A_608 = arith.index_cast %sub3A_603 : i32 to index
            %get3A_609 = arith.constant 0 : index
            %get3A_610 = tpu.vector_load %arg9[%get3A_608, %get3A_609] {strides = array<i32>} : memref<2x64xf32, #tpu.memory_space<vmem>>, vector<16xf32>,
            %swap3A = arith.index_cast %select_n3A_201 : i32 to index
            %swap3A_611 = arith.index_cast %add3A_607 : i32 to index
            %swap3A_612 = arith.constant 0 : index
            %swap3A_613 = tpu.vector_load %arg7[%swap3A, %swap3A_611, %swap3A_612] {strides = array<i32>} : memref<6x128x64xf32, #tpu.memory_space<vmem>>, vector<16xf32>,
            tpu.vector_store %arg7[%swap3A, %swap3A_611, %swap3A_612], %get3A_610 {strides = array<i32>} : memref<6x128x64xf32, #tpu.memory_space<vmem>>, vector<16xf32>,
            %get3A_614 = arith.index_cast %sub3A_603 : i32 to index
            %get3A_615 = arith.constant 16 : index
            %get3A_616 = tpu.vector_load %arg9[%get3A_614, %get3A_615] {strides = array<i32>} : memref<2x64xf32, #tpu.memory_space<vmem>>, vector<16xf32>,
            %swap3A_617 = arith.index_cast %select_n3A_201 : i32 to index
            %swap3A_618 = arith.index_cast %add3A_607 : i32 to index
            %swap3A_619 = arith.constant 16 : index
            %swap3A_620 = tpu.vector_load %arg7[%swap3A_617, %swap3A_618, %swap3A_619] {strides = array<i32>} : memref<6x128x64xf32, #tpu.memory_space<vmem>>, vector<16xf32>,
            tpu.vector_store %arg7[%swap3A_617, %swap3A_618, %swap3A_619], %get3A_616 {strides = array<i32>} : memref<6x128x64xf32, #tpu.memory_space<vmem>>, vector<16xf32>,
            %get3A_621 = arith.index_cast %sub3A_603 : i32 to index
            %get3A_622 = arith.constant 32 : index
            %get3A_623 = tpu.vector_load %arg9[%get3A_621, %get3A_622] {strides = array<i32>} : memref<2x64xf32, #tpu.memory_space<vmem>>, vector<16xf32>,
            %swap3A_624 = arith.index_cast %select_n3A_201 : i32 to index
            %swap3A_625 = arith.index_cast %add3A_607 : i32 to index
            %swap3A_626 = arith.constant 32 : index
            %swap3A_627 = tpu.vector_load %arg7[%swap3A_624, %swap3A_625, %swap3A_626] {strides = array<i32>} : memref<6x128x64xf32, #tpu.memory_space<vmem>>, vector<16xf32>,
            tpu.vector_store %arg7[%swap3A_624, %swap3A_625, %swap3A_626], %get3A_623 {strides = array<i32>} : memref<6x128x64xf32, #tpu.memory_space<vmem>>, vector<16xf32>,
            %get3A_628 = arith.index_cast %sub3A_603 : i32 to index
            %get3A_629 = arith.constant 48 : index
            %get3A_630 = tpu.vector_load %arg9[%get3A_628, %get3A_629] {strides = array<i32>} : memref<2x64xf32, #tpu.memory_space<vmem>>, vector<16xf32>,
            %swap3A_631 = arith.index_cast %select_n3A_201 : i32 to index
            %swap3A_632 = arith.index_cast %add3A_607 : i32 to index
            %swap3A_633 = arith.constant 48 : index
            %swap3A_634 = tpu.vector_load %arg7[%swap3A_631, %swap3A_632, %swap3A_633] {strides = array<i32>} : memref<6x128x64xf32, #tpu.memory_space<vmem>>, vector<16xf32>,
            tpu.vector_store %arg7[%swap3A_631, %swap3A_632, %swap3A_633], %get3A_630 {strides = array<i32>} : memref<6x128x64xf32, #tpu.memory_space<vmem>>, vector<16xf32>,
          } else {
          }
          %slice3A_502 = vector.extract_strided_slice %get3A_401 {offsets = [6], sizes = [1], strides = [1]} : vector<16xi32> to vector<1xi32>
          %squeeze3A_503 = vector.extract %slice3A_502[0] : i32 from vector<1xi32>
          %eq3A_504 = arith.constant 1 : i32
          %eq3A_505 = arith.cmpi eq, %squeeze3A_503, %eq3A_504 : i32
          %eq3A_506 = arith.constant 2 : i32
          %eq3A_507 = arith.cmpi eq, %squeeze3A_503, %eq3A_506 : i32
          %or3A_508 = arith.ori %eq3A_505, %eq3A_507 : i1
          %convert_element_type3A_509 = arith.extui %or3A_508 : i1 to i32
          %cond3A_510 = arith.constant 0 : i32
          %cond3A_511 = arith.cmpi ne, %convert_element_type3A_509, %cond3A_510 : i32
          scf.if %cond3A_511 {
            %sub3A_602 = arith.constant 1 : i32
            %sub3A_603 = arith.subi %squeeze3A_503, %sub3A_602 : i32
            %mul3A_604 = arith.constant 16 : i32
            %mul3A_605 = arith.muli %scan3A_393, %mul3A_604 : i32
            %add3A_606 = arith.constant 6 : i32
            %add3A_607 = arith.addi %mul3A_605, %add3A_606 : i32
            %get3A_608 = arith.index_cast %sub3A_603 : i32 to index
            %get3A_609 = arith.constant 0 : index
            %get3A_610 = tpu.vector_load %arg9[%get3A_608, %get3A_609] {strides = array<i32>} : memref<2x64xf32, #tpu.memory_space<vmem>>, vector<16xf32>,
            %swap3A = arith.index_cast %select_n3A_201 : i32 to index
            %swap3A_611 = arith.index_cast %add3A_607 : i32 to index
            %swap3A_612 = arith.constant 0 : index
            %swap3A_613 = tpu.vector_load %arg7[%swap3A, %swap3A_611, %swap3A_612] {strides = array<i32>} : memref<6x128x64xf32, #tpu.memory_space<vmem>>, vector<16xf32>,
            tpu.vector_store %arg7[%swap3A, %swap3A_611, %swap3A_612], %get3A_610 {strides = array<i32>} : memref<6x128x64xf32, #tpu.memory_space<vmem>>, vector<16xf32>,
            %get3A_614 = arith.index_cast %sub3A_603 : i32 to index
            %get3A_615 = arith.constant 16 : index
            %get3A_616 = tpu.vector_load %arg9[%get3A_614, %get3A_615] {strides = array<i32>} : memref<2x64xf32, #tpu.memory_space<vmem>>, vector<16xf32>,
            %swap3A_617 = arith.index_cast %select_n3A_201 : i32 to index
            %swap3A_618 = arith.index_cast %add3A_607 : i32 to index
            %swap3A_619 = arith.constant 16 : index
            %swap3A_620 = tpu.vector_load %arg7[%swap3A_617, %swap3A_618, %swap3A_619] {strides = array<i32>} : memref<6x128x64xf32, #tpu.memory_space<vmem>>, vector<16xf32>,
            tpu.vector_store %arg7[%swap3A_617, %swap3A_618, %swap3A_619], %get3A_616 {strides = array<i32>} : memref<6x128x64xf32, #tpu.memory_space<vmem>>, vector<16xf32>,
            %get3A_621 = arith.index_cast %sub3A_603 : i32 to index
            %get3A_622 = arith.constant 32 : index
            %get3A_623 = tpu.vector_load %arg9[%get3A_621, %get3A_622] {strides = array<i32>} : memref<2x64xf32, #tpu.memory_space<vmem>>, vector<16xf32>,
            %swap3A_624 = arith.index_cast %select_n3A_201 : i32 to index
            %swap3A_625 = arith.index_cast %add3A_607 : i32 to index
            %swap3A_626 = arith.constant 32 : index
            %swap3A_627 = tpu.vector_load %arg7[%swap3A_624, %swap3A_625, %swap3A_626] {strides = array<i32>} : memref<6x128x64xf32, #tpu.memory_space<vmem>>, vector<16xf32>,
            tpu.vector_store %arg7[%swap3A_624, %swap3A_625, %swap3A_626], %get3A_623 {strides = array<i32>} : memref<6x128x64xf32, #tpu.memory_space<vmem>>, vector<16xf32>,
            %get3A_628 = arith.index_cast %sub3A_603 : i32 to index
            %get3A_629 = arith.constant 48 : index
            %get3A_630 = tpu.vector_load %arg9[%get3A_628, %get3A_629] {strides = array<i32>} : memref<2x64xf32, #tpu.memory_space<vmem>>, vector<16xf32>,
            %swap3A_631 = arith.index_cast %select_n3A_201 : i32 to index
            %swap3A_632 = arith.index_cast %add3A_607 : i32 to index
            %swap3A_633 = arith.constant 48 : index
            %swap3A_634 = tpu.vector_load %arg7[%swap3A_631, %swap3A_632, %swap3A_633] {strides = array<i32>} : memref<6x128x64xf32, #tpu.memory_space<vmem>>, vector<16xf32>,
            tpu.vector_store %arg7[%swap3A_631, %swap3A_632, %swap3A_633], %get3A_630 {strides = array<i32>} : memref<6x128x64xf32, #tpu.memory_space<vmem>>, vector<16xf32>,
          } else {
          }
          %slice3A_512 = vector.extract_strided_slice %get3A_401 {offsets = [7], sizes = [1], strides = [1]} : vector<16xi32> to vector<1xi32>
          %squeeze3A_513 = vector.extract %slice3A_512[0] : i32 from vector<1xi32>
          %eq3A_514 = arith.constant 1 : i32
          %eq3A_515 = arith.cmpi eq, %squeeze3A_513, %eq3A_514 : i32
          %eq3A_516 = arith.constant 2 : i32
          %eq3A_517 = arith.cmpi eq, %squeeze3A_513, %eq3A_516 : i32
          %or3A_518 = arith.ori %eq3A_515, %eq3A_517 : i1
          %convert_element_type3A_519 = arith.extui %or3A_518 : i1 to i32
          %cond3A_520 = arith.constant 0 : i32
          %cond3A_521 = arith.cmpi ne, %convert_element_type3A_519, %cond3A_520 : i32
          scf.if %cond3A_521 {
            %sub3A_602 = arith.constant 1 : i32
            %sub3A_603 = arith.subi %squeeze3A_513, %sub3A_602 : i32
            %mul3A_604 = arith.constant 16 : i32
            %mul3A_605 = arith.muli %scan3A_393, %mul3A_604 : i32
            %add3A_606 = arith.constant 7 : i32
            %add3A_607 = arith.addi %mul3A_605, %add3A_606 : i32
            %get3A_608 = arith.index_cast %sub3A_603 : i32 to index
            %get3A_609 = arith.constant 0 : index
            %get3A_610 = tpu.vector_load %arg9[%get3A_608, %get3A_609] {strides = array<i32>} : memref<2x64xf32, #tpu.memory_space<vmem>>, vector<16xf32>,
            %swap3A = arith.index_cast %select_n3A_201 : i32 to index
            %swap3A_611 = arith.index_cast %add3A_607 : i32 to index
            %swap3A_612 = arith.constant 0 : index
            %swap3A_613 = tpu.vector_load %arg7[%swap3A, %swap3A_611, %swap3A_612] {strides = array<i32>} : memref<6x128x64xf32, #tpu.memory_space<vmem>>, vector<16xf32>,
            tpu.vector_store %arg7[%swap3A, %swap3A_611, %swap3A_612], %get3A_610 {strides = array<i32>} : memref<6x128x64xf32, #tpu.memory_space<vmem>>, vector<16xf32>,
            %get3A_614 = arith.index_cast %sub3A_603 : i32 to index
            %get3A_615 = arith.constant 16 : index
            %get3A_616 = tpu.vector_load %arg9[%get3A_614, %get3A_615] {strides = array<i32>} : memref<2x64xf32, #tpu.memory_space<vmem>>, vector<16xf32>,
            %swap3A_617 = arith.index_cast %select_n3A_201 : i32 to index
            %swap3A_618 = arith.index_cast %add3A_607 : i32 to index
            %swap3A_619 = arith.constant 16 : index
            %swap3A_620 = tpu.vector_load %arg7[%swap3A_617, %swap3A_618, %swap3A_619] {strides = array<i32>} : memref<6x128x64xf32, #tpu.memory_space<vmem>>, vector<16xf32>,
            tpu.vector_store %arg7[%swap3A_617, %swap3A_618, %swap3A_619], %get3A_616 {strides = array<i32>} : memref<6x128x64xf32, #tpu.memory_space<vmem>>, vector<16xf32>,
            %get3A_621 = arith.index_cast %sub3A_603 : i32 to index
            %get3A_622 = arith.constant 32 : index
            %get3A_623 = tpu.vector_load %arg9[%get3A_621, %get3A_622] {strides = array<i32>} : memref<2x64xf32, #tpu.memory_space<vmem>>, vector<16xf32>,
            %swap3A_624 = arith.index_cast %select_n3A_201 : i32 to index
            %swap3A_625 = arith.index_cast %add3A_607 : i32 to index
            %swap3A_626 = arith.constant 32 : index
            %swap3A_627 = tpu.vector_load %arg7[%swap3A_624, %swap3A_625, %swap3A_626] {strides = array<i32>} : memref<6x128x64xf32, #tpu.memory_space<vmem>>, vector<16xf32>,
            tpu.vector_store %arg7[%swap3A_624, %swap3A_625, %swap3A_626], %get3A_623 {strides = array<i32>} : memref<6x128x64xf32, #tpu.memory_space<vmem>>, vector<16xf32>,
            %get3A_628 = arith.index_cast %sub3A_603 : i32 to index
            %get3A_629 = arith.constant 48 : index
            %get3A_630 = tpu.vector_load %arg9[%get3A_628, %get3A_629] {strides = array<i32>} : memref<2x64xf32, #tpu.memory_space<vmem>>, vector<16xf32>,
            %swap3A_631 = arith.index_cast %select_n3A_201 : i32 to index
            %swap3A_632 = arith.index_cast %add3A_607 : i32 to index
            %swap3A_633 = arith.constant 48 : index
            %swap3A_634 = tpu.vector_load %arg7[%swap3A_631, %swap3A_632, %swap3A_633] {strides = array<i32>} : memref<6x128x64xf32, #tpu.memory_space<vmem>>, vector<16xf32>,
            tpu.vector_store %arg7[%swap3A_631, %swap3A_632, %swap3A_633], %get3A_630 {strides = array<i32>} : memref<6x128x64xf32, #tpu.memory_space<vmem>>, vector<16xf32>,
          } else {
          }
          %slice3A_522 = vector.extract_strided_slice %get3A_401 {offsets = [8], sizes = [1], strides = [1]} : vector<16xi32> to vector<1xi32>
          %squeeze3A_523 = vector.extract %slice3A_522[0] : i32 from vector<1xi32>
          %eq3A_524 = arith.constant 1 : i32
          %eq3A_525 = arith.cmpi eq, %squeeze3A_523, %eq3A_524 : i32
          %eq3A_526 = arith.constant 2 : i32
          %eq3A_527 = arith.cmpi eq, %squeeze3A_523, %eq3A_526 : i32
          %or3A_528 = arith.ori %eq3A_525, %eq3A_527 : i1
          %convert_element_type3A_529 = arith.extui %or3A_528 : i1 to i32
          %cond3A_530 = arith.constant 0 : i32
          %cond3A_531 = arith.cmpi ne, %convert_element_type3A_529, %cond3A_530 : i32
          scf.if %cond3A_531 {
            %sub3A_602 = arith.constant 1 : i32
            %sub3A_603 = arith.subi %squeeze3A_523, %sub3A_602 : i32
            %mul3A_604 = arith.constant 16 : i32
            %mul3A_605 = arith.muli %scan3A_393, %mul3A_604 : i32
            %add3A_606 = arith.constant 8 : i32
            %add3A_607 = arith.addi %mul3A_605, %add3A_606 : i32
            %get3A_608 = arith.index_cast %sub3A_603 : i32 to index
            %get3A_609 = arith.constant 0 : index
            %get3A_610 = tpu.vector_load %arg9[%get3A_608, %get3A_609] {strides = array<i32>} : memref<2x64xf32, #tpu.memory_space<vmem>>, vector<16xf32>,
            %swap3A = arith.index_cast %select_n3A_201 : i32 to index
            %swap3A_611 = arith.index_cast %add3A_607 : i32 to index
            %swap3A_612 = arith.constant 0 : index
            %swap3A_613 = tpu.vector_load %arg7[%swap3A, %swap3A_611, %swap3A_612] {strides = array<i32>} : memref<6x128x64xf32, #tpu.memory_space<vmem>>, vector<16xf32>,
            tpu.vector_store %arg7[%swap3A, %swap3A_611, %swap3A_612], %get3A_610 {strides = array<i32>} : memref<6x128x64xf32, #tpu.memory_space<vmem>>, vector<16xf32>,
            %get3A_614 = arith.index_cast %sub3A_603 : i32 to index
            %get3A_615 = arith.constant 16 : index
            %get3A_616 = tpu.vector_load %arg9[%get3A_614, %get3A_615] {strides = array<i32>} : memref<2x64xf32, #tpu.memory_space<vmem>>, vector<16xf32>,
            %swap3A_617 = arith.index_cast %select_n3A_201 : i32 to index
            %swap3A_618 = arith.index_cast %add3A_607 : i32 to index
            %swap3A_619 = arith.constant 16 : index
            %swap3A_620 = tpu.vector_load %arg7[%swap3A_617, %swap3A_618, %swap3A_619] {strides = array<i32>} : memref<6x128x64xf32, #tpu.memory_space<vmem>>, vector<16xf32>,
            tpu.vector_store %arg7[%swap3A_617, %swap3A_618, %swap3A_619], %get3A_616 {strides = array<i32>} : memref<6x128x64xf32, #tpu.memory_space<vmem>>, vector<16xf32>,
            %get3A_621 = arith.index_cast %sub3A_603 : i32 to index
            %get3A_622 = arith.constant 32 : index
            %get3A_623 = tpu.vector_load %arg9[%get3A_621, %get3A_622] {strides = array<i32>} : memref<2x64xf32, #tpu.memory_space<vmem>>, vector<16xf32>,
            %swap3A_624 = arith.index_cast %select_n3A_201 : i32 to index
            %swap3A_625 = arith.index_cast %add3A_607 : i32 to index
            %swap3A_626 = arith.constant 32 : index
            %swap3A_627 = tpu.vector_load %arg7[%swap3A_624, %swap3A_625, %swap3A_626] {strides = array<i32>} : memref<6x128x64xf32, #tpu.memory_space<vmem>>, vector<16xf32>,
            tpu.vector_store %arg7[%swap3A_624, %swap3A_625, %swap3A_626], %get3A_623 {strides = array<i32>} : memref<6x128x64xf32, #tpu.memory_space<vmem>>, vector<16xf32>,
            %get3A_628 = arith.index_cast %sub3A_603 : i32 to index
            %get3A_629 = arith.constant 48 : index
            %get3A_630 = tpu.vector_load %arg9[%get3A_628, %get3A_629] {strides = array<i32>} : memref<2x64xf32, #tpu.memory_space<vmem>>, vector<16xf32>,
            %swap3A_631 = arith.index_cast %select_n3A_201 : i32 to index
            %swap3A_632 = arith.index_cast %add3A_607 : i32 to index
            %swap3A_633 = arith.constant 48 : index
            %swap3A_634 = tpu.vector_load %arg7[%swap3A_631, %swap3A_632, %swap3A_633] {strides = array<i32>} : memref<6x128x64xf32, #tpu.memory_space<vmem>>, vector<16xf32>,
            tpu.vector_store %arg7[%swap3A_631, %swap3A_632, %swap3A_633], %get3A_630 {strides = array<i32>} : memref<6x128x64xf32, #tpu.memory_space<vmem>>, vector<16xf32>,
          } else {
          }
          %slice3A_532 = vector.extract_strided_slice %get3A_401 {offsets = [9], sizes = [1], strides = [1]} : vector<16xi32> to vector<1xi32>
          %squeeze3A_533 = vector.extract %slice3A_532[0] : i32 from vector<1xi32>
          %eq3A_534 = arith.constant 1 : i32
          %eq3A_535 = arith.cmpi eq, %squeeze3A_533, %eq3A_534 : i32
          %eq3A_536 = arith.constant 2 : i32
          %eq3A_537 = arith.cmpi eq, %squeeze3A_533, %eq3A_536 : i32
          %or3A_538 = arith.ori %eq3A_535, %eq3A_537 : i1
          %convert_element_type3A_539 = arith.extui %or3A_538 : i1 to i32
          %cond3A_540 = arith.constant 0 : i32
          %cond3A_541 = arith.cmpi ne, %convert_element_type3A_539, %cond3A_540 : i32
          scf.if %cond3A_541 {
            %sub3A_602 = arith.constant 1 : i32
            %sub3A_603 = arith.subi %squeeze3A_533, %sub3A_602 : i32
            %mul3A_604 = arith.constant 16 : i32
            %mul3A_605 = arith.muli %scan3A_393, %mul3A_604 : i32
            %add3A_606 = arith.constant 9 : i32
            %add3A_607 = arith.addi %mul3A_605, %add3A_606 : i32
            %get3A_608 = arith.index_cast %sub3A_603 : i32 to index
            %get3A_609 = arith.constant 0 : index
            %get3A_610 = tpu.vector_load %arg9[%get3A_608, %get3A_609] {strides = array<i32>} : memref<2x64xf32, #tpu.memory_space<vmem>>, vector<16xf32>,
            %swap3A = arith.index_cast %select_n3A_201 : i32 to index
            %swap3A_611 = arith.index_cast %add3A_607 : i32 to index
            %swap3A_612 = arith.constant 0 : index
            %swap3A_613 = tpu.vector_load %arg7[%swap3A, %swap3A_611, %swap3A_612] {strides = array<i32>} : memref<6x128x64xf32, #tpu.memory_space<vmem>>, vector<16xf32>,
            tpu.vector_store %arg7[%swap3A, %swap3A_611, %swap3A_612], %get3A_610 {strides = array<i32>} : memref<6x128x64xf32, #tpu.memory_space<vmem>>, vector<16xf32>,
            %get3A_614 = arith.index_cast %sub3A_603 : i32 to index
            %get3A_615 = arith.constant 16 : index
            %get3A_616 = tpu.vector_load %arg9[%get3A_614, %get3A_615] {strides = array<i32>} : memref<2x64xf32, #tpu.memory_space<vmem>>, vector<16xf32>,
            %swap3A_617 = arith.index_cast %select_n3A_201 : i32 to index
            %swap3A_618 = arith.index_cast %add3A_607 : i32 to index
            %swap3A_619 = arith.constant 16 : index
            %swap3A_620 = tpu.vector_load %arg7[%swap3A_617, %swap3A_618, %swap3A_619] {strides = array<i32>} : memref<6x128x64xf32, #tpu.memory_space<vmem>>, vector<16xf32>,
            tpu.vector_store %arg7[%swap3A_617, %swap3A_618, %swap3A_619], %get3A_616 {strides = array<i32>} : memref<6x128x64xf32, #tpu.memory_space<vmem>>, vector<16xf32>,
            %get3A_621 = arith.index_cast %sub3A_603 : i32 to index
            %get3A_622 = arith.constant 32 : index
            %get3A_623 = tpu.vector_load %arg9[%get3A_621, %get3A_622] {strides = array<i32>} : memref<2x64xf32, #tpu.memory_space<vmem>>, vector<16xf32>,
            %swap3A_624 = arith.index_cast %select_n3A_201 : i32 to index
            %swap3A_625 = arith.index_cast %add3A_607 : i32 to index
            %swap3A_626 = arith.constant 32 : index
            %swap3A_627 = tpu.vector_load %arg7[%swap3A_624, %swap3A_625, %swap3A_626] {strides = array<i32>} : memref<6x128x64xf32, #tpu.memory_space<vmem>>, vector<16xf32>,
            tpu.vector_store %arg7[%swap3A_624, %swap3A_625, %swap3A_626], %get3A_623 {strides = array<i32>} : memref<6x128x64xf32, #tpu.memory_space<vmem>>, vector<16xf32>,
            %get3A_628 = arith.index_cast %sub3A_603 : i32 to index
            %get3A_629 = arith.constant 48 : index
            %get3A_630 = tpu.vector_load %arg9[%get3A_628, %get3A_629] {strides = array<i32>} : memref<2x64xf32, #tpu.memory_space<vmem>>, vector<16xf32>,
            %swap3A_631 = arith.index_cast %select_n3A_201 : i32 to index
            %swap3A_632 = arith.index_cast %add3A_607 : i32 to index
            %swap3A_633 = arith.constant 48 : index
            %swap3A_634 = tpu.vector_load %arg7[%swap3A_631, %swap3A_632, %swap3A_633] {strides = array<i32>} : memref<6x128x64xf32, #tpu.memory_space<vmem>>, vector<16xf32>,
            tpu.vector_store %arg7[%swap3A_631, %swap3A_632, %swap3A_633], %get3A_630 {strides = array<i32>} : memref<6x128x64xf32, #tpu.memory_space<vmem>>, vector<16xf32>,
          } else {
          }
          %slice3A_542 = vector.extract_strided_slice %get3A_401 {offsets = [10], sizes = [1], strides = [1]} : vector<16xi32> to vector<1xi32>
          %squeeze3A_543 = vector.extract %slice3A_542[0] : i32 from vector<1xi32>
          %eq3A_544 = arith.constant 1 : i32
          %eq3A_545 = arith.cmpi eq, %squeeze3A_543, %eq3A_544 : i32
          %eq3A_546 = arith.constant 2 : i32
          %eq3A_547 = arith.cmpi eq, %squeeze3A_543, %eq3A_546 : i32
          %or3A_548 = arith.ori %eq3A_545, %eq3A_547 : i1
          %convert_element_type3A_549 = arith.extui %or3A_548 : i1 to i32
          %cond3A_550 = arith.constant 0 : i32
          %cond3A_551 = arith.cmpi ne, %convert_element_type3A_549, %cond3A_550 : i32
          scf.if %cond3A_551 {
            %sub3A_602 = arith.constant 1 : i32
            %sub3A_603 = arith.subi %squeeze3A_543, %sub3A_602 : i32
            %mul3A_604 = arith.constant 16 : i32
            %mul3A_605 = arith.muli %scan3A_393, %mul3A_604 : i32
            %add3A_606 = arith.constant 10 : i32
            %add3A_607 = arith.addi %mul3A_605, %add3A_606 : i32
            %get3A_608 = arith.index_cast %sub3A_603 : i32 to index
            %get3A_609 = arith.constant 0 : index
            %get3A_610 = tpu.vector_load %arg9[%get3A_608, %get3A_609] {strides = array<i32>} : memref<2x64xf32, #tpu.memory_space<vmem>>, vector<16xf32>,
            %swap3A = arith.index_cast %select_n3A_201 : i32 to index
            %swap3A_611 = arith.index_cast %add3A_607 : i32 to index
            %swap3A_612 = arith.constant 0 : index
            %swap3A_613 = tpu.vector_load %arg7[%swap3A, %swap3A_611, %swap3A_612] {strides = array<i32>} : memref<6x128x64xf32, #tpu.memory_space<vmem>>, vector<16xf32>,
            tpu.vector_store %arg7[%swap3A, %swap3A_611, %swap3A_612], %get3A_610 {strides = array<i32>} : memref<6x128x64xf32, #tpu.memory_space<vmem>>, vector<16xf32>,
            %get3A_614 = arith.index_cast %sub3A_603 : i32 to index
            %get3A_615 = arith.constant 16 : index
            %get3A_616 = tpu.vector_load %arg9[%get3A_614, %get3A_615] {strides = array<i32>} : memref<2x64xf32, #tpu.memory_space<vmem>>, vector<16xf32>,
            %swap3A_617 = arith.index_cast %select_n3A_201 : i32 to index
            %swap3A_618 = arith.index_cast %add3A_607 : i32 to index
            %swap3A_619 = arith.constant 16 : index
            %swap3A_620 = tpu.vector_load %arg7[%swap3A_617, %swap3A_618, %swap3A_619] {strides = array<i32>} : memref<6x128x64xf32, #tpu.memory_space<vmem>>, vector<16xf32>,
            tpu.vector_store %arg7[%swap3A_617, %swap3A_618, %swap3A_619], %get3A_616 {strides = array<i32>} : memref<6x128x64xf32, #tpu.memory_space<vmem>>, vector<16xf32>,
            %get3A_621 = arith.index_cast %sub3A_603 : i32 to index
            %get3A_622 = arith.constant 32 : index
            %get3A_623 = tpu.vector_load %arg9[%get3A_621, %get3A_622] {strides = array<i32>} : memref<2x64xf32, #tpu.memory_space<vmem>>, vector<16xf32>,
            %swap3A_624 = arith.index_cast %select_n3A_201 : i32 to index
            %swap3A_625 = arith.index_cast %add3A_607 : i32 to index
            %swap3A_626 = arith.constant 32 : index
            %swap3A_627 = tpu.vector_load %arg7[%swap3A_624, %swap3A_625, %swap3A_626] {strides = array<i32>} : memref<6x128x64xf32, #tpu.memory_space<vmem>>, vector<16xf32>,
            tpu.vector_store %arg7[%swap3A_624, %swap3A_625, %swap3A_626], %get3A_623 {strides = array<i32>} : memref<6x128x64xf32, #tpu.memory_space<vmem>>, vector<16xf32>,
            %get3A_628 = arith.index_cast %sub3A_603 : i32 to index
            %get3A_629 = arith.constant 48 : index
            %get3A_630 = tpu.vector_load %arg9[%get3A_628, %get3A_629] {strides = array<i32>} : memref<2x64xf32, #tpu.memory_space<vmem>>, vector<16xf32>,
            %swap3A_631 = arith.index_cast %select_n3A_201 : i32 to index
            %swap3A_632 = arith.index_cast %add3A_607 : i32 to index
            %swap3A_633 = arith.constant 48 : index
            %swap3A_634 = tpu.vector_load %arg7[%swap3A_631, %swap3A_632, %swap3A_633] {strides = array<i32>} : memref<6x128x64xf32, #tpu.memory_space<vmem>>, vector<16xf32>,
            tpu.vector_store %arg7[%swap3A_631, %swap3A_632, %swap3A_633], %get3A_630 {strides = array<i32>} : memref<6x128x64xf32, #tpu.memory_space<vmem>>, vector<16xf32>,
          } else {
          }
          %slice3A_552 = vector.extract_strided_slice %get3A_401 {offsets = [11], sizes = [1], strides = [1]} : vector<16xi32> to vector<1xi32>
          %squeeze3A_553 = vector.extract %slice3A_552[0] : i32 from vector<1xi32>
          %eq3A_554 = arith.constant 1 : i32
          %eq3A_555 = arith.cmpi eq, %squeeze3A_553, %eq3A_554 : i32
          %eq3A_556 = arith.constant 2 : i32
          %eq3A_557 = arith.cmpi eq, %squeeze3A_553, %eq3A_556 : i32
          %or3A_558 = arith.ori %eq3A_555, %eq3A_557 : i1
          %convert_element_type3A_559 = arith.extui %or3A_558 : i1 to i32
          %cond3A_560 = arith.constant 0 : i32
          %cond3A_561 = arith.cmpi ne, %convert_element_type3A_559, %cond3A_560 : i32
          scf.if %cond3A_561 {
            %sub3A_602 = arith.constant 1 : i32
            %sub3A_603 = arith.subi %squeeze3A_553, %sub3A_602 : i32
            %mul3A_604 = arith.constant 16 : i32
            %mul3A_605 = arith.muli %scan3A_393, %mul3A_604 : i32
            %add3A_606 = arith.constant 11 : i32
            %add3A_607 = arith.addi %mul3A_605, %add3A_606 : i32
            %get3A_608 = arith.index_cast %sub3A_603 : i32 to index
            %get3A_609 = arith.constant 0 : index
            %get3A_610 = tpu.vector_load %arg9[%get3A_608, %get3A_609] {strides = array<i32>} : memref<2x64xf32, #tpu.memory_space<vmem>>, vector<16xf32>,
            %swap3A = arith.index_cast %select_n3A_201 : i32 to index
            %swap3A_611 = arith.index_cast %add3A_607 : i32 to index
            %swap3A_612 = arith.constant 0 : index
            %swap3A_613 = tpu.vector_load %arg7[%swap3A, %swap3A_611, %swap3A_612] {strides = array<i32>} : memref<6x128x64xf32, #tpu.memory_space<vmem>>, vector<16xf32>,
            tpu.vector_store %arg7[%swap3A, %swap3A_611, %swap3A_612], %get3A_610 {strides = array<i32>} : memref<6x128x64xf32, #tpu.memory_space<vmem>>, vector<16xf32>,
            %get3A_614 = arith.index_cast %sub3A_603 : i32 to index
            %get3A_615 = arith.constant 16 : index
            %get3A_616 = tpu.vector_load %arg9[%get3A_614, %get3A_615] {strides = array<i32>} : memref<2x64xf32, #tpu.memory_space<vmem>>, vector<16xf32>,
            %swap3A_617 = arith.index_cast %select_n3A_201 : i32 to index
            %swap3A_618 = arith.index_cast %add3A_607 : i32 to index
            %swap3A_619 = arith.constant 16 : index
            %swap3A_620 = tpu.vector_load %arg7[%swap3A_617, %swap3A_618, %swap3A_619] {strides = array<i32>} : memref<6x128x64xf32, #tpu.memory_space<vmem>>, vector<16xf32>,
            tpu.vector_store %arg7[%swap3A_617, %swap3A_618, %swap3A_619], %get3A_616 {strides = array<i32>} : memref<6x128x64xf32, #tpu.memory_space<vmem>>, vector<16xf32>,
            %get3A_621 = arith.index_cast %sub3A_603 : i32 to index
            %get3A_622 = arith.constant 32 : index
            %get3A_623 = tpu.vector_load %arg9[%get3A_621, %get3A_622] {strides = array<i32>} : memref<2x64xf32, #tpu.memory_space<vmem>>, vector<16xf32>,
            %swap3A_624 = arith.index_cast %select_n3A_201 : i32 to index
            %swap3A_625 = arith.index_cast %add3A_607 : i32 to index
            %swap3A_626 = arith.constant 32 : index
            %swap3A_627 = tpu.vector_load %arg7[%swap3A_624, %swap3A_625, %swap3A_626] {strides = array<i32>} : memref<6x128x64xf32, #tpu.memory_space<vmem>>, vector<16xf32>,
            tpu.vector_store %arg7[%swap3A_624, %swap3A_625, %swap3A_626], %get3A_623 {strides = array<i32>} : memref<6x128x64xf32, #tpu.memory_space<vmem>>, vector<16xf32>,
            %get3A_628 = arith.index_cast %sub3A_603 : i32 to index
            %get3A_629 = arith.constant 48 : index
            %get3A_630 = tpu.vector_load %arg9[%get3A_628, %get3A_629] {strides = array<i32>} : memref<2x64xf32, #tpu.memory_space<vmem>>, vector<16xf32>,
            %swap3A_631 = arith.index_cast %select_n3A_201 : i32 to index
            %swap3A_632 = arith.index_cast %add3A_607 : i32 to index
            %swap3A_633 = arith.constant 48 : index
            %swap3A_634 = tpu.vector_load %arg7[%swap3A_631, %swap3A_632, %swap3A_633] {strides = array<i32>} : memref<6x128x64xf32, #tpu.memory_space<vmem>>, vector<16xf32>,
            tpu.vector_store %arg7[%swap3A_631, %swap3A_632, %swap3A_633], %get3A_630 {strides = array<i32>} : memref<6x128x64xf32, #tpu.memory_space<vmem>>, vector<16xf32>,
          } else {
          }
          %slice3A_562 = vector.extract_strided_slice %get3A_401 {offsets = [12], sizes = [1], strides = [1]} : vector<16xi32> to vector<1xi32>
          %squeeze3A_563 = vector.extract %slice3A_562[0] : i32 from vector<1xi32>
          %eq3A_564 = arith.constant 1 : i32
          %eq3A_565 = arith.cmpi eq, %squeeze3A_563, %eq3A_564 : i32
          %eq3A_566 = arith.constant 2 : i32
          %eq3A_567 = arith.cmpi eq, %squeeze3A_563, %eq3A_566 : i32
          %or3A_568 = arith.ori %eq3A_565, %eq3A_567 : i1
          %convert_element_type3A_569 = arith.extui %or3A_568 : i1 to i32
          %cond3A_570 = arith.constant 0 : i32
          %cond3A_571 = arith.cmpi ne, %convert_element_type3A_569, %cond3A_570 : i32
          scf.if %cond3A_571 {
            %sub3A_602 = arith.constant 1 : i32
            %sub3A_603 = arith.subi %squeeze3A_563, %sub3A_602 : i32
            %mul3A_604 = arith.constant 16 : i32
            %mul3A_605 = arith.muli %scan3A_393, %mul3A_604 : i32
            %add3A_606 = arith.constant 12 : i32
            %add3A_607 = arith.addi %mul3A_605, %add3A_606 : i32
            %get3A_608 = arith.index_cast %sub3A_603 : i32 to index
            %get3A_609 = arith.constant 0 : index
            %get3A_610 = tpu.vector_load %arg9[%get3A_608, %get3A_609] {strides = array<i32>} : memref<2x64xf32, #tpu.memory_space<vmem>>, vector<16xf32>,
            %swap3A = arith.index_cast %select_n3A_201 : i32 to index
            %swap3A_611 = arith.index_cast %add3A_607 : i32 to index
            %swap3A_612 = arith.constant 0 : index
            %swap3A_613 = tpu.vector_load %arg7[%swap3A, %swap3A_611, %swap3A_612] {strides = array<i32>} : memref<6x128x64xf32, #tpu.memory_space<vmem>>, vector<16xf32>,
            tpu.vector_store %arg7[%swap3A, %swap3A_611, %swap3A_612], %get3A_610 {strides = array<i32>} : memref<6x128x64xf32, #tpu.memory_space<vmem>>, vector<16xf32>,
            %get3A_614 = arith.index_cast %sub3A_603 : i32 to index
            %get3A_615 = arith.constant 16 : index
            %get3A_616 = tpu.vector_load %arg9[%get3A_614, %get3A_615] {strides = array<i32>} : memref<2x64xf32, #tpu.memory_space<vmem>>, vector<16xf32>,
            %swap3A_617 = arith.index_cast %select_n3A_201 : i32 to index
            %swap3A_618 = arith.index_cast %add3A_607 : i32 to index
            %swap3A_619 = arith.constant 16 : index
            %swap3A_620 = tpu.vector_load %arg7[%swap3A_617, %swap3A_618, %swap3A_619] {strides = array<i32>} : memref<6x128x64xf32, #tpu.memory_space<vmem>>, vector<16xf32>,
            tpu.vector_store %arg7[%swap3A_617, %swap3A_618, %swap3A_619], %get3A_616 {strides = array<i32>} : memref<6x128x64xf32, #tpu.memory_space<vmem>>, vector<16xf32>,
            %get3A_621 = arith.index_cast %sub3A_603 : i32 to index
            %get3A_622 = arith.constant 32 : index
            %get3A_623 = tpu.vector_load %arg9[%get3A_621, %get3A_622] {strides = array<i32>} : memref<2x64xf32, #tpu.memory_space<vmem>>, vector<16xf32>,
            %swap3A_624 = arith.index_cast %select_n3A_201 : i32 to index
            %swap3A_625 = arith.index_cast %add3A_607 : i32 to index
            %swap3A_626 = arith.constant 32 : index
            %swap3A_627 = tpu.vector_load %arg7[%swap3A_624, %swap3A_625, %swap3A_626] {strides = array<i32>} : memref<6x128x64xf32, #tpu.memory_space<vmem>>, vector<16xf32>,
            tpu.vector_store %arg7[%swap3A_624, %swap3A_625, %swap3A_626], %get3A_623 {strides = array<i32>} : memref<6x128x64xf32, #tpu.memory_space<vmem>>, vector<16xf32>,
            %get3A_628 = arith.index_cast %sub3A_603 : i32 to index
            %get3A_629 = arith.constant 48 : index
            %get3A_630 = tpu.vector_load %arg9[%get3A_628, %get3A_629] {strides = array<i32>} : memref<2x64xf32, #tpu.memory_space<vmem>>, vector<16xf32>,
            %swap3A_631 = arith.index_cast %select_n3A_201 : i32 to index
            %swap3A_632 = arith.index_cast %add3A_607 : i32 to index
            %swap3A_633 = arith.constant 48 : index
            %swap3A_634 = tpu.vector_load %arg7[%swap3A_631, %swap3A_632, %swap3A_633] {strides = array<i32>} : memref<6x128x64xf32, #tpu.memory_space<vmem>>, vector<16xf32>,
            tpu.vector_store %arg7[%swap3A_631, %swap3A_632, %swap3A_633], %get3A_630 {strides = array<i32>} : memref<6x128x64xf32, #tpu.memory_space<vmem>>, vector<16xf32>,
          } else {
          }
          %slice3A_572 = vector.extract_strided_slice %get3A_401 {offsets = [13], sizes = [1], strides = [1]} : vector<16xi32> to vector<1xi32>
          %squeeze3A_573 = vector.extract %slice3A_572[0] : i32 from vector<1xi32>
          %eq3A_574 = arith.constant 1 : i32
          %eq3A_575 = arith.cmpi eq, %squeeze3A_573, %eq3A_574 : i32
          %eq3A_576 = arith.constant 2 : i32
          %eq3A_577 = arith.cmpi eq, %squeeze3A_573, %eq3A_576 : i32
          %or3A_578 = arith.ori %eq3A_575, %eq3A_577 : i1
          %convert_element_type3A_579 = arith.extui %or3A_578 : i1 to i32
          %cond3A_580 = arith.constant 0 : i32
          %cond3A_581 = arith.cmpi ne, %convert_element_type3A_579, %cond3A_580 : i32
          scf.if %cond3A_581 {
            %sub3A_602 = arith.constant 1 : i32
            %sub3A_603 = arith.subi %squeeze3A_573, %sub3A_602 : i32
            %mul3A_604 = arith.constant 16 : i32
            %mul3A_605 = arith.muli %scan3A_393, %mul3A_604 : i32
            %add3A_606 = arith.constant 13 : i32
            %add3A_607 = arith.addi %mul3A_605, %add3A_606 : i32
            %get3A_608 = arith.index_cast %sub3A_603 : i32 to index
            %get3A_609 = arith.constant 0 : index
            %get3A_610 = tpu.vector_load %arg9[%get3A_608, %get3A_609] {strides = array<i32>} : memref<2x64xf32, #tpu.memory_space<vmem>>, vector<16xf32>,
            %swap3A = arith.index_cast %select_n3A_201 : i32 to index
            %swap3A_611 = arith.index_cast %add3A_607 : i32 to index
            %swap3A_612 = arith.constant 0 : index
            %swap3A_613 = tpu.vector_load %arg7[%swap3A, %swap3A_611, %swap3A_612] {strides = array<i32>} : memref<6x128x64xf32, #tpu.memory_space<vmem>>, vector<16xf32>,
            tpu.vector_store %arg7[%swap3A, %swap3A_611, %swap3A_612], %get3A_610 {strides = array<i32>} : memref<6x128x64xf32, #tpu.memory_space<vmem>>, vector<16xf32>,
            %get3A_614 = arith.index_cast %sub3A_603 : i32 to index
            %get3A_615 = arith.constant 16 : index
            %get3A_616 = tpu.vector_load %arg9[%get3A_614, %get3A_615] {strides = array<i32>} : memref<2x64xf32, #tpu.memory_space<vmem>>, vector<16xf32>,
            %swap3A_617 = arith.index_cast %select_n3A_201 : i32 to index
            %swap3A_618 = arith.index_cast %add3A_607 : i32 to index
            %swap3A_619 = arith.constant 16 : index
            %swap3A_620 = tpu.vector_load %arg7[%swap3A_617, %swap3A_618, %swap3A_619] {strides = array<i32>} : memref<6x128x64xf32, #tpu.memory_space<vmem>>, vector<16xf32>,
            tpu.vector_store %arg7[%swap3A_617, %swap3A_618, %swap3A_619], %get3A_616 {strides = array<i32>} : memref<6x128x64xf32, #tpu.memory_space<vmem>>, vector<16xf32>,
            %get3A_621 = arith.index_cast %sub3A_603 : i32 to index
            %get3A_622 = arith.constant 32 : index
            %get3A_623 = tpu.vector_load %arg9[%get3A_621, %get3A_622] {strides = array<i32>} : memref<2x64xf32, #tpu.memory_space<vmem>>, vector<16xf32>,
            %swap3A_624 = arith.index_cast %select_n3A_201 : i32 to index
            %swap3A_625 = arith.index_cast %add3A_607 : i32 to index
            %swap3A_626 = arith.constant 32 : index
            %swap3A_627 = tpu.vector_load %arg7[%swap3A_624, %swap3A_625, %swap3A_626] {strides = array<i32>} : memref<6x128x64xf32, #tpu.memory_space<vmem>>, vector<16xf32>,
            tpu.vector_store %arg7[%swap3A_624, %swap3A_625, %swap3A_626], %get3A_623 {strides = array<i32>} : memref<6x128x64xf32, #tpu.memory_space<vmem>>, vector<16xf32>,
            %get3A_628 = arith.index_cast %sub3A_603 : i32 to index
            %get3A_629 = arith.constant 48 : index
            %get3A_630 = tpu.vector_load %arg9[%get3A_628, %get3A_629] {strides = array<i32>} : memref<2x64xf32, #tpu.memory_space<vmem>>, vector<16xf32>,
            %swap3A_631 = arith.index_cast %select_n3A_201 : i32 to index
            %swap3A_632 = arith.index_cast %add3A_607 : i32 to index
            %swap3A_633 = arith.constant 48 : index
            %swap3A_634 = tpu.vector_load %arg7[%swap3A_631, %swap3A_632, %swap3A_633] {strides = array<i32>} : memref<6x128x64xf32, #tpu.memory_space<vmem>>, vector<16xf32>,
            tpu.vector_store %arg7[%swap3A_631, %swap3A_632, %swap3A_633], %get3A_630 {strides = array<i32>} : memref<6x128x64xf32, #tpu.memory_space<vmem>>, vector<16xf32>,
          } else {
          }
          %slice3A_582 = vector.extract_strided_slice %get3A_401 {offsets = [14], sizes = [1], strides = [1]} : vector<16xi32> to vector<1xi32>
          %squeeze3A_583 = vector.extract %slice3A_582[0] : i32 from vector<1xi32>
          %eq3A_584 = arith.constant 1 : i32
          %eq3A_585 = arith.cmpi eq, %squeeze3A_583, %eq3A_584 : i32
          %eq3A_586 = arith.constant 2 : i32
          %eq3A_587 = arith.cmpi eq, %squeeze3A_583, %eq3A_586 : i32
          %or3A_588 = arith.ori %eq3A_585, %eq3A_587 : i1
          %convert_element_type3A_589 = arith.extui %or3A_588 : i1 to i32
          %cond3A_590 = arith.constant 0 : i32
          %cond3A_591 = arith.cmpi ne, %convert_element_type3A_589, %cond3A_590 : i32
          scf.if %cond3A_591 {
            %sub3A_602 = arith.constant 1 : i32
            %sub3A_603 = arith.subi %squeeze3A_583, %sub3A_602 : i32
            %mul3A_604 = arith.constant 16 : i32
            %mul3A_605 = arith.muli %scan3A_393, %mul3A_604 : i32
            %add3A_606 = arith.constant 14 : i32
            %add3A_607 = arith.addi %mul3A_605, %add3A_606 : i32
            %get3A_608 = arith.index_cast %sub3A_603 : i32 to index
            %get3A_609 = arith.constant 0 : index
            %get3A_610 = tpu.vector_load %arg9[%get3A_608, %get3A_609] {strides = array<i32>} : memref<2x64xf32, #tpu.memory_space<vmem>>, vector<16xf32>,
            %swap3A = arith.index_cast %select_n3A_201 : i32 to index
            %swap3A_611 = arith.index_cast %add3A_607 : i32 to index
            %swap3A_612 = arith.constant 0 : index
            %swap3A_613 = tpu.vector_load %arg7[%swap3A, %swap3A_611, %swap3A_612] {strides = array<i32>} : memref<6x128x64xf32, #tpu.memory_space<vmem>>, vector<16xf32>,
            tpu.vector_store %arg7[%swap3A, %swap3A_611, %swap3A_612], %get3A_610 {strides = array<i32>} : memref<6x128x64xf32, #tpu.memory_space<vmem>>, vector<16xf32>,
            %get3A_614 = arith.index_cast %sub3A_603 : i32 to index
            %get3A_615 = arith.constant 16 : index
            %get3A_616 = tpu.vector_load %arg9[%get3A_614, %get3A_615] {strides = array<i32>} : memref<2x64xf32, #tpu.memory_space<vmem>>, vector<16xf32>,
            %swap3A_617 = arith.index_cast %select_n3A_201 : i32 to index
            %swap3A_618 = arith.index_cast %add3A_607 : i32 to index
            %swap3A_619 = arith.constant 16 : index
            %swap3A_620 = tpu.vector_load %arg7[%swap3A_617, %swap3A_618, %swap3A_619] {strides = array<i32>} : memref<6x128x64xf32, #tpu.memory_space<vmem>>, vector<16xf32>,
            tpu.vector_store %arg7[%swap3A_617, %swap3A_618, %swap3A_619], %get3A_616 {strides = array<i32>} : memref<6x128x64xf32, #tpu.memory_space<vmem>>, vector<16xf32>,
            %get3A_621 = arith.index_cast %sub3A_603 : i32 to index
            %get3A_622 = arith.constant 32 : index
            %get3A_623 = tpu.vector_load %arg9[%get3A_621, %get3A_622] {strides = array<i32>} : memref<2x64xf32, #tpu.memory_space<vmem>>, vector<16xf32>,
            %swap3A_624 = arith.index_cast %select_n3A_201 : i32 to index
            %swap3A_625 = arith.index_cast %add3A_607 : i32 to index
            %swap3A_626 = arith.constant 32 : index
            %swap3A_627 = tpu.vector_load %arg7[%swap3A_624, %swap3A_625, %swap3A_626] {strides = array<i32>} : memref<6x128x64xf32, #tpu.memory_space<vmem>>, vector<16xf32>,
            tpu.vector_store %arg7[%swap3A_624, %swap3A_625, %swap3A_626], %get3A_623 {strides = array<i32>} : memref<6x128x64xf32, #tpu.memory_space<vmem>>, vector<16xf32>,
            %get3A_628 = arith.index_cast %sub3A_603 : i32 to index
            %get3A_629 = arith.constant 48 : index
            %get3A_630 = tpu.vector_load %arg9[%get3A_628, %get3A_629] {strides = array<i32>} : memref<2x64xf32, #tpu.memory_space<vmem>>, vector<16xf32>,
            %swap3A_631 = arith.index_cast %select_n3A_201 : i32 to index
            %swap3A_632 = arith.index_cast %add3A_607 : i32 to index
            %swap3A_633 = arith.constant 48 : index
            %swap3A_634 = tpu.vector_load %arg7[%swap3A_631, %swap3A_632, %swap3A_633] {strides = array<i32>} : memref<6x128x64xf32, #tpu.memory_space<vmem>>, vector<16xf32>,
            tpu.vector_store %arg7[%swap3A_631, %swap3A_632, %swap3A_633], %get3A_630 {strides = array<i32>} : memref<6x128x64xf32, #tpu.memory_space<vmem>>, vector<16xf32>,
          } else {
          }
          %slice3A_592 = vector.extract_strided_slice %get3A_401 {offsets = [15], sizes = [1], strides = [1]} : vector<16xi32> to vector<1xi32>
          %squeeze3A_593 = vector.extract %slice3A_592[0] : i32 from vector<1xi32>
          %eq3A_594 = arith.constant 1 : i32
          %eq3A_595 = arith.cmpi eq, %squeeze3A_593, %eq3A_594 : i32
          %eq3A_596 = arith.constant 2 : i32
          %eq3A_597 = arith.cmpi eq, %squeeze3A_593, %eq3A_596 : i32
          %or3A_598 = arith.ori %eq3A_595, %eq3A_597 : i1
          %convert_element_type3A_599 = arith.extui %or3A_598 : i1 to i32
          %cond3A_600 = arith.constant 0 : i32
          %cond3A_601 = arith.cmpi ne, %convert_element_type3A_599, %cond3A_600 : i32
          scf.if %cond3A_601 {
            %sub3A_602 = arith.constant 1 : i32
            %sub3A_603 = arith.subi %squeeze3A_593, %sub3A_602 : i32
            %mul3A_604 = arith.constant 16 : i32
            %mul3A_605 = arith.muli %scan3A_393, %mul3A_604 : i32
            %add3A_606 = arith.constant 15 : i32
            %add3A_607 = arith.addi %mul3A_605, %add3A_606 : i32
            %get3A_608 = arith.index_cast %sub3A_603 : i32 to index
            %get3A_609 = arith.constant 0 : index
            %get3A_610 = tpu.vector_load %arg9[%get3A_608, %get3A_609] {strides = array<i32>} : memref<2x64xf32, #tpu.memory_space<vmem>>, vector<16xf32>,
            %swap3A = arith.index_cast %select_n3A_201 : i32 to index
            %swap3A_611 = arith.index_cast %add3A_607 : i32 to index
            %swap3A_612 = arith.constant 0 : index
            %swap3A_613 = tpu.vector_load %arg7[%swap3A, %swap3A_611, %swap3A_612] {strides = array<i32>} : memref<6x128x64xf32, #tpu.memory_space<vmem>>, vector<16xf32>,
            tpu.vector_store %arg7[%swap3A, %swap3A_611, %swap3A_612], %get3A_610 {strides = array<i32>} : memref<6x128x64xf32, #tpu.memory_space<vmem>>, vector<16xf32>,
            %get3A_614 = arith.index_cast %sub3A_603 : i32 to index
            %get3A_615 = arith.constant 16 : index
            %get3A_616 = tpu.vector_load %arg9[%get3A_614, %get3A_615] {strides = array<i32>} : memref<2x64xf32, #tpu.memory_space<vmem>>, vector<16xf32>,
            %swap3A_617 = arith.index_cast %select_n3A_201 : i32 to index
            %swap3A_618 = arith.index_cast %add3A_607 : i32 to index
            %swap3A_619 = arith.constant 16 : index
            %swap3A_620 = tpu.vector_load %arg7[%swap3A_617, %swap3A_618, %swap3A_619] {strides = array<i32>} : memref<6x128x64xf32, #tpu.memory_space<vmem>>, vector<16xf32>,
            tpu.vector_store %arg7[%swap3A_617, %swap3A_618, %swap3A_619], %get3A_616 {strides = array<i32>} : memref<6x128x64xf32, #tpu.memory_space<vmem>>, vector<16xf32>,
            %get3A_621 = arith.index_cast %sub3A_603 : i32 to index
            %get3A_622 = arith.constant 32 : index
            %get3A_623 = tpu.vector_load %arg9[%get3A_621, %get3A_622] {strides = array<i32>} : memref<2x64xf32, #tpu.memory_space<vmem>>, vector<16xf32>,
            %swap3A_624 = arith.index_cast %select_n3A_201 : i32 to index
            %swap3A_625 = arith.index_cast %add3A_607 : i32 to index
            %swap3A_626 = arith.constant 32 : index
            %swap3A_627 = tpu.vector_load %arg7[%swap3A_624, %swap3A_625, %swap3A_626] {strides = array<i32>} : memref<6x128x64xf32, #tpu.memory_space<vmem>>, vector<16xf32>,
            tpu.vector_store %arg7[%swap3A_624, %swap3A_625, %swap3A_626], %get3A_623 {strides = array<i32>} : memref<6x128x64xf32, #tpu.memory_space<vmem>>, vector<16xf32>,
            %get3A_628 = arith.index_cast %sub3A_603 : i32 to index
            %get3A_629 = arith.constant 48 : index
            %get3A_630 = tpu.vector_load %arg9[%get3A_628, %get3A_629] {strides = array<i32>} : memref<2x64xf32, #tpu.memory_space<vmem>>, vector<16xf32>,
            %swap3A_631 = arith.index_cast %select_n3A_201 : i32 to index
            %swap3A_632 = arith.index_cast %add3A_607 : i32 to index
            %swap3A_633 = arith.constant 48 : index
            %swap3A_634 = tpu.vector_load %arg7[%swap3A_631, %swap3A_632, %swap3A_633] {strides = array<i32>} : memref<6x128x64xf32, #tpu.memory_space<vmem>>, vector<16xf32>,
            tpu.vector_store %arg7[%swap3A_631, %swap3A_632, %swap3A_633], %get3A_630 {strides = array<i32>} : memref<6x128x64xf32, #tpu.memory_space<vmem>>, vector<16xf32>,
          } else {
          }
        } else {
        }
        %scan3A_417 = arith.constant 3 : i32
        %scan3A_418 = arith.addi %scan3A_349, %scan3A_417 : i32
        %mul3A_419 = arith.constant 128 : i32
        %mul3A_420 = arith.muli %select_n3A_254, %mul3A_419 : i32
        %mul3A_421 = arith.constant 16 : i32
        %mul3A_422 = arith.muli %scan3A_418, %mul3A_421 : i32
        %add3A_423 = arith.addi %mul3A_420, %mul3A_422 : i32
        %get3A_424 = arith.index_cast %select_n3A_238 : i32 to index
        %get3A_425 = arith.index_cast %add3A_423 : i32 to index
        %get3A_426 = tpu.vector_load %arg6[%get3A_424, %get3A_425] {strides = array<i32>} : memref<50x512xi32, #tpu.memory_space<vmem>>, vector<16xi32>,
        %eq3A_427 = arith.constant 1 : i32
        %eq3A_428 = vector.broadcast %eq3A_427 : i32 to vector<16xi32>
        %eq3A_429 = arith.cmpi eq, %get3A_426, %eq3A_428 : vector<16xi32>
        %eq3A_430 = arith.constant 2 : i32
        %eq3A_431 = vector.broadcast %eq3A_430 : i32 to vector<16xi32>
        %eq3A_432 = arith.cmpi eq, %get3A_426, %eq3A_431 : vector<16xi32>
        %or3A_433 = arith.ori %eq3A_429, %eq3A_432 : vector<16xi1>
        %all_reduce_population_count3A_434 = tpu.all_reduce %or3A_433 {dim = 0 : i64, kind = #tpu.reduction_kind<sum>} : vector<16xi1> -> vector<16xi32>
        %slice3A_435 = vector.extract_strided_slice %all_reduce_population_count3A_434 {offsets = [0], sizes = [1], strides = [1]} : vector<16xi32> to vector<1xi32>
        %squeeze3A_436 = vector.extract %slice3A_435[0] : i32 from vector<1xi32>
        %gt3A_437 = arith.constant 0 : i32
        %gt3A_438 = arith.cmpi sgt, %squeeze3A_436, %gt3A_437 : i32
        %convert_element_type3A_439 = arith.extui %gt3A_438 : i1 to i32
        %cond3A_440 = arith.constant 0 : i32
        %cond3A_441 = arith.cmpi ne, %convert_element_type3A_439, %cond3A_440 : i32
        scf.if %cond3A_441 {
          %slice3A_442 = vector.extract_strided_slice %get3A_426 {offsets = [0], sizes = [1], strides = [1]} : vector<16xi32> to vector<1xi32>
          %squeeze3A_443 = vector.extract %slice3A_442[0] : i32 from vector<1xi32>
          %eq3A_444 = arith.constant 1 : i32
          %eq3A_445 = arith.cmpi eq, %squeeze3A_443, %eq3A_444 : i32
          %eq3A_446 = arith.constant 2 : i32
          %eq3A_447 = arith.cmpi eq, %squeeze3A_443, %eq3A_446 : i32
          %or3A_448 = arith.ori %eq3A_445, %eq3A_447 : i1
          %convert_element_type3A_449 = arith.extui %or3A_448 : i1 to i32
          %cond3A_450 = arith.constant 0 : i32
          %cond3A_451 = arith.cmpi ne, %convert_element_type3A_449, %cond3A_450 : i32
          scf.if %cond3A_451 {
            %sub3A_602 = arith.constant 1 : i32
            %sub3A_603 = arith.subi %squeeze3A_443, %sub3A_602 : i32
            %mul3A_604 = arith.constant 16 : i32
            %mul3A_605 = arith.muli %scan3A_418, %mul3A_604 : i32
            %add3A_606 = arith.constant 0 : i32
            %add3A_607 = arith.addi %mul3A_605, %add3A_606 : i32
            %get3A_608 = arith.index_cast %sub3A_603 : i32 to index
            %get3A_609 = arith.constant 0 : index
            %get3A_610 = tpu.vector_load %arg9[%get3A_608, %get3A_609] {strides = array<i32>} : memref<2x64xf32, #tpu.memory_space<vmem>>, vector<16xf32>,
            %swap3A = arith.index_cast %select_n3A_201 : i32 to index
            %swap3A_611 = arith.index_cast %add3A_607 : i32 to index
            %swap3A_612 = arith.constant 0 : index
            %swap3A_613 = tpu.vector_load %arg7[%swap3A, %swap3A_611, %swap3A_612] {strides = array<i32>} : memref<6x128x64xf32, #tpu.memory_space<vmem>>, vector<16xf32>,
            tpu.vector_store %arg7[%swap3A, %swap3A_611, %swap3A_612], %get3A_610 {strides = array<i32>} : memref<6x128x64xf32, #tpu.memory_space<vmem>>, vector<16xf32>,
            %get3A_614 = arith.index_cast %sub3A_603 : i32 to index
            %get3A_615 = arith.constant 16 : index
            %get3A_616 = tpu.vector_load %arg9[%get3A_614, %get3A_615] {strides = array<i32>} : memref<2x64xf32, #tpu.memory_space<vmem>>, vector<16xf32>,
            %swap3A_617 = arith.index_cast %select_n3A_201 : i32 to index
            %swap3A_618 = arith.index_cast %add3A_607 : i32 to index
            %swap3A_619 = arith.constant 16 : index
            %swap3A_620 = tpu.vector_load %arg7[%swap3A_617, %swap3A_618, %swap3A_619] {strides = array<i32>} : memref<6x128x64xf32, #tpu.memory_space<vmem>>, vector<16xf32>,
            tpu.vector_store %arg7[%swap3A_617, %swap3A_618, %swap3A_619], %get3A_616 {strides = array<i32>} : memref<6x128x64xf32, #tpu.memory_space<vmem>>, vector<16xf32>,
            %get3A_621 = arith.index_cast %sub3A_603 : i32 to index
            %get3A_622 = arith.constant 32 : index
            %get3A_623 = tpu.vector_load %arg9[%get3A_621, %get3A_622] {strides = array<i32>} : memref<2x64xf32, #tpu.memory_space<vmem>>, vector<16xf32>,
            %swap3A_624 = arith.index_cast %select_n3A_201 : i32 to index
            %swap3A_625 = arith.index_cast %add3A_607 : i32 to index
            %swap3A_626 = arith.constant 32 : index
            %swap3A_627 = tpu.vector_load %arg7[%swap3A_624, %swap3A_625, %swap3A_626] {strides = array<i32>} : memref<6x128x64xf32, #tpu.memory_space<vmem>>, vector<16xf32>,
            tpu.vector_store %arg7[%swap3A_624, %swap3A_625, %swap3A_626], %get3A_623 {strides = array<i32>} : memref<6x128x64xf32, #tpu.memory_space<vmem>>, vector<16xf32>,
            %get3A_628 = arith.index_cast %sub3A_603 : i32 to index
            %get3A_629 = arith.constant 48 : index
            %get3A_630 = tpu.vector_load %arg9[%get3A_628, %get3A_629] {strides = array<i32>} : memref<2x64xf32, #tpu.memory_space<vmem>>, vector<16xf32>,
            %swap3A_631 = arith.index_cast %select_n3A_201 : i32 to index
            %swap3A_632 = arith.index_cast %add3A_607 : i32 to index
            %swap3A_633 = arith.constant 48 : index
            %swap3A_634 = tpu.vector_load %arg7[%swap3A_631, %swap3A_632, %swap3A_633] {strides = array<i32>} : memref<6x128x64xf32, #tpu.memory_space<vmem>>, vector<16xf32>,
            tpu.vector_store %arg7[%swap3A_631, %swap3A_632, %swap3A_633], %get3A_630 {strides = array<i32>} : memref<6x128x64xf32, #tpu.memory_space<vmem>>, vector<16xf32>,
          } else {
          }
          %slice3A_452 = vector.extract_strided_slice %get3A_426 {offsets = [1], sizes = [1], strides = [1]} : vector<16xi32> to vector<1xi32>
          %squeeze3A_453 = vector.extract %slice3A_452[0] : i32 from vector<1xi32>
          %eq3A_454 = arith.constant 1 : i32
          %eq3A_455 = arith.cmpi eq, %squeeze3A_453, %eq3A_454 : i32
          %eq3A_456 = arith.constant 2 : i32
          %eq3A_457 = arith.cmpi eq, %squeeze3A_453, %eq3A_456 : i32
          %or3A_458 = arith.ori %eq3A_455, %eq3A_457 : i1
          %convert_element_type3A_459 = arith.extui %or3A_458 : i1 to i32
          %cond3A_460 = arith.constant 0 : i32
          %cond3A_461 = arith.cmpi ne, %convert_element_type3A_459, %cond3A_460 : i32
          scf.if %cond3A_461 {
            %sub3A_602 = arith.constant 1 : i32
            %sub3A_603 = arith.subi %squeeze3A_453, %sub3A_602 : i32
            %mul3A_604 = arith.constant 16 : i32
            %mul3A_605 = arith.muli %scan3A_418, %mul3A_604 : i32
            %add3A_606 = arith.constant 1 : i32
            %add3A_607 = arith.addi %mul3A_605, %add3A_606 : i32
            %get3A_608 = arith.index_cast %sub3A_603 : i32 to index
            %get3A_609 = arith.constant 0 : index
            %get3A_610 = tpu.vector_load %arg9[%get3A_608, %get3A_609] {strides = array<i32>} : memref<2x64xf32, #tpu.memory_space<vmem>>, vector<16xf32>,
            %swap3A = arith.index_cast %select_n3A_201 : i32 to index
            %swap3A_611 = arith.index_cast %add3A_607 : i32 to index
            %swap3A_612 = arith.constant 0 : index
            %swap3A_613 = tpu.vector_load %arg7[%swap3A, %swap3A_611, %swap3A_612] {strides = array<i32>} : memref<6x128x64xf32, #tpu.memory_space<vmem>>, vector<16xf32>,
            tpu.vector_store %arg7[%swap3A, %swap3A_611, %swap3A_612], %get3A_610 {strides = array<i32>} : memref<6x128x64xf32, #tpu.memory_space<vmem>>, vector<16xf32>,
            %get3A_614 = arith.index_cast %sub3A_603 : i32 to index
            %get3A_615 = arith.constant 16 : index
            %get3A_616 = tpu.vector_load %arg9[%get3A_614, %get3A_615] {strides = array<i32>} : memref<2x64xf32, #tpu.memory_space<vmem>>, vector<16xf32>,
            %swap3A_617 = arith.index_cast %select_n3A_201 : i32 to index
            %swap3A_618 = arith.index_cast %add3A_607 : i32 to index
            %swap3A_619 = arith.constant 16 : index
            %swap3A_620 = tpu.vector_load %arg7[%swap3A_617, %swap3A_618, %swap3A_619] {strides = array<i32>} : memref<6x128x64xf32, #tpu.memory_space<vmem>>, vector<16xf32>,
            tpu.vector_store %arg7[%swap3A_617, %swap3A_618, %swap3A_619], %get3A_616 {strides = array<i32>} : memref<6x128x64xf32, #tpu.memory_space<vmem>>, vector<16xf32>,
            %get3A_621 = arith.index_cast %sub3A_603 : i32 to index
            %get3A_622 = arith.constant 32 : index
            %get3A_623 = tpu.vector_load %arg9[%get3A_621, %get3A_622] {strides = array<i32>} : memref<2x64xf32, #tpu.memory_space<vmem>>, vector<16xf32>,
            %swap3A_624 = arith.index_cast %select_n3A_201 : i32 to index
            %swap3A_625 = arith.index_cast %add3A_607 : i32 to index
            %swap3A_626 = arith.constant 32 : index
            %swap3A_627 = tpu.vector_load %arg7[%swap3A_624, %swap3A_625, %swap3A_626] {strides = array<i32>} : memref<6x128x64xf32, #tpu.memory_space<vmem>>, vector<16xf32>,
            tpu.vector_store %arg7[%swap3A_624, %swap3A_625, %swap3A_626], %get3A_623 {strides = array<i32>} : memref<6x128x64xf32, #tpu.memory_space<vmem>>, vector<16xf32>,
            %get3A_628 = arith.index_cast %sub3A_603 : i32 to index
            %get3A_629 = arith.constant 48 : index
            %get3A_630 = tpu.vector_load %arg9[%get3A_628, %get3A_629] {strides = array<i32>} : memref<2x64xf32, #tpu.memory_space<vmem>>, vector<16xf32>,
            %swap3A_631 = arith.index_cast %select_n3A_201 : i32 to index
            %swap3A_632 = arith.index_cast %add3A_607 : i32 to index
            %swap3A_633 = arith.constant 48 : index
            %swap3A_634 = tpu.vector_load %arg7[%swap3A_631, %swap3A_632, %swap3A_633] {strides = array<i32>} : memref<6x128x64xf32, #tpu.memory_space<vmem>>, vector<16xf32>,
            tpu.vector_store %arg7[%swap3A_631, %swap3A_632, %swap3A_633], %get3A_630 {strides = array<i32>} : memref<6x128x64xf32, #tpu.memory_space<vmem>>, vector<16xf32>,
          } else {
          }
          %slice3A_462 = vector.extract_strided_slice %get3A_426 {offsets = [2], sizes = [1], strides = [1]} : vector<16xi32> to vector<1xi32>
          %squeeze3A_463 = vector.extract %slice3A_462[0] : i32 from vector<1xi32>
          %eq3A_464 = arith.constant 1 : i32
          %eq3A_465 = arith.cmpi eq, %squeeze3A_463, %eq3A_464 : i32
          %eq3A_466 = arith.constant 2 : i32
          %eq3A_467 = arith.cmpi eq, %squeeze3A_463, %eq3A_466 : i32
          %or3A_468 = arith.ori %eq3A_465, %eq3A_467 : i1
          %convert_element_type3A_469 = arith.extui %or3A_468 : i1 to i32
          %cond3A_470 = arith.constant 0 : i32
          %cond3A_471 = arith.cmpi ne, %convert_element_type3A_469, %cond3A_470 : i32
          scf.if %cond3A_471 {
            %sub3A_602 = arith.constant 1 : i32
            %sub3A_603 = arith.subi %squeeze3A_463, %sub3A_602 : i32
            %mul3A_604 = arith.constant 16 : i32
            %mul3A_605 = arith.muli %scan3A_418, %mul3A_604 : i32
            %add3A_606 = arith.constant 2 : i32
            %add3A_607 = arith.addi %mul3A_605, %add3A_606 : i32
            %get3A_608 = arith.index_cast %sub3A_603 : i32 to index
            %get3A_609 = arith.constant 0 : index
            %get3A_610 = tpu.vector_load %arg9[%get3A_608, %get3A_609] {strides = array<i32>} : memref<2x64xf32, #tpu.memory_space<vmem>>, vector<16xf32>,
            %swap3A = arith.index_cast %select_n3A_201 : i32 to index
            %swap3A_611 = arith.index_cast %add3A_607 : i32 to index
            %swap3A_612 = arith.constant 0 : index
            %swap3A_613 = tpu.vector_load %arg7[%swap3A, %swap3A_611, %swap3A_612] {strides = array<i32>} : memref<6x128x64xf32, #tpu.memory_space<vmem>>, vector<16xf32>,
            tpu.vector_store %arg7[%swap3A, %swap3A_611, %swap3A_612], %get3A_610 {strides = array<i32>} : memref<6x128x64xf32, #tpu.memory_space<vmem>>, vector<16xf32>,
            %get3A_614 = arith.index_cast %sub3A_603 : i32 to index
            %get3A_615 = arith.constant 16 : index
            %get3A_616 = tpu.vector_load %arg9[%get3A_614, %get3A_615] {strides = array<i32>} : memref<2x64xf32, #tpu.memory_space<vmem>>, vector<16xf32>,
            %swap3A_617 = arith.index_cast %select_n3A_201 : i32 to index
            %swap3A_618 = arith.index_cast %add3A_607 : i32 to index
            %swap3A_619 = arith.constant 16 : index
            %swap3A_620 = tpu.vector_load %arg7[%swap3A_617, %swap3A_618, %swap3A_619] {strides = array<i32>} : memref<6x128x64xf32, #tpu.memory_space<vmem>>, vector<16xf32>,
            tpu.vector_store %arg7[%swap3A_617, %swap3A_618, %swap3A_619], %get3A_616 {strides = array<i32>} : memref<6x128x64xf32, #tpu.memory_space<vmem>>, vector<16xf32>,
            %get3A_621 = arith.index_cast %sub3A_603 : i32 to index
            %get3A_622 = arith.constant 32 : index
            %get3A_623 = tpu.vector_load %arg9[%get3A_621, %get3A_622] {strides = array<i32>} : memref<2x64xf32, #tpu.memory_space<vmem>>, vector<16xf32>,
            %swap3A_624 = arith.index_cast %select_n3A_201 : i32 to index
            %swap3A_625 = arith.index_cast %add3A_607 : i32 to index
            %swap3A_626 = arith.constant 32 : index
            %swap3A_627 = tpu.vector_load %arg7[%swap3A_624, %swap3A_625, %swap3A_626] {strides = array<i32>} : memref<6x128x64xf32, #tpu.memory_space<vmem>>, vector<16xf32>,
            tpu.vector_store %arg7[%swap3A_624, %swap3A_625, %swap3A_626], %get3A_623 {strides = array<i32>} : memref<6x128x64xf32, #tpu.memory_space<vmem>>, vector<16xf32>,
            %get3A_628 = arith.index_cast %sub3A_603 : i32 to index
            %get3A_629 = arith.constant 48 : index
            %get3A_630 = tpu.vector_load %arg9[%get3A_628, %get3A_629] {strides = array<i32>} : memref<2x64xf32, #tpu.memory_space<vmem>>, vector<16xf32>,
            %swap3A_631 = arith.index_cast %select_n3A_201 : i32 to index
            %swap3A_632 = arith.index_cast %add3A_607 : i32 to index
            %swap3A_633 = arith.constant 48 : index
            %swap3A_634 = tpu.vector_load %arg7[%swap3A_631, %swap3A_632, %swap3A_633] {strides = array<i32>} : memref<6x128x64xf32, #tpu.memory_space<vmem>>, vector<16xf32>,
            tpu.vector_store %arg7[%swap3A_631, %swap3A_632, %swap3A_633], %get3A_630 {strides = array<i32>} : memref<6x128x64xf32, #tpu.memory_space<vmem>>, vector<16xf32>,
          } else {
          }
          %slice3A_472 = vector.extract_strided_slice %get3A_426 {offsets = [3], sizes = [1], strides = [1]} : vector<16xi32> to vector<1xi32>
          %squeeze3A_473 = vector.extract %slice3A_472[0] : i32 from vector<1xi32>
          %eq3A_474 = arith.constant 1 : i32
          %eq3A_475 = arith.cmpi eq, %squeeze3A_473, %eq3A_474 : i32
          %eq3A_476 = arith.constant 2 : i32
          %eq3A_477 = arith.cmpi eq, %squeeze3A_473, %eq3A_476 : i32
          %or3A_478 = arith.ori %eq3A_475, %eq3A_477 : i1
          %convert_element_type3A_479 = arith.extui %or3A_478 : i1 to i32
          %cond3A_480 = arith.constant 0 : i32
          %cond3A_481 = arith.cmpi ne, %convert_element_type3A_479, %cond3A_480 : i32
          scf.if %cond3A_481 {
            %sub3A_602 = arith.constant 1 : i32
            %sub3A_603 = arith.subi %squeeze3A_473, %sub3A_602 : i32
            %mul3A_604 = arith.constant 16 : i32
            %mul3A_605 = arith.muli %scan3A_418, %mul3A_604 : i32
            %add3A_606 = arith.constant 3 : i32
            %add3A_607 = arith.addi %mul3A_605, %add3A_606 : i32
            %get3A_608 = arith.index_cast %sub3A_603 : i32 to index
            %get3A_609 = arith.constant 0 : index
            %get3A_610 = tpu.vector_load %arg9[%get3A_608, %get3A_609] {strides = array<i32>} : memref<2x64xf32, #tpu.memory_space<vmem>>, vector<16xf32>,
            %swap3A = arith.index_cast %select_n3A_201 : i32 to index
            %swap3A_611 = arith.index_cast %add3A_607 : i32 to index
            %swap3A_612 = arith.constant 0 : index
            %swap3A_613 = tpu.vector_load %arg7[%swap3A, %swap3A_611, %swap3A_612] {strides = array<i32>} : memref<6x128x64xf32, #tpu.memory_space<vmem>>, vector<16xf32>,
            tpu.vector_store %arg7[%swap3A, %swap3A_611, %swap3A_612], %get3A_610 {strides = array<i32>} : memref<6x128x64xf32, #tpu.memory_space<vmem>>, vector<16xf32>,
            %get3A_614 = arith.index_cast %sub3A_603 : i32 to index
            %get3A_615 = arith.constant 16 : index
            %get3A_616 = tpu.vector_load %arg9[%get3A_614, %get3A_615] {strides = array<i32>} : memref<2x64xf32, #tpu.memory_space<vmem>>, vector<16xf32>,
            %swap3A_617 = arith.index_cast %select_n3A_201 : i32 to index
            %swap3A_618 = arith.index_cast %add3A_607 : i32 to index
            %swap3A_619 = arith.constant 16 : index
            %swap3A_620 = tpu.vector_load %arg7[%swap3A_617, %swap3A_618, %swap3A_619] {strides = array<i32>} : memref<6x128x64xf32, #tpu.memory_space<vmem>>, vector<16xf32>,
            tpu.vector_store %arg7[%swap3A_617, %swap3A_618, %swap3A_619], %get3A_616 {strides = array<i32>} : memref<6x128x64xf32, #tpu.memory_space<vmem>>, vector<16xf32>,
            %get3A_621 = arith.index_cast %sub3A_603 : i32 to index
            %get3A_622 = arith.constant 32 : index
            %get3A_623 = tpu.vector_load %arg9[%get3A_621, %get3A_622] {strides = array<i32>} : memref<2x64xf32, #tpu.memory_space<vmem>>, vector<16xf32>,
            %swap3A_624 = arith.index_cast %select_n3A_201 : i32 to index
            %swap3A_625 = arith.index_cast %add3A_607 : i32 to index
            %swap3A_626 = arith.constant 32 : index
            %swap3A_627 = tpu.vector_load %arg7[%swap3A_624, %swap3A_625, %swap3A_626] {strides = array<i32>} : memref<6x128x64xf32, #tpu.memory_space<vmem>>, vector<16xf32>,
            tpu.vector_store %arg7[%swap3A_624, %swap3A_625, %swap3A_626], %get3A_623 {strides = array<i32>} : memref<6x128x64xf32, #tpu.memory_space<vmem>>, vector<16xf32>,
            %get3A_628 = arith.index_cast %sub3A_603 : i32 to index
            %get3A_629 = arith.constant 48 : index
            %get3A_630 = tpu.vector_load %arg9[%get3A_628, %get3A_629] {strides = array<i32>} : memref<2x64xf32, #tpu.memory_space<vmem>>, vector<16xf32>,
            %swap3A_631 = arith.index_cast %select_n3A_201 : i32 to index
            %swap3A_632 = arith.index_cast %add3A_607 : i32 to index
            %swap3A_633 = arith.constant 48 : index
            %swap3A_634 = tpu.vector_load %arg7[%swap3A_631, %swap3A_632, %swap3A_633] {strides = array<i32>} : memref<6x128x64xf32, #tpu.memory_space<vmem>>, vector<16xf32>,
            tpu.vector_store %arg7[%swap3A_631, %swap3A_632, %swap3A_633], %get3A_630 {strides = array<i32>} : memref<6x128x64xf32, #tpu.memory_space<vmem>>, vector<16xf32>,
          } else {
          }
          %slice3A_482 = vector.extract_strided_slice %get3A_426 {offsets = [4], sizes = [1], strides = [1]} : vector<16xi32> to vector<1xi32>
          %squeeze3A_483 = vector.extract %slice3A_482[0] : i32 from vector<1xi32>
          %eq3A_484 = arith.constant 1 : i32
          %eq3A_485 = arith.cmpi eq, %squeeze3A_483, %eq3A_484 : i32
          %eq3A_486 = arith.constant 2 : i32
          %eq3A_487 = arith.cmpi eq, %squeeze3A_483, %eq3A_486 : i32
          %or3A_488 = arith.ori %eq3A_485, %eq3A_487 : i1
          %convert_element_type3A_489 = arith.extui %or3A_488 : i1 to i32
          %cond3A_490 = arith.constant 0 : i32
          %cond3A_491 = arith.cmpi ne, %convert_element_type3A_489, %cond3A_490 : i32
          scf.if %cond3A_491 {
            %sub3A_602 = arith.constant 1 : i32
            %sub3A_603 = arith.subi %squeeze3A_483, %sub3A_602 : i32
            %mul3A_604 = arith.constant 16 : i32
            %mul3A_605 = arith.muli %scan3A_418, %mul3A_604 : i32
            %add3A_606 = arith.constant 4 : i32
            %add3A_607 = arith.addi %mul3A_605, %add3A_606 : i32
            %get3A_608 = arith.index_cast %sub3A_603 : i32 to index
            %get3A_609 = arith.constant 0 : index
            %get3A_610 = tpu.vector_load %arg9[%get3A_608, %get3A_609] {strides = array<i32>} : memref<2x64xf32, #tpu.memory_space<vmem>>, vector<16xf32>,
            %swap3A = arith.index_cast %select_n3A_201 : i32 to index
            %swap3A_611 = arith.index_cast %add3A_607 : i32 to index
            %swap3A_612 = arith.constant 0 : index
            %swap3A_613 = tpu.vector_load %arg7[%swap3A, %swap3A_611, %swap3A_612] {strides = array<i32>} : memref<6x128x64xf32, #tpu.memory_space<vmem>>, vector<16xf32>,
            tpu.vector_store %arg7[%swap3A, %swap3A_611, %swap3A_612], %get3A_610 {strides = array<i32>} : memref<6x128x64xf32, #tpu.memory_space<vmem>>, vector<16xf32>,
            %get3A_614 = arith.index_cast %sub3A_603 : i32 to index
            %get3A_615 = arith.constant 16 : index
            %get3A_616 = tpu.vector_load %arg9[%get3A_614, %get3A_615] {strides = array<i32>} : memref<2x64xf32, #tpu.memory_space<vmem>>, vector<16xf32>,
            %swap3A_617 = arith.index_cast %select_n3A_201 : i32 to index
            %swap3A_618 = arith.index_cast %add3A_607 : i32 to index
            %swap3A_619 = arith.constant 16 : index
            %swap3A_620 = tpu.vector_load %arg7[%swap3A_617, %swap3A_618, %swap3A_619] {strides = array<i32>} : memref<6x128x64xf32, #tpu.memory_space<vmem>>, vector<16xf32>,
            tpu.vector_store %arg7[%swap3A_617, %swap3A_618, %swap3A_619], %get3A_616 {strides = array<i32>} : memref<6x128x64xf32, #tpu.memory_space<vmem>>, vector<16xf32>,
            %get3A_621 = arith.index_cast %sub3A_603 : i32 to index
            %get3A_622 = arith.constant 32 : index
            %get3A_623 = tpu.vector_load %arg9[%get3A_621, %get3A_622] {strides = array<i32>} : memref<2x64xf32, #tpu.memory_space<vmem>>, vector<16xf32>,
            %swap3A_624 = arith.index_cast %select_n3A_201 : i32 to index
            %swap3A_625 = arith.index_cast %add3A_607 : i32 to index
            %swap3A_626 = arith.constant 32 : index
            %swap3A_627 = tpu.vector_load %arg7[%swap3A_624, %swap3A_625, %swap3A_626] {strides = array<i32>} : memref<6x128x64xf32, #tpu.memory_space<vmem>>, vector<16xf32>,
            tpu.vector_store %arg7[%swap3A_624, %swap3A_625, %swap3A_626], %get3A_623 {strides = array<i32>} : memref<6x128x64xf32, #tpu.memory_space<vmem>>, vector<16xf32>,
            %get3A_628 = arith.index_cast %sub3A_603 : i32 to index
            %get3A_629 = arith.constant 48 : index
            %get3A_630 = tpu.vector_load %arg9[%get3A_628, %get3A_629] {strides = array<i32>} : memref<2x64xf32, #tpu.memory_space<vmem>>, vector<16xf32>,
            %swap3A_631 = arith.index_cast %select_n3A_201 : i32 to index
            %swap3A_632 = arith.index_cast %add3A_607 : i32 to index
            %swap3A_633 = arith.constant 48 : index
            %swap3A_634 = tpu.vector_load %arg7[%swap3A_631, %swap3A_632, %swap3A_633] {strides = array<i32>} : memref<6x128x64xf32, #tpu.memory_space<vmem>>, vector<16xf32>,
            tpu.vector_store %arg7[%swap3A_631, %swap3A_632, %swap3A_633], %get3A_630 {strides = array<i32>} : memref<6x128x64xf32, #tpu.memory_space<vmem>>, vector<16xf32>,
          } else {
          }
          %slice3A_492 = vector.extract_strided_slice %get3A_426 {offsets = [5], sizes = [1], strides = [1]} : vector<16xi32> to vector<1xi32>
          %squeeze3A_493 = vector.extract %slice3A_492[0] : i32 from vector<1xi32>
          %eq3A_494 = arith.constant 1 : i32
          %eq3A_495 = arith.cmpi eq, %squeeze3A_493, %eq3A_494 : i32
          %eq3A_496 = arith.constant 2 : i32
          %eq3A_497 = arith.cmpi eq, %squeeze3A_493, %eq3A_496 : i32
          %or3A_498 = arith.ori %eq3A_495, %eq3A_497 : i1
          %convert_element_type3A_499 = arith.extui %or3A_498 : i1 to i32
          %cond3A_500 = arith.constant 0 : i32
          %cond3A_501 = arith.cmpi ne, %convert_element_type3A_499, %cond3A_500 : i32
          scf.if %cond3A_501 {
            %sub3A_602 = arith.constant 1 : i32
            %sub3A_603 = arith.subi %squeeze3A_493, %sub3A_602 : i32
            %mul3A_604 = arith.constant 16 : i32
            %mul3A_605 = arith.muli %scan3A_418, %mul3A_604 : i32
            %add3A_606 = arith.constant 5 : i32
            %add3A_607 = arith.addi %mul3A_605, %add3A_606 : i32
            %get3A_608 = arith.index_cast %sub3A_603 : i32 to index
            %get3A_609 = arith.constant 0 : index
            %get3A_610 = tpu.vector_load %arg9[%get3A_608, %get3A_609] {strides = array<i32>} : memref<2x64xf32, #tpu.memory_space<vmem>>, vector<16xf32>,
            %swap3A = arith.index_cast %select_n3A_201 : i32 to index
            %swap3A_611 = arith.index_cast %add3A_607 : i32 to index
            %swap3A_612 = arith.constant 0 : index
            %swap3A_613 = tpu.vector_load %arg7[%swap3A, %swap3A_611, %swap3A_612] {strides = array<i32>} : memref<6x128x64xf32, #tpu.memory_space<vmem>>, vector<16xf32>,
            tpu.vector_store %arg7[%swap3A, %swap3A_611, %swap3A_612], %get3A_610 {strides = array<i32>} : memref<6x128x64xf32, #tpu.memory_space<vmem>>, vector<16xf32>,
            %get3A_614 = arith.index_cast %sub3A_603 : i32 to index
            %get3A_615 = arith.constant 16 : index
            %get3A_616 = tpu.vector_load %arg9[%get3A_614, %get3A_615] {strides = array<i32>} : memref<2x64xf32, #tpu.memory_space<vmem>>, vector<16xf32>,
            %swap3A_617 = arith.index_cast %select_n3A_201 : i32 to index
            %swap3A_618 = arith.index_cast %add3A_607 : i32 to index
            %swap3A_619 = arith.constant 16 : index
            %swap3A_620 = tpu.vector_load %arg7[%swap3A_617, %swap3A_618, %swap3A_619] {strides = array<i32>} : memref<6x128x64xf32, #tpu.memory_space<vmem>>, vector<16xf32>,
            tpu.vector_store %arg7[%swap3A_617, %swap3A_618, %swap3A_619], %get3A_616 {strides = array<i32>} : memref<6x128x64xf32, #tpu.memory_space<vmem>>, vector<16xf32>,
            %get3A_621 = arith.index_cast %sub3A_603 : i32 to index
            %get3A_622 = arith.constant 32 : index
            %get3A_623 = tpu.vector_load %arg9[%get3A_621, %get3A_622] {strides = array<i32>} : memref<2x64xf32, #tpu.memory_space<vmem>>, vector<16xf32>,
            %swap3A_624 = arith.index_cast %select_n3A_201 : i32 to index
            %swap3A_625 = arith.index_cast %add3A_607 : i32 to index
            %swap3A_626 = arith.constant 32 : index
            %swap3A_627 = tpu.vector_load %arg7[%swap3A_624, %swap3A_625, %swap3A_626] {strides = array<i32>} : memref<6x128x64xf32, #tpu.memory_space<vmem>>, vector<16xf32>,
            tpu.vector_store %arg7[%swap3A_624, %swap3A_625, %swap3A_626], %get3A_623 {strides = array<i32>} : memref<6x128x64xf32, #tpu.memory_space<vmem>>, vector<16xf32>,
            %get3A_628 = arith.index_cast %sub3A_603 : i32 to index
            %get3A_629 = arith.constant 48 : index
            %get3A_630 = tpu.vector_load %arg9[%get3A_628, %get3A_629] {strides = array<i32>} : memref<2x64xf32, #tpu.memory_space<vmem>>, vector<16xf32>,
            %swap3A_631 = arith.index_cast %select_n3A_201 : i32 to index
            %swap3A_632 = arith.index_cast %add3A_607 : i32 to index
            %swap3A_633 = arith.constant 48 : index
            %swap3A_634 = tpu.vector_load %arg7[%swap3A_631, %swap3A_632, %swap3A_633] {strides = array<i32>} : memref<6x128x64xf32, #tpu.memory_space<vmem>>, vector<16xf32>,
            tpu.vector_store %arg7[%swap3A_631, %swap3A_632, %swap3A_633], %get3A_630 {strides = array<i32>} : memref<6x128x64xf32, #tpu.memory_space<vmem>>, vector<16xf32>,
          } else {
          }
          %slice3A_502 = vector.extract_strided_slice %get3A_426 {offsets = [6], sizes = [1], strides = [1]} : vector<16xi32> to vector<1xi32>
          %squeeze3A_503 = vector.extract %slice3A_502[0] : i32 from vector<1xi32>
          %eq3A_504 = arith.constant 1 : i32
          %eq3A_505 = arith.cmpi eq, %squeeze3A_503, %eq3A_504 : i32
          %eq3A_506 = arith.constant 2 : i32
          %eq3A_507 = arith.cmpi eq, %squeeze3A_503, %eq3A_506 : i32
          %or3A_508 = arith.ori %eq3A_505, %eq3A_507 : i1
          %convert_element_type3A_509 = arith.extui %or3A_508 : i1 to i32
          %cond3A_510 = arith.constant 0 : i32
          %cond3A_511 = arith.cmpi ne, %convert_element_type3A_509, %cond3A_510 : i32
          scf.if %cond3A_511 {
            %sub3A_602 = arith.constant 1 : i32
            %sub3A_603 = arith.subi %squeeze3A_503, %sub3A_602 : i32
            %mul3A_604 = arith.constant 16 : i32
            %mul3A_605 = arith.muli %scan3A_418, %mul3A_604 : i32
            %add3A_606 = arith.constant 6 : i32
            %add3A_607 = arith.addi %mul3A_605, %add3A_606 : i32
            %get3A_608 = arith.index_cast %sub3A_603 : i32 to index
            %get3A_609 = arith.constant 0 : index
            %get3A_610 = tpu.vector_load %arg9[%get3A_608, %get3A_609] {strides = array<i32>} : memref<2x64xf32, #tpu.memory_space<vmem>>, vector<16xf32>,
            %swap3A = arith.index_cast %select_n3A_201 : i32 to index
            %swap3A_611 = arith.index_cast %add3A_607 : i32 to index
            %swap3A_612 = arith.constant 0 : index
            %swap3A_613 = tpu.vector_load %arg7[%swap3A, %swap3A_611, %swap3A_612] {strides = array<i32>} : memref<6x128x64xf32, #tpu.memory_space<vmem>>, vector<16xf32>,
            tpu.vector_store %arg7[%swap3A, %swap3A_611, %swap3A_612], %get3A_610 {strides = array<i32>} : memref<6x128x64xf32, #tpu.memory_space<vmem>>, vector<16xf32>,
            %get3A_614 = arith.index_cast %sub3A_603 : i32 to index
            %get3A_615 = arith.constant 16 : index
            %get3A_616 = tpu.vector_load %arg9[%get3A_614, %get3A_615] {strides = array<i32>} : memref<2x64xf32, #tpu.memory_space<vmem>>, vector<16xf32>,
            %swap3A_617 = arith.index_cast %select_n3A_201 : i32 to index
            %swap3A_618 = arith.index_cast %add3A_607 : i32 to index
            %swap3A_619 = arith.constant 16 : index
            %swap3A_620 = tpu.vector_load %arg7[%swap3A_617, %swap3A_618, %swap3A_619] {strides = array<i32>} : memref<6x128x64xf32, #tpu.memory_space<vmem>>, vector<16xf32>,
            tpu.vector_store %arg7[%swap3A_617, %swap3A_618, %swap3A_619], %get3A_616 {strides = array<i32>} : memref<6x128x64xf32, #tpu.memory_space<vmem>>, vector<16xf32>,
            %get3A_621 = arith.index_cast %sub3A_603 : i32 to index
            %get3A_622 = arith.constant 32 : index
            %get3A_623 = tpu.vector_load %arg9[%get3A_621, %get3A_622] {strides = array<i32>} : memref<2x64xf32, #tpu.memory_space<vmem>>, vector<16xf32>,
            %swap3A_624 = arith.index_cast %select_n3A_201 : i32 to index
            %swap3A_625 = arith.index_cast %add3A_607 : i32 to index
            %swap3A_626 = arith.constant 32 : index
            %swap3A_627 = tpu.vector_load %arg7[%swap3A_624, %swap3A_625, %swap3A_626] {strides = array<i32>} : memref<6x128x64xf32, #tpu.memory_space<vmem>>, vector<16xf32>,
            tpu.vector_store %arg7[%swap3A_624, %swap3A_625, %swap3A_626], %get3A_623 {strides = array<i32>} : memref<6x128x64xf32, #tpu.memory_space<vmem>>, vector<16xf32>,
            %get3A_628 = arith.index_cast %sub3A_603 : i32 to index
            %get3A_629 = arith.constant 48 : index
            %get3A_630 = tpu.vector_load %arg9[%get3A_628, %get3A_629] {strides = array<i32>} : memref<2x64xf32, #tpu.memory_space<vmem>>, vector<16xf32>,
            %swap3A_631 = arith.index_cast %select_n3A_201 : i32 to index
            %swap3A_632 = arith.index_cast %add3A_607 : i32 to index
            %swap3A_633 = arith.constant 48 : index
            %swap3A_634 = tpu.vector_load %arg7[%swap3A_631, %swap3A_632, %swap3A_633] {strides = array<i32>} : memref<6x128x64xf32, #tpu.memory_space<vmem>>, vector<16xf32>,
            tpu.vector_store %arg7[%swap3A_631, %swap3A_632, %swap3A_633], %get3A_630 {strides = array<i32>} : memref<6x128x64xf32, #tpu.memory_space<vmem>>, vector<16xf32>,
          } else {
          }
          %slice3A_512 = vector.extract_strided_slice %get3A_426 {offsets = [7], sizes = [1], strides = [1]} : vector<16xi32> to vector<1xi32>
          %squeeze3A_513 = vector.extract %slice3A_512[0] : i32 from vector<1xi32>
          %eq3A_514 = arith.constant 1 : i32
          %eq3A_515 = arith.cmpi eq, %squeeze3A_513, %eq3A_514 : i32
          %eq3A_516 = arith.constant 2 : i32
          %eq3A_517 = arith.cmpi eq, %squeeze3A_513, %eq3A_516 : i32
          %or3A_518 = arith.ori %eq3A_515, %eq3A_517 : i1
          %convert_element_type3A_519 = arith.extui %or3A_518 : i1 to i32
          %cond3A_520 = arith.constant 0 : i32
          %cond3A_521 = arith.cmpi ne, %convert_element_type3A_519, %cond3A_520 : i32
          scf.if %cond3A_521 {
            %sub3A_602 = arith.constant 1 : i32
            %sub3A_603 = arith.subi %squeeze3A_513, %sub3A_602 : i32
            %mul3A_604 = arith.constant 16 : i32
            %mul3A_605 = arith.muli %scan3A_418, %mul3A_604 : i32
            %add3A_606 = arith.constant 7 : i32
            %add3A_607 = arith.addi %mul3A_605, %add3A_606 : i32
            %get3A_608 = arith.index_cast %sub3A_603 : i32 to index
            %get3A_609 = arith.constant 0 : index
            %get3A_610 = tpu.vector_load %arg9[%get3A_608, %get3A_609] {strides = array<i32>} : memref<2x64xf32, #tpu.memory_space<vmem>>, vector<16xf32>,
            %swap3A = arith.index_cast %select_n3A_201 : i32 to index
            %swap3A_611 = arith.index_cast %add3A_607 : i32 to index
            %swap3A_612 = arith.constant 0 : index
            %swap3A_613 = tpu.vector_load %arg7[%swap3A, %swap3A_611, %swap3A_612] {strides = array<i32>} : memref<6x128x64xf32, #tpu.memory_space<vmem>>, vector<16xf32>,
            tpu.vector_store %arg7[%swap3A, %swap3A_611, %swap3A_612], %get3A_610 {strides = array<i32>} : memref<6x128x64xf32, #tpu.memory_space<vmem>>, vector<16xf32>,
            %get3A_614 = arith.index_cast %sub3A_603 : i32 to index
            %get3A_615 = arith.constant 16 : index
            %get3A_616 = tpu.vector_load %arg9[%get3A_614, %get3A_615] {strides = array<i32>} : memref<2x64xf32, #tpu.memory_space<vmem>>, vector<16xf32>,
            %swap3A_617 = arith.index_cast %select_n3A_201 : i32 to index
            %swap3A_618 = arith.index_cast %add3A_607 : i32 to index
            %swap3A_619 = arith.constant 16 : index
            %swap3A_620 = tpu.vector_load %arg7[%swap3A_617, %swap3A_618, %swap3A_619] {strides = array<i32>} : memref<6x128x64xf32, #tpu.memory_space<vmem>>, vector<16xf32>,
            tpu.vector_store %arg7[%swap3A_617, %swap3A_618, %swap3A_619], %get3A_616 {strides = array<i32>} : memref<6x128x64xf32, #tpu.memory_space<vmem>>, vector<16xf32>,
            %get3A_621 = arith.index_cast %sub3A_603 : i32 to index
            %get3A_622 = arith.constant 32 : index
            %get3A_623 = tpu.vector_load %arg9[%get3A_621, %get3A_622] {strides = array<i32>} : memref<2x64xf32, #tpu.memory_space<vmem>>, vector<16xf32>,
            %swap3A_624 = arith.index_cast %select_n3A_201 : i32 to index
            %swap3A_625 = arith.index_cast %add3A_607 : i32 to index
            %swap3A_626 = arith.constant 32 : index
            %swap3A_627 = tpu.vector_load %arg7[%swap3A_624, %swap3A_625, %swap3A_626] {strides = array<i32>} : memref<6x128x64xf32, #tpu.memory_space<vmem>>, vector<16xf32>,
            tpu.vector_store %arg7[%swap3A_624, %swap3A_625, %swap3A_626], %get3A_623 {strides = array<i32>} : memref<6x128x64xf32, #tpu.memory_space<vmem>>, vector<16xf32>,
            %get3A_628 = arith.index_cast %sub3A_603 : i32 to index
            %get3A_629 = arith.constant 48 : index
            %get3A_630 = tpu.vector_load %arg9[%get3A_628, %get3A_629] {strides = array<i32>} : memref<2x64xf32, #tpu.memory_space<vmem>>, vector<16xf32>,
            %swap3A_631 = arith.index_cast %select_n3A_201 : i32 to index
            %swap3A_632 = arith.index_cast %add3A_607 : i32 to index
            %swap3A_633 = arith.constant 48 : index
            %swap3A_634 = tpu.vector_load %arg7[%swap3A_631, %swap3A_632, %swap3A_633] {strides = array<i32>} : memref<6x128x64xf32, #tpu.memory_space<vmem>>, vector<16xf32>,
            tpu.vector_store %arg7[%swap3A_631, %swap3A_632, %swap3A_633], %get3A_630 {strides = array<i32>} : memref<6x128x64xf32, #tpu.memory_space<vmem>>, vector<16xf32>,
          } else {
          }
          %slice3A_522 = vector.extract_strided_slice %get3A_426 {offsets = [8], sizes = [1], strides = [1]} : vector<16xi32> to vector<1xi32>
          %squeeze3A_523 = vector.extract %slice3A_522[0] : i32 from vector<1xi32>
          %eq3A_524 = arith.constant 1 : i32
          %eq3A_525 = arith.cmpi eq, %squeeze3A_523, %eq3A_524 : i32
          %eq3A_526 = arith.constant 2 : i32
          %eq3A_527 = arith.cmpi eq, %squeeze3A_523, %eq3A_526 : i32
          %or3A_528 = arith.ori %eq3A_525, %eq3A_527 : i1
          %convert_element_type3A_529 = arith.extui %or3A_528 : i1 to i32
          %cond3A_530 = arith.constant 0 : i32
          %cond3A_531 = arith.cmpi ne, %convert_element_type3A_529, %cond3A_530 : i32
          scf.if %cond3A_531 {
            %sub3A_602 = arith.constant 1 : i32
            %sub3A_603 = arith.subi %squeeze3A_523, %sub3A_602 : i32
            %mul3A_604 = arith.constant 16 : i32
            %mul3A_605 = arith.muli %scan3A_418, %mul3A_604 : i32
            %add3A_606 = arith.constant 8 : i32
            %add3A_607 = arith.addi %mul3A_605, %add3A_606 : i32
            %get3A_608 = arith.index_cast %sub3A_603 : i32 to index
            %get3A_609 = arith.constant 0 : index
            %get3A_610 = tpu.vector_load %arg9[%get3A_608, %get3A_609] {strides = array<i32>} : memref<2x64xf32, #tpu.memory_space<vmem>>, vector<16xf32>,
            %swap3A = arith.index_cast %select_n3A_201 : i32 to index
            %swap3A_611 = arith.index_cast %add3A_607 : i32 to index
            %swap3A_612 = arith.constant 0 : index
            %swap3A_613 = tpu.vector_load %arg7[%swap3A, %swap3A_611, %swap3A_612] {strides = array<i32>} : memref<6x128x64xf32, #tpu.memory_space<vmem>>, vector<16xf32>,
            tpu.vector_store %arg7[%swap3A, %swap3A_611, %swap3A_612], %get3A_610 {strides = array<i32>} : memref<6x128x64xf32, #tpu.memory_space<vmem>>, vector<16xf32>,
            %get3A_614 = arith.index_cast %sub3A_603 : i32 to index
            %get3A_615 = arith.constant 16 : index
            %get3A_616 = tpu.vector_load %arg9[%get3A_614, %get3A_615] {strides = array<i32>} : memref<2x64xf32, #tpu.memory_space<vmem>>, vector<16xf32>,
            %swap3A_617 = arith.index_cast %select_n3A_201 : i32 to index
            %swap3A_618 = arith.index_cast %add3A_607 : i32 to index
            %swap3A_619 = arith.constant 16 : index
            %swap3A_620 = tpu.vector_load %arg7[%swap3A_617, %swap3A_618, %swap3A_619] {strides = array<i32>} : memref<6x128x64xf32, #tpu.memory_space<vmem>>, vector<16xf32>,
            tpu.vector_store %arg7[%swap3A_617, %swap3A_618, %swap3A_619], %get3A_616 {strides = array<i32>} : memref<6x128x64xf32, #tpu.memory_space<vmem>>, vector<16xf32>,
            %get3A_621 = arith.index_cast %sub3A_603 : i32 to index
            %get3A_622 = arith.constant 32 : index
            %get3A_623 = tpu.vector_load %arg9[%get3A_621, %get3A_622] {strides = array<i32>} : memref<2x64xf32, #tpu.memory_space<vmem>>, vector<16xf32>,
            %swap3A_624 = arith.index_cast %select_n3A_201 : i32 to index
            %swap3A_625 = arith.index_cast %add3A_607 : i32 to index
            %swap3A_626 = arith.constant 32 : index
            %swap3A_627 = tpu.vector_load %arg7[%swap3A_624, %swap3A_625, %swap3A_626] {strides = array<i32>} : memref<6x128x64xf32, #tpu.memory_space<vmem>>, vector<16xf32>,
            tpu.vector_store %arg7[%swap3A_624, %swap3A_625, %swap3A_626], %get3A_623 {strides = array<i32>} : memref<6x128x64xf32, #tpu.memory_space<vmem>>, vector<16xf32>,
            %get3A_628 = arith.index_cast %sub3A_603 : i32 to index
            %get3A_629 = arith.constant 48 : index
            %get3A_630 = tpu.vector_load %arg9[%get3A_628, %get3A_629] {strides = array<i32>} : memref<2x64xf32, #tpu.memory_space<vmem>>, vector<16xf32>,
            %swap3A_631 = arith.index_cast %select_n3A_201 : i32 to index
            %swap3A_632 = arith.index_cast %add3A_607 : i32 to index
            %swap3A_633 = arith.constant 48 : index
            %swap3A_634 = tpu.vector_load %arg7[%swap3A_631, %swap3A_632, %swap3A_633] {strides = array<i32>} : memref<6x128x64xf32, #tpu.memory_space<vmem>>, vector<16xf32>,
            tpu.vector_store %arg7[%swap3A_631, %swap3A_632, %swap3A_633], %get3A_630 {strides = array<i32>} : memref<6x128x64xf32, #tpu.memory_space<vmem>>, vector<16xf32>,
          } else {
          }
          %slice3A_532 = vector.extract_strided_slice %get3A_426 {offsets = [9], sizes = [1], strides = [1]} : vector<16xi32> to vector<1xi32>
          %squeeze3A_533 = vector.extract %slice3A_532[0] : i32 from vector<1xi32>
          %eq3A_534 = arith.constant 1 : i32
          %eq3A_535 = arith.cmpi eq, %squeeze3A_533, %eq3A_534 : i32
          %eq3A_536 = arith.constant 2 : i32
          %eq3A_537 = arith.cmpi eq, %squeeze3A_533, %eq3A_536 : i32
          %or3A_538 = arith.ori %eq3A_535, %eq3A_537 : i1
          %convert_element_type3A_539 = arith.extui %or3A_538 : i1 to i32
          %cond3A_540 = arith.constant 0 : i32
          %cond3A_541 = arith.cmpi ne, %convert_element_type3A_539, %cond3A_540 : i32
          scf.if %cond3A_541 {
            %sub3A_602 = arith.constant 1 : i32
            %sub3A_603 = arith.subi %squeeze3A_533, %sub3A_602 : i32
            %mul3A_604 = arith.constant 16 : i32
            %mul3A_605 = arith.muli %scan3A_418, %mul3A_604 : i32
            %add3A_606 = arith.constant 9 : i32
            %add3A_607 = arith.addi %mul3A_605, %add3A_606 : i32
            %get3A_608 = arith.index_cast %sub3A_603 : i32 to index
            %get3A_609 = arith.constant 0 : index
            %get3A_610 = tpu.vector_load %arg9[%get3A_608, %get3A_609] {strides = array<i32>} : memref<2x64xf32, #tpu.memory_space<vmem>>, vector<16xf32>,
            %swap3A = arith.index_cast %select_n3A_201 : i32 to index
            %swap3A_611 = arith.index_cast %add3A_607 : i32 to index
            %swap3A_612 = arith.constant 0 : index
            %swap3A_613 = tpu.vector_load %arg7[%swap3A, %swap3A_611, %swap3A_612] {strides = array<i32>} : memref<6x128x64xf32, #tpu.memory_space<vmem>>, vector<16xf32>,
            tpu.vector_store %arg7[%swap3A, %swap3A_611, %swap3A_612], %get3A_610 {strides = array<i32>} : memref<6x128x64xf32, #tpu.memory_space<vmem>>, vector<16xf32>,
            %get3A_614 = arith.index_cast %sub3A_603 : i32 to index
            %get3A_615 = arith.constant 16 : index
            %get3A_616 = tpu.vector_load %arg9[%get3A_614, %get3A_615] {strides = array<i32>} : memref<2x64xf32, #tpu.memory_space<vmem>>, vector<16xf32>,
            %swap3A_617 = arith.index_cast %select_n3A_201 : i32 to index
            %swap3A_618 = arith.index_cast %add3A_607 : i32 to index
            %swap3A_619 = arith.constant 16 : index
            %swap3A_620 = tpu.vector_load %arg7[%swap3A_617, %swap3A_618, %swap3A_619] {strides = array<i32>} : memref<6x128x64xf32, #tpu.memory_space<vmem>>, vector<16xf32>,
            tpu.vector_store %arg7[%swap3A_617, %swap3A_618, %swap3A_619], %get3A_616 {strides = array<i32>} : memref<6x128x64xf32, #tpu.memory_space<vmem>>, vector<16xf32>,
            %get3A_621 = arith.index_cast %sub3A_603 : i32 to index
            %get3A_622 = arith.constant 32 : index
            %get3A_623 = tpu.vector_load %arg9[%get3A_621, %get3A_622] {strides = array<i32>} : memref<2x64xf32, #tpu.memory_space<vmem>>, vector<16xf32>,
            %swap3A_624 = arith.index_cast %select_n3A_201 : i32 to index
            %swap3A_625 = arith.index_cast %add3A_607 : i32 to index
            %swap3A_626 = arith.constant 32 : index
            %swap3A_627 = tpu.vector_load %arg7[%swap3A_624, %swap3A_625, %swap3A_626] {strides = array<i32>} : memref<6x128x64xf32, #tpu.memory_space<vmem>>, vector<16xf32>,
            tpu.vector_store %arg7[%swap3A_624, %swap3A_625, %swap3A_626], %get3A_623 {strides = array<i32>} : memref<6x128x64xf32, #tpu.memory_space<vmem>>, vector<16xf32>,
            %get3A_628 = arith.index_cast %sub3A_603 : i32 to index
            %get3A_629 = arith.constant 48 : index
            %get3A_630 = tpu.vector_load %arg9[%get3A_628, %get3A_629] {strides = array<i32>} : memref<2x64xf32, #tpu.memory_space<vmem>>, vector<16xf32>,
            %swap3A_631 = arith.index_cast %select_n3A_201 : i32 to index
            %swap3A_632 = arith.index_cast %add3A_607 : i32 to index
            %swap3A_633 = arith.constant 48 : index
            %swap3A_634 = tpu.vector_load %arg7[%swap3A_631, %swap3A_632, %swap3A_633] {strides = array<i32>} : memref<6x128x64xf32, #tpu.memory_space<vmem>>, vector<16xf32>,
            tpu.vector_store %arg7[%swap3A_631, %swap3A_632, %swap3A_633], %get3A_630 {strides = array<i32>} : memref<6x128x64xf32, #tpu.memory_space<vmem>>, vector<16xf32>,
          } else {
          }
          %slice3A_542 = vector.extract_strided_slice %get3A_426 {offsets = [10], sizes = [1], strides = [1]} : vector<16xi32> to vector<1xi32>
          %squeeze3A_543 = vector.extract %slice3A_542[0] : i32 from vector<1xi32>
          %eq3A_544 = arith.constant 1 : i32
          %eq3A_545 = arith.cmpi eq, %squeeze3A_543, %eq3A_544 : i32
          %eq3A_546 = arith.constant 2 : i32
          %eq3A_547 = arith.cmpi eq, %squeeze3A_543, %eq3A_546 : i32
          %or3A_548 = arith.ori %eq3A_545, %eq3A_547 : i1
          %convert_element_type3A_549 = arith.extui %or3A_548 : i1 to i32
          %cond3A_550 = arith.constant 0 : i32
          %cond3A_551 = arith.cmpi ne, %convert_element_type3A_549, %cond3A_550 : i32
          scf.if %cond3A_551 {
            %sub3A_602 = arith.constant 1 : i32
            %sub3A_603 = arith.subi %squeeze3A_543, %sub3A_602 : i32
            %mul3A_604 = arith.constant 16 : i32
            %mul3A_605 = arith.muli %scan3A_418, %mul3A_604 : i32
            %add3A_606 = arith.constant 10 : i32
            %add3A_607 = arith.addi %mul3A_605, %add3A_606 : i32
            %get3A_608 = arith.index_cast %sub3A_603 : i32 to index
            %get3A_609 = arith.constant 0 : index
            %get3A_610 = tpu.vector_load %arg9[%get3A_608, %get3A_609] {strides = array<i32>} : memref<2x64xf32, #tpu.memory_space<vmem>>, vector<16xf32>,
            %swap3A = arith.index_cast %select_n3A_201 : i32 to index
            %swap3A_611 = arith.index_cast %add3A_607 : i32 to index
            %swap3A_612 = arith.constant 0 : index
            %swap3A_613 = tpu.vector_load %arg7[%swap3A, %swap3A_611, %swap3A_612] {strides = array<i32>} : memref<6x128x64xf32, #tpu.memory_space<vmem>>, vector<16xf32>,
            tpu.vector_store %arg7[%swap3A, %swap3A_611, %swap3A_612], %get3A_610 {strides = array<i32>} : memref<6x128x64xf32, #tpu.memory_space<vmem>>, vector<16xf32>,
            %get3A_614 = arith.index_cast %sub3A_603 : i32 to index
            %get3A_615 = arith.constant 16 : index
            %get3A_616 = tpu.vector_load %arg9[%get3A_614, %get3A_615] {strides = array<i32>} : memref<2x64xf32, #tpu.memory_space<vmem>>, vector<16xf32>,
            %swap3A_617 = arith.index_cast %select_n3A_201 : i32 to index
            %swap3A_618 = arith.index_cast %add3A_607 : i32 to index
            %swap3A_619 = arith.constant 16 : index
            %swap3A_620 = tpu.vector_load %arg7[%swap3A_617, %swap3A_618, %swap3A_619] {strides = array<i32>} : memref<6x128x64xf32, #tpu.memory_space<vmem>>, vector<16xf32>,
            tpu.vector_store %arg7[%swap3A_617, %swap3A_618, %swap3A_619], %get3A_616 {strides = array<i32>} : memref<6x128x64xf32, #tpu.memory_space<vmem>>, vector<16xf32>,
            %get3A_621 = arith.index_cast %sub3A_603 : i32 to index
            %get3A_622 = arith.constant 32 : index
            %get3A_623 = tpu.vector_load %arg9[%get3A_621, %get3A_622] {strides = array<i32>} : memref<2x64xf32, #tpu.memory_space<vmem>>, vector<16xf32>,
            %swap3A_624 = arith.index_cast %select_n3A_201 : i32 to index
            %swap3A_625 = arith.index_cast %add3A_607 : i32 to index
            %swap3A_626 = arith.constant 32 : index
            %swap3A_627 = tpu.vector_load %arg7[%swap3A_624, %swap3A_625, %swap3A_626] {strides = array<i32>} : memref<6x128x64xf32, #tpu.memory_space<vmem>>, vector<16xf32>,
            tpu.vector_store %arg7[%swap3A_624, %swap3A_625, %swap3A_626], %get3A_623 {strides = array<i32>} : memref<6x128x64xf32, #tpu.memory_space<vmem>>, vector<16xf32>,
            %get3A_628 = arith.index_cast %sub3A_603 : i32 to index
            %get3A_629 = arith.constant 48 : index
            %get3A_630 = tpu.vector_load %arg9[%get3A_628, %get3A_629] {strides = array<i32>} : memref<2x64xf32, #tpu.memory_space<vmem>>, vector<16xf32>,
            %swap3A_631 = arith.index_cast %select_n3A_201 : i32 to index
            %swap3A_632 = arith.index_cast %add3A_607 : i32 to index
            %swap3A_633 = arith.constant 48 : index
            %swap3A_634 = tpu.vector_load %arg7[%swap3A_631, %swap3A_632, %swap3A_633] {strides = array<i32>} : memref<6x128x64xf32, #tpu.memory_space<vmem>>, vector<16xf32>,
            tpu.vector_store %arg7[%swap3A_631, %swap3A_632, %swap3A_633], %get3A_630 {strides = array<i32>} : memref<6x128x64xf32, #tpu.memory_space<vmem>>, vector<16xf32>,
          } else {
          }
          %slice3A_552 = vector.extract_strided_slice %get3A_426 {offsets = [11], sizes = [1], strides = [1]} : vector<16xi32> to vector<1xi32>
          %squeeze3A_553 = vector.extract %slice3A_552[0] : i32 from vector<1xi32>
          %eq3A_554 = arith.constant 1 : i32
          %eq3A_555 = arith.cmpi eq, %squeeze3A_553, %eq3A_554 : i32
          %eq3A_556 = arith.constant 2 : i32
          %eq3A_557 = arith.cmpi eq, %squeeze3A_553, %eq3A_556 : i32
          %or3A_558 = arith.ori %eq3A_555, %eq3A_557 : i1
          %convert_element_type3A_559 = arith.extui %or3A_558 : i1 to i32
          %cond3A_560 = arith.constant 0 : i32
          %cond3A_561 = arith.cmpi ne, %convert_element_type3A_559, %cond3A_560 : i32
          scf.if %cond3A_561 {
            %sub3A_602 = arith.constant 1 : i32
            %sub3A_603 = arith.subi %squeeze3A_553, %sub3A_602 : i32
            %mul3A_604 = arith.constant 16 : i32
            %mul3A_605 = arith.muli %scan3A_418, %mul3A_604 : i32
            %add3A_606 = arith.constant 11 : i32
            %add3A_607 = arith.addi %mul3A_605, %add3A_606 : i32
            %get3A_608 = arith.index_cast %sub3A_603 : i32 to index
            %get3A_609 = arith.constant 0 : index
            %get3A_610 = tpu.vector_load %arg9[%get3A_608, %get3A_609] {strides = array<i32>} : memref<2x64xf32, #tpu.memory_space<vmem>>, vector<16xf32>,
            %swap3A = arith.index_cast %select_n3A_201 : i32 to index
            %swap3A_611 = arith.index_cast %add3A_607 : i32 to index
            %swap3A_612 = arith.constant 0 : index
            %swap3A_613 = tpu.vector_load %arg7[%swap3A, %swap3A_611, %swap3A_612] {strides = array<i32>} : memref<6x128x64xf32, #tpu.memory_space<vmem>>, vector<16xf32>,
            tpu.vector_store %arg7[%swap3A, %swap3A_611, %swap3A_612], %get3A_610 {strides = array<i32>} : memref<6x128x64xf32, #tpu.memory_space<vmem>>, vector<16xf32>,
            %get3A_614 = arith.index_cast %sub3A_603 : i32 to index
            %get3A_615 = arith.constant 16 : index
            %get3A_616 = tpu.vector_load %arg9[%get3A_614, %get3A_615] {strides = array<i32>} : memref<2x64xf32, #tpu.memory_space<vmem>>, vector<16xf32>,
            %swap3A_617 = arith.index_cast %select_n3A_201 : i32 to index
            %swap3A_618 = arith.index_cast %add3A_607 : i32 to index
            %swap3A_619 = arith.constant 16 : index
            %swap3A_620 = tpu.vector_load %arg7[%swap3A_617, %swap3A_618, %swap3A_619] {strides = array<i32>} : memref<6x128x64xf32, #tpu.memory_space<vmem>>, vector<16xf32>,
            tpu.vector_store %arg7[%swap3A_617, %swap3A_618, %swap3A_619], %get3A_616 {strides = array<i32>} : memref<6x128x64xf32, #tpu.memory_space<vmem>>, vector<16xf32>,
            %get3A_621 = arith.index_cast %sub3A_603 : i32 to index
            %get3A_622 = arith.constant 32 : index
            %get3A_623 = tpu.vector_load %arg9[%get3A_621, %get3A_622] {strides = array<i32>} : memref<2x64xf32, #tpu.memory_space<vmem>>, vector<16xf32>,
            %swap3A_624 = arith.index_cast %select_n3A_201 : i32 to index
            %swap3A_625 = arith.index_cast %add3A_607 : i32 to index
            %swap3A_626 = arith.constant 32 : index
            %swap3A_627 = tpu.vector_load %arg7[%swap3A_624, %swap3A_625, %swap3A_626] {strides = array<i32>} : memref<6x128x64xf32, #tpu.memory_space<vmem>>, vector<16xf32>,
            tpu.vector_store %arg7[%swap3A_624, %swap3A_625, %swap3A_626], %get3A_623 {strides = array<i32>} : memref<6x128x64xf32, #tpu.memory_space<vmem>>, vector<16xf32>,
            %get3A_628 = arith.index_cast %sub3A_603 : i32 to index
            %get3A_629 = arith.constant 48 : index
            %get3A_630 = tpu.vector_load %arg9[%get3A_628, %get3A_629] {strides = array<i32>} : memref<2x64xf32, #tpu.memory_space<vmem>>, vector<16xf32>,
            %swap3A_631 = arith.index_cast %select_n3A_201 : i32 to index
            %swap3A_632 = arith.index_cast %add3A_607 : i32 to index
            %swap3A_633 = arith.constant 48 : index
            %swap3A_634 = tpu.vector_load %arg7[%swap3A_631, %swap3A_632, %swap3A_633] {strides = array<i32>} : memref<6x128x64xf32, #tpu.memory_space<vmem>>, vector<16xf32>,
            tpu.vector_store %arg7[%swap3A_631, %swap3A_632, %swap3A_633], %get3A_630 {strides = array<i32>} : memref<6x128x64xf32, #tpu.memory_space<vmem>>, vector<16xf32>,
          } else {
          }
          %slice3A_562 = vector.extract_strided_slice %get3A_426 {offsets = [12], sizes = [1], strides = [1]} : vector<16xi32> to vector<1xi32>
          %squeeze3A_563 = vector.extract %slice3A_562[0] : i32 from vector<1xi32>
          %eq3A_564 = arith.constant 1 : i32
          %eq3A_565 = arith.cmpi eq, %squeeze3A_563, %eq3A_564 : i32
          %eq3A_566 = arith.constant 2 : i32
          %eq3A_567 = arith.cmpi eq, %squeeze3A_563, %eq3A_566 : i32
          %or3A_568 = arith.ori %eq3A_565, %eq3A_567 : i1
          %convert_element_type3A_569 = arith.extui %or3A_568 : i1 to i32
          %cond3A_570 = arith.constant 0 : i32
          %cond3A_571 = arith.cmpi ne, %convert_element_type3A_569, %cond3A_570 : i32
          scf.if %cond3A_571 {
            %sub3A_602 = arith.constant 1 : i32
            %sub3A_603 = arith.subi %squeeze3A_563, %sub3A_602 : i32
            %mul3A_604 = arith.constant 16 : i32
            %mul3A_605 = arith.muli %scan3A_418, %mul3A_604 : i32
            %add3A_606 = arith.constant 12 : i32
            %add3A_607 = arith.addi %mul3A_605, %add3A_606 : i32
            %get3A_608 = arith.index_cast %sub3A_603 : i32 to index
            %get3A_609 = arith.constant 0 : index
            %get3A_610 = tpu.vector_load %arg9[%get3A_608, %get3A_609] {strides = array<i32>} : memref<2x64xf32, #tpu.memory_space<vmem>>, vector<16xf32>,
            %swap3A = arith.index_cast %select_n3A_201 : i32 to index
            %swap3A_611 = arith.index_cast %add3A_607 : i32 to index
            %swap3A_612 = arith.constant 0 : index
            %swap3A_613 = tpu.vector_load %arg7[%swap3A, %swap3A_611, %swap3A_612] {strides = array<i32>} : memref<6x128x64xf32, #tpu.memory_space<vmem>>, vector<16xf32>,
            tpu.vector_store %arg7[%swap3A, %swap3A_611, %swap3A_612], %get3A_610 {strides = array<i32>} : memref<6x128x64xf32, #tpu.memory_space<vmem>>, vector<16xf32>,
            %get3A_614 = arith.index_cast %sub3A_603 : i32 to index
            %get3A_615 = arith.constant 16 : index
            %get3A_616 = tpu.vector_load %arg9[%get3A_614, %get3A_615] {strides = array<i32>} : memref<2x64xf32, #tpu.memory_space<vmem>>, vector<16xf32>,
            %swap3A_617 = arith.index_cast %select_n3A_201 : i32 to index
            %swap3A_618 = arith.index_cast %add3A_607 : i32 to index
            %swap3A_619 = arith.constant 16 : index
            %swap3A_620 = tpu.vector_load %arg7[%swap3A_617, %swap3A_618, %swap3A_619] {strides = array<i32>} : memref<6x128x64xf32, #tpu.memory_space<vmem>>, vector<16xf32>,
            tpu.vector_store %arg7[%swap3A_617, %swap3A_618, %swap3A_619], %get3A_616 {strides = array<i32>} : memref<6x128x64xf32, #tpu.memory_space<vmem>>, vector<16xf32>,
            %get3A_621 = arith.index_cast %sub3A_603 : i32 to index
            %get3A_622 = arith.constant 32 : index
            %get3A_623 = tpu.vector_load %arg9[%get3A_621, %get3A_622] {strides = array<i32>} : memref<2x64xf32, #tpu.memory_space<vmem>>, vector<16xf32>,
            %swap3A_624 = arith.index_cast %select_n3A_201 : i32 to index
            %swap3A_625 = arith.index_cast %add3A_607 : i32 to index
            %swap3A_626 = arith.constant 32 : index
            %swap3A_627 = tpu.vector_load %arg7[%swap3A_624, %swap3A_625, %swap3A_626] {strides = array<i32>} : memref<6x128x64xf32, #tpu.memory_space<vmem>>, vector<16xf32>,
            tpu.vector_store %arg7[%swap3A_624, %swap3A_625, %swap3A_626], %get3A_623 {strides = array<i32>} : memref<6x128x64xf32, #tpu.memory_space<vmem>>, vector<16xf32>,
            %get3A_628 = arith.index_cast %sub3A_603 : i32 to index
            %get3A_629 = arith.constant 48 : index
            %get3A_630 = tpu.vector_load %arg9[%get3A_628, %get3A_629] {strides = array<i32>} : memref<2x64xf32, #tpu.memory_space<vmem>>, vector<16xf32>,
            %swap3A_631 = arith.index_cast %select_n3A_201 : i32 to index
            %swap3A_632 = arith.index_cast %add3A_607 : i32 to index
            %swap3A_633 = arith.constant 48 : index
            %swap3A_634 = tpu.vector_load %arg7[%swap3A_631, %swap3A_632, %swap3A_633] {strides = array<i32>} : memref<6x128x64xf32, #tpu.memory_space<vmem>>, vector<16xf32>,
            tpu.vector_store %arg7[%swap3A_631, %swap3A_632, %swap3A_633], %get3A_630 {strides = array<i32>} : memref<6x128x64xf32, #tpu.memory_space<vmem>>, vector<16xf32>,
          } else {
          }
          %slice3A_572 = vector.extract_strided_slice %get3A_426 {offsets = [13], sizes = [1], strides = [1]} : vector<16xi32> to vector<1xi32>
          %squeeze3A_573 = vector.extract %slice3A_572[0] : i32 from vector<1xi32>
          %eq3A_574 = arith.constant 1 : i32
          %eq3A_575 = arith.cmpi eq, %squeeze3A_573, %eq3A_574 : i32
          %eq3A_576 = arith.constant 2 : i32
          %eq3A_577 = arith.cmpi eq, %squeeze3A_573, %eq3A_576 : i32
          %or3A_578 = arith.ori %eq3A_575, %eq3A_577 : i1
          %convert_element_type3A_579 = arith.extui %or3A_578 : i1 to i32
          %cond3A_580 = arith.constant 0 : i32
          %cond3A_581 = arith.cmpi ne, %convert_element_type3A_579, %cond3A_580 : i32
          scf.if %cond3A_581 {
            %sub3A_602 = arith.constant 1 : i32
            %sub3A_603 = arith.subi %squeeze3A_573, %sub3A_602 : i32
            %mul3A_604 = arith.constant 16 : i32
            %mul3A_605 = arith.muli %scan3A_418, %mul3A_604 : i32
            %add3A_606 = arith.constant 13 : i32
            %add3A_607 = arith.addi %mul3A_605, %add3A_606 : i32
            %get3A_608 = arith.index_cast %sub3A_603 : i32 to index
            %get3A_609 = arith.constant 0 : index
            %get3A_610 = tpu.vector_load %arg9[%get3A_608, %get3A_609] {strides = array<i32>} : memref<2x64xf32, #tpu.memory_space<vmem>>, vector<16xf32>,
            %swap3A = arith.index_cast %select_n3A_201 : i32 to index
            %swap3A_611 = arith.index_cast %add3A_607 : i32 to index
            %swap3A_612 = arith.constant 0 : index
            %swap3A_613 = tpu.vector_load %arg7[%swap3A, %swap3A_611, %swap3A_612] {strides = array<i32>} : memref<6x128x64xf32, #tpu.memory_space<vmem>>, vector<16xf32>,
            tpu.vector_store %arg7[%swap3A, %swap3A_611, %swap3A_612], %get3A_610 {strides = array<i32>} : memref<6x128x64xf32, #tpu.memory_space<vmem>>, vector<16xf32>,
            %get3A_614 = arith.index_cast %sub3A_603 : i32 to index
            %get3A_615 = arith.constant 16 : index
            %get3A_616 = tpu.vector_load %arg9[%get3A_614, %get3A_615] {strides = array<i32>} : memref<2x64xf32, #tpu.memory_space<vmem>>, vector<16xf32>,
            %swap3A_617 = arith.index_cast %select_n3A_201 : i32 to index
            %swap3A_618 = arith.index_cast %add3A_607 : i32 to index
            %swap3A_619 = arith.constant 16 : index
            %swap3A_620 = tpu.vector_load %arg7[%swap3A_617, %swap3A_618, %swap3A_619] {strides = array<i32>} : memref<6x128x64xf32, #tpu.memory_space<vmem>>, vector<16xf32>,
            tpu.vector_store %arg7[%swap3A_617, %swap3A_618, %swap3A_619], %get3A_616 {strides = array<i32>} : memref<6x128x64xf32, #tpu.memory_space<vmem>>, vector<16xf32>,
            %get3A_621 = arith.index_cast %sub3A_603 : i32 to index
            %get3A_622 = arith.constant 32 : index
            %get3A_623 = tpu.vector_load %arg9[%get3A_621, %get3A_622] {strides = array<i32>} : memref<2x64xf32, #tpu.memory_space<vmem>>, vector<16xf32>,
            %swap3A_624 = arith.index_cast %select_n3A_201 : i32 to index
            %swap3A_625 = arith.index_cast %add3A_607 : i32 to index
            %swap3A_626 = arith.constant 32 : index
            %swap3A_627 = tpu.vector_load %arg7[%swap3A_624, %swap3A_625, %swap3A_626] {strides = array<i32>} : memref<6x128x64xf32, #tpu.memory_space<vmem>>, vector<16xf32>,
            tpu.vector_store %arg7[%swap3A_624, %swap3A_625, %swap3A_626], %get3A_623 {strides = array<i32>} : memref<6x128x64xf32, #tpu.memory_space<vmem>>, vector<16xf32>,
            %get3A_628 = arith.index_cast %sub3A_603 : i32 to index
            %get3A_629 = arith.constant 48 : index
            %get3A_630 = tpu.vector_load %arg9[%get3A_628, %get3A_629] {strides = array<i32>} : memref<2x64xf32, #tpu.memory_space<vmem>>, vector<16xf32>,
            %swap3A_631 = arith.index_cast %select_n3A_201 : i32 to index
            %swap3A_632 = arith.index_cast %add3A_607 : i32 to index
            %swap3A_633 = arith.constant 48 : index
            %swap3A_634 = tpu.vector_load %arg7[%swap3A_631, %swap3A_632, %swap3A_633] {strides = array<i32>} : memref<6x128x64xf32, #tpu.memory_space<vmem>>, vector<16xf32>,
            tpu.vector_store %arg7[%swap3A_631, %swap3A_632, %swap3A_633], %get3A_630 {strides = array<i32>} : memref<6x128x64xf32, #tpu.memory_space<vmem>>, vector<16xf32>,
          } else {
          }
          %slice3A_582 = vector.extract_strided_slice %get3A_426 {offsets = [14], sizes = [1], strides = [1]} : vector<16xi32> to vector<1xi32>
          %squeeze3A_583 = vector.extract %slice3A_582[0] : i32 from vector<1xi32>
          %eq3A_584 = arith.constant 1 : i32
          %eq3A_585 = arith.cmpi eq, %squeeze3A_583, %eq3A_584 : i32
          %eq3A_586 = arith.constant 2 : i32
          %eq3A_587 = arith.cmpi eq, %squeeze3A_583, %eq3A_586 : i32
          %or3A_588 = arith.ori %eq3A_585, %eq3A_587 : i1
          %convert_element_type3A_589 = arith.extui %or3A_588 : i1 to i32
          %cond3A_590 = arith.constant 0 : i32
          %cond3A_591 = arith.cmpi ne, %convert_element_type3A_589, %cond3A_590 : i32
          scf.if %cond3A_591 {
            %sub3A_602 = arith.constant 1 : i32
            %sub3A_603 = arith.subi %squeeze3A_583, %sub3A_602 : i32
            %mul3A_604 = arith.constant 16 : i32
            %mul3A_605 = arith.muli %scan3A_418, %mul3A_604 : i32
            %add3A_606 = arith.constant 14 : i32
            %add3A_607 = arith.addi %mul3A_605, %add3A_606 : i32
            %get3A_608 = arith.index_cast %sub3A_603 : i32 to index
            %get3A_609 = arith.constant 0 : index
            %get3A_610 = tpu.vector_load %arg9[%get3A_608, %get3A_609] {strides = array<i32>} : memref<2x64xf32, #tpu.memory_space<vmem>>, vector<16xf32>,
            %swap3A = arith.index_cast %select_n3A_201 : i32 to index
            %swap3A_611 = arith.index_cast %add3A_607 : i32 to index
            %swap3A_612 = arith.constant 0 : index
            %swap3A_613 = tpu.vector_load %arg7[%swap3A, %swap3A_611, %swap3A_612] {strides = array<i32>} : memref<6x128x64xf32, #tpu.memory_space<vmem>>, vector<16xf32>,
            tpu.vector_store %arg7[%swap3A, %swap3A_611, %swap3A_612], %get3A_610 {strides = array<i32>} : memref<6x128x64xf32, #tpu.memory_space<vmem>>, vector<16xf32>,
            %get3A_614 = arith.index_cast %sub3A_603 : i32 to index
            %get3A_615 = arith.constant 16 : index
            %get3A_616 = tpu.vector_load %arg9[%get3A_614, %get3A_615] {strides = array<i32>} : memref<2x64xf32, #tpu.memory_space<vmem>>, vector<16xf32>,
            %swap3A_617 = arith.index_cast %select_n3A_201 : i32 to index
            %swap3A_618 = arith.index_cast %add3A_607 : i32 to index
            %swap3A_619 = arith.constant 16 : index
            %swap3A_620 = tpu.vector_load %arg7[%swap3A_617, %swap3A_618, %swap3A_619] {strides = array<i32>} : memref<6x128x64xf32, #tpu.memory_space<vmem>>, vector<16xf32>,
            tpu.vector_store %arg7[%swap3A_617, %swap3A_618, %swap3A_619], %get3A_616 {strides = array<i32>} : memref<6x128x64xf32, #tpu.memory_space<vmem>>, vector<16xf32>,
            %get3A_621 = arith.index_cast %sub3A_603 : i32 to index
            %get3A_622 = arith.constant 32 : index
            %get3A_623 = tpu.vector_load %arg9[%get3A_621, %get3A_622] {strides = array<i32>} : memref<2x64xf32, #tpu.memory_space<vmem>>, vector<16xf32>,
            %swap3A_624 = arith.index_cast %select_n3A_201 : i32 to index
            %swap3A_625 = arith.index_cast %add3A_607 : i32 to index
            %swap3A_626 = arith.constant 32 : index
            %swap3A_627 = tpu.vector_load %arg7[%swap3A_624, %swap3A_625, %swap3A_626] {strides = array<i32>} : memref<6x128x64xf32, #tpu.memory_space<vmem>>, vector<16xf32>,
            tpu.vector_store %arg7[%swap3A_624, %swap3A_625, %swap3A_626], %get3A_623 {strides = array<i32>} : memref<6x128x64xf32, #tpu.memory_space<vmem>>, vector<16xf32>,
            %get3A_628 = arith.index_cast %sub3A_603 : i32 to index
            %get3A_629 = arith.constant 48 : index
            %get3A_630 = tpu.vector_load %arg9[%get3A_628, %get3A_629] {strides = array<i32>} : memref<2x64xf32, #tpu.memory_space<vmem>>, vector<16xf32>,
            %swap3A_631 = arith.index_cast %select_n3A_201 : i32 to index
            %swap3A_632 = arith.index_cast %add3A_607 : i32 to index
            %swap3A_633 = arith.constant 48 : index
            %swap3A_634 = tpu.vector_load %arg7[%swap3A_631, %swap3A_632, %swap3A_633] {strides = array<i32>} : memref<6x128x64xf32, #tpu.memory_space<vmem>>, vector<16xf32>,
            tpu.vector_store %arg7[%swap3A_631, %swap3A_632, %swap3A_633], %get3A_630 {strides = array<i32>} : memref<6x128x64xf32, #tpu.memory_space<vmem>>, vector<16xf32>,
          } else {
          }
          %slice3A_592 = vector.extract_strided_slice %get3A_426 {offsets = [15], sizes = [1], strides = [1]} : vector<16xi32> to vector<1xi32>
          %squeeze3A_593 = vector.extract %slice3A_592[0] : i32 from vector<1xi32>
          %eq3A_594 = arith.constant 1 : i32
          %eq3A_595 = arith.cmpi eq, %squeeze3A_593, %eq3A_594 : i32
          %eq3A_596 = arith.constant 2 : i32
          %eq3A_597 = arith.cmpi eq, %squeeze3A_593, %eq3A_596 : i32
          %or3A_598 = arith.ori %eq3A_595, %eq3A_597 : i1
          %convert_element_type3A_599 = arith.extui %or3A_598 : i1 to i32
          %cond3A_600 = arith.constant 0 : i32
          %cond3A_601 = arith.cmpi ne, %convert_element_type3A_599, %cond3A_600 : i32
          scf.if %cond3A_601 {
            %sub3A_602 = arith.constant 1 : i32
            %sub3A_603 = arith.subi %squeeze3A_593, %sub3A_602 : i32
            %mul3A_604 = arith.constant 16 : i32
            %mul3A_605 = arith.muli %scan3A_418, %mul3A_604 : i32
            %add3A_606 = arith.constant 15 : i32
            %add3A_607 = arith.addi %mul3A_605, %add3A_606 : i32
            %get3A_608 = arith.index_cast %sub3A_603 : i32 to index
            %get3A_609 = arith.constant 0 : index
            %get3A_610 = tpu.vector_load %arg9[%get3A_608, %get3A_609] {strides = array<i32>} : memref<2x64xf32, #tpu.memory_space<vmem>>, vector<16xf32>,
            %swap3A = arith.index_cast %select_n3A_201 : i32 to index
            %swap3A_611 = arith.index_cast %add3A_607 : i32 to index
            %swap3A_612 = arith.constant 0 : index
            %swap3A_613 = tpu.vector_load %arg7[%swap3A, %swap3A_611, %swap3A_612] {strides = array<i32>} : memref<6x128x64xf32, #tpu.memory_space<vmem>>, vector<16xf32>,
            tpu.vector_store %arg7[%swap3A, %swap3A_611, %swap3A_612], %get3A_610 {strides = array<i32>} : memref<6x128x64xf32, #tpu.memory_space<vmem>>, vector<16xf32>,
            %get3A_614 = arith.index_cast %sub3A_603 : i32 to index
            %get3A_615 = arith.constant 16 : index
            %get3A_616 = tpu.vector_load %arg9[%get3A_614, %get3A_615] {strides = array<i32>} : memref<2x64xf32, #tpu.memory_space<vmem>>, vector<16xf32>,
            %swap3A_617 = arith.index_cast %select_n3A_201 : i32 to index
            %swap3A_618 = arith.index_cast %add3A_607 : i32 to index
            %swap3A_619 = arith.constant 16 : index
            %swap3A_620 = tpu.vector_load %arg7[%swap3A_617, %swap3A_618, %swap3A_619] {strides = array<i32>} : memref<6x128x64xf32, #tpu.memory_space<vmem>>, vector<16xf32>,
            tpu.vector_store %arg7[%swap3A_617, %swap3A_618, %swap3A_619], %get3A_616 {strides = array<i32>} : memref<6x128x64xf32, #tpu.memory_space<vmem>>, vector<16xf32>,
            %get3A_621 = arith.index_cast %sub3A_603 : i32 to index
            %get3A_622 = arith.constant 32 : index
            %get3A_623 = tpu.vector_load %arg9[%get3A_621, %get3A_622] {strides = array<i32>} : memref<2x64xf32, #tpu.memory_space<vmem>>, vector<16xf32>,
            %swap3A_624 = arith.index_cast %select_n3A_201 : i32 to index
            %swap3A_625 = arith.index_cast %add3A_607 : i32 to index
            %swap3A_626 = arith.constant 32 : index
            %swap3A_627 = tpu.vector_load %arg7[%swap3A_624, %swap3A_625, %swap3A_626] {strides = array<i32>} : memref<6x128x64xf32, #tpu.memory_space<vmem>>, vector<16xf32>,
            tpu.vector_store %arg7[%swap3A_624, %swap3A_625, %swap3A_626], %get3A_623 {strides = array<i32>} : memref<6x128x64xf32, #tpu.memory_space<vmem>>, vector<16xf32>,
            %get3A_628 = arith.index_cast %sub3A_603 : i32 to index
            %get3A_629 = arith.constant 48 : index
            %get3A_630 = tpu.vector_load %arg9[%get3A_628, %get3A_629] {strides = array<i32>} : memref<2x64xf32, #tpu.memory_space<vmem>>, vector<16xf32>,
            %swap3A_631 = arith.index_cast %select_n3A_201 : i32 to index
            %swap3A_632 = arith.index_cast %add3A_607 : i32 to index
            %swap3A_633 = arith.constant 48 : index
            %swap3A_634 = tpu.vector_load %arg7[%swap3A_631, %swap3A_632, %swap3A_633] {strides = array<i32>} : memref<6x128x64xf32, #tpu.memory_space<vmem>>, vector<16xf32>,
            tpu.vector_store %arg7[%swap3A_631, %swap3A_632, %swap3A_633], %get3A_630 {strides = array<i32>} : memref<6x128x64xf32, #tpu.memory_space<vmem>>, vector<16xf32>,
          } else {
          }
        } else {
        }
      }
      %scan3A_308 = arith.constant 8 : i32
      %add3A_309 = arith.constant 6 : i32
      %add3A_310 = arith.addi %scan3A_191, %add3A_309 : i32
      %sub3A_311 = arith.constant 1 : i32
      %sub3A_312 = arith.subi %add3A_310, %sub3A_311 : i32
      %lt3A_313 = arith.constant 200 : i32
      %lt3A_314 = arith.cmpi slt, %sub3A_312, %lt3A_313 : i32
      %convert_element_type3A = arith.extui %lt3A_314 : i1 to i32
      %cond3A = arith.constant 0 : i32
      %cond3A_315 = arith.cmpi ne, %convert_element_type3A, %cond3A : i32
      scf.if %cond3A_315 {
        %add3A_349 = arith.constant 6 : i32
        %add3A_350 = arith.addi %scan3A_191, %add3A_349 : i32
        %sub3A_351 = arith.constant 1 : i32
        %sub3A_352 = arith.subi %add3A_350, %sub3A_351 : i32
        %jit3A_353 = arith.constant 4 : i32
        %div3A_354 = arith.divsi %sub3A_352, %jit3A_353 : i32
        %sign3A_355 = arith.constant 0 : i32
        %sign3A_356 = arith.cmpi sgt, %sub3A_352, %sign3A_355 : i32
        %sign3A_357 = arith.extui %sign3A_356 : i1 to i32
        %sign3A_358 = arith.constant 0 : i32
        %sign3A_359 = arith.cmpi slt, %sub3A_352, %sign3A_358 : i32
        %sign3A_360 = arith.extui %sign3A_359 : i1 to i32
        %sign3A_361 = arith.subi %sign3A_357, %sign3A_360 : i32
        %sign3A_362 = arith.constant 0 : i32
        %sign3A_363 = arith.cmpi sgt, %jit3A_353, %sign3A_362 : i32
        %sign3A_364 = arith.extui %sign3A_363 : i1 to i32
        %sign3A_365 = arith.constant 0 : i32
        %sign3A_366 = arith.cmpi slt, %jit3A_353, %sign3A_365 : i32
        %sign3A_367 = arith.extui %sign3A_366 : i1 to i32
        %sign3A_368 = arith.subi %sign3A_364, %sign3A_367 : i32
        %ne3A_369 = arith.cmpi ne, %sign3A_361, %sign3A_368 : i32
        %rem3A_370 = arith.remsi %sub3A_352, %jit3A_353 : i32
        %ne3A_371 = arith.constant 0 : i32
        %ne3A_372 = arith.cmpi ne, %rem3A_370, %ne3A_371 : i32
        %and3A_373 = arith.andi %ne3A_369, %ne3A_372 : i1
        %sub3A_374 = arith.constant 1 : i32
        %sub3A_375 = arith.subi %div3A_354, %sub3A_374 : i32
        %select_n3A_376 = arith.select %and3A_373, %sub3A_375, %div3A_354 : i32
        %jit3A_377 = arith.constant 4 : i32
        %eq3A_378 = arith.constant 0 : i32
        %eq3A_379 = arith.cmpi eq, %jit3A_377, %eq3A_378 : i32
        %jit3A_380 = arith.constant 1 : i32
        %select_n3A_381 = arith.select %eq3A_379, %jit3A_380, %jit3A_377 : i32
        %rem3A_382 = arith.remsi %sub3A_352, %select_n3A_381 : i32
        %ne3A_383 = arith.constant 0 : i32
        %ne3A_384 = arith.cmpi ne, %rem3A_382, %ne3A_383 : i32
        %lt3A_385 = arith.constant 0 : i32
        %lt3A_386 = arith.cmpi slt, %rem3A_382, %lt3A_385 : i32
        %lt3A_387 = arith.constant 0 : i32
        %lt3A_388 = arith.cmpi slt, %select_n3A_381, %lt3A_387 : i32
        %ne3A_389 = arith.xori %lt3A_386, %lt3A_388 : i1
        %and3A_390 = arith.andi %ne3A_389, %ne3A_384 : i1
        %add3A_391 = arith.addi %rem3A_382, %select_n3A_381 : i32
        %select_n3A_392 = arith.select %and3A_390, %add3A_391, %rem3A_382 : i32
        %mul3A_393 = arith.constant 128 : i32
        %mul3A_394 = arith.muli %select_n3A_392, %mul3A_393 : i32
        %jit3A_395 = arith.constant 6 : i32
        %eq3A_396 = arith.constant 0 : i32
        %eq3A_397 = arith.cmpi eq, %jit3A_395, %eq3A_396 : i32
        %jit3A_398 = arith.constant 1 : i32
        %select_n3A_399 = arith.select %eq3A_397, %jit3A_398, %jit3A_395 : i32
        %rem3A_400 = arith.remsi %sub3A_352, %select_n3A_399 : i32
        %ne3A_401 = arith.constant 0 : i32
        %ne3A_402 = arith.cmpi ne, %rem3A_400, %ne3A_401 : i32
        %lt3A_403 = arith.constant 0 : i32
        %lt3A_404 = arith.cmpi slt, %rem3A_400, %lt3A_403 : i32
        %lt3A_405 = arith.constant 0 : i32
        %lt3A_406 = arith.cmpi slt, %select_n3A_399, %lt3A_405 : i32
        %ne3A_407 = arith.xori %lt3A_404, %lt3A_406 : i1
        %and3A_408 = arith.andi %ne3A_407, %ne3A_402 : i1
        %add3A_409 = arith.addi %rem3A_400, %select_n3A_399 : i32
        %select_n3A_410 = arith.select %and3A_408, %add3A_409, %rem3A_400 : i32
        %jit3A_411 = arith.constant 6 : i32
        %eq3A_412 = arith.constant 0 : i32
        %eq3A_413 = arith.cmpi eq, %jit3A_411, %eq3A_412 : i32
        %jit3A_414 = arith.constant 1 : i32
        %select_n3A_415 = arith.select %eq3A_413, %jit3A_414, %jit3A_411 : i32
        %rem3A_416 = arith.remsi %sub3A_352, %select_n3A_415 : i32
        %ne3A_417 = arith.constant 0 : i32
        %ne3A_418 = arith.cmpi ne, %rem3A_416, %ne3A_417 : i32
        %lt3A_419 = arith.constant 0 : i32
        %lt3A_420 = arith.cmpi slt, %rem3A_416, %lt3A_419 : i32
        %lt3A_421 = arith.constant 0 : i32
        %lt3A_422 = arith.cmpi slt, %select_n3A_415, %lt3A_421 : i32
        %ne3A_423 = arith.xori %lt3A_420, %lt3A_422 : i1
        %and3A_424 = arith.andi %ne3A_423, %ne3A_418 : i1
        %add3A_425 = arith.addi %rem3A_416, %select_n3A_415 : i32
        %select_n3A_426 = arith.select %and3A_424, %add3A_425, %rem3A_416 : i32
        %dma_start3A_427 = arith.constant 0 : i32
        %dma_start3A_428 = arith.constant 0 : i32
        %dma_start3A_429 = tpu.memref_slice %arg7[%select_n3A_410, %dma_start3A_427, %dma_start3A_428] : memref<6x128x64xf32, #tpu.memory_space<vmem>> -> memref<1x128x64xf32, #tpu.memory_space<vmem>>
        %dma_start3A_430 = tpu.memref_squeeze %dma_start3A_429 : memref<1x128x64xf32, #tpu.memory_space<vmem>> -> memref<128x64xf32, #tpu.memory_space<vmem>>
        %dma_start3A_431 = arith.constant 0 : i32
        %dma_start3A_432 = tpu.memref_slice %arg6[%select_n3A_376, %dma_start3A_431] : memref<50x512xi32, #tpu.memory_space<vmem>> -> memref<1x512xi32, #tpu.memory_space<vmem>>
        %dma_start3A_433 = tpu.memref_squeeze %dma_start3A_432 : memref<1x512xi32, #tpu.memory_space<vmem>> -> memref<512xi32, #tpu.memory_space<vmem>>
        %dma_start3A_434 = tpu.memref_slice %dma_start3A_433[%mul3A_394] : memref<512xi32, #tpu.memory_space<vmem>> -> memref<128xi32, #tpu.memory_space<vmem>>
        %dma_start3A_435 = arith.constant 0 : i32
        %dma_start3A_436 = arith.constant 0 : i32
        %dma_start3A_437 = tpu.memref_slice %arg3[%dma_start3A_435, %dma_start3A_436] : memref<1000000x64xf32, #tpu.memory_space<hbm>> -> memref<1000000x64xf32, #tpu.memory_space<hbm>>
        %dma_start3A_438 = tpu.memref_slice %arg10[%select_n3A_426] : memref<6x!tpu.dma_semaphore, #tpu.memory_space<semaphore_mem>> -> memref<1x!tpu.dma_semaphore, #tpu.memory_space<semaphore_mem>>
        %dma_start3A_439 = tpu.memref_squeeze %dma_start3A_438 : memref<1x!tpu.dma_semaphore, #tpu.memory_space<semaphore_mem>> -> memref<!tpu.dma_semaphore, #tpu.memory_space<semaphore_mem>>
        tpu.enqueue_indirect_dma source(%dma_start3A_437 : memref<1000000x64xf32, #tpu.memory_space<hbm>>) target(%dma_start3A_430 : memref<128x64xf32, #tpu.memory_space<vmem>>) offsets(%dma_start3A_434 : memref<128xi32, #tpu.memory_space<vmem>>) semaphore(%dma_start3A_439 : memref<!tpu.dma_semaphore, #tpu.memory_space<semaphore_mem>>)
      } else {
      }
      %ge3A = arith.constant 2 : i32
      %ge3A_316 = arith.cmpi sge, %scan3A_191, %ge3A : i32
      %convert_element_type3A_317 = arith.extui %ge3A_316 : i1 to i32
      %cond3A_318 = arith.constant 0 : i32
      %cond3A_319 = arith.cmpi ne, %convert_element_type3A_317, %cond3A_318 : i32
      scf.if %cond3A_319 {
        %dma_wait3A_349 = arith.constant 0 : i32
        %dma_wait3A_350 = arith.constant 0 : i32
        %dma_wait3A_351 = arith.constant 0 : i32
        %dma_wait3A_352 = arith.constant 0 : i32
        %dma_wait3A_353 = arith.constant 0 : i32
        %dma_wait3A_354 = tpu.memref_slice %arg8[%select_n3A_217, %dma_wait3A_351, %dma_wait3A_352, %dma_wait3A_353] : memref<2x8x8x129xf32, #tpu.memory_space<vmem>> -> memref<1x8x8x128xf32, #tpu.memory_space<vmem>>
        %dma_wait3A_355 = tpu.memref_squeeze %dma_wait3A_354 : memref<1x8x8x128xf32, #tpu.memory_space<vmem>> -> memref<8x8x128xf32, #tpu.memory_space<vmem>>
        %dma_wait3A_356 = arith.constant 0 : i32
        %dma_wait3A_357 = arith.constant 0 : i32
        %dma_wait3A_358 = arith.constant 0 : i32
        %dma_wait3A_359 = tpu.memref_slice %arg5[%dma_wait3A_349, %dma_wait3A_356, %dma_wait3A_350, %dma_wait3A_357, %dma_wait3A_358] : memref<50x8x128x8x128xf32, #tpu.memory_space<hbm>> -> memref<1x8x1x8x128xf32, #tpu.memory_space<hbm>>
        %dma_wait3A_360 = tpu.memref_squeeze %dma_wait3A_359 : memref<1x8x1x8x128xf32, #tpu.memory_space<hbm>> -> memref<8x8x128xf32, #tpu.memory_space<hbm>>
        %dma_wait3A_361 = tpu.memref_slice %arg11[%select_n3A_217] : memref<2x!tpu.dma_semaphore, #tpu.memory_space<semaphore_mem>> -> memref<1x!tpu.dma_semaphore, #tpu.memory_space<semaphore_mem>>
        %dma_wait3A_362 = tpu.memref_squeeze %dma_wait3A_361 : memref<1x!tpu.dma_semaphore, #tpu.memory_space<semaphore_mem>> -> memref<!tpu.dma_semaphore, #tpu.memory_space<semaphore_mem>>
        %dma_wait3A_363 = arith.constant 0 : i32
        %dma_wait3A_364 = arith.constant 0 : i32
        %dma_wait3A_365 = arith.constant 0 : i32
        %dma_wait3A_366 = tpu.memref_slice %arg5[%dma_wait3A_349, %dma_wait3A_363, %dma_wait3A_350, %dma_wait3A_364, %dma_wait3A_365] : memref<50x8x128x8x128xf32, #tpu.memory_space<hbm>> -> memref<1x8x1x8x128xf32, #tpu.memory_space<hbm>>
        %dma_wait3A_367 = tpu.memref_squeeze %dma_wait3A_366 : memref<1x8x1x8x128xf32, #tpu.memory_space<hbm>> -> memref<8x8x128xf32, #tpu.memory_space<hbm>>
        %dma_wait3A_368 = arith.constant 0 : i32
        %dma_wait3A_369 = arith.constant 0 : i32
        %dma_wait3A_370 = arith.constant 0 : i32
        %dma_wait3A_371 = tpu.memref_slice %arg8[%select_n3A_217, %dma_wait3A_368, %dma_wait3A_369, %dma_wait3A_370] : memref<2x8x8x129xf32, #tpu.memory_space<vmem>> -> memref<1x8x8x128xf32, #tpu.memory_space<vmem>>
        %dma_wait3A_372 = tpu.memref_squeeze %dma_wait3A_371 : memref<1x8x8x128xf32, #tpu.memory_space<vmem>> -> memref<8x8x128xf32, #tpu.memory_space<vmem>>
        tpu.wait_dma2 semaphore(%dma_wait3A_362 : memref<!tpu.dma_semaphore, #tpu.memory_space<semaphore_mem>>) src(%dma_wait3A_372 : memref<8x8x128xf32, #tpu.memory_space<vmem>>) dst(%dma_wait3A_367 : memref<8x8x128xf32, #tpu.memory_space<hbm>>)
      } else {
      }
      %scan3A_320 = arith.constant 0 : i32
      %scan3A_321 = arith.constant 0 : i32
      %scan3A_322 = arith.constant 128 : i32
      %scan3A_323 = arith.addi %scan3A_321, %scan3A_322 : i32
      %scan3A_324 = arith.constant 8 : i32
      scf.for %scan3A_349 = %scan3A_321 to %scan3A_323 step %scan3A_324  : i32 {
        %broadcast_in_dim3A = vector.broadcast %scan3A_349 : i32 to vector<16xi32>
        %get3A = arith.index_cast %select_n3A_201 : i32 to index
        %get3A_350 = arith.index_cast %scan3A_349 : i32 to index
        %get3A_351 = arith.constant 0 : index
        %get3A_352 = tpu.vector_load %arg7[%get3A, %get3A_350, %get3A_351] {strides = array<i32>} : memref<6x128x64xf32, #tpu.memory_space<vmem>>, vector<16xf32>,
        %scatter3A = arith.constant 0 : i32
        %scatter3A_353 = arith.constant 0 : i32
        %scatter3A_354 = arith.constant 0 : i32
        %scatter3A_355 = tpu.memref_slice %arg8[%select_n3A_217, %scatter3A, %scatter3A_353, %scatter3A_354] : memref<2x8x8x129xf32, #tpu.memory_space<vmem>> -> memref<1x8x8x129xf32, #tpu.memory_space<vmem>>
        %scatter3A_356 = tpu.memref_squeeze %scatter3A_355 : memref<1x8x8x129xf32, #tpu.memory_space<vmem>> -> memref<8x8x129xf32, #tpu.memory_space<vmem>>
        tpu.vector_store_idx %scatter3A_356[%shift_right_arithmetic3A_9, %and3A_32, %broadcast_in_dim3A], %get3A_352 : memref<8x8x129xf32, #tpu.memory_space<vmem>>[vector<16xi32>, vector<16xi32>, vector<16xi32>], vector<16xf32>,
        %get3A_357 = arith.index_cast %select_n3A_201 : i32 to index
        %get3A_358 = arith.index_cast %scan3A_349 : i32 to index
        %get3A_359 = arith.constant 16 : index
        %get3A_360 = tpu.vector_load %arg7[%get3A_357, %get3A_358, %get3A_359] {strides = array<i32>} : memref<6x128x64xf32, #tpu.memory_space<vmem>>, vector<16xf32>,
        %scatter3A_361 = arith.constant 0 : i32
        %scatter3A_362 = arith.constant 0 : i32
        %scatter3A_363 = arith.constant 0 : i32
        %scatter3A_364 = tpu.memref_slice %arg8[%select_n3A_217, %scatter3A_361, %scatter3A_362, %scatter3A_363] : memref<2x8x8x129xf32, #tpu.memory_space<vmem>> -> memref<1x8x8x129xf32, #tpu.memory_space<vmem>>
        %scatter3A_365 = tpu.memref_squeeze %scatter3A_364 : memref<1x8x8x129xf32, #tpu.memory_space<vmem>> -> memref<8x8x129xf32, #tpu.memory_space<vmem>>
        tpu.vector_store_idx %scatter3A_365[%shift_right_arithmetic3A_15, %and3A_38, %broadcast_in_dim3A], %get3A_360 : memref<8x8x129xf32, #tpu.memory_space<vmem>>[vector<16xi32>, vector<16xi32>, vector<16xi32>], vector<16xf32>,
        %get3A_366 = arith.index_cast %select_n3A_201 : i32 to index
        %get3A_367 = arith.index_cast %scan3A_349 : i32 to index
        %get3A_368 = arith.constant 32 : index
        %get3A_369 = tpu.vector_load %arg7[%get3A_366, %get3A_367, %get3A_368] {strides = array<i32>} : memref<6x128x64xf32, #tpu.memory_space<vmem>>, vector<16xf32>,
        %scatter3A_370 = arith.constant 0 : i32
        %scatter3A_371 = arith.constant 0 : i32
        %scatter3A_372 = arith.constant 0 : i32
        %scatter3A_373 = tpu.memref_slice %arg8[%select_n3A_217, %scatter3A_370, %scatter3A_371, %scatter3A_372] : memref<2x8x8x129xf32, #tpu.memory_space<vmem>> -> memref<1x8x8x129xf32, #tpu.memory_space<vmem>>
        %scatter3A_374 = tpu.memref_squeeze %scatter3A_373 : memref<1x8x8x129xf32, #tpu.memory_space<vmem>> -> memref<8x8x129xf32, #tpu.memory_space<vmem>>
        tpu.vector_store_idx %scatter3A_374[%shift_right_arithmetic3A_21, %and3A_44, %broadcast_in_dim3A], %get3A_369 : memref<8x8x129xf32, #tpu.memory_space<vmem>>[vector<16xi32>, vector<16xi32>, vector<16xi32>], vector<16xf32>,
        %get3A_375 = arith.index_cast %select_n3A_201 : i32 to index
        %get3A_376 = arith.index_cast %scan3A_349 : i32 to index
        %get3A_377 = arith.constant 48 : index
        %get3A_378 = tpu.vector_load %arg7[%get3A_375, %get3A_376, %get3A_377] {strides = array<i32>} : memref<6x128x64xf32, #tpu.memory_space<vmem>>, vector<16xf32>,
        %scatter3A_379 = arith.constant 0 : i32
        %scatter3A_380 = arith.constant 0 : i32
        %scatter3A_381 = arith.constant 0 : i32
        %scatter3A_382 = tpu.memref_slice %arg8[%select_n3A_217, %scatter3A_379, %scatter3A_380, %scatter3A_381] : memref<2x8x8x129xf32, #tpu.memory_space<vmem>> -> memref<1x8x8x129xf32, #tpu.memory_space<vmem>>
        %scatter3A_383 = tpu.memref_squeeze %scatter3A_382 : memref<1x8x8x129xf32, #tpu.memory_space<vmem>> -> memref<8x8x129xf32, #tpu.memory_space<vmem>>
        tpu.vector_store_idx %scatter3A_383[%shift_right_arithmetic3A_27, %and3A_50, %broadcast_in_dim3A], %get3A_378 : memref<8x8x129xf32, #tpu.memory_space<vmem>>[vector<16xi32>, vector<16xi32>, vector<16xi32>], vector<16xf32>,
        %scan3A_384 = arith.constant 1 : i32
        %scan3A_385 = arith.addi %scan3A_349, %scan3A_384 : i32
        %broadcast_in_dim3A_386 = vector.broadcast %scan3A_385 : i32 to vector<16xi32>
        %get3A_387 = arith.index_cast %select_n3A_201 : i32 to index
        %get3A_388 = arith.index_cast %scan3A_385 : i32 to index
        %get3A_389 = arith.constant 0 : index
        %get3A_390 = tpu.vector_load %arg7[%get3A_387, %get3A_388, %get3A_389] {strides = array<i32>} : memref<6x128x64xf32, #tpu.memory_space<vmem>>, vector<16xf32>,
        %scatter3A_391 = arith.constant 0 : i32
        %scatter3A_392 = arith.constant 0 : i32
        %scatter3A_393 = arith.constant 0 : i32
        %scatter3A_394 = tpu.memref_slice %arg8[%select_n3A_217, %scatter3A_391, %scatter3A_392, %scatter3A_393] : memref<2x8x8x129xf32, #tpu.memory_space<vmem>> -> memref<1x8x8x129xf32, #tpu.memory_space<vmem>>
        %scatter3A_395 = tpu.memref_squeeze %scatter3A_394 : memref<1x8x8x129xf32, #tpu.memory_space<vmem>> -> memref<8x8x129xf32, #tpu.memory_space<vmem>>
        tpu.vector_store_idx %scatter3A_395[%shift_right_arithmetic3A_9, %and3A_32, %broadcast_in_dim3A_386], %get3A_390 : memref<8x8x129xf32, #tpu.memory_space<vmem>>[vector<16xi32>, vector<16xi32>, vector<16xi32>], vector<16xf32>,
        %get3A_396 = arith.index_cast %select_n3A_201 : i32 to index
        %get3A_397 = arith.index_cast %scan3A_385 : i32 to index
        %get3A_398 = arith.constant 16 : index
        %get3A_399 = tpu.vector_load %arg7[%get3A_396, %get3A_397, %get3A_398] {strides = array<i32>} : memref<6x128x64xf32, #tpu.memory_space<vmem>>, vector<16xf32>,
        %scatter3A_400 = arith.constant 0 : i32
        %scatter3A_401 = arith.constant 0 : i32
        %scatter3A_402 = arith.constant 0 : i32
        %scatter3A_403 = tpu.memref_slice %arg8[%select_n3A_217, %scatter3A_400, %scatter3A_401, %scatter3A_402] : memref<2x8x8x129xf32, #tpu.memory_space<vmem>> -> memref<1x8x8x129xf32, #tpu.memory_space<vmem>>
        %scatter3A_404 = tpu.memref_squeeze %scatter3A_403 : memref<1x8x8x129xf32, #tpu.memory_space<vmem>> -> memref<8x8x129xf32, #tpu.memory_space<vmem>>
        tpu.vector_store_idx %scatter3A_404[%shift_right_arithmetic3A_15, %and3A_38, %broadcast_in_dim3A_386], %get3A_399 : memref<8x8x129xf32, #tpu.memory_space<vmem>>[vector<16xi32>, vector<16xi32>, vector<16xi32>], vector<16xf32>,
        %get3A_405 = arith.index_cast %select_n3A_201 : i32 to index
        %get3A_406 = arith.index_cast %scan3A_385 : i32 to index
        %get3A_407 = arith.constant 32 : index
        %get3A_408 = tpu.vector_load %arg7[%get3A_405, %get3A_406, %get3A_407] {strides = array<i32>} : memref<6x128x64xf32, #tpu.memory_space<vmem>>, vector<16xf32>,
        %scatter3A_409 = arith.constant 0 : i32
        %scatter3A_410 = arith.constant 0 : i32
        %scatter3A_411 = arith.constant 0 : i32
        %scatter3A_412 = tpu.memref_slice %arg8[%select_n3A_217, %scatter3A_409, %scatter3A_410, %scatter3A_411] : memref<2x8x8x129xf32, #tpu.memory_space<vmem>> -> memref<1x8x8x129xf32, #tpu.memory_space<vmem>>
        %scatter3A_413 = tpu.memref_squeeze %scatter3A_412 : memref<1x8x8x129xf32, #tpu.memory_space<vmem>> -> memref<8x8x129xf32, #tpu.memory_space<vmem>>
        tpu.vector_store_idx %scatter3A_413[%shift_right_arithmetic3A_21, %and3A_44, %broadcast_in_dim3A_386], %get3A_408 : memref<8x8x129xf32, #tpu.memory_space<vmem>>[vector<16xi32>, vector<16xi32>, vector<16xi32>], vector<16xf32>,
        %get3A_414 = arith.index_cast %select_n3A_201 : i32 to index
        %get3A_415 = arith.index_cast %scan3A_385 : i32 to index
        %get3A_416 = arith.constant 48 : index
        %get3A_417 = tpu.vector_load %arg7[%get3A_414, %get3A_415, %get3A_416] {strides = array<i32>} : memref<6x128x64xf32, #tpu.memory_space<vmem>>, vector<16xf32>,
        %scatter3A_418 = arith.constant 0 : i32
        %scatter3A_419 = arith.constant 0 : i32
        %scatter3A_420 = arith.constant 0 : i32
        %scatter3A_421 = tpu.memref_slice %arg8[%select_n3A_217, %scatter3A_418, %scatter3A_419, %scatter3A_420] : memref<2x8x8x129xf32, #tpu.memory_space<vmem>> -> memref<1x8x8x129xf32, #tpu.memory_space<vmem>>
        %scatter3A_422 = tpu.memref_squeeze %scatter3A_421 : memref<1x8x8x129xf32, #tpu.memory_space<vmem>> -> memref<8x8x129xf32, #tpu.memory_space<vmem>>
        tpu.vector_store_idx %scatter3A_422[%shift_right_arithmetic3A_27, %and3A_50, %broadcast_in_dim3A_386], %get3A_417 : memref<8x8x129xf32, #tpu.memory_space<vmem>>[vector<16xi32>, vector<16xi32>, vector<16xi32>], vector<16xf32>,
        %scan3A_423 = arith.constant 2 : i32
        %scan3A_424 = arith.addi %scan3A_349, %scan3A_423 : i32
        %broadcast_in_dim3A_425 = vector.broadcast %scan3A_424 : i32 to vector<16xi32>
        %get3A_426 = arith.index_cast %select_n3A_201 : i32 to index
        %get3A_427 = arith.index_cast %scan3A_424 : i32 to index
        %get3A_428 = arith.constant 0 : index
        %get3A_429 = tpu.vector_load %arg7[%get3A_426, %get3A_427, %get3A_428] {strides = array<i32>} : memref<6x128x64xf32, #tpu.memory_space<vmem>>, vector<16xf32>,
        %scatter3A_430 = arith.constant 0 : i32
        %scatter3A_431 = arith.constant 0 : i32
        %scatter3A_432 = arith.constant 0 : i32
        %scatter3A_433 = tpu.memref_slice %arg8[%select_n3A_217, %scatter3A_430, %scatter3A_431, %scatter3A_432] : memref<2x8x8x129xf32, #tpu.memory_space<vmem>> -> memref<1x8x8x129xf32, #tpu.memory_space<vmem>>
        %scatter3A_434 = tpu.memref_squeeze %scatter3A_433 : memref<1x8x8x129xf32, #tpu.memory_space<vmem>> -> memref<8x8x129xf32, #tpu.memory_space<vmem>>
        tpu.vector_store_idx %scatter3A_434[%shift_right_arithmetic3A_9, %and3A_32, %broadcast_in_dim3A_425], %get3A_429 : memref<8x8x129xf32, #tpu.memory_space<vmem>>[vector<16xi32>, vector<16xi32>, vector<16xi32>], vector<16xf32>,
        %get3A_435 = arith.index_cast %select_n3A_201 : i32 to index
        %get3A_436 = arith.index_cast %scan3A_424 : i32 to index
        %get3A_437 = arith.constant 16 : index
        %get3A_438 = tpu.vector_load %arg7[%get3A_435, %get3A_436, %get3A_437] {strides = array<i32>} : memref<6x128x64xf32, #tpu.memory_space<vmem>>, vector<16xf32>,
        %scatter3A_439 = arith.constant 0 : i32
        %scatter3A_440 = arith.constant 0 : i32
        %scatter3A_441 = arith.constant 0 : i32
        %scatter3A_442 = tpu.memref_slice %arg8[%select_n3A_217, %scatter3A_439, %scatter3A_440, %scatter3A_441] : memref<2x8x8x129xf32, #tpu.memory_space<vmem>> -> memref<1x8x8x129xf32, #tpu.memory_space<vmem>>
        %scatter3A_443 = tpu.memref_squeeze %scatter3A_442 : memref<1x8x8x129xf32, #tpu.memory_space<vmem>> -> memref<8x8x129xf32, #tpu.memory_space<vmem>>
        tpu.vector_store_idx %scatter3A_443[%shift_right_arithmetic3A_15, %and3A_38, %broadcast_in_dim3A_425], %get3A_438 : memref<8x8x129xf32, #tpu.memory_space<vmem>>[vector<16xi32>, vector<16xi32>, vector<16xi32>], vector<16xf32>,
        %get3A_444 = arith.index_cast %select_n3A_201 : i32 to index
        %get3A_445 = arith.index_cast %scan3A_424 : i32 to index
        %get3A_446 = arith.constant 32 : index
        %get3A_447 = tpu.vector_load %arg7[%get3A_444, %get3A_445, %get3A_446] {strides = array<i32>} : memref<6x128x64xf32, #tpu.memory_space<vmem>>, vector<16xf32>,
        %scatter3A_448 = arith.constant 0 : i32
        %scatter3A_449 = arith.constant 0 : i32
        %scatter3A_450 = arith.constant 0 : i32
        %scatter3A_451 = tpu.memref_slice %arg8[%select_n3A_217, %scatter3A_448, %scatter3A_449, %scatter3A_450] : memref<2x8x8x129xf32, #tpu.memory_space<vmem>> -> memref<1x8x8x129xf32, #tpu.memory_space<vmem>>
        %scatter3A_452 = tpu.memref_squeeze %scatter3A_451 : memref<1x8x8x129xf32, #tpu.memory_space<vmem>> -> memref<8x8x129xf32, #tpu.memory_space<vmem>>
        tpu.vector_store_idx %scatter3A_452[%shift_right_arithmetic3A_21, %and3A_44, %broadcast_in_dim3A_425], %get3A_447 : memref<8x8x129xf32, #tpu.memory_space<vmem>>[vector<16xi32>, vector<16xi32>, vector<16xi32>], vector<16xf32>,
        %get3A_453 = arith.index_cast %select_n3A_201 : i32 to index
        %get3A_454 = arith.index_cast %scan3A_424 : i32 to index
        %get3A_455 = arith.constant 48 : index
        %get3A_456 = tpu.vector_load %arg7[%get3A_453, %get3A_454, %get3A_455] {strides = array<i32>} : memref<6x128x64xf32, #tpu.memory_space<vmem>>, vector<16xf32>,
        %scatter3A_457 = arith.constant 0 : i32
        %scatter3A_458 = arith.constant 0 : i32
        %scatter3A_459 = arith.constant 0 : i32
        %scatter3A_460 = tpu.memref_slice %arg8[%select_n3A_217, %scatter3A_457, %scatter3A_458, %scatter3A_459] : memref<2x8x8x129xf32, #tpu.memory_space<vmem>> -> memref<1x8x8x129xf32, #tpu.memory_space<vmem>>
        %scatter3A_461 = tpu.memref_squeeze %scatter3A_460 : memref<1x8x8x129xf32, #tpu.memory_space<vmem>> -> memref<8x8x129xf32, #tpu.memory_space<vmem>>
        tpu.vector_store_idx %scatter3A_461[%shift_right_arithmetic3A_27, %and3A_50, %broadcast_in_dim3A_425], %get3A_456 : memref<8x8x129xf32, #tpu.memory_space<vmem>>[vector<16xi32>, vector<16xi32>, vector<16xi32>], vector<16xf32>,
        %scan3A_462 = arith.constant 3 : i32
        %scan3A_463 = arith.addi %scan3A_349, %scan3A_462 : i32
        %broadcast_in_dim3A_464 = vector.broadcast %scan3A_463 : i32 to vector<16xi32>
        %get3A_465 = arith.index_cast %select_n3A_201 : i32 to index
        %get3A_466 = arith.index_cast %scan3A_463 : i32 to index
        %get3A_467 = arith.constant 0 : index
        %get3A_468 = tpu.vector_load %arg7[%get3A_465, %get3A_466, %get3A_467] {strides = array<i32>} : memref<6x128x64xf32, #tpu.memory_space<vmem>>, vector<16xf32>,
        %scatter3A_469 = arith.constant 0 : i32
        %scatter3A_470 = arith.constant 0 : i32
        %scatter3A_471 = arith.constant 0 : i32
        %scatter3A_472 = tpu.memref_slice %arg8[%select_n3A_217, %scatter3A_469, %scatter3A_470, %scatter3A_471] : memref<2x8x8x129xf32, #tpu.memory_space<vmem>> -> memref<1x8x8x129xf32, #tpu.memory_space<vmem>>
        %scatter3A_473 = tpu.memref_squeeze %scatter3A_472 : memref<1x8x8x129xf32, #tpu.memory_space<vmem>> -> memref<8x8x129xf32, #tpu.memory_space<vmem>>
        tpu.vector_store_idx %scatter3A_473[%shift_right_arithmetic3A_9, %and3A_32, %broadcast_in_dim3A_464], %get3A_468 : memref<8x8x129xf32, #tpu.memory_space<vmem>>[vector<16xi32>, vector<16xi32>, vector<16xi32>], vector<16xf32>,
        %get3A_474 = arith.index_cast %select_n3A_201 : i32 to index
        %get3A_475 = arith.index_cast %scan3A_463 : i32 to index
        %get3A_476 = arith.constant 16 : index
        %get3A_477 = tpu.vector_load %arg7[%get3A_474, %get3A_475, %get3A_476] {strides = array<i32>} : memref<6x128x64xf32, #tpu.memory_space<vmem>>, vector<16xf32>,
        %scatter3A_478 = arith.constant 0 : i32
        %scatter3A_479 = arith.constant 0 : i32
        %scatter3A_480 = arith.constant 0 : i32
        %scatter3A_481 = tpu.memref_slice %arg8[%select_n3A_217, %scatter3A_478, %scatter3A_479, %scatter3A_480] : memref<2x8x8x129xf32, #tpu.memory_space<vmem>> -> memref<1x8x8x129xf32, #tpu.memory_space<vmem>>
        %scatter3A_482 = tpu.memref_squeeze %scatter3A_481 : memref<1x8x8x129xf32, #tpu.memory_space<vmem>> -> memref<8x8x129xf32, #tpu.memory_space<vmem>>
        tpu.vector_store_idx %scatter3A_482[%shift_right_arithmetic3A_15, %and3A_38, %broadcast_in_dim3A_464], %get3A_477 : memref<8x8x129xf32, #tpu.memory_space<vmem>>[vector<16xi32>, vector<16xi32>, vector<16xi32>], vector<16xf32>,
        %get3A_483 = arith.index_cast %select_n3A_201 : i32 to index
        %get3A_484 = arith.index_cast %scan3A_463 : i32 to index
        %get3A_485 = arith.constant 32 : index
        %get3A_486 = tpu.vector_load %arg7[%get3A_483, %get3A_484, %get3A_485] {strides = array<i32>} : memref<6x128x64xf32, #tpu.memory_space<vmem>>, vector<16xf32>,
        %scatter3A_487 = arith.constant 0 : i32
        %scatter3A_488 = arith.constant 0 : i32
        %scatter3A_489 = arith.constant 0 : i32
        %scatter3A_490 = tpu.memref_slice %arg8[%select_n3A_217, %scatter3A_487, %scatter3A_488, %scatter3A_489] : memref<2x8x8x129xf32, #tpu.memory_space<vmem>> -> memref<1x8x8x129xf32, #tpu.memory_space<vmem>>
        %scatter3A_491 = tpu.memref_squeeze %scatter3A_490 : memref<1x8x8x129xf32, #tpu.memory_space<vmem>> -> memref<8x8x129xf32, #tpu.memory_space<vmem>>
        tpu.vector_store_idx %scatter3A_491[%shift_right_arithmetic3A_21, %and3A_44, %broadcast_in_dim3A_464], %get3A_486 : memref<8x8x129xf32, #tpu.memory_space<vmem>>[vector<16xi32>, vector<16xi32>, vector<16xi32>], vector<16xf32>,
        %get3A_492 = arith.index_cast %select_n3A_201 : i32 to index
        %get3A_493 = arith.index_cast %scan3A_463 : i32 to index
        %get3A_494 = arith.constant 48 : index
        %get3A_495 = tpu.vector_load %arg7[%get3A_492, %get3A_493, %get3A_494] {strides = array<i32>} : memref<6x128x64xf32, #tpu.memory_space<vmem>>, vector<16xf32>,
        %scatter3A_496 = arith.constant 0 : i32
        %scatter3A_497 = arith.constant 0 : i32
        %scatter3A_498 = arith.constant 0 : i32
        %scatter3A_499 = tpu.memref_slice %arg8[%select_n3A_217, %scatter3A_496, %scatter3A_497, %scatter3A_498] : memref<2x8x8x129xf32, #tpu.memory_space<vmem>> -> memref<1x8x8x129xf32, #tpu.memory_space<vmem>>
        %scatter3A_500 = tpu.memref_squeeze %scatter3A_499 : memref<1x8x8x129xf32, #tpu.memory_space<vmem>> -> memref<8x8x129xf32, #tpu.memory_space<vmem>>
        tpu.vector_store_idx %scatter3A_500[%shift_right_arithmetic3A_27, %and3A_50, %broadcast_in_dim3A_464], %get3A_495 : memref<8x8x129xf32, #tpu.memory_space<vmem>>[vector<16xi32>, vector<16xi32>, vector<16xi32>], vector<16xf32>,
        %scan3A_501 = arith.constant 4 : i32
        %scan3A_502 = arith.addi %scan3A_349, %scan3A_501 : i32
        %broadcast_in_dim3A_503 = vector.broadcast %scan3A_502 : i32 to vector<16xi32>
        %get3A_504 = arith.index_cast %select_n3A_201 : i32 to index
        %get3A_505 = arith.index_cast %scan3A_502 : i32 to index
        %get3A_506 = arith.constant 0 : index
        %get3A_507 = tpu.vector_load %arg7[%get3A_504, %get3A_505, %get3A_506] {strides = array<i32>} : memref<6x128x64xf32, #tpu.memory_space<vmem>>, vector<16xf32>,
        %scatter3A_508 = arith.constant 0 : i32
        %scatter3A_509 = arith.constant 0 : i32
        %scatter3A_510 = arith.constant 0 : i32
        %scatter3A_511 = tpu.memref_slice %arg8[%select_n3A_217, %scatter3A_508, %scatter3A_509, %scatter3A_510] : memref<2x8x8x129xf32, #tpu.memory_space<vmem>> -> memref<1x8x8x129xf32, #tpu.memory_space<vmem>>
        %scatter3A_512 = tpu.memref_squeeze %scatter3A_511 : memref<1x8x8x129xf32, #tpu.memory_space<vmem>> -> memref<8x8x129xf32, #tpu.memory_space<vmem>>
        tpu.vector_store_idx %scatter3A_512[%shift_right_arithmetic3A_9, %and3A_32, %broadcast_in_dim3A_503], %get3A_507 : memref<8x8x129xf32, #tpu.memory_space<vmem>>[vector<16xi32>, vector<16xi32>, vector<16xi32>], vector<16xf32>,
        %get3A_513 = arith.index_cast %select_n3A_201 : i32 to index
        %get3A_514 = arith.index_cast %scan3A_502 : i32 to index
        %get3A_515 = arith.constant 16 : index
        %get3A_516 = tpu.vector_load %arg7[%get3A_513, %get3A_514, %get3A_515] {strides = array<i32>} : memref<6x128x64xf32, #tpu.memory_space<vmem>>, vector<16xf32>,
        %scatter3A_517 = arith.constant 0 : i32
        %scatter3A_518 = arith.constant 0 : i32
        %scatter3A_519 = arith.constant 0 : i32
        %scatter3A_520 = tpu.memref_slice %arg8[%select_n3A_217, %scatter3A_517, %scatter3A_518, %scatter3A_519] : memref<2x8x8x129xf32, #tpu.memory_space<vmem>> -> memref<1x8x8x129xf32, #tpu.memory_space<vmem>>
        %scatter3A_521 = tpu.memref_squeeze %scatter3A_520 : memref<1x8x8x129xf32, #tpu.memory_space<vmem>> -> memref<8x8x129xf32, #tpu.memory_space<vmem>>
        tpu.vector_store_idx %scatter3A_521[%shift_right_arithmetic3A_15, %and3A_38, %broadcast_in_dim3A_503], %get3A_516 : memref<8x8x129xf32, #tpu.memory_space<vmem>>[vector<16xi32>, vector<16xi32>, vector<16xi32>], vector<16xf32>,
        %get3A_522 = arith.index_cast %select_n3A_201 : i32 to index
        %get3A_523 = arith.index_cast %scan3A_502 : i32 to index
        %get3A_524 = arith.constant 32 : index
        %get3A_525 = tpu.vector_load %arg7[%get3A_522, %get3A_523, %get3A_524] {strides = array<i32>} : memref<6x128x64xf32, #tpu.memory_space<vmem>>, vector<16xf32>,
        %scatter3A_526 = arith.constant 0 : i32
        %scatter3A_527 = arith.constant 0 : i32
        %scatter3A_528 = arith.constant 0 : i32
        %scatter3A_529 = tpu.memref_slice %arg8[%select_n3A_217, %scatter3A_526, %scatter3A_527, %scatter3A_528] : memref<2x8x8x129xf32, #tpu.memory_space<vmem>> -> memref<1x8x8x129xf32, #tpu.memory_space<vmem>>
        %scatter3A_530 = tpu.memref_squeeze %scatter3A_529 : memref<1x8x8x129xf32, #tpu.memory_space<vmem>> -> memref<8x8x129xf32, #tpu.memory_space<vmem>>
        tpu.vector_store_idx %scatter3A_530[%shift_right_arithmetic3A_21, %and3A_44, %broadcast_in_dim3A_503], %get3A_525 : memref<8x8x129xf32, #tpu.memory_space<vmem>>[vector<16xi32>, vector<16xi32>, vector<16xi32>], vector<16xf32>,
        %get3A_531 = arith.index_cast %select_n3A_201 : i32 to index
        %get3A_532 = arith.index_cast %scan3A_502 : i32 to index
        %get3A_533 = arith.constant 48 : index
        %get3A_534 = tpu.vector_load %arg7[%get3A_531, %get3A_532, %get3A_533] {strides = array<i32>} : memref<6x128x64xf32, #tpu.memory_space<vmem>>, vector<16xf32>,
        %scatter3A_535 = arith.constant 0 : i32
        %scatter3A_536 = arith.constant 0 : i32
        %scatter3A_537 = arith.constant 0 : i32
        %scatter3A_538 = tpu.memref_slice %arg8[%select_n3A_217, %scatter3A_535, %scatter3A_536, %scatter3A_537] : memref<2x8x8x129xf32, #tpu.memory_space<vmem>> -> memref<1x8x8x129xf32, #tpu.memory_space<vmem>>
        %scatter3A_539 = tpu.memref_squeeze %scatter3A_538 : memref<1x8x8x129xf32, #tpu.memory_space<vmem>> -> memref<8x8x129xf32, #tpu.memory_space<vmem>>
        tpu.vector_store_idx %scatter3A_539[%shift_right_arithmetic3A_27, %and3A_50, %broadcast_in_dim3A_503], %get3A_534 : memref<8x8x129xf32, #tpu.memory_space<vmem>>[vector<16xi32>, vector<16xi32>, vector<16xi32>], vector<16xf32>,
        %scan3A_540 = arith.constant 5 : i32
        %scan3A_541 = arith.addi %scan3A_349, %scan3A_540 : i32
        %broadcast_in_dim3A_542 = vector.broadcast %scan3A_541 : i32 to vector<16xi32>
        %get3A_543 = arith.index_cast %select_n3A_201 : i32 to index
        %get3A_544 = arith.index_cast %scan3A_541 : i32 to index
        %get3A_545 = arith.constant 0 : index
        %get3A_546 = tpu.vector_load %arg7[%get3A_543, %get3A_544, %get3A_545] {strides = array<i32>} : memref<6x128x64xf32, #tpu.memory_space<vmem>>, vector<16xf32>,
        %scatter3A_547 = arith.constant 0 : i32
        %scatter3A_548 = arith.constant 0 : i32
        %scatter3A_549 = arith.constant 0 : i32
        %scatter3A_550 = tpu.memref_slice %arg8[%select_n3A_217, %scatter3A_547, %scatter3A_548, %scatter3A_549] : memref<2x8x8x129xf32, #tpu.memory_space<vmem>> -> memref<1x8x8x129xf32, #tpu.memory_space<vmem>>
        %scatter3A_551 = tpu.memref_squeeze %scatter3A_550 : memref<1x8x8x129xf32, #tpu.memory_space<vmem>> -> memref<8x8x129xf32, #tpu.memory_space<vmem>>
        tpu.vector_store_idx %scatter3A_551[%shift_right_arithmetic3A_9, %and3A_32, %broadcast_in_dim3A_542], %get3A_546 : memref<8x8x129xf32, #tpu.memory_space<vmem>>[vector<16xi32>, vector<16xi32>, vector<16xi32>], vector<16xf32>,
        %get3A_552 = arith.index_cast %select_n3A_201 : i32 to index
        %get3A_553 = arith.index_cast %scan3A_541 : i32 to index
        %get3A_554 = arith.constant 16 : index
        %get3A_555 = tpu.vector_load %arg7[%get3A_552, %get3A_553, %get3A_554] {strides = array<i32>} : memref<6x128x64xf32, #tpu.memory_space<vmem>>, vector<16xf32>,
        %scatter3A_556 = arith.constant 0 : i32
        %scatter3A_557 = arith.constant 0 : i32
        %scatter3A_558 = arith.constant 0 : i32
        %scatter3A_559 = tpu.memref_slice %arg8[%select_n3A_217, %scatter3A_556, %scatter3A_557, %scatter3A_558] : memref<2x8x8x129xf32, #tpu.memory_space<vmem>> -> memref<1x8x8x129xf32, #tpu.memory_space<vmem>>
        %scatter3A_560 = tpu.memref_squeeze %scatter3A_559 : memref<1x8x8x129xf32, #tpu.memory_space<vmem>> -> memref<8x8x129xf32, #tpu.memory_space<vmem>>
        tpu.vector_store_idx %scatter3A_560[%shift_right_arithmetic3A_15, %and3A_38, %broadcast_in_dim3A_542], %get3A_555 : memref<8x8x129xf32, #tpu.memory_space<vmem>>[vector<16xi32>, vector<16xi32>, vector<16xi32>], vector<16xf32>,
        %get3A_561 = arith.index_cast %select_n3A_201 : i32 to index
        %get3A_562 = arith.index_cast %scan3A_541 : i32 to index
        %get3A_563 = arith.constant 32 : index
        %get3A_564 = tpu.vector_load %arg7[%get3A_561, %get3A_562, %get3A_563] {strides = array<i32>} : memref<6x128x64xf32, #tpu.memory_space<vmem>>, vector<16xf32>,
        %scatter3A_565 = arith.constant 0 : i32
        %scatter3A_566 = arith.constant 0 : i32
        %scatter3A_567 = arith.constant 0 : i32
        %scatter3A_568 = tpu.memref_slice %arg8[%select_n3A_217, %scatter3A_565, %scatter3A_566, %scatter3A_567] : memref<2x8x8x129xf32, #tpu.memory_space<vmem>> -> memref<1x8x8x129xf32, #tpu.memory_space<vmem>>
        %scatter3A_569 = tpu.memref_squeeze %scatter3A_568 : memref<1x8x8x129xf32, #tpu.memory_space<vmem>> -> memref<8x8x129xf32, #tpu.memory_space<vmem>>
        tpu.vector_store_idx %scatter3A_569[%shift_right_arithmetic3A_21, %and3A_44, %broadcast_in_dim3A_542], %get3A_564 : memref<8x8x129xf32, #tpu.memory_space<vmem>>[vector<16xi32>, vector<16xi32>, vector<16xi32>], vector<16xf32>,
        %get3A_570 = arith.index_cast %select_n3A_201 : i32 to index
        %get3A_571 = arith.index_cast %scan3A_541 : i32 to index
        %get3A_572 = arith.constant 48 : index
        %get3A_573 = tpu.vector_load %arg7[%get3A_570, %get3A_571, %get3A_572] {strides = array<i32>} : memref<6x128x64xf32, #tpu.memory_space<vmem>>, vector<16xf32>,
        %scatter3A_574 = arith.constant 0 : i32
        %scatter3A_575 = arith.constant 0 : i32
        %scatter3A_576 = arith.constant 0 : i32
        %scatter3A_577 = tpu.memref_slice %arg8[%select_n3A_217, %scatter3A_574, %scatter3A_575, %scatter3A_576] : memref<2x8x8x129xf32, #tpu.memory_space<vmem>> -> memref<1x8x8x129xf32, #tpu.memory_space<vmem>>
        %scatter3A_578 = tpu.memref_squeeze %scatter3A_577 : memref<1x8x8x129xf32, #tpu.memory_space<vmem>> -> memref<8x8x129xf32, #tpu.memory_space<vmem>>
        tpu.vector_store_idx %scatter3A_578[%shift_right_arithmetic3A_27, %and3A_50, %broadcast_in_dim3A_542], %get3A_573 : memref<8x8x129xf32, #tpu.memory_space<vmem>>[vector<16xi32>, vector<16xi32>, vector<16xi32>], vector<16xf32>,
        %scan3A_579 = arith.constant 6 : i32
        %scan3A_580 = arith.addi %scan3A_349, %scan3A_579 : i32
        %broadcast_in_dim3A_581 = vector.broadcast %scan3A_580 : i32 to vector<16xi32>
        %get3A_582 = arith.index_cast %select_n3A_201 : i32 to index
        %get3A_583 = arith.index_cast %scan3A_580 : i32 to index
        %get3A_584 = arith.constant 0 : index
        %get3A_585 = tpu.vector_load %arg7[%get3A_582, %get3A_583, %get3A_584] {strides = array<i32>} : memref<6x128x64xf32, #tpu.memory_space<vmem>>, vector<16xf32>,
        %scatter3A_586 = arith.constant 0 : i32
        %scatter3A_587 = arith.constant 0 : i32
        %scatter3A_588 = arith.constant 0 : i32
        %scatter3A_589 = tpu.memref_slice %arg8[%select_n3A_217, %scatter3A_586, %scatter3A_587, %scatter3A_588] : memref<2x8x8x129xf32, #tpu.memory_space<vmem>> -> memref<1x8x8x129xf32, #tpu.memory_space<vmem>>
        %scatter3A_590 = tpu.memref_squeeze %scatter3A_589 : memref<1x8x8x129xf32, #tpu.memory_space<vmem>> -> memref<8x8x129xf32, #tpu.memory_space<vmem>>
        tpu.vector_store_idx %scatter3A_590[%shift_right_arithmetic3A_9, %and3A_32, %broadcast_in_dim3A_581], %get3A_585 : memref<8x8x129xf32, #tpu.memory_space<vmem>>[vector<16xi32>, vector<16xi32>, vector<16xi32>], vector<16xf32>,
        %get3A_591 = arith.index_cast %select_n3A_201 : i32 to index
        %get3A_592 = arith.index_cast %scan3A_580 : i32 to index
        %get3A_593 = arith.constant 16 : index
        %get3A_594 = tpu.vector_load %arg7[%get3A_591, %get3A_592, %get3A_593] {strides = array<i32>} : memref<6x128x64xf32, #tpu.memory_space<vmem>>, vector<16xf32>,
        %scatter3A_595 = arith.constant 0 : i32
        %scatter3A_596 = arith.constant 0 : i32
        %scatter3A_597 = arith.constant 0 : i32
        %scatter3A_598 = tpu.memref_slice %arg8[%select_n3A_217, %scatter3A_595, %scatter3A_596, %scatter3A_597] : memref<2x8x8x129xf32, #tpu.memory_space<vmem>> -> memref<1x8x8x129xf32, #tpu.memory_space<vmem>>
        %scatter3A_599 = tpu.memref_squeeze %scatter3A_598 : memref<1x8x8x129xf32, #tpu.memory_space<vmem>> -> memref<8x8x129xf32, #tpu.memory_space<vmem>>
        tpu.vector_store_idx %scatter3A_599[%shift_right_arithmetic3A_15, %and3A_38, %broadcast_in_dim3A_581], %get3A_594 : memref<8x8x129xf32, #tpu.memory_space<vmem>>[vector<16xi32>, vector<16xi32>, vector<16xi32>], vector<16xf32>,
        %get3A_600 = arith.index_cast %select_n3A_201 : i32 to index
        %get3A_601 = arith.index_cast %scan3A_580 : i32 to index
        %get3A_602 = arith.constant 32 : index
        %get3A_603 = tpu.vector_load %arg7[%get3A_600, %get3A_601, %get3A_602] {strides = array<i32>} : memref<6x128x64xf32, #tpu.memory_space<vmem>>, vector<16xf32>,
        %scatter3A_604 = arith.constant 0 : i32
        %scatter3A_605 = arith.constant 0 : i32
        %scatter3A_606 = arith.constant 0 : i32
        %scatter3A_607 = tpu.memref_slice %arg8[%select_n3A_217, %scatter3A_604, %scatter3A_605, %scatter3A_606] : memref<2x8x8x129xf32, #tpu.memory_space<vmem>> -> memref<1x8x8x129xf32, #tpu.memory_space<vmem>>
        %scatter3A_608 = tpu.memref_squeeze %scatter3A_607 : memref<1x8x8x129xf32, #tpu.memory_space<vmem>> -> memref<8x8x129xf32, #tpu.memory_space<vmem>>
        tpu.vector_store_idx %scatter3A_608[%shift_right_arithmetic3A_21, %and3A_44, %broadcast_in_dim3A_581], %get3A_603 : memref<8x8x129xf32, #tpu.memory_space<vmem>>[vector<16xi32>, vector<16xi32>, vector<16xi32>], vector<16xf32>,
        %get3A_609 = arith.index_cast %select_n3A_201 : i32 to index
        %get3A_610 = arith.index_cast %scan3A_580 : i32 to index
        %get3A_611 = arith.constant 48 : index
        %get3A_612 = tpu.vector_load %arg7[%get3A_609, %get3A_610, %get3A_611] {strides = array<i32>} : memref<6x128x64xf32, #tpu.memory_space<vmem>>, vector<16xf32>,
        %scatter3A_613 = arith.constant 0 : i32
        %scatter3A_614 = arith.constant 0 : i32
        %scatter3A_615 = arith.constant 0 : i32
        %scatter3A_616 = tpu.memref_slice %arg8[%select_n3A_217, %scatter3A_613, %scatter3A_614, %scatter3A_615] : memref<2x8x8x129xf32, #tpu.memory_space<vmem>> -> memref<1x8x8x129xf32, #tpu.memory_space<vmem>>
        %scatter3A_617 = tpu.memref_squeeze %scatter3A_616 : memref<1x8x8x129xf32, #tpu.memory_space<vmem>> -> memref<8x8x129xf32, #tpu.memory_space<vmem>>
        tpu.vector_store_idx %scatter3A_617[%shift_right_arithmetic3A_27, %and3A_50, %broadcast_in_dim3A_581], %get3A_612 : memref<8x8x129xf32, #tpu.memory_space<vmem>>[vector<16xi32>, vector<16xi32>, vector<16xi32>], vector<16xf32>,
        %scan3A_618 = arith.constant 7 : i32
        %scan3A_619 = arith.addi %scan3A_349, %scan3A_618 : i32
        %broadcast_in_dim3A_620 = vector.broadcast %scan3A_619 : i32 to vector<16xi32>
        %get3A_621 = arith.index_cast %select_n3A_201 : i32 to index
        %get3A_622 = arith.index_cast %scan3A_619 : i32 to index
        %get3A_623 = arith.constant 0 : index
        %get3A_624 = tpu.vector_load %arg7[%get3A_621, %get3A_622, %get3A_623] {strides = array<i32>} : memref<6x128x64xf32, #tpu.memory_space<vmem>>, vector<16xf32>,
        %scatter3A_625 = arith.constant 0 : i32
        %scatter3A_626 = arith.constant 0 : i32
        %scatter3A_627 = arith.constant 0 : i32
        %scatter3A_628 = tpu.memref_slice %arg8[%select_n3A_217, %scatter3A_625, %scatter3A_626, %scatter3A_627] : memref<2x8x8x129xf32, #tpu.memory_space<vmem>> -> memref<1x8x8x129xf32, #tpu.memory_space<vmem>>
        %scatter3A_629 = tpu.memref_squeeze %scatter3A_628 : memref<1x8x8x129xf32, #tpu.memory_space<vmem>> -> memref<8x8x129xf32, #tpu.memory_space<vmem>>
        tpu.vector_store_idx %scatter3A_629[%shift_right_arithmetic3A_9, %and3A_32, %broadcast_in_dim3A_620], %get3A_624 : memref<8x8x129xf32, #tpu.memory_space<vmem>>[vector<16xi32>, vector<16xi32>, vector<16xi32>], vector<16xf32>,
        %get3A_630 = arith.index_cast %select_n3A_201 : i32 to index
        %get3A_631 = arith.index_cast %scan3A_619 : i32 to index
        %get3A_632 = arith.constant 16 : index
        %get3A_633 = tpu.vector_load %arg7[%get3A_630, %get3A_631, %get3A_632] {strides = array<i32>} : memref<6x128x64xf32, #tpu.memory_space<vmem>>, vector<16xf32>,
        %scatter3A_634 = arith.constant 0 : i32
        %scatter3A_635 = arith.constant 0 : i32
        %scatter3A_636 = arith.constant 0 : i32
        %scatter3A_637 = tpu.memref_slice %arg8[%select_n3A_217, %scatter3A_634, %scatter3A_635, %scatter3A_636] : memref<2x8x8x129xf32, #tpu.memory_space<vmem>> -> memref<1x8x8x129xf32, #tpu.memory_space<vmem>>
        %scatter3A_638 = tpu.memref_squeeze %scatter3A_637 : memref<1x8x8x129xf32, #tpu.memory_space<vmem>> -> memref<8x8x129xf32, #tpu.memory_space<vmem>>
        tpu.vector_store_idx %scatter3A_638[%shift_right_arithmetic3A_15, %and3A_38, %broadcast_in_dim3A_620], %get3A_633 : memref<8x8x129xf32, #tpu.memory_space<vmem>>[vector<16xi32>, vector<16xi32>, vector<16xi32>], vector<16xf32>,
        %get3A_639 = arith.index_cast %select_n3A_201 : i32 to index
        %get3A_640 = arith.index_cast %scan3A_619 : i32 to index
        %get3A_641 = arith.constant 32 : index
        %get3A_642 = tpu.vector_load %arg7[%get3A_639, %get3A_640, %get3A_641] {strides = array<i32>} : memref<6x128x64xf32, #tpu.memory_space<vmem>>, vector<16xf32>,
        %scatter3A_643 = arith.constant 0 : i32
        %scatter3A_644 = arith.constant 0 : i32
        %scatter3A_645 = arith.constant 0 : i32
        %scatter3A_646 = tpu.memref_slice %arg8[%select_n3A_217, %scatter3A_643, %scatter3A_644, %scatter3A_645] : memref<2x8x8x129xf32, #tpu.memory_space<vmem>> -> memref<1x8x8x129xf32, #tpu.memory_space<vmem>>
        %scatter3A_647 = tpu.memref_squeeze %scatter3A_646 : memref<1x8x8x129xf32, #tpu.memory_space<vmem>> -> memref<8x8x129xf32, #tpu.memory_space<vmem>>
        tpu.vector_store_idx %scatter3A_647[%shift_right_arithmetic3A_21, %and3A_44, %broadcast_in_dim3A_620], %get3A_642 : memref<8x8x129xf32, #tpu.memory_space<vmem>>[vector<16xi32>, vector<16xi32>, vector<16xi32>], vector<16xf32>,
        %get3A_648 = arith.index_cast %select_n3A_201 : i32 to index
        %get3A_649 = arith.index_cast %scan3A_619 : i32 to index
        %get3A_650 = arith.constant 48 : index
        %get3A_651 = tpu.vector_load %arg7[%get3A_648, %get3A_649, %get3A_650] {strides = array<i32>} : memref<6x128x64xf32, #tpu.memory_space<vmem>>, vector<16xf32>,
        %scatter3A_652 = arith.constant 0 : i32
        %scatter3A_653 = arith.constant 0 : i32
        %scatter3A_654 = arith.constant 0 : i32
        %scatter3A_655 = tpu.memref_slice %arg8[%select_n3A_217, %scatter3A_652, %scatter3A_653, %scatter3A_654] : memref<2x8x8x129xf32, #tpu.memory_space<vmem>> -> memref<1x8x8x129xf32, #tpu.memory_space<vmem>>
        %scatter3A_656 = tpu.memref_squeeze %scatter3A_655 : memref<1x8x8x129xf32, #tpu.memory_space<vmem>> -> memref<8x8x129xf32, #tpu.memory_space<vmem>>
        tpu.vector_store_idx %scatter3A_656[%shift_right_arithmetic3A_27, %and3A_50, %broadcast_in_dim3A_620], %get3A_651 : memref<8x8x129xf32, #tpu.memory_space<vmem>>[vector<16xi32>, vector<16xi32>, vector<16xi32>], vector<16xf32>,
      }
      %scan3A_325 = arith.constant 128 : i32
      %add3A_326 = arith.addi %mul3A_2, %select_n3A_254 : i32
      %dma_start3A_327 = arith.constant 0 : i32
      %dma_start3A_328 = arith.constant 0 : i32
      %dma_start3A_329 = arith.constant 0 : i32
      %dma_start3A_330 = tpu.memref_slice %arg8[%select_n3A_217, %dma_start3A_327, %dma_start3A_328, %dma_start3A_329] : memref<2x8x8x129xf32, #tpu.memory_space<vmem>> -> memref<1x8x8x128xf32, #tpu.memory_space<vmem>>
      %dma_start3A_331 = tpu.memref_squeeze %dma_start3A_330 : memref<1x8x8x128xf32, #tpu.memory_space<vmem>> -> memref<8x8x128xf32, #tpu.memory_space<vmem>>
      %dma_start3A_332 = arith.constant 0 : i32
      %dma_start3A_333 = arith.constant 0 : i32
      %dma_start3A_334 = arith.constant 0 : i32
      %dma_start3A_335 = tpu.memref_slice %arg5[%select_n3A_238, %dma_start3A_332, %add3A_326, %dma_start3A_333, %dma_start3A_334] : memref<50x8x128x8x128xf32, #tpu.memory_space<hbm>> -> memref<1x8x1x8x128xf32, #tpu.memory_space<hbm>>
      %dma_start3A_336 = tpu.memref_squeeze %dma_start3A_335 : memref<1x8x1x8x128xf32, #tpu.memory_space<hbm>> -> memref<8x8x128xf32, #tpu.memory_space<hbm>>
      %dma_start3A_337 = tpu.memref_slice %arg11[%select_n3A_217] : memref<2x!tpu.dma_semaphore, #tpu.memory_space<semaphore_mem>> -> memref<1x!tpu.dma_semaphore, #tpu.memory_space<semaphore_mem>>
      %dma_start3A_338 = tpu.memref_squeeze %dma_start3A_337 : memref<1x!tpu.dma_semaphore, #tpu.memory_space<semaphore_mem>> -> memref<!tpu.dma_semaphore, #tpu.memory_space<semaphore_mem>>
      %dma_start3A_339 = arith.constant 0 : i32
      %dma_start3A_340 = arith.constant 0 : i32
      %dma_start3A_341 = arith.constant 0 : i32
      %dma_start3A_342 = tpu.memref_slice %arg5[%select_n3A_238, %dma_start3A_339, %add3A_326, %dma_start3A_340, %dma_start3A_341] : memref<50x8x128x8x128xf32, #tpu.memory_space<hbm>> -> memref<1x8x1x8x128xf32, #tpu.memory_space<hbm>>
      %dma_start3A_343 = tpu.memref_squeeze %dma_start3A_342 : memref<1x8x1x8x128xf32, #tpu.memory_space<hbm>> -> memref<8x8x128xf32, #tpu.memory_space<hbm>>
      %dma_start3A_344 = arith.constant 0 : i32
      %dma_start3A_345 = arith.constant 0 : i32
      %dma_start3A_346 = arith.constant 0 : i32
      %dma_start3A_347 = tpu.memref_slice %arg8[%select_n3A_217, %dma_start3A_344, %dma_start3A_345, %dma_start3A_346] : memref<2x8x8x129xf32, #tpu.memory_space<vmem>> -> memref<1x8x8x128xf32, #tpu.memory_space<vmem>>
      %dma_start3A_348 = tpu.memref_squeeze %dma_start3A_347 : memref<1x8x8x128xf32, #tpu.memory_space<vmem>> -> memref<8x8x128xf32, #tpu.memory_space<vmem>>
      tpu.enqueue_dma source(%dma_start3A_348 : memref<8x8x128xf32, #tpu.memory_space<vmem>>) target(%dma_start3A_343 : memref<8x8x128xf32, #tpu.memory_space<hbm>>) target_semaphore(%dma_start3A_338 : memref<!tpu.dma_semaphore, #tpu.memory_space<semaphore_mem>>)
    }
    %scan3A_139 = arith.constant 200 : i32
    %dma_wait3A = arith.constant 0 : i32
    %dma_wait3A_140 = arith.constant 0 : i32
    %dma_wait3A_141 = arith.constant 0 : i32
    %dma_wait3A_142 = arith.constant 0 : i32
    %dma_wait3A_143 = arith.constant 0 : i32
    %dma_wait3A_144 = arith.constant 0 : i32
    %dma_wait3A_145 = arith.constant 0 : i32
    %dma_wait3A_146 = tpu.memref_slice %arg8[%dma_wait3A, %dma_wait3A_143, %dma_wait3A_144, %dma_wait3A_145] : memref<2x8x8x129xf32, #tpu.memory_space<vmem>> -> memref<1x8x8x128xf32, #tpu.memory_space<vmem>>
    %dma_wait3A_147 = tpu.memref_squeeze %dma_wait3A_146 : memref<1x8x8x128xf32, #tpu.memory_space<vmem>> -> memref<8x8x128xf32, #tpu.memory_space<vmem>>
    %dma_wait3A_148 = arith.constant 0 : i32
    %dma_wait3A_149 = arith.constant 0 : i32
    %dma_wait3A_150 = arith.constant 0 : i32
    %dma_wait3A_151 = tpu.memref_slice %arg5[%dma_wait3A_140, %dma_wait3A_148, %dma_wait3A_141, %dma_wait3A_149, %dma_wait3A_150] : memref<50x8x128x8x128xf32, #tpu.memory_space<hbm>> -> memref<1x8x1x8x128xf32, #tpu.memory_space<hbm>>
    %dma_wait3A_152 = tpu.memref_squeeze %dma_wait3A_151 : memref<1x8x1x8x128xf32, #tpu.memory_space<hbm>> -> memref<8x8x128xf32, #tpu.memory_space<hbm>>
    %dma_wait3A_153 = tpu.memref_slice %arg11[%dma_wait3A_142] : memref<2x!tpu.dma_semaphore, #tpu.memory_space<semaphore_mem>> -> memref<1x!tpu.dma_semaphore, #tpu.memory_space<semaphore_mem>>
    %dma_wait3A_154 = tpu.memref_squeeze %dma_wait3A_153 : memref<1x!tpu.dma_semaphore, #tpu.memory_space<semaphore_mem>> -> memref<!tpu.dma_semaphore, #tpu.memory_space<semaphore_mem>>
    %dma_wait3A_155 = arith.constant 0 : i32
    %dma_wait3A_156 = arith.constant 0 : i32
    %dma_wait3A_157 = arith.constant 0 : i32
    %dma_wait3A_158 = tpu.memref_slice %arg5[%dma_wait3A_140, %dma_wait3A_155, %dma_wait3A_141, %dma_wait3A_156, %dma_wait3A_157] : memref<50x8x128x8x128xf32, #tpu.memory_space<hbm>> -> memref<1x8x1x8x128xf32, #tpu.memory_space<hbm>>
    %dma_wait3A_159 = tpu.memref_squeeze %dma_wait3A_158 : memref<1x8x1x8x128xf32, #tpu.memory_space<hbm>> -> memref<8x8x128xf32, #tpu.memory_space<hbm>>
    %dma_wait3A_160 = arith.constant 0 : i32
    %dma_wait3A_161 = arith.constant 0 : i32
    %dma_wait3A_162 = arith.constant 0 : i32
    %dma_wait3A_163 = tpu.memref_slice %arg8[%dma_wait3A, %dma_wait3A_160, %dma_wait3A_161, %dma_wait3A_162] : memref<2x8x8x129xf32, #tpu.memory_space<vmem>> -> memref<1x8x8x128xf32, #tpu.memory_space<vmem>>
    %dma_wait3A_164 = tpu.memref_squeeze %dma_wait3A_163 : memref<1x8x8x128xf32, #tpu.memory_space<vmem>> -> memref<8x8x128xf32, #tpu.memory_space<vmem>>
    tpu.wait_dma2 semaphore(%dma_wait3A_154 : memref<!tpu.dma_semaphore, #tpu.memory_space<semaphore_mem>>) src(%dma_wait3A_164 : memref<8x8x128xf32, #tpu.memory_space<vmem>>) dst(%dma_wait3A_159 : memref<8x8x128xf32, #tpu.memory_space<hbm>>)
    %dma_wait3A_165 = arith.constant 1 : i32
    %dma_wait3A_166 = arith.constant 0 : i32
    %dma_wait3A_167 = arith.constant 0 : i32
    %dma_wait3A_168 = arith.constant 1 : i32
    %dma_wait3A_169 = arith.constant 0 : i32
    %dma_wait3A_170 = arith.constant 0 : i32
    %dma_wait3A_171 = arith.constant 0 : i32
    %dma_wait3A_172 = tpu.memref_slice %arg8[%dma_wait3A_165, %dma_wait3A_169, %dma_wait3A_170, %dma_wait3A_171] : memref<2x8x8x129xf32, #tpu.memory_space<vmem>> -> memref<1x8x8x128xf32, #tpu.memory_space<vmem>>
    %dma_wait3A_173 = tpu.memref_squeeze %dma_wait3A_172 : memref<1x8x8x128xf32, #tpu.memory_space<vmem>> -> memref<8x8x128xf32, #tpu.memory_space<vmem>>
    %dma_wait3A_174 = arith.constant 0 : i32
    %dma_wait3A_175 = arith.constant 0 : i32
    %dma_wait3A_176 = arith.constant 0 : i32
    %dma_wait3A_177 = tpu.memref_slice %arg5[%dma_wait3A_166, %dma_wait3A_174, %dma_wait3A_167, %dma_wait3A_175, %dma_wait3A_176] : memref<50x8x128x8x128xf32, #tpu.memory_space<hbm>> -> memref<1x8x1x8x128xf32, #tpu.memory_space<hbm>>
    %dma_wait3A_178 = tpu.memref_squeeze %dma_wait3A_177 : memref<1x8x1x8x128xf32, #tpu.memory_space<hbm>> -> memref<8x8x128xf32, #tpu.memory_space<hbm>>
    %dma_wait3A_179 = tpu.memref_slice %arg11[%dma_wait3A_168] : memref<2x!tpu.dma_semaphore, #tpu.memory_space<semaphore_mem>> -> memref<1x!tpu.dma_semaphore, #tpu.memory_space<semaphore_mem>>
    %dma_wait3A_180 = tpu.memref_squeeze %dma_wait3A_179 : memref<1x!tpu.dma_semaphore, #tpu.memory_space<semaphore_mem>> -> memref<!tpu.dma_semaphore, #tpu.memory_space<semaphore_mem>>
    %dma_wait3A_181 = arith.constant 0 : i32
    %dma_wait3A_182 = arith.constant 0 : i32
    %dma_wait3A_183 = arith.constant 0 : i32
    %dma_wait3A_184 = tpu.memref_slice %arg5[%dma_wait3A_166, %dma_wait3A_181, %dma_wait3A_167, %dma_wait3A_182, %dma_wait3A_183] : memref<50x8x128x8x128xf32, #tpu.memory_space<hbm>> -> memref<1x8x1x8x128xf32, #tpu.memory_space<hbm>>
    %dma_wait3A_185 = tpu.memref_squeeze %dma_wait3A_184 : memref<1x8x1x8x128xf32, #tpu.memory_space<hbm>> -> memref<8x8x128xf32, #tpu.memory_space<hbm>>
    %dma_wait3A_186 = arith.constant 0 : i32
    %dma_wait3A_187 = arith.constant 0 : i32
    %dma_wait3A_188 = arith.constant 0 : i32
    %dma_wait3A_189 = tpu.memref_slice %arg8[%dma_wait3A_165, %dma_wait3A_186, %dma_wait3A_187, %dma_wait3A_188] : memref<2x8x8x129xf32, #tpu.memory_space<vmem>> -> memref<1x8x8x128xf32, #tpu.memory_space<vmem>>
    %dma_wait3A_190 = tpu.memref_squeeze %dma_wait3A_189 : memref<1x8x8x128xf32, #tpu.memory_space<vmem>> -> memref<8x8x128xf32, #tpu.memory_space<vmem>>
    tpu.wait_dma2 semaphore(%dma_wait3A_180 : memref<!tpu.dma_semaphore, #tpu.memory_space<semaphore_mem>>) src(%dma_wait3A_190 : memref<8x8x128xf32, #tpu.memory_space<vmem>>) dst(%dma_wait3A_185 : memref<8x8x128xf32, #tpu.memory_space<hbm>>)
    return
  }
}

</mosaic_0001>

<sc_bundles>
// kernel: kernel.3.cloned.1.call-start
scs
__scs_entry_jumppad:
0x0: {  	(pc) =	sbr.rel $0x88, $3  }
0x1: {  	(tag) =	ssettag $0x0;
	lr =	simm.s32 $0x1  }
0x2: {  	[smem:$0x3F9E] =	sst lr;
	_ =	strace $0xD0000000  }
0x3: {  	_ = 	snop  }
0x4: {  	_ = 	snop  }
0x5: {  	_ = 	snop  }
0x6: {  	_ = 	snop  }
0x7: {  	_ = 	snop  }
__scs_overlays_trampoline_lowered:
0x8: {  	[smem:$0x3FAD] =	sst s0  }
0x9: {  	[smem:$0x3FAE] =	sst s1  }
0xa: {  	[smem:$0x3FAF] =	sst s2  }
0xb: {  	[smem:$0x3FB0] =	sst s3  }
0xc: {  	[smem:$0x3FB1] =	sst s4  }
0xd: {  	[smem:$0x3FB2] =	sst s5  }
0xe: {  	[smem:$0x3FB3] =	sst s6  }
0xf: {  	[smem:$0x3FB4] =	sst s7  }
0x10: {  	[smem:$0x3FB5] =	sst s8  }
0x11: {  	[smem:$0x3FB6] =	sst s9;
	s0 =	simm.s32 @!p0 $0x0  }
0x12: {  	s1 =	sld [smem:$0x3F9C];
	s0 =	simm.s32 @p0 $0x1  }
0x13: {  	[smem:$0x3FB7] =	sst s0;
	s0 =	simm.s32 @!p1 $0x0  }
0x14: {  	s2 =	sld [smem:$0x3F9B];
	s0 =	simm.s32 @p1 $0x1  }
0x15: {  	[smem:$0x3FB8] =	sst s0;
	s0 =	simm.s32 @!p2 $0x0  }
0x16: {  	s3 =	sld [smem:$0x3FDB];
	s0 =	simm.s32 @p2 $0x1  }
0x17: {  	s4 =	simm.s32 $0x1BF5;
	[smem:$0x3FBA] =	sst s0  }
0x18: {  	s0 =	sld [smem:$0x3F9D];
	_ =	swait.ge [sflag:s4], $0x0  }
0x19: {  	s7 =	sld [smem:$0x3F9E]  }
0x1a: {  	s8 =	sadd.s32 $0xFFFFE003, lr  }
0x1b: {  	s9 =	sadd.s32 $0xFFFFFEF7, lr;
	s5 =	simm.s32 $0xFFFFFFFF;
	p2 =	slt.u32 s8, $0xFFFFF086  }
0x1c: {  	p1 =	slt.u32 s9, $0xF7A;
	s5 =	simm.s32 @!p2 $0x0  }
0x1d: {  	s5 =	simm.s32 @p1 $0x1;
	p0 =	seq.s32 s7, s2  }
0x1e: {  	s7 =	smul.u32 @!p0 $0xF7A, s2;
	p2 =	seq.s32 @!p0 s5, $0x0  }
0x1f: {  	s9 =	smul.u32 $0xF7A, s1;
	s8 =	simm.s32 @!p0 $0x1BF5;
	p2 =	por !p2, p0  }
0x20: {  	[sflag:s8] =	ssyncset.s32 @!p0 $0xFFFFF086;
	s6 =	sadd.s32 @!p0 s3, s7;
	s7 =	simm.s32 @!p0 $0x108  }
0x21: {  	s3 =	sadd.s32 s3, s9;
	s6 =	sadd.s32 @!p0 $0x88, s6;
	s7 =	simm.s32 @p2 $0x1082  }
0x22: {  	[simem:s7], [sflag:s8] =	dma.local @!p0 [hbm:s6], $0xF7A  }
0x23: {  	s9 =	sor.u32 $0xD0000000, s2;
	s6 =	simm.s32 $0x108;
	_ =	swait.ge @!p0 [sflag:s8], $0x0  }
0x24: {  	s3 =	sadd.s32 $0x88, s3;
	s6 =	simm.s32 @!p1 $0x1082;
	[sflag:s4] =	ssyncset.s32 $0xFFFFF086  }
0x25: {  	[simem:s6], [sflag:s4] =	dma.local [hbm:s3], $0xF7A  }
0x26: {  	[smem:$0x3F9E] =	sst s1;
	(tag) =	ssettag s2;
	_ =	strace s9  }
0x27: {  	s1 =	sld [smem:$0x3FAE]  }
0x28: {  	s2 =	sld [smem:$0x3FAF]  }
0x29: {  	s4 =	sld [smem:$0x3FB1]  }
0x2a: {  	p0 =	seq.s32 s5, $0x0;
	s5 =	sld [smem:$0x3FB2]  }
0x2b: {  	s6 =	sld [smem:$0x3FB3]  }
0x2c: {  	s7 =	sld [smem:$0x3FB4]  }
0x2d: {  	s3 =	simm.s32 $0x108;
	s8 =	sld [smem:$0x3FB5]  }
0x2e: {  	s3 =	simm.s32 @!p0 $0x1082;
	s9 =	sld [smem:$0x3FB6]  }
0x2f: {  	lr =	sadd.s32 s0, s3;
	s0 =	sld [smem:$0x3FAD]  }
0x30: {  	s3 =	sld [smem:$0x3FB0]  }
0x31: {  	[smem:$0x3FB9] =	sst s10  }
0x32: {  	s10 =	sld [smem:$0x3FB7];
	_ =	sdelay $0x3  }
0x33: {  	p0 =	seq.s32 s10, $0x1;
	s10 =	sld [smem:$0x3FB9];
	_ =	sdelay $0x3  }
0x34: {  	[smem:$0x3FB9] =	sst s10  }
0x35: {  	s10 =	sld [smem:$0x3FB8];
	_ =	sdelay $0x3  }
0x36: {  	p1 =	seq.s32 s10, $0x1;
	s10 =	sld [smem:$0x3FB9];
	_ =	sdelay $0x3  }
0x37: {  	[smem:$0x3FB9] =	sst s10  }
0x38: {  	s10 =	sld [smem:$0x3FBA]  }
0x39: {  	_ = 	snop;
	(pc) =	sbr.ind lr, $3  }
0x3a: {  	_ = 	snop  }
0x3b: {  	_ = 	snop  }
0x3c: {  	p2 =	seq.s32 s10, $0x1;
	s10 =	sld [smem:$0x3FB9]  }
0x3d: {  	_ =	shalt  }
0x3e: {  	_ =	shalt  }
0x3f: {  	_ =	shalt  }
0x40: {  	_ =	shalt  }
0x41: {  	_ =	shalt  }
0x42: {  	_ =	shalt  }
0x43: {  	_ =	shalt  }
0x44: {  	_ =	shalt  }
0x45: {  	_ =	shalt  }
0x46: {  	_ =	shalt  }
0x47: {  	_ =	shalt  }
0x48: {  	_ =	shalt  }
0x49: {  	_ =	shalt  }
0x4a: {  	_ =	shalt  }
0x4b: {  	_ =	shalt  }
0x4c: {  	_ =	shalt  }
0x4d: {  	_ =	shalt  }
0x4e: {  	_ =	shalt  }
0x4f: {  	_ =	shalt  }
0x50: {  	_ =	shalt  }
0x51: {  	_ =	shalt  }
0x52: {  	_ =	shalt  }
0x53: {  	_ =	shalt  }
0x54: {  	_ =	shalt  }
0x55: {  	_ =	shalt  }
0x56: {  	_ =	shalt  }
0x57: {  	_ =	shalt  }
0x58: {  	_ =	shalt  }
0x59: {  	_ =	shalt  }
0x5a: {  	_ =	shalt  }
0x5b: {  	_ =	shalt  }
0x5c: {  	_ =	shalt  }
0x5d: {  	_ =	shalt  }
0x5e: {  	_ =	shalt  }
0x5f: {  	_ =	shalt  }
0x60: {  	_ =	shalt  }
0x61: {  	_ =	shalt  }
0x62: {  	_ =	shalt  }
0x63: {  	_ =	shalt  }
0x64: {  	_ =	shalt  }
0x65: {  	_ =	shalt  }
0x66: {  	_ =	shalt  }
0x67: {  	_ =	shalt  }
0x68: {  	_ =	shalt  }
0x69: {  	_ =	shalt  }
0x6a: {  	_ =	shalt  }
0x6b: {  	_ =	shalt  }
0x6c: {  	_ =	shalt  }
0x6d: {  	_ =	shalt  }
0x6e: {  	_ =	shalt  }
0x6f: {  	_ =	shalt  }
0x70: {  	_ =	shalt  }
0x71: {  	_ =	shalt  }
0x72: {  	_ =	shalt  }
0x73: {  	_ =	shalt  }
0x74: {  	_ =	shalt  }
0x75: {  	_ =	shalt  }
0x76: {  	_ =	shalt  }
0x77: {  	_ =	shalt  }
0x78: {  	_ =	shalt  }
0x79: {  	_ =	shalt  }
0x7a: {  	_ =	shalt  }
0x7b: {  	_ =	shalt  }
0x7c: {  	_ =	shalt  }
0x7d: {  	_ =	shalt  }
0x7e: {  	_ =	shalt  }
0x7f: {  	_ =	shalt  }
0x80: {  	_ =	shalt  }
0x81: {  	_ =	shalt  }
0x82: {  	_ =	shalt  }
0x83: {  	_ =	shalt  }
0x84: {  	_ =	shalt  }
0x85: {  	_ =	shalt  }
0x86: {  	_ =	shalt  }
0x87: {  	_ =	shalt  }
.Lfunc_end0:
.L_simem_size_0:
called_computation_lowered:
.L_overlay_start_0:
0x88: {  	s2 =	sld [smem:$0x3FD9]  }
0x89: {  	s3 =	sld [smem:$0x3FFE];
	_ =	sdelay $0x1  }
0x8a: {  	s1 =	srdreg.scid  }
0x8b: {  	s0 =	sand.u32 $0x1, s1  }
0x8c: {  	s17 =	sshll.u32 s0, $0xA;
	s2 =	sadd.s32 s3, s2  }
0x8d: {  	s2 =	sadd.s32 s2, s17  }
0x8e: {  	[smem:$0x3FC5] =	sst s2  }
0x8f: {  	_ = 	snop  }
0x90: {  	s2 =	sld [smem:$0x3FD0];
	(tm) =	ssettm $0x1  }
0x91: {  	s18 =	sld [smem:$0x3FFB];
	_ =	sdelay $0x3  }
0x92: {  	_ =	strace s18  }
0x93: {  	s3 =	sld [smem:$0x3FFC];
	_ =	sdelay $0x3  }
0x94: {  	_ =	strace s3  }
0x95: {  	s3 =	sld [smem:$0x3FFD];
	_ =	sdelay $0x3  }
0x96: {  	_ =	strace s3  }
0x97: {  	_ =	strace $0x8FFFFFFF  }
0x98: {  	s19 =	sld [smem:$0x3FDB];
	_ =	sdelay $0x1  }
0x99: {  	s4 =	simm.s32 $_scs_section_size  }
0x9a: {  	s5 =	simm.s32 $_size__tile_overlayer_lowered;
	s6 =	simm.s32 $_tile_overlayer_lowered  }
0x9b: {  	s22 =	simm.s32 $0x1BFF;
	s21 =	sshll.u32 s6, $0x1;
	s3 =	sadd.s32 s4, s19  }
0x9c: {  	s7 =	simm.s32 $0x0;
	s20 =	sshll.u32 s5, $0x1;
	s5 =	sadd.s32 s21, s3  }
0x9d: {  	[timem:s7], [sflag:s22] =	dma.local [hbm:s5], s20  }
0x9e: {  	_ =	swait.ge [sflag:s22], s20  }
0x9f: {  	s4 =	ssub.s32 $0x0, s20;
	[sflag:s22] =	ssyncset.done $0x0  }
0xa0: {  	[sflag:s22] =	ssyncadd.s32 s4;
	_ =	sdelay $0x1  }
0xa1: {  	s23 =	simm.s32 $0x1B8B  }
0xa2: {  	_ =	swait.ge [sflag:s23], $0x1  }
0xa3: {  	[sflag:s23] =	ssyncset.done $0x0  }
0xa4: {  	s25 =	simm.s32 $0x1B8E;
	s24 =	sld [smem:$0x3FFE];
	[sflag:s23] =	ssyncadd.s32 $0xFFFFFFFF  }
0xa5: {  	s26 =	simm.s32 $execute0_lowered;
	[smem:$0x3FD2] =	sst s25  }
0xa6: {  	s5 =	sshll.u32 s26, $0x1;
	_ =	strace $0x80000046;
	[dreg:$0x1] =	wrdreg $0xFFFFFFFF  }
0xa7: {  	s28 =	simm.s32 $_size_execute0_lowered;
	s3 =	sadd.s32 s3, s5;
	[dreg:$0x0] =	wrdreg $0x0  }
0xa8: {  	s5 =	sshll.u32 s28, $0x1;
	[dreg:$0x2] =	wrdreg s3  }
0xa9: {  	[dreg:$0x3] =	wrdreg s5  }
0xaa: {  	[dreg:$0x4] =	wrdreg $0xC0  }
0xab: {  	_ =	task [dreg:s7], $0x5FFFF  }
0xac: {  	[dreg:$0x1] =	wrdreg $0xFFFFFFFF  }
0xad: {  	[dreg:$0x0] =	wrdreg $0x60  }
0xae: {  	[dreg:$0x2] =	wrdreg s24  }
0xaf: {  	[dreg:$0x3] =	wrdreg s2  }
0xb0: {  	[dreg:$0x4] =	wrdreg $0x9  }
0xb1: {  	_ =	task.clear_ibuf [dreg:s7], $0x5FFFF;
	_ =	strace $0x90000046  }
0xb2: {  	s29 =	simm.s32 $0x9;
	_ =	strace $0x80000048  }
0xb3: {  	_ =	swait.ge [sflag:s29], $0x1  }
0xb4: {  	[sflag:s29] =	ssyncadd.s32 $0xFFFFFFFF  }
0xb5: {  	_ =	strace $0x90000048  }
0xb6: {  	_ =	sfence  }
0xb7: {  	s30 =	sld [smem:$0x0];
	_ =	sdelay $0x2  }
0xb8: {  	s31 =	sshll.u32 s1, $0xD;
	s1 =	sshrl.u32 s1, $0x2  }
0xb9: {  	s3 =	sand.u32 $0x4000, s31;
	s1 =	sadd.s32 s1, s30  }
0xba: {  	s0 =	sor.u32 s3, s0;
	s1 =	sshll.u32 s1, $0x11  }
0xbb: {  	s0 =	sor.u32 s1, s0  }
0xbc: {  	s0 =	sadd.s32 $0x8F2B, s0  }
0xbd: {  	[sflag:s0] =	ssyncadd.remote.s32 $0x1  }
0xbe: {  	_ =	sfence.sel $0xFFFF  }
0xbf: {  	[dreg:$0x0] =	wrdreg $0xFFFFFFFF;
	(pc) =	sbr.abs _section_cstart, $3  }
0xc0: {  	[dreg:$0x1] =	wrdreg $0xFFFFFFFF  }
0xc1: {  	_ =	task.clear_ibuf [dreg:s7], $0x2FFFF;
	_ =	strace $0x9FFFFFFF  }
0xc2: {  	(tm) =	ssettm $0x7FFFFFFF  }
0xc3: {  	_ =	shalt  }
tec
execute0_lowered:
.L_overlay_start_1:
0x0: {  	(tag) =	ssettag $0x1  }
0x1: {  	v0 =	vlaneseq.u32  }
0x2: {  	s0 =	rddreg [dreg:$0x0];
	v0 =	vmul.u32 $0x88, v0  }
0x3: {  	s1 =	rddreg [dreg:$0x1];
	v1 =	vimm.s32 $0x0;
	vm0 =	vcmask $0x300  }
0x4: {  	s3 =	srdreg.scid;
	s4 =	stileid.u32;
	s2 =	simm.s32 $0x0;
	v1 =	vsel vm0, $0x3, v1;
	v2 =	vadd.s32 $0x880, v0  }
0x5: {  	s9 =	simm.s32 $0x9;
	s10 =	simm.s32 $0x200;
	s11 =	simm.s32 $0x4000;
	v3 =	vadd.s32 $0x1100, v0;
	v4 =	vadd.s32 $0x1980, v0;
	v5 =	vor.u32 $0x1, v0  }
0x6: {  	s12 =	simm.s32 $0x80;
	s13 =	simm.s32 $0x6400;
	s14 =	simm.s32 $0x8400;
	v6 =	vadd.s32 $0x881, v0;
	v7 =	vadd.s32 $0x1101, v0;
	v8 =	vadd.s32 $0x1981, v0  }
0x7: {  	s15 =	simm.s32 $0x100;
	s16 =	simm.s32 $0xA400;
	s17 =	simm.s32 $0x180;
	v9 =	vor.u32 $0x2, v0;
	v10 =	vadd.s32 $0x882, v0;
	v11 =	vadd.s32 $0x1102, v0  }
0x8: {  	s18 =	simm.s32 $0xC400;
	s19 =	simm.s32 $0xE400;
	s20 =	simm.s32 $0x7;
	v12 =	vadd.s32 $0x1982, v0;
	v13 =	vor.u32 $0x3, v0;
	v14 =	vadd.s32 $0x883, v0  }
0x9: {  	s21 =	simm.s32 $0x8;
	s3 =	sand.u32 $0x1, s3;
	s4 =	sshll.u32 s4, $0x1;
	v15 =	vadd.s32 $0x1103, v0;
	v16 =	vadd.s32 $0x1983, v0;
	v17 =	vor.u32 $0x4, v0  }
0xa: {  	s22 =	simm.s32 $0x0;
	[smem:$0x7FF] =	sst s2;
	s5 =	sor.u32 s3, s4;
	v18 =	vadd.s32 $0x884, v0;
	v19 =	vadd.s32 $0x1104, v0;
	v20 =	vadd.s32 $0x1984, v0  }
0xb: {  	_ =	strace $0x80000047;
	s6 =	ssub.s32 $0x2, s3;
	s3 =	sadd.s32 $0xF42C00, s0;
	v21 =	vor.u32 $0x5, v0;
	v22 =	vadd.s32 $0x885, v0;
	v23 =	vadd.s32 $0x1105, v0  }
0xc: {  	s4 =	sshll.u32 s5, $0x6;
	s8 =	sshrl.u32 s6, $0x1;
	s31 =	sshll.u32 s5, $0x9;
	v24 =	vadd.s32 $0x1985, v0;
	v25 =	vor.u32 $0x6, v0;
	v26 =	vadd.s32 $0x886, v0  }
0xd: {  	v27 =	vadd.s32 $0x1106, v0;
	v28 =	vadd.s32 $0x1986, v0;
	v29 =	vor.u32 $0x7, v0;
	s7 =	sadd.s32 s4, s0;
	s4 =	sadd.s32 $0x19800, s0;
	s30 =	ssub.s32 s6, s8  }
0xe: {  	v30 =	vadd.s32 $0x887, v0;
	v31 =	vadd.s32 $0x1107, v0;
	v32 =	vadd.s32 $0x1987, v0;
	s6 =	sadd.s32 s1, s31;
	s5 =	sadd.s32 $0x800, s7;
	s7 =	smax.u32 s30, $0x1  }
.LBB2_1:
0xf: {  	s0 =	simm.s32 $0x16800  }
0x10: {  	[tilespmem:s0], [sflag:$0x9] =	stream.linear.gather [hbm4b:s4+s2], $0x80, $0x38;
	[tilespmem:$0x16880] =	vst v63  }
0x11: {  	_ =	swait.ge [sflag:s9], $0x80  }
0x12: {  	[sflag:s9] =	ssyncset.done $0x0  }
0x13: {  	[sflag:s9] =	ssyncadd.s32 $0xFFFFFF80  }
0x14: {  	[tilespmem:s2], [sflag:$0x9] =	stream.strided.gather [hbm4b:s5+s10], $0x6400, s11, s10, $0x38;
	[tilespmem:$0x16880] =	vst v63  }
0x15: {  	_ =	swait.ge [sflag:s9], $0x6400  }
0x16: {  	[sflag:s9] =	ssyncset.done $0x0  }
0x17: {  	[sflag:s9] =	ssyncadd.s32 $0xFFFF9C00  }
0x18: {  	[tilespmem:s13], [sflag:$0x1] =	stream.indirect.gather [hbm4b:s3+s12], $0x40, s2, s12, $0xb8;
	[tilespmem:$0x16880] =	vst v63  }
0x19: {  	_ = 	snop  }
0x1a: {  	[tilespmem:s14], [sflag:$0x2] =	stream.indirect.gather [hbm4b:s3+s12], $0x40, s12, s12, $0xb8;
	[tilespmem:$0x16880] =	vst v63  }
0x1b: {  	_ = 	snop  }
0x1c: {  	[tilespmem:s16], [sflag:$0x3] =	stream.indirect.gather [hbm4b:s3+s12], $0x40, s15, s12, $0xb8;
	[tilespmem:$0x16880] =	vst v63  }
0x1d: {  	_ = 	snop  }
0x1e: {  	[tilespmem:s18], [sflag:$0x4] =	stream.indirect.gather [hbm4b:s3+s12], $0x40, s17, s12, $0xb8;
	[tilespmem:$0x16880] =	vst v63  }
0x1f: {  	p0 =	por $0x0, $0x0;
	s24 =	simm.s32 $0x0;
	s0 =	simm.s32 $0x65F0  }
0x20: {  	[tilespmem:s19], [sflag:$0x5] =	stream.indirect.gather [hbm4b:s3+s12], $0x40, s10, s12, $0xb8;
	[tilespmem:$0x16880] =	vst v63  }
.LBB2_2:
0x21: {  	s1 =	smul.u32 $0xAB, s24;
	_ =	sdelay $0x1  }
0x22: {  	s1 =	sshrl.u32 s1, $0xA  }
0x23: {  	s23 =	simm.s32 $0x1;
	s26 =	smulhi.u32 $0xAAAAAAAB, s24;
	s1 =	sand.u32 $0x3F, s1  }
0x24: {  	s28 =	sand.u32 $0x3, s24;
	s30 =	sshll.u32 s24, $0x7;
	s1 =	smul.u32 $0x6, s1  }
0x25: {  	p2 =	por $0x1, $0x1;
	s23 =	simm.s32 @!p0 $0x0;
	s30 =	sand.u32 $0x3FFFFE00, s30  }
0x26: {  	s28 =	sshll.u32 s28, $0x7;
	s23 =	smul.u32 $0x8800, s23;
	s1 =	ssub.s32 s24, s1  }
.Ltmp0:
0x27: {  	s31 =	sshrl.u32 s26, $0x2;
	s1 =	sand.u32 $0xFF, s1;
	(pc) =	sbr.rel .LBB2_3-.Ltmp0, $4  }
0x28: {  	s26 =	sshrl.u32 s24, $0x2;
	s29 =	smul.u32 $0xFFFD0000, s31;
	s8 =	sadd.s32 $0x1, s1  }
0x29: {  	s31 =	sor.u32 s28, s30;
	s1 =	sshll.u32 s1, $0xD;
	_ =	swait.ge [sflag:s8], $0x2000  }
0x2a: {  	s23 =	sshrl.u32 s23, $0x2;
	s1 =	sadd.s32 $0x6400, s1;
	[sflag:s8] =	ssyncset.done $0x0  }
0x2b: {  	s30 =	simm.s32 $0x0;
	v33 =	vmov s31;
	s25 =	sadd.s32 $0x12400, s23;
	v34 =	vmov s1;
	[sflag:s8] =	ssyncadd.s32 $0xFFFFE000  }
.LBB2_11:
.Ltmp1:
0x2c: {  	(pc) =	sbr.rel @!p1 .LBB2_12-.Ltmp1, $2  }
0x2d: {  	_ =	sdelay $0x2  }
0x2e: {  	s30 =	simm.s32 $0x4;
	p2 =	por $0x0, $0x0  }
.LBB2_3:
0x2f: {  	_ =	sdelay $0x1  }
0x30: {  	s31 =	sshll.u32 s30, $0x4  }
0x31: {  	s1 =	sand.u32 $0x3FFFFFF0, s31  }
0x32: {  	v35 =	vld.idx.msk [tilespmem:v33+s1+$0x0 ss:$0x1], $0xffff;
	_ =	sdelay $0x4  }
0x33: {  	v36 =	vadd.s32 $0xFFFFFFFF, v35  }
0x34: {  	vm0 =	vlt.u32 v36, $0x2  }
0x35: {  	v36 =	vmpcnt.ones.xlane vm0;
	_ =	sdelay $0x1  }
0x36: {  	(v2sf) =	vpush v36, $0x0;
	_ =	sdelay $0xe  }
0x37: {  	s23 =	spop (v2sf)  }
0x38: {  	p3 =	slt.s32 s23, $0x1  }
.Ltmp2:
0x39: {  	_ = 	snop;
	(pc) =	sbr.rel @p3 .LBB2_5-.Ltmp2, $2  }
0x3a: {  	_ =	sdelay $0x2  }
0x3b: {  	p1 =	por p2, p2  }
0x3c: {  	(v2sf) =	vpush v35, $0x0;
	_ =	sdelay $0xe  }
0x3d: {  	s1 =	spop (v2sf)  }
0x3e: {  	s23 =	sadd.s32 $0xFFFFFFFF, s1  }
0x3f: {  	p3 =	sgt.u32 s23, $0x1  }
0x40: {  	s1 =	sshll.u32 @!p3 s1, $0x6  }
0x41: {  	s1 =	sand.u32 @!p3 $0x3FFFFFC0, s1  }
0x42: {  	v36 =	vld @!p3 [tilespmem:s1+$0x167C0];
	_ =	sdelay $0x2  }
0x43: {  	s23 =	sshll.u32 @!p3 s30, $0xA  }
0x44: {  	(v2sf) =	vpush v35, $0x1;
	s23 =	sand.u32 @!p3 $0x3FFFFC00, s23  }
0x45: {  	[tilespmem:v34+s23+$0x0 ss:$0x1] =	vst.idx.msk @!p3 $0xffff, v36  }
0x46: {  	v36 =	vld @!p3 [tilespmem:s1+$0x167D0];
	_ =	sdelay $0x4  }
0x47: {  	[tilespmem:v34+s23+$0x10 ss:$0x1] =	vst.idx.msk @!p3 $0xffff, v36  }
0x48: {  	v36 =	vld @!p3 [tilespmem:s1+$0x167E0];
	_ =	sdelay $0x4  }
0x49: {  	[tilespmem:v34+s23+$0x20 ss:$0x1] =	vst.idx.msk @!p3 $0xffff, v36  }
0x4a: {  	v36 =	vld @!p3 [tilespmem:s1+$0x167F0]  }
0x4b: {  	s1 =	spop (v2sf)  }
0x4c: {  	s8 =	sadd.s32 $0xFFFFFFFF, s1  }
0x4d: {  	p2 =	sgt.u32 s8, $0x1  }
0x4e: {  	s1 =	sshll.u32 @!p2 s1, $0x6  }
0x4f: {  	s1 =	sand.u32 @!p2 $0x3FFFFFC0, s1;
	[tilespmem:v34+s23+$0x30 ss:$0x1] =	vst.idx.msk @!p3 $0xffff, v36  }
0x50: {  	v36 =	vld @!p2 [tilespmem:s1+$0x167C0];
	_ =	sdelay $0x2  }
0x51: {  	s8 =	sshll.u32 @!p2 s30, $0xA  }
0x52: {  	(v2sf) =	vpush v35, $0x2;
	s8 =	sand.u32 @!p2 $0x3FFFFC00, s8  }
0x53: {  	[tilespmem:v34+s8+$0x40 ss:$0x1] =	vst.idx.msk @!p2 $0xffff, v36  }
0x54: {  	v36 =	vld @!p2 [tilespmem:s1+$0x167D0];
	_ =	sdelay $0x4  }
0x55: {  	[tilespmem:v34+s8+$0x50 ss:$0x1] =	vst.idx.msk @!p2 $0xffff, v36  }
0x56: {  	v36 =	vld @!p2 [tilespmem:s1+$0x167E0];
	_ =	sdelay $0x4  }
0x57: {  	[tilespmem:v34+s8+$0x60 ss:$0x1] =	vst.idx.msk @!p2 $0xffff, v36  }
0x58: {  	v36 =	vld @!p2 [tilespmem:s1+$0x167F0]  }
0x59: {  	s1 =	spop (v2sf)  }
0x5a: {  	s23 =	sadd.s32 $0xFFFFFFFF, s1  }
0x5b: {  	p3 =	sgt.u32 s23, $0x1  }
0x5c: {  	s1 =	sshll.u32 @!p3 s1, $0x6  }
0x5d: {  	s1 =	sand.u32 @!p3 $0x3FFFFFC0, s1;
	[tilespmem:v34+s8+$0x70 ss:$0x1] =	vst.idx.msk @!p2 $0xffff, v36  }
0x5e: {  	v36 =	vld @!p3 [tilespmem:s1+$0x167C0];
	_ =	sdelay $0x2  }
0x5f: {  	s8 =	sshll.u32 @!p3 s30, $0xA  }
0x60: {  	(v2sf) =	vpush v35, $0x3;
	s8 =	sand.u32 @!p3 $0x3FFFFC00, s8  }
0x61: {  	[tilespmem:v34+s8+$0x80 ss:$0x1] =	vst.idx.msk @!p3 $0xffff, v36  }
0x62: {  	v36 =	vld @!p3 [tilespmem:s1+$0x167D0];
	_ =	sdelay $0x4  }
0x63: {  	[tilespmem:v34+s8+$0x90 ss:$0x1] =	vst.idx.msk @!p3 $0xffff, v36  }
0x64: {  	v36 =	vld @!p3 [tilespmem:s1+$0x167E0];
	_ =	sdelay $0x4  }
0x65: {  	[tilespmem:v34+s8+$0xA0 ss:$0x1] =	vst.idx.msk @!p3 $0xffff, v36  }
0x66: {  	v36 =	vld @!p3 [tilespmem:s1+$0x167F0]  }
0x67: {  	s1 =	spop (v2sf)  }
0x68: {  	s23 =	sadd.s32 $0xFFFFFFFF, s1  }
0x69: {  	p2 =	sgt.u32 s23, $0x1  }
0x6a: {  	s1 =	sshll.u32 @!p2 s1, $0x6  }
0x6b: {  	s1 =	sand.u32 @!p2 $0x3FFFFFC0, s1;
	[tilespmem:v34+s8+$0xB0 ss:$0x1] =	vst.idx.msk @!p3 $0xffff, v36  }
0x6c: {  	v36 =	vld @!p2 [tilespmem:s1+$0x167C0];
	_ =	sdelay $0x2  }
0x6d: {  	s8 =	sshll.u32 @!p2 s30, $0xA  }
0x6e: {  	(v2sf) =	vpush v35, $0x4;
	s8 =	sand.u32 @!p2 $0x3FFFFC00, s8  }
0x6f: {  	[tilespmem:v34+s8+$0xC0 ss:$0x1] =	vst.idx.msk @!p2 $0xffff, v36  }
0x70: {  	v36 =	vld @!p2 [tilespmem:s1+$0x167D0];
	_ =	sdelay $0x4  }
0x71: {  	[tilespmem:v34+s8+$0xD0 ss:$0x1] =	vst.idx.msk @!p2 $0xffff, v36  }
0x72: {  	v36 =	vld @!p2 [tilespmem:s1+$0x167E0];
	_ =	sdelay $0x4  }
0x73: {  	[tilespmem:v34+s8+$0xE0 ss:$0x1] =	vst.idx.msk @!p2 $0xffff, v36  }
0x74: {  	v36 =	vld @!p2 [tilespmem:s1+$0x167F0]  }
0x75: {  	s1 =	spop (v2sf)  }
0x76: {  	s23 =	sadd.s32 $0xFFFFFFFF, s1  }
0x77: {  	p3 =	sgt.u32 s23, $0x1  }
0x78: {  	s1 =	sshll.u32 @!p3 s1, $0x6  }
0x79: {  	s1 =	sand.u32 @!p3 $0x3FFFFFC0, s1;
	[tilespmem:v34+s8+$0xF0 ss:$0x1] =	vst.idx.msk @!p2 $0xffff, v36  }
0x7a: {  	v36 =	vld @!p3 [tilespmem:s1+$0x167C0];
	_ =	sdelay $0x2  }
0x7b: {  	s8 =	sshll.u32 @!p3 s30, $0xA  }
0x7c: {  	(v2sf) =	vpush v35, $0x5;
	s8 =	sand.u32 @!p3 $0x3FFFFC00, s8  }
0x7d: {  	[tilespmem:v34+s8+$0x100 ss:$0x1] =	vst.idx.msk @!p3 $0xffff, v36  }
0x7e: {  	v36 =	vld @!p3 [tilespmem:s1+$0x167D0];
	_ =	sdelay $0x4  }
0x7f: {  	[tilespmem:v34+s8+$0x110 ss:$0x1] =	vst.idx.msk @!p3 $0xffff, v36  }
0x80: {  	v36 =	vld @!p3 [tilespmem:s1+$0x167E0];
	_ =	sdelay $0x4  }
0x81: {  	[tilespmem:v34+s8+$0x120 ss:$0x1] =	vst.idx.msk @!p3 $0xffff, v36  }
0x82: {  	v36 =	vld @!p3 [tilespmem:s1+$0x167F0]  }
0x83: {  	s1 =	spop (v2sf)  }
0x84: {  	s23 =	sadd.s32 $0xFFFFFFFF, s1  }
0x85: {  	p2 =	sgt.u32 s23, $0x1  }
0x86: {  	s1 =	sshll.u32 @!p2 s1, $0x6  }
0x87: {  	s1 =	sand.u32 @!p2 $0x3FFFFFC0, s1;
	[tilespmem:v34+s8+$0x130 ss:$0x1] =	vst.idx.msk @!p3 $0xffff, v36  }
0x88: {  	v36 =	vld @!p2 [tilespmem:s1+$0x167C0];
	_ =	sdelay $0x2  }
0x89: {  	s8 =	sshll.u32 @!p2 s30, $0xA  }
0x8a: {  	(v2sf) =	vpush v35, $0x6;
	s8 =	sand.u32 @!p2 $0x3FFFFC00, s8  }
0x8b: {  	[tilespmem:v34+s8+$0x140 ss:$0x1] =	vst.idx.msk @!p2 $0xffff, v36  }
0x8c: {  	v36 =	vld @!p2 [tilespmem:s1+$0x167D0];
	_ =	sdelay $0x4  }
0x8d: {  	[tilespmem:v34+s8+$0x150 ss:$0x1] =	vst.idx.msk @!p2 $0xffff, v36  }
0x8e: {  	v36 =	vld @!p2 [tilespmem:s1+$0x167E0];
	_ =	sdelay $0x4  }
0x8f: {  	[tilespmem:v34+s8+$0x160 ss:$0x1] =	vst.idx.msk @!p2 $0xffff, v36  }
0x90: {  	v36 =	vld @!p2 [tilespmem:s1+$0x167F0]  }
0x91: {  	s1 =	spop (v2sf)  }
0x92: {  	s23 =	sadd.s32 $0xFFFFFFFF, s1  }
0x93: {  	p3 =	sgt.u32 s23, $0x1  }
0x94: {  	s1 =	sshll.u32 @!p3 s1, $0x6  }
0x95: {  	s1 =	sand.u32 @!p3 $0x3FFFFFC0, s1;
	[tilespmem:v34+s8+$0x170 ss:$0x1] =	vst.idx.msk @!p2 $0xffff, v36  }
0x96: {  	v36 =	vld @!p3 [tilespmem:s1+$0x167C0];
	_ =	sdelay $0x2  }
0x97: {  	s8 =	sshll.u32 @!p3 s30, $0xA  }
0x98: {  	(v2sf) =	vpush v35, $0x7;
	s8 =	sand.u32 @!p3 $0x3FFFFC00, s8  }
0x99: {  	[tilespmem:v34+s8+$0x180 ss:$0x1] =	vst.idx.msk @!p3 $0xffff, v36  }
0x9a: {  	v36 =	vld @!p3 [tilespmem:s1+$0x167D0];
	_ =	sdelay $0x4  }
0x9b: {  	[tilespmem:v34+s8+$0x190 ss:$0x1] =	vst.idx.msk @!p3 $0xffff, v36  }
0x9c: {  	v36 =	vld @!p3 [tilespmem:s1+$0x167E0];
	_ =	sdelay $0x4  }
0x9d: {  	[tilespmem:v34+s8+$0x1A0 ss:$0x1] =	vst.idx.msk @!p3 $0xffff, v36  }
0x9e: {  	v36 =	vld @!p3 [tilespmem:s1+$0x167F0]  }
0x9f: {  	s1 =	spop (v2sf)  }
0xa0: {  	s23 =	sadd.s32 $0xFFFFFFFF, s1  }
0xa1: {  	p2 =	sgt.u32 s23, $0x1  }
0xa2: {  	s1 =	sshll.u32 @!p2 s1, $0x6  }
0xa3: {  	s1 =	sand.u32 @!p2 $0x3FFFFFC0, s1;
	[tilespmem:v34+s8+$0x1B0 ss:$0x1] =	vst.idx.msk @!p3 $0xffff, v36  }
0xa4: {  	v36 =	vld @!p2 [tilespmem:s1+$0x167C0];
	_ =	sdelay $0x2  }
0xa5: {  	s8 =	sshll.u32 @!p2 s30, $0xA  }
0xa6: {  	(v2sf) =	vpush v35, $0x8;
	s8 =	sand.u32 @!p2 $0x3FFFFC00, s8  }
0xa7: {  	[tilespmem:v34+s8+$0x1C0 ss:$0x1] =	vst.idx.msk @!p2 $0xffff, v36  }
0xa8: {  	v36 =	vld @!p2 [tilespmem:s1+$0x167D0];
	_ =	sdelay $0x4  }
0xa9: {  	[tilespmem:v34+s8+$0x1D0 ss:$0x1] =	vst.idx.msk @!p2 $0xffff, v36  }
0xaa: {  	v36 =	vld @!p2 [tilespmem:s1+$0x167E0];
	_ =	sdelay $0x4  }
0xab: {  	[tilespmem:v34+s8+$0x1E0 ss:$0x1] =	vst.idx.msk @!p2 $0xffff, v36  }
0xac: {  	v36 =	vld @!p2 [tilespmem:s1+$0x167F0]  }
0xad: {  	s1 =	spop (v2sf)  }
0xae: {  	s23 =	sadd.s32 $0xFFFFFFFF, s1  }
0xaf: {  	p3 =	sgt.u32 s23, $0x1  }
0xb0: {  	s1 =	sshll.u32 @!p3 s1, $0x6  }
0xb1: {  	s1 =	sand.u32 @!p3 $0x3FFFFFC0, s1;
	[tilespmem:v34+s8+$0x1F0 ss:$0x1] =	vst.idx.msk @!p2 $0xffff, v36  }
0xb2: {  	v36 =	vld @!p3 [tilespmem:s1+$0x167C0];
	_ =	sdelay $0x2  }
0xb3: {  	s8 =	sshll.u32 @!p3 s30, $0xA  }
0xb4: {  	(v2sf) =	vpush v35, $0x9;
	s8 =	sand.u32 @!p3 $0x3FFFFC00, s8  }
0xb5: {  	[tilespmem:v34+s8+$0x200 ss:$0x1] =	vst.idx.msk @!p3 $0xffff, v36  }
0xb6: {  	v36 =	vld @!p3 [tilespmem:s1+$0x167D0];
	_ =	sdelay $0x4  }
0xb7: {  	[tilespmem:v34+s8+$0x210 ss:$0x1] =	vst.idx.msk @!p3 $0xffff, v36  }
0xb8: {  	v36 =	vld @!p3 [tilespmem:s1+$0x167E0];
	_ =	sdelay $0x4  }
0xb9: {  	[tilespmem:v34+s8+$0x220 ss:$0x1] =	vst.idx.msk @!p3 $0xffff, v36  }
0xba: {  	v36 =	vld @!p3 [tilespmem:s1+$0x167F0]  }
0xbb: {  	s1 =	spop (v2sf)  }
0xbc: {  	s23 =	sadd.s32 $0xFFFFFFFF, s1  }
0xbd: {  	p2 =	sgt.u32 s23, $0x1  }
0xbe: {  	s1 =	sshll.u32 @!p2 s1, $0x6  }
0xbf: {  	s1 =	sand.u32 @!p2 $0x3FFFFFC0, s1;
	[tilespmem:v34+s8+$0x230 ss:$0x1] =	vst.idx.msk @!p3 $0xffff, v36  }
0xc0: {  	v36 =	vld @!p2 [tilespmem:s1+$0x167C0];
	_ =	sdelay $0x2  }
0xc1: {  	s8 =	sshll.u32 @!p2 s30, $0xA  }
0xc2: {  	(v2sf) =	vpush v35, $0xA;
	s8 =	sand.u32 @!p2 $0x3FFFFC00, s8  }
0xc3: {  	[tilespmem:v34+s8+$0x240 ss:$0x1] =	vst.idx.msk @!p2 $0xffff, v36  }
0xc4: {  	v36 =	vld @!p2 [tilespmem:s1+$0x167D0];
	_ =	sdelay $0x4  }
0xc5: {  	[tilespmem:v34+s8+$0x250 ss:$0x1] =	vst.idx.msk @!p2 $0xffff, v36  }
0xc6: {  	v36 =	vld @!p2 [tilespmem:s1+$0x167E0];
	_ =	sdelay $0x4  }
0xc7: {  	[tilespmem:v34+s8+$0x260 ss:$0x1] =	vst.idx.msk @!p2 $0xffff, v36  }
0xc8: {  	v36 =	vld @!p2 [tilespmem:s1+$0x167F0]  }
0xc9: {  	s1 =	spop (v2sf)  }
0xca: {  	s23 =	sadd.s32 $0xFFFFFFFF, s1  }
0xcb: {  	p3 =	sgt.u32 s23, $0x1  }
0xcc: {  	s1 =	sshll.u32 @!p3 s1, $0x6  }
0xcd: {  	s1 =	sand.u32 @!p3 $0x3FFFFFC0, s1;
	[tilespmem:v34+s8+$0x270 ss:$0x1] =	vst.idx.msk @!p2 $0xffff, v36  }
0xce: {  	v36 =	vld @!p3 [tilespmem:s1+$0x167C0];
	_ =	sdelay $0x2  }
0xcf: {  	s8 =	sshll.u32 @!p3 s30, $0xA  }
0xd0: {  	(v2sf) =	vpush v35, $0xB;
	s8 =	sand.u32 @!p3 $0x3FFFFC00, s8  }
0xd1: {  	[tilespmem:v34+s8+$0x280 ss:$0x1] =	vst.idx.msk @!p3 $0xffff, v36  }
0xd2: {  	v36 =	vld @!p3 [tilespmem:s1+$0x167D0];
	_ =	sdelay $0x4  }
0xd3: {  	[tilespmem:v34+s8+$0x290 ss:$0x1] =	vst.idx.msk @!p3 $0xffff, v36  }
0xd4: {  	v36 =	vld @!p3 [tilespmem:s1+$0x167E0];
	_ =	sdelay $0x4  }
0xd5: {  	[tilespmem:v34+s8+$0x2A0 ss:$0x1] =	vst.idx.msk @!p3 $0xffff, v36  }
0xd6: {  	v36 =	vld @!p3 [tilespmem:s1+$0x167F0]  }
0xd7: {  	s1 =	spop (v2sf)  }
0xd8: {  	s23 =	sadd.s32 $0xFFFFFFFF, s1  }
0xd9: {  	p2 =	sgt.u32 s23, $0x1  }
0xda: {  	s1 =	sshll.u32 @!p2 s1, $0x6  }
0xdb: {  	s1 =	sand.u32 @!p2 $0x3FFFFFC0, s1;
	[tilespmem:v34+s8+$0x2B0 ss:$0x1] =	vst.idx.msk @!p3 $0xffff, v36  }
0xdc: {  	v36 =	vld @!p2 [tilespmem:s1+$0x167C0];
	_ =	sdelay $0x2  }
0xdd: {  	s8 =	sshll.u32 @!p2 s30, $0xA  }
0xde: {  	(v2sf) =	vpush v35, $0xC;
	s8 =	sand.u32 @!p2 $0x3FFFFC00, s8  }
0xdf: {  	[tilespmem:v34+s8+$0x2C0 ss:$0x1] =	vst.idx.msk @!p2 $0xffff, v36  }
0xe0: {  	v36 =	vld @!p2 [tilespmem:s1+$0x167D0];
	_ =	sdelay $0x4  }
0xe1: {  	[tilespmem:v34+s8+$0x2D0 ss:$0x1] =	vst.idx.msk @!p2 $0xffff, v36  }
0xe2: {  	v36 =	vld @!p2 [tilespmem:s1+$0x167E0];
	_ =	sdelay $0x4  }
0xe3: {  	[tilespmem:v34+s8+$0x2E0 ss:$0x1] =	vst.idx.msk @!p2 $0xffff, v36  }
0xe4: {  	v36 =	vld @!p2 [tilespmem:s1+$0x167F0]  }
0xe5: {  	s1 =	spop (v2sf)  }
0xe6: {  	s23 =	sadd.s32 $0xFFFFFFFF, s1  }
0xe7: {  	p3 =	sgt.u32 s23, $0x1  }
0xe8: {  	s1 =	sshll.u32 @!p3 s1, $0x6  }
0xe9: {  	s1 =	sand.u32 @!p3 $0x3FFFFFC0, s1;
	[tilespmem:v34+s8+$0x2F0 ss:$0x1] =	vst.idx.msk @!p2 $0xffff, v36  }
0xea: {  	v36 =	vld @!p3 [tilespmem:s1+$0x167C0];
	_ =	sdelay $0x2  }
0xeb: {  	s8 =	sshll.u32 @!p3 s30, $0xA  }
0xec: {  	(v2sf) =	vpush v35, $0xD;
	s8 =	sand.u32 @!p3 $0x3FFFFC00, s8  }
0xed: {  	[tilespmem:v34+s8+$0x300 ss:$0x1] =	vst.idx.msk @!p3 $0xffff, v36  }
0xee: {  	v36 =	vld @!p3 [tilespmem:s1+$0x167D0];
	_ =	sdelay $0x4  }
0xef: {  	[tilespmem:v34+s8+$0x310 ss:$0x1] =	vst.idx.msk @!p3 $0xffff, v36  }
0xf0: {  	v36 =	vld @!p3 [tilespmem:s1+$0x167E0];
	_ =	sdelay $0x4  }
0xf1: {  	[tilespmem:v34+s8+$0x320 ss:$0x1] =	vst.idx.msk @!p3 $0xffff, v36  }
0xf2: {  	v36 =	vld @!p3 [tilespmem:s1+$0x167F0]  }
0xf3: {  	s1 =	spop (v2sf)  }
0xf4: {  	s23 =	sadd.s32 $0xFFFFFFFF, s1  }
0xf5: {  	p2 =	sgt.u32 s23, $0x1  }
0xf6: {  	s1 =	sshll.u32 @!p2 s1, $0x6  }
0xf7: {  	s1 =	sand.u32 @!p2 $0x3FFFFFC0, s1;
	[tilespmem:v34+s8+$0x330 ss:$0x1] =	vst.idx.msk @!p3 $0xffff, v36  }
0xf8: {  	v36 =	vld @!p2 [tilespmem:s1+$0x167C0];
	_ =	sdelay $0x2  }
0xf9: {  	s8 =	sshll.u32 @!p2 s30, $0xA  }
0xfa: {  	(v2sf) =	vpush v35, $0xE;
	s8 =	sand.u32 @!p2 $0x3FFFFC00, s8  }
0xfb: {  	[tilespmem:v34+s8+$0x340 ss:$0x1] =	vst.idx.msk @!p2 $0xffff, v36  }
0xfc: {  	v36 =	vld @!p2 [tilespmem:s1+$0x167D0];
	_ =	sdelay $0x4  }
0xfd: {  	[tilespmem:v34+s8+$0x350 ss:$0x1] =	vst.idx.msk @!p2 $0xffff, v36  }
0xfe: {  	v36 =	vld @!p2 [tilespmem:s1+$0x167E0];
	_ =	sdelay $0x4  }
0xff: {  	[tilespmem:v34+s8+$0x360 ss:$0x1] =	vst.idx.msk @!p2 $0xffff, v36  }
0x100: {  	v36 =	vld @!p2 [tilespmem:s1+$0x167F0]  }
0x101: {  	s1 =	spop (v2sf)  }
0x102: {  	s23 =	sadd.s32 $0xFFFFFFFF, s1  }
0x103: {  	p3 =	sgt.u32 s23, $0x1  }
0x104: {  	s1 =	sshll.u32 @!p3 s1, $0x6  }
0x105: {  	s1 =	sand.u32 @!p3 $0x3FFFFFC0, s1;
	[tilespmem:v34+s8+$0x370 ss:$0x1] =	vst.idx.msk @!p2 $0xffff, v36  }
0x106: {  	v36 =	vld @!p3 [tilespmem:s1+$0x167C0];
	_ =	sdelay $0x2  }
0x107: {  	s8 =	sshll.u32 @!p3 s30, $0xA  }
0x108: {  	(v2sf) =	vpush v35, $0xF;
	s8 =	sand.u32 @!p3 $0x3FFFFC00, s8  }
0x109: {  	[tilespmem:v34+s8+$0x380 ss:$0x1] =	vst.idx.msk @!p3 $0xffff, v36  }
0x10a: {  	v35 =	vld @!p3 [tilespmem:s1+$0x167D0];
	_ =	sdelay $0x4  }
0x10b: {  	[tilespmem:v34+s8+$0x390 ss:$0x1] =	vst.idx.msk @!p3 $0xffff, v35  }
0x10c: {  	v35 =	vld @!p3 [tilespmem:s1+$0x167E0];
	_ =	sdelay $0x4  }
0x10d: {  	[tilespmem:v34+s8+$0x3A0 ss:$0x1] =	vst.idx.msk @!p3 $0xffff, v35  }
0x10e: {  	v35 =	vld @!p3 [tilespmem:s1+$0x167F0]  }
0x10f: {  	s1 =	spop (v2sf)  }
0x110: {  	s23 =	sadd.s32 $0xFFFFFFFF, s1  }
0x111: {  	p2 =	sgt.u32 s23, $0x1  }
0x112: {  	s1 =	sshll.u32 @!p2 s1, $0x6  }
0x113: {  	s1 =	sand.u32 @!p2 $0x3FFFFFC0, s1;
	[tilespmem:v34+s8+$0x3B0 ss:$0x1] =	vst.idx.msk @!p3 $0xffff, v35  }
0x114: {  	v35 =	vld @!p2 [tilespmem:s1+$0x167C0];
	_ =	sdelay $0x2  }
0x115: {  	s8 =	sshll.u32 @!p2 s30, $0xA  }
0x116: {  	s8 =	sand.u32 @!p2 $0x3FFFFC00, s8  }
0x117: {  	[tilespmem:v34+s8+$0x3C0 ss:$0x1] =	vst.idx.msk @!p2 $0xffff, v35  }
0x118: {  	v35 =	vld @!p2 [tilespmem:s1+$0x167D0];
	_ =	sdelay $0x4  }
0x119: {  	[tilespmem:v34+s8+$0x3D0 ss:$0x1] =	vst.idx.msk @!p2 $0xffff, v35  }
0x11a: {  	v35 =	vld @!p2 [tilespmem:s1+$0x167E0];
	_ =	sdelay $0x4  }
0x11b: {  	[tilespmem:v34+s8+$0x3E0 ss:$0x1] =	vst.idx.msk @!p2 $0xffff, v35  }
0x11c: {  	v35 =	vld @!p2 [tilespmem:s1+$0x167F0];
	_ =	sdelay $0x4  }
0x11d: {  	[tilespmem:v34+s8+$0x3F0 ss:$0x1] =	vst.idx.msk @!p2 $0xffff, v35  }
.LBB2_5:
0x11e: {  	_ =	sdelay $0x2  }
0x11f: {  	s1 =	sor.u32 $0x10, s31  }
0x120: {  	v35 =	vld.idx.msk [tilespmem:v33+s1+$0x0 ss:$0x1], $0xffff;
	_ =	sdelay $0x4  }
0x121: {  	v36 =	vadd.s32 $0xFFFFFFFF, v35  }
0x122: {  	vm0 =	vlt.u32 v36, $0x2  }
0x123: {  	v36 =	vmpcnt.ones.xlane vm0;
	_ =	sdelay $0x1  }
0x124: {  	(v2sf) =	vpush v36, $0x0;
	_ =	sdelay $0xe  }
0x125: {  	s8 =	spop (v2sf)  }
0x126: {  	p2 =	slt.s32 s8, $0x1  }
.Ltmp3:
0x127: {  	_ = 	snop;
	(pc) =	sbr.rel @p2 .LBB2_7-.Ltmp3, $1  }
0x128: {  	_ =	sdelay $0x3  }
0x129: {  	(v2sf) =	vpush v35, $0x0;
	_ =	sdelay $0xe  }
0x12a: {  	s8 =	spop (v2sf)  }
0x12b: {  	s23 =	sadd.s32 $0xFFFFFFFF, s8  }
0x12c: {  	p3 =	sgt.u32 s23, $0x1  }
0x12d: {  	s8 =	sshll.u32 @!p3 s8, $0x6  }
0x12e: {  	s8 =	sand.u32 @!p3 $0x3FFFFFC0, s8  }
0x12f: {  	v36 =	vld @!p3 [tilespmem:s8+$0x167C0];
	_ =	sdelay $0x2  }
0x130: {  	s1 =	sshll.u32 @!p3 s1, $0x6  }
0x131: {  	(v2sf) =	vpush v35, $0x1;
	s1 =	sand.u32 @!p3 $0x3FFFFFC0, s1  }
0x132: {  	[tilespmem:v34+s1+$0x0 ss:$0x1] =	vst.idx.msk @!p3 $0xffff, v36  }
0x133: {  	v36 =	vld @!p3 [tilespmem:s8+$0x167D0];
	_ =	sdelay $0x4  }
0x134: {  	[tilespmem:v34+s1+$0x10 ss:$0x1] =	vst.idx.msk @!p3 $0xffff, v36  }
0x135: {  	v36 =	vld @!p3 [tilespmem:s8+$0x167E0];
	_ =	sdelay $0x4  }
0x136: {  	[tilespmem:v34+s1+$0x20 ss:$0x1] =	vst.idx.msk @!p3 $0xffff, v36  }
0x137: {  	v36 =	vld @!p3 [tilespmem:s8+$0x167F0]  }
0x138: {  	s8 =	spop (v2sf)  }
0x139: {  	s23 =	sadd.s32 $0xFFFFFFFF, s8  }
0x13a: {  	p2 =	sgt.u32 s23, $0x1  }
0x13b: {  	s8 =	sshll.u32 @!p2 s8, $0x6  }
0x13c: {  	[tilespmem:v34+s1+$0x30 ss:$0x1] =	vst.idx.msk @!p3 $0xffff, v36;
	s1 =	sand.u32 @!p2 $0x3FFFFFC0, s8  }
0x13d: {  	v36 =	vld @!p2 [tilespmem:s1+$0x167C0];
	_ =	sdelay $0x2  }
0x13e: {  	s8 =	sshll.u32 @!p2 s30, $0xA  }
0x13f: {  	(v2sf) =	vpush v35, $0x2;
	s8 =	sand.u32 @!p2 $0x3FFFFC00, s8  }
0x140: {  	[tilespmem:v34+s8+$0x440 ss:$0x1] =	vst.idx.msk @!p2 $0xffff, v36  }
0x141: {  	v36 =	vld @!p2 [tilespmem:s1+$0x167D0];
	_ =	sdelay $0x4  }
0x142: {  	[tilespmem:v34+s8+$0x450 ss:$0x1] =	vst.idx.msk @!p2 $0xffff, v36  }
0x143: {  	v36 =	vld @!p2 [tilespmem:s1+$0x167E0];
	_ =	sdelay $0x4  }
0x144: {  	[tilespmem:v34+s8+$0x460 ss:$0x1] =	vst.idx.msk @!p2 $0xffff, v36  }
0x145: {  	v36 =	vld @!p2 [tilespmem:s1+$0x167F0]  }
0x146: {  	s1 =	spop (v2sf)  }
0x147: {  	s23 =	sadd.s32 $0xFFFFFFFF, s1  }
0x148: {  	p3 =	sgt.u32 s23, $0x1  }
0x149: {  	s1 =	sshll.u32 @!p3 s1, $0x6  }
0x14a: {  	s1 =	sand.u32 @!p3 $0x3FFFFFC0, s1;
	[tilespmem:v34+s8+$0x470 ss:$0x1] =	vst.idx.msk @!p2 $0xffff, v36  }
0x14b: {  	v36 =	vld @!p3 [tilespmem:s1+$0x167C0];
	_ =	sdelay $0x2  }
0x14c: {  	s8 =	sshll.u32 @!p3 s30, $0xA  }
0x14d: {  	(v2sf) =	vpush v35, $0x3;
	s8 =	sand.u32 @!p3 $0x3FFFFC00, s8  }
0x14e: {  	[tilespmem:v34+s8+$0x480 ss:$0x1] =	vst.idx.msk @!p3 $0xffff, v36  }
0x14f: {  	v36 =	vld @!p3 [tilespmem:s1+$0x167D0];
	_ =	sdelay $0x4  }
0x150: {  	[tilespmem:v34+s8+$0x490 ss:$0x1] =	vst.idx.msk @!p3 $0xffff, v36  }
0x151: {  	v36 =	vld @!p3 [tilespmem:s1+$0x167E0];
	_ =	sdelay $0x4  }
0x152: {  	[tilespmem:v34+s8+$0x4A0 ss:$0x1] =	vst.idx.msk @!p3 $0xffff, v36  }
0x153: {  	v36 =	vld @!p3 [tilespmem:s1+$0x167F0]  }
0x154: {  	s1 =	spop (v2sf)  }
0x155: {  	s23 =	sadd.s32 $0xFFFFFFFF, s1  }
0x156: {  	p2 =	sgt.u32 s23, $0x1  }
0x157: {  	s1 =	sshll.u32 @!p2 s1, $0x6  }
0x158: {  	s1 =	sand.u32 @!p2 $0x3FFFFFC0, s1;
	[tilespmem:v34+s8+$0x4B0 ss:$0x1] =	vst.idx.msk @!p3 $0xffff, v36  }
0x159: {  	v36 =	vld @!p2 [tilespmem:s1+$0x167C0];
	_ =	sdelay $0x2  }
0x15a: {  	s8 =	sshll.u32 @!p2 s30, $0xA  }
0x15b: {  	(v2sf) =	vpush v35, $0x4;
	s8 =	sand.u32 @!p2 $0x3FFFFC00, s8  }
0x15c: {  	[tilespmem:v34+s8+$0x4C0 ss:$0x1] =	vst.idx.msk @!p2 $0xffff, v36  }
0x15d: {  	v36 =	vld @!p2 [tilespmem:s1+$0x167D0];
	_ =	sdelay $0x4  }
0x15e: {  	[tilespmem:v34+s8+$0x4D0 ss:$0x1] =	vst.idx.msk @!p2 $0xffff, v36  }
0x15f: {  	v36 =	vld @!p2 [tilespmem:s1+$0x167E0];
	_ =	sdelay $0x4  }
0x160: {  	[tilespmem:v34+s8+$0x4E0 ss:$0x1] =	vst.idx.msk @!p2 $0xffff, v36  }
0x161: {  	v36 =	vld @!p2 [tilespmem:s1+$0x167F0]  }
0x162: {  	s1 =	spop (v2sf)  }
0x163: {  	s23 =	sadd.s32 $0xFFFFFFFF, s1  }
0x164: {  	p3 =	sgt.u32 s23, $0x1  }
0x165: {  	s1 =	sshll.u32 @!p3 s1, $0x6  }
0x166: {  	s1 =	sand.u32 @!p3 $0x3FFFFFC0, s1;
	[tilespmem:v34+s8+$0x4F0 ss:$0x1] =	vst.idx.msk @!p2 $0xffff, v36  }
0x167: {  	v36 =	vld @!p3 [tilespmem:s1+$0x167C0];
	_ =	sdelay $0x2  }
0x168: {  	s8 =	sshll.u32 @!p3 s30, $0xA  }
0x169: {  	(v2sf) =	vpush v35, $0x5;
	s8 =	sand.u32 @!p3 $0x3FFFFC00, s8  }
0x16a: {  	[tilespmem:v34+s8+$0x500 ss:$0x1] =	vst.idx.msk @!p3 $0xffff, v36  }
0x16b: {  	v36 =	vld @!p3 [tilespmem:s1+$0x167D0];
	_ =	sdelay $0x4  }
0x16c: {  	[tilespmem:v34+s8+$0x510 ss:$0x1] =	vst.idx.msk @!p3 $0xffff, v36  }
0x16d: {  	v36 =	vld @!p3 [tilespmem:s1+$0x167E0];
	_ =	sdelay $0x4  }
0x16e: {  	[tilespmem:v34+s8+$0x520 ss:$0x1] =	vst.idx.msk @!p3 $0xffff, v36  }
0x16f: {  	v36 =	vld @!p3 [tilespmem:s1+$0x167F0]  }
0x170: {  	s1 =	spop (v2sf)  }
0x171: {  	s23 =	sadd.s32 $0xFFFFFFFF, s1  }
0x172: {  	p2 =	sgt.u32 s23, $0x1  }
0x173: {  	s1 =	sshll.u32 @!p2 s1, $0x6  }
0x174: {  	s1 =	sand.u32 @!p2 $0x3FFFFFC0, s1;
	[tilespmem:v34+s8+$0x530 ss:$0x1] =	vst.idx.msk @!p3 $0xffff, v36  }
0x175: {  	v36 =	vld @!p2 [tilespmem:s1+$0x167C0];
	_ =	sdelay $0x2  }
0x176: {  	s8 =	sshll.u32 @!p2 s30, $0xA  }
0x177: {  	(v2sf) =	vpush v35, $0x6;
	s8 =	sand.u32 @!p2 $0x3FFFFC00, s8  }
0x178: {  	[tilespmem:v34+s8+$0x540 ss:$0x1] =	vst.idx.msk @!p2 $0xffff, v36  }
0x179: {  	v36 =	vld @!p2 [tilespmem:s1+$0x167D0];
	_ =	sdelay $0x4  }
0x17a: {  	[tilespmem:v34+s8+$0x550 ss:$0x1] =	vst.idx.msk @!p2 $0xffff, v36  }
0x17b: {  	v36 =	vld @!p2 [tilespmem:s1+$0x167E0];
	_ =	sdelay $0x4  }
0x17c: {  	[tilespmem:v34+s8+$0x560 ss:$0x1] =	vst.idx.msk @!p2 $0xffff, v36  }
0x17d: {  	v36 =	vld @!p2 [tilespmem:s1+$0x167F0]  }
0x17e: {  	s1 =	spop (v2sf)  }
0x17f: {  	s23 =	sadd.s32 $0xFFFFFFFF, s1  }
0x180: {  	p3 =	sgt.u32 s23, $0x1  }
0x181: {  	s1 =	sshll.u32 @!p3 s1, $0x6  }
0x182: {  	s1 =	sand.u32 @!p3 $0x3FFFFFC0, s1;
	[tilespmem:v34+s8+$0x570 ss:$0x1] =	vst.idx.msk @!p2 $0xffff, v36  }
0x183: {  	v36 =	vld @!p3 [tilespmem:s1+$0x167C0];
	_ =	sdelay $0x2  }
0x184: {  	s8 =	sshll.u32 @!p3 s30, $0xA  }
0x185: {  	(v2sf) =	vpush v35, $0x7;
	s8 =	sand.u32 @!p3 $0x3FFFFC00, s8  }
0x186: {  	[tilespmem:v34+s8+$0x580 ss:$0x1] =	vst.idx.msk @!p3 $0xffff, v36  }
0x187: {  	v36 =	vld @!p3 [tilespmem:s1+$0x167D0];
	_ =	sdelay $0x4  }
0x188: {  	[tilespmem:v34+s8+$0x590 ss:$0x1] =	vst.idx.msk @!p3 $0xffff, v36  }
0x189: {  	v36 =	vld @!p3 [tilespmem:s1+$0x167E0];
	_ =	sdelay $0x4  }
0x18a: {  	[tilespmem:v34+s8+$0x5A0 ss:$0x1] =	vst.idx.msk @!p3 $0xffff, v36  }
0x18b: {  	v36 =	vld @!p3 [tilespmem:s1+$0x167F0]  }
0x18c: {  	s1 =	spop (v2sf)  }
0x18d: {  	s23 =	sadd.s32 $0xFFFFFFFF, s1  }
0x18e: {  	p2 =	sgt.u32 s23, $0x1  }
0x18f: {  	s1 =	sshll.u32 @!p2 s1, $0x6  }
0x190: {  	s1 =	sand.u32 @!p2 $0x3FFFFFC0, s1;
	[tilespmem:v34+s8+$0x5B0 ss:$0x1] =	vst.idx.msk @!p3 $0xffff, v36  }
0x191: {  	v36 =	vld @!p2 [tilespmem:s1+$0x167C0];
	_ =	sdelay $0x2  }
0x192: {  	s8 =	sshll.u32 @!p2 s30, $0xA  }
0x193: {  	(v2sf) =	vpush v35, $0x8;
	s8 =	sand.u32 @!p2 $0x3FFFFC00, s8  }
0x194: {  	[tilespmem:v34+s8+$0x5C0 ss:$0x1] =	vst.idx.msk @!p2 $0xffff, v36  }
0x195: {  	v36 =	vld @!p2 [tilespmem:s1+$0x167D0];
	_ =	sdelay $0x4  }
0x196: {  	[tilespmem:v34+s8+$0x5D0 ss:$0x1] =	vst.idx.msk @!p2 $0xffff, v36  }
0x197: {  	v36 =	vld @!p2 [tilespmem:s1+$0x167E0];
	_ =	sdelay $0x4  }
0x198: {  	[tilespmem:v34+s8+$0x5E0 ss:$0x1] =	vst.idx.msk @!p2 $0xffff, v36  }
0x199: {  	v36 =	vld @!p2 [tilespmem:s1+$0x167F0]  }
0x19a: {  	s1 =	spop (v2sf)  }
0x19b: {  	s23 =	sadd.s32 $0xFFFFFFFF, s1  }
0x19c: {  	p3 =	sgt.u32 s23, $0x1  }
0x19d: {  	s1 =	sshll.u32 @!p3 s1, $0x6  }
0x19e: {  	s1 =	sand.u32 @!p3 $0x3FFFFFC0, s1;
	[tilespmem:v34+s8+$0x5F0 ss:$0x1] =	vst.idx.msk @!p2 $0xffff, v36  }
0x19f: {  	v36 =	vld @!p3 [tilespmem:s1+$0x167C0];
	_ =	sdelay $0x2  }
0x1a0: {  	s8 =	sshll.u32 @!p3 s30, $0xA  }
0x1a1: {  	(v2sf) =	vpush v35, $0x9;
	s8 =	sand.u32 @!p3 $0x3FFFFC00, s8  }
0x1a2: {  	[tilespmem:v34+s8+$0x600 ss:$0x1] =	vst.idx.msk @!p3 $0xffff, v36  }
0x1a3: {  	v36 =	vld @!p3 [tilespmem:s1+$0x167D0];
	_ =	sdelay $0x4  }
0x1a4: {  	[tilespmem:v34+s8+$0x610 ss:$0x1] =	vst.idx.msk @!p3 $0xffff, v36  }
0x1a5: {  	v36 =	vld @!p3 [tilespmem:s1+$0x167E0];
	_ =	sdelay $0x4  }
0x1a6: {  	[tilespmem:v34+s8+$0x620 ss:$0x1] =	vst.idx.msk @!p3 $0xffff, v36  }
0x1a7: {  	v36 =	vld @!p3 [tilespmem:s1+$0x167F0]  }
0x1a8: {  	s1 =	spop (v2sf)  }
0x1a9: {  	s23 =	sadd.s32 $0xFFFFFFFF, s1  }
0x1aa: {  	p2 =	sgt.u32 s23, $0x1  }
0x1ab: {  	s1 =	sshll.u32 @!p2 s1, $0x6  }
0x1ac: {  	s1 =	sand.u32 @!p2 $0x3FFFFFC0, s1;
	[tilespmem:v34+s8+$0x630 ss:$0x1] =	vst.idx.msk @!p3 $0xffff, v36  }
0x1ad: {  	v36 =	vld @!p2 [tilespmem:s1+$0x167C0];
	_ =	sdelay $0x2  }
0x1ae: {  	s8 =	sshll.u32 @!p2 s30, $0xA  }
0x1af: {  	(v2sf) =	vpush v35, $0xA;
	s8 =	sand.u32 @!p2 $0x3FFFFC00, s8  }
0x1b0: {  	[tilespmem:v34+s8+$0x640 ss:$0x1] =	vst.idx.msk @!p2 $0xffff, v36  }
0x1b1: {  	v36 =	vld @!p2 [tilespmem:s1+$0x167D0];
	_ =	sdelay $0x4  }
0x1b2: {  	[tilespmem:v34+s8+$0x650 ss:$0x1] =	vst.idx.msk @!p2 $0xffff, v36  }
0x1b3: {  	v36 =	vld @!p2 [tilespmem:s1+$0x167E0];
	_ =	sdelay $0x4  }
0x1b4: {  	[tilespmem:v34+s8+$0x660 ss:$0x1] =	vst.idx.msk @!p2 $0xffff, v36  }
0x1b5: {  	v36 =	vld @!p2 [tilespmem:s1+$0x167F0]  }
0x1b6: {  	s1 =	spop (v2sf)  }
0x1b7: {  	s23 =	sadd.s32 $0xFFFFFFFF, s1  }
0x1b8: {  	p3 =	sgt.u32 s23, $0x1  }
0x1b9: {  	s1 =	sshll.u32 @!p3 s1, $0x6  }
0x1ba: {  	s1 =	sand.u32 @!p3 $0x3FFFFFC0, s1;
	[tilespmem:v34+s8+$0x670 ss:$0x1] =	vst.idx.msk @!p2 $0xffff, v36  }
0x1bb: {  	v36 =	vld @!p3 [tilespmem:s1+$0x167C0];
	_ =	sdelay $0x2  }
0x1bc: {  	s8 =	sshll.u32 @!p3 s30, $0xA  }
0x1bd: {  	(v2sf) =	vpush v35, $0xB;
	s8 =	sand.u32 @!p3 $0x3FFFFC00, s8  }
0x1be: {  	[tilespmem:v34+s8+$0x680 ss:$0x1] =	vst.idx.msk @!p3 $0xffff, v36  }
0x1bf: {  	v36 =	vld @!p3 [tilespmem:s1+$0x167D0];
	_ =	sdelay $0x4  }
0x1c0: {  	[tilespmem:v34+s8+$0x690 ss:$0x1] =	vst.idx.msk @!p3 $0xffff, v36  }
0x1c1: {  	v36 =	vld @!p3 [tilespmem:s1+$0x167E0];
	_ =	sdelay $0x4  }
0x1c2: {  	[tilespmem:v34+s8+$0x6A0 ss:$0x1] =	vst.idx.msk @!p3 $0xffff, v36  }
0x1c3: {  	v36 =	vld @!p3 [tilespmem:s1+$0x167F0]  }
0x1c4: {  	s1 =	spop (v2sf)  }
0x1c5: {  	s23 =	sadd.s32 $0xFFFFFFFF, s1  }
0x1c6: {  	p2 =	sgt.u32 s23, $0x1  }
0x1c7: {  	s1 =	sshll.u32 @!p2 s1, $0x6  }
0x1c8: {  	s1 =	sand.u32 @!p2 $0x3FFFFFC0, s1;
	[tilespmem:v34+s8+$0x6B0 ss:$0x1] =	vst.idx.msk @!p3 $0xffff, v36  }
0x1c9: {  	v36 =	vld @!p2 [tilespmem:s1+$0x167C0];
	_ =	sdelay $0x2  }
0x1ca: {  	s8 =	sshll.u32 @!p2 s30, $0xA  }
0x1cb: {  	(v2sf) =	vpush v35, $0xC;
	s8 =	sand.u32 @!p2 $0x3FFFFC00, s8  }
0x1cc: {  	[tilespmem:v34+s8+$0x6C0 ss:$0x1] =	vst.idx.msk @!p2 $0xffff, v36  }
0x1cd: {  	v36 =	vld @!p2 [tilespmem:s1+$0x167D0];
	_ =	sdelay $0x4  }
0x1ce: {  	[tilespmem:v34+s8+$0x6D0 ss:$0x1] =	vst.idx.msk @!p2 $0xffff, v36  }
0x1cf: {  	v36 =	vld @!p2 [tilespmem:s1+$0x167E0];
	_ =	sdelay $0x4  }
0x1d0: {  	[tilespmem:v34+s8+$0x6E0 ss:$0x1] =	vst.idx.msk @!p2 $0xffff, v36  }
0x1d1: {  	v36 =	vld @!p2 [tilespmem:s1+$0x167F0]  }
0x1d2: {  	s1 =	spop (v2sf)  }
0x1d3: {  	s23 =	sadd.s32 $0xFFFFFFFF, s1  }
0x1d4: {  	p3 =	sgt.u32 s23, $0x1  }
0x1d5: {  	s1 =	sshll.u32 @!p3 s1, $0x6  }
0x1d6: {  	s1 =	sand.u32 @!p3 $0x3FFFFFC0, s1;
	[tilespmem:v34+s8+$0x6F0 ss:$0x1] =	vst.idx.msk @!p2 $0xffff, v36  }
0x1d7: {  	v36 =	vld @!p3 [tilespmem:s1+$0x167C0];
	_ =	sdelay $0x2  }
0x1d8: {  	s8 =	sshll.u32 @!p3 s30, $0xA  }
0x1d9: {  	(v2sf) =	vpush v35, $0xD;
	s8 =	sand.u32 @!p3 $0x3FFFFC00, s8  }
0x1da: {  	[tilespmem:v34+s8+$0x700 ss:$0x1] =	vst.idx.msk @!p3 $0xffff, v36  }
0x1db: {  	v36 =	vld @!p3 [tilespmem:s1+$0x167D0];
	_ =	sdelay $0x4  }
0x1dc: {  	[tilespmem:v34+s8+$0x710 ss:$0x1] =	vst.idx.msk @!p3 $0xffff, v36  }
0x1dd: {  	v36 =	vld @!p3 [tilespmem:s1+$0x167E0];
	_ =	sdelay $0x4  }
0x1de: {  	[tilespmem:v34+s8+$0x720 ss:$0x1] =	vst.idx.msk @!p3 $0xffff, v36  }
0x1df: {  	v36 =	vld @!p3 [tilespmem:s1+$0x167F0]  }
0x1e0: {  	s1 =	spop (v2sf)  }
0x1e1: {  	s23 =	sadd.s32 $0xFFFFFFFF, s1  }
0x1e2: {  	p2 =	sgt.u32 s23, $0x1  }
0x1e3: {  	s1 =	sshll.u32 @!p2 s1, $0x6  }
0x1e4: {  	s1 =	sand.u32 @!p2 $0x3FFFFFC0, s1;
	[tilespmem:v34+s8+$0x730 ss:$0x1] =	vst.idx.msk @!p3 $0xffff, v36  }
0x1e5: {  	v36 =	vld @!p2 [tilespmem:s1+$0x167C0];
	_ =	sdelay $0x2  }
0x1e6: {  	s8 =	sshll.u32 @!p2 s30, $0xA  }
0x1e7: {  	(v2sf) =	vpush v35, $0xE;
	s8 =	sand.u32 @!p2 $0x3FFFFC00, s8  }
0x1e8: {  	[tilespmem:v34+s8+$0x740 ss:$0x1] =	vst.idx.msk @!p2 $0xffff, v36  }
0x1e9: {  	v36 =	vld @!p2 [tilespmem:s1+$0x167D0];
	_ =	sdelay $0x4  }
0x1ea: {  	[tilespmem:v34+s8+$0x750 ss:$0x1] =	vst.idx.msk @!p2 $0xffff, v36  }
0x1eb: {  	v36 =	vld @!p2 [tilespmem:s1+$0x167E0];
	_ =	sdelay $0x4  }
0x1ec: {  	[tilespmem:v34+s8+$0x760 ss:$0x1] =	vst.idx.msk @!p2 $0xffff, v36  }
0x1ed: {  	v36 =	vld @!p2 [tilespmem:s1+$0x167F0]  }
0x1ee: {  	s1 =	spop (v2sf)  }
0x1ef: {  	s23 =	sadd.s32 $0xFFFFFFFF, s1  }
0x1f0: {  	p3 =	sgt.u32 s23, $0x1  }
0x1f1: {  	s1 =	sshll.u32 @!p3 s1, $0x6  }
0x1f2: {  	s1 =	sand.u32 @!p3 $0x3FFFFFC0, s1;
	[tilespmem:v34+s8+$0x770 ss:$0x1] =	vst.idx.msk @!p2 $0xffff, v36  }
0x1f3: {  	v36 =	vld @!p3 [tilespmem:s1+$0x167C0];
	_ =	sdelay $0x2  }
0x1f4: {  	s8 =	sshll.u32 @!p3 s30, $0xA  }
0x1f5: {  	(v2sf) =	vpush v35, $0xF;
	s8 =	sand.u32 @!p3 $0x3FFFFC00, s8  }
0x1f6: {  	[tilespmem:v34+s8+$0x780 ss:$0x1] =	vst.idx.msk @!p3 $0xffff, v36  }
0x1f7: {  	v35 =	vld @!p3 [tilespmem:s1+$0x167D0];
	_ =	sdelay $0x4  }
0x1f8: {  	[tilespmem:v34+s8+$0x790 ss:$0x1] =	vst.idx.msk @!p3 $0xffff, v35  }
0x1f9: {  	v35 =	vld @!p3 [tilespmem:s1+$0x167E0];
	_ =	sdelay $0x4  }
0x1fa: {  	[tilespmem:v34+s8+$0x7A0 ss:$0x1] =	vst.idx.msk @!p3 $0xffff, v35  }
0x1fb: {  	v35 =	vld @!p3 [tilespmem:s1+$0x167F0]  }
0x1fc: {  	s1 =	spop (v2sf)  }
0x1fd: {  	s23 =	sadd.s32 $0xFFFFFFFF, s1  }
0x1fe: {  	p2 =	sgt.u32 s23, $0x1  }
0x1ff: {  	s1 =	sshll.u32 @!p2 s1, $0x6  }
0x200: {  	s1 =	sand.u32 @!p2 $0x3FFFFFC0, s1;
	[tilespmem:v34+s8+$0x7B0 ss:$0x1] =	vst.idx.msk @!p3 $0xffff, v35  }
0x201: {  	v35 =	vld @!p2 [tilespmem:s1+$0x167C0];
	_ =	sdelay $0x2  }
0x202: {  	s8 =	sshll.u32 @!p2 s30, $0xA  }
0x203: {  	s8 =	sand.u32 @!p2 $0x3FFFFC00, s8  }
0x204: {  	[tilespmem:v34+s8+$0x7C0 ss:$0x1] =	vst.idx.msk @!p2 $0xffff, v35  }
0x205: {  	v35 =	vld @!p2 [tilespmem:s1+$0x167D0];
	_ =	sdelay $0x4  }
0x206: {  	[tilespmem:v34+s8+$0x7D0 ss:$0x1] =	vst.idx.msk @!p2 $0xffff, v35  }
0x207: {  	v35 =	vld @!p2 [tilespmem:s1+$0x167E0];
	_ =	sdelay $0x4  }
0x208: {  	[tilespmem:v34+s8+$0x7E0 ss:$0x1] =	vst.idx.msk @!p2 $0xffff, v35  }
0x209: {  	v35 =	vld @!p2 [tilespmem:s1+$0x167F0];
	_ =	sdelay $0x4  }
0x20a: {  	[tilespmem:v34+s8+$0x7F0 ss:$0x1] =	vst.idx.msk @!p2 $0xffff, v35  }
.LBB2_7:
0x20b: {  	_ =	sdelay $0x2  }
0x20c: {  	s1 =	sor.u32 $0x20, s31  }
0x20d: {  	v35 =	vld.idx.msk [tilespmem:v33+s1+$0x0 ss:$0x1], $0xffff;
	_ =	sdelay $0x4  }
0x20e: {  	v36 =	vadd.s32 $0xFFFFFFFF, v35  }
0x20f: {  	vm0 =	vlt.u32 v36, $0x2  }
0x210: {  	v36 =	vmpcnt.ones.xlane vm0;
	_ =	sdelay $0x1  }
0x211: {  	(v2sf) =	vpush v36, $0x0;
	_ =	sdelay $0xe  }
0x212: {  	s8 =	spop (v2sf)  }
0x213: {  	p2 =	slt.s32 s8, $0x1  }
.Ltmp4:
0x214: {  	_ = 	snop;
	(pc) =	sbr.rel @p2 .LBB2_9-.Ltmp4, $1  }
0x215: {  	_ =	sdelay $0x3  }
0x216: {  	(v2sf) =	vpush v35, $0x0;
	_ =	sdelay $0xe  }
0x217: {  	s8 =	spop (v2sf)  }
0x218: {  	s23 =	sadd.s32 $0xFFFFFFFF, s8  }
0x219: {  	p3 =	sgt.u32 s23, $0x1  }
0x21a: {  	s8 =	sshll.u32 @!p3 s8, $0x6  }
0x21b: {  	s8 =	sand.u32 @!p3 $0x3FFFFFC0, s8  }
0x21c: {  	v36 =	vld @!p3 [tilespmem:s8+$0x167C0];
	_ =	sdelay $0x2  }
0x21d: {  	s1 =	sshll.u32 @!p3 s1, $0x6  }
0x21e: {  	(v2sf) =	vpush v35, $0x1;
	s1 =	sand.u32 @!p3 $0x3FFFFFC0, s1  }
0x21f: {  	[tilespmem:v34+s1+$0x0 ss:$0x1] =	vst.idx.msk @!p3 $0xffff, v36  }
0x220: {  	v36 =	vld @!p3 [tilespmem:s8+$0x167D0];
	_ =	sdelay $0x4  }
0x221: {  	[tilespmem:v34+s1+$0x10 ss:$0x1] =	vst.idx.msk @!p3 $0xffff, v36  }
0x222: {  	v36 =	vld @!p3 [tilespmem:s8+$0x167E0];
	_ =	sdelay $0x4  }
0x223: {  	[tilespmem:v34+s1+$0x20 ss:$0x1] =	vst.idx.msk @!p3 $0xffff, v36  }
0x224: {  	v36 =	vld @!p3 [tilespmem:s8+$0x167F0]  }
0x225: {  	s8 =	spop (v2sf)  }
0x226: {  	s23 =	sadd.s32 $0xFFFFFFFF, s8  }
0x227: {  	p2 =	sgt.u32 s23, $0x1  }
0x228: {  	s8 =	sshll.u32 @!p2 s8, $0x6  }
0x229: {  	[tilespmem:v34+s1+$0x30 ss:$0x1] =	vst.idx.msk @!p3 $0xffff, v36;
	s1 =	sand.u32 @!p2 $0x3FFFFFC0, s8  }
0x22a: {  	v36 =	vld @!p2 [tilespmem:s1+$0x167C0];
	_ =	sdelay $0x2  }
0x22b: {  	s8 =	sshll.u32 @!p2 s30, $0xA  }
0x22c: {  	(v2sf) =	vpush v35, $0x2;
	s8 =	sand.u32 @!p2 $0x3FFFFC00, s8  }
0x22d: {  	[tilespmem:v34+s8+$0x840 ss:$0x1] =	vst.idx.msk @!p2 $0xffff, v36  }
0x22e: {  	v36 =	vld @!p2 [tilespmem:s1+$0x167D0];
	_ =	sdelay $0x4  }
0x22f: {  	[tilespmem:v34+s8+$0x850 ss:$0x1] =	vst.idx.msk @!p2 $0xffff, v36  }
0x230: {  	v36 =	vld @!p2 [tilespmem:s1+$0x167E0];
	_ =	sdelay $0x4  }
0x231: {  	[tilespmem:v34+s8+$0x860 ss:$0x1] =	vst.idx.msk @!p2 $0xffff, v36  }
0x232: {  	v36 =	vld @!p2 [tilespmem:s1+$0x167F0]  }
0x233: {  	s1 =	spop (v2sf)  }
0x234: {  	s23 =	sadd.s32 $0xFFFFFFFF, s1  }
0x235: {  	p3 =	sgt.u32 s23, $0x1  }
0x236: {  	s1 =	sshll.u32 @!p3 s1, $0x6  }
0x237: {  	s1 =	sand.u32 @!p3 $0x3FFFFFC0, s1;
	[tilespmem:v34+s8+$0x870 ss:$0x1] =	vst.idx.msk @!p2 $0xffff, v36  }
0x238: {  	v36 =	vld @!p3 [tilespmem:s1+$0x167C0];
	_ =	sdelay $0x2  }
0x239: {  	s8 =	sshll.u32 @!p3 s30, $0xA  }
0x23a: {  	(v2sf) =	vpush v35, $0x3;
	s8 =	sand.u32 @!p3 $0x3FFFFC00, s8  }
0x23b: {  	[tilespmem:v34+s8+$0x880 ss:$0x1] =	vst.idx.msk @!p3 $0xffff, v36  }
0x23c: {  	v36 =	vld @!p3 [tilespmem:s1+$0x167D0];
	_ =	sdelay $0x4  }
0x23d: {  	[tilespmem:v34+s8+$0x890 ss:$0x1] =	vst.idx.msk @!p3 $0xffff, v36  }
0x23e: {  	v36 =	vld @!p3 [tilespmem:s1+$0x167E0];
	_ =	sdelay $0x4  }
0x23f: {  	[tilespmem:v34+s8+$0x8A0 ss:$0x1] =	vst.idx.msk @!p3 $0xffff, v36  }
0x240: {  	v36 =	vld @!p3 [tilespmem:s1+$0x167F0]  }
0x241: {  	s1 =	spop (v2sf)  }
0x242: {  	s23 =	sadd.s32 $0xFFFFFFFF, s1  }
0x243: {  	p2 =	sgt.u32 s23, $0x1  }
0x244: {  	s1 =	sshll.u32 @!p2 s1, $0x6  }
0x245: {  	s1 =	sand.u32 @!p2 $0x3FFFFFC0, s1;
	[tilespmem:v34+s8+$0x8B0 ss:$0x1] =	vst.idx.msk @!p3 $0xffff, v36  }
0x246: {  	v36 =	vld @!p2 [tilespmem:s1+$0x167C0];
	_ =	sdelay $0x2  }
0x247: {  	s8 =	sshll.u32 @!p2 s30, $0xA  }
0x248: {  	(v2sf) =	vpush v35, $0x4;
	s8 =	sand.u32 @!p2 $0x3FFFFC00, s8  }
0x249: {  	[tilespmem:v34+s8+$0x8C0 ss:$0x1] =	vst.idx.msk @!p2 $0xffff, v36  }
0x24a: {  	v36 =	vld @!p2 [tilespmem:s1+$0x167D0];
	_ =	sdelay $0x4  }
0x24b: {  	[tilespmem:v34+s8+$0x8D0 ss:$0x1] =	vst.idx.msk @!p2 $0xffff, v36  }
0x24c: {  	v36 =	vld @!p2 [tilespmem:s1+$0x167E0];
	_ =	sdelay $0x4  }
0x24d: {  	[tilespmem:v34+s8+$0x8E0 ss:$0x1] =	vst.idx.msk @!p2 $0xffff, v36  }
0x24e: {  	v36 =	vld @!p2 [tilespmem:s1+$0x167F0]  }
0x24f: {  	s1 =	spop (v2sf)  }
0x250: {  	s23 =	sadd.s32 $0xFFFFFFFF, s1  }
0x251: {  	p3 =	sgt.u32 s23, $0x1  }
0x252: {  	s1 =	sshll.u32 @!p3 s1, $0x6  }
0x253: {  	s1 =	sand.u32 @!p3 $0x3FFFFFC0, s1;
	[tilespmem:v34+s8+$0x8F0 ss:$0x1] =	vst.idx.msk @!p2 $0xffff, v36  }
0x254: {  	v36 =	vld @!p3 [tilespmem:s1+$0x167C0];
	_ =	sdelay $0x2  }
0x255: {  	s8 =	sshll.u32 @!p3 s30, $0xA  }
0x256: {  	(v2sf) =	vpush v35, $0x5;
	s8 =	sand.u32 @!p3 $0x3FFFFC00, s8  }
0x257: {  	[tilespmem:v34+s8+$0x900 ss:$0x1] =	vst.idx.msk @!p3 $0xffff, v36  }
0x258: {  	v36 =	vld @!p3 [tilespmem:s1+$0x167D0];
	_ =	sdelay $0x4  }
0x259: {  	[tilespmem:v34+s8+$0x910 ss:$0x1] =	vst.idx.msk @!p3 $0xffff, v36  }
0x25a: {  	v36 =	vld @!p3 [tilespmem:s1+$0x167E0];
	_ =	sdelay $0x4  }
0x25b: {  	[tilespmem:v34+s8+$0x920 ss:$0x1] =	vst.idx.msk @!p3 $0xffff, v36  }
0x25c: {  	v36 =	vld @!p3 [tilespmem:s1+$0x167F0]  }
0x25d: {  	s1 =	spop (v2sf)  }
0x25e: {  	s23 =	sadd.s32 $0xFFFFFFFF, s1  }
0x25f: {  	p2 =	sgt.u32 s23, $0x1  }
0x260: {  	s1 =	sshll.u32 @!p2 s1, $0x6  }
0x261: {  	s1 =	sand.u32 @!p2 $0x3FFFFFC0, s1;
	[tilespmem:v34+s8+$0x930 ss:$0x1] =	vst.idx.msk @!p3 $0xffff, v36  }
0x262: {  	v36 =	vld @!p2 [tilespmem:s1+$0x167C0];
	_ =	sdelay $0x2  }
0x263: {  	s8 =	sshll.u32 @!p2 s30, $0xA  }
0x264: {  	(v2sf) =	vpush v35, $0x6;
	s8 =	sand.u32 @!p2 $0x3FFFFC00, s8  }
0x265: {  	[tilespmem:v34+s8+$0x940 ss:$0x1] =	vst.idx.msk @!p2 $0xffff, v36  }
0x266: {  	v36 =	vld @!p2 [tilespmem:s1+$0x167D0];
	_ =	sdelay $0x4  }
0x267: {  	[tilespmem:v34+s8+$0x950 ss:$0x1] =	vst.idx.msk @!p2 $0xffff, v36  }
0x268: {  	v36 =	vld @!p2 [tilespmem:s1+$0x167E0];
	_ =	sdelay $0x4  }
0x269: {  	[tilespmem:v34+s8+$0x960 ss:$0x1] =	vst.idx.msk @!p2 $0xffff, v36  }
0x26a: {  	v36 =	vld @!p2 [tilespmem:s1+$0x167F0]  }
0x26b: {  	s1 =	spop (v2sf)  }
0x26c: {  	s23 =	sadd.s32 $0xFFFFFFFF, s1  }
0x26d: {  	p3 =	sgt.u32 s23, $0x1  }
0x26e: {  	s1 =	sshll.u32 @!p3 s1, $0x6  }
0x26f: {  	s1 =	sand.u32 @!p3 $0x3FFFFFC0, s1;
	[tilespmem:v34+s8+$0x970 ss:$0x1] =	vst.idx.msk @!p2 $0xffff, v36  }
0x270: {  	v36 =	vld @!p3 [tilespmem:s1+$0x167C0];
	_ =	sdelay $0x2  }
0x271: {  	s8 =	sshll.u32 @!p3 s30, $0xA  }
0x272: {  	(v2sf) =	vpush v35, $0x7;
	s8 =	sand.u32 @!p3 $0x3FFFFC00, s8  }
0x273: {  	[tilespmem:v34+s8+$0x980 ss:$0x1] =	vst.idx.msk @!p3 $0xffff, v36  }
0x274: {  	v36 =	vld @!p3 [tilespmem:s1+$0x167D0];
	_ =	sdelay $0x4  }
0x275: {  	[tilespmem:v34+s8+$0x990 ss:$0x1] =	vst.idx.msk @!p3 $0xffff, v36  }
0x276: {  	v36 =	vld @!p3 [tilespmem:s1+$0x167E0];
	_ =	sdelay $0x4  }
0x277: {  	[tilespmem:v34+s8+$0x9A0 ss:$0x1] =	vst.idx.msk @!p3 $0xffff, v36  }
0x278: {  	v36 =	vld @!p3 [tilespmem:s1+$0x167F0]  }
0x279: {  	s1 =	spop (v2sf)  }
0x27a: {  	s23 =	sadd.s32 $0xFFFFFFFF, s1  }
0x27b: {  	p2 =	sgt.u32 s23, $0x1  }
0x27c: {  	s1 =	sshll.u32 @!p2 s1, $0x6  }
0x27d: {  	s1 =	sand.u32 @!p2 $0x3FFFFFC0, s1;
	[tilespmem:v34+s8+$0x9B0 ss:$0x1] =	vst.idx.msk @!p3 $0xffff, v36  }
0x27e: {  	v36 =	vld @!p2 [tilespmem:s1+$0x167C0];
	_ =	sdelay $0x2  }
0x27f: {  	s8 =	sshll.u32 @!p2 s30, $0xA  }
0x280: {  	(v2sf) =	vpush v35, $0x8;
	s8 =	sand.u32 @!p2 $0x3FFFFC00, s8  }
0x281: {  	[tilespmem:v34+s8+$0x9C0 ss:$0x1] =	vst.idx.msk @!p2 $0xffff, v36  }
0x282: {  	v36 =	vld @!p2 [tilespmem:s1+$0x167D0];
	_ =	sdelay $0x4  }
0x283: {  	[tilespmem:v34+s8+$0x9D0 ss:$0x1] =	vst.idx.msk @!p2 $0xffff, v36  }
0x284: {  	v36 =	vld @!p2 [tilespmem:s1+$0x167E0];
	_ =	sdelay $0x4  }
0x285: {  	[tilespmem:v34+s8+$0x9E0 ss:$0x1] =	vst.idx.msk @!p2 $0xffff, v36  }
0x286: {  	v36 =	vld @!p2 [tilespmem:s1+$0x167F0]  }
0x287: {  	s1 =	spop (v2sf)  }
0x288: {  	s23 =	sadd.s32 $0xFFFFFFFF, s1  }
0x289: {  	p3 =	sgt.u32 s23, $0x1  }
0x28a: {  	s1 =	sshll.u32 @!p3 s1, $0x6  }
0x28b: {  	s1 =	sand.u32 @!p3 $0x3FFFFFC0, s1;
	[tilespmem:v34+s8+$0x9F0 ss:$0x1] =	vst.idx.msk @!p2 $0xffff, v36  }
0x28c: {  	v36 =	vld @!p3 [tilespmem:s1+$0x167C0];
	_ =	sdelay $0x2  }
0x28d: {  	s8 =	sshll.u32 @!p3 s30, $0xA  }
0x28e: {  	(v2sf) =	vpush v35, $0x9;
	s8 =	sand.u32 @!p3 $0x3FFFFC00, s8  }
0x28f: {  	[tilespmem:v34+s8+$0xA00 ss:$0x1] =	vst.idx.msk @!p3 $0xffff, v36  }
0x290: {  	v36 =	vld @!p3 [tilespmem:s1+$0x167D0];
	_ =	sdelay $0x4  }
0x291: {  	[tilespmem:v34+s8+$0xA10 ss:$0x1] =	vst.idx.msk @!p3 $0xffff, v36  }
0x292: {  	v36 =	vld @!p3 [tilespmem:s1+$0x167E0];
	_ =	sdelay $0x4  }
0x293: {  	[tilespmem:v34+s8+$0xA20 ss:$0x1] =	vst.idx.msk @!p3 $0xffff, v36  }
0x294: {  	v36 =	vld @!p3 [tilespmem:s1+$0x167F0]  }
0x295: {  	s1 =	spop (v2sf)  }
0x296: {  	s23 =	sadd.s32 $0xFFFFFFFF, s1  }
0x297: {  	p2 =	sgt.u32 s23, $0x1  }
0x298: {  	s1 =	sshll.u32 @!p2 s1, $0x6  }
0x299: {  	s1 =	sand.u32 @!p2 $0x3FFFFFC0, s1;
	[tilespmem:v34+s8+$0xA30 ss:$0x1] =	vst.idx.msk @!p3 $0xffff, v36  }
0x29a: {  	v36 =	vld @!p2 [tilespmem:s1+$0x167C0];
	_ =	sdelay $0x2  }
0x29b: {  	s8 =	sshll.u32 @!p2 s30, $0xA  }
0x29c: {  	(v2sf) =	vpush v35, $0xA;
	s8 =	sand.u32 @!p2 $0x3FFFFC00, s8  }
0x29d: {  	[tilespmem:v34+s8+$0xA40 ss:$0x1] =	vst.idx.msk @!p2 $0xffff, v36  }
0x29e: {  	v36 =	vld @!p2 [tilespmem:s1+$0x167D0];
	_ =	sdelay $0x4  }
0x29f: {  	[tilespmem:v34+s8+$0xA50 ss:$0x1] =	vst.idx.msk @!p2 $0xffff, v36  }
0x2a0: {  	v36 =	vld @!p2 [tilespmem:s1+$0x167E0];
	_ =	sdelay $0x4  }
0x2a1: {  	[tilespmem:v34+s8+$0xA60 ss:$0x1] =	vst.idx.msk @!p2 $0xffff, v36  }
0x2a2: {  	v36 =	vld @!p2 [tilespmem:s1+$0x167F0]  }
0x2a3: {  	s1 =	spop (v2sf)  }
0x2a4: {  	s23 =	sadd.s32 $0xFFFFFFFF, s1  }
0x2a5: {  	p3 =	sgt.u32 s23, $0x1  }
0x2a6: {  	s1 =	sshll.u32 @!p3 s1, $0x6  }
0x2a7: {  	s1 =	sand.u32 @!p3 $0x3FFFFFC0, s1;
	[tilespmem:v34+s8+$0xA70 ss:$0x1] =	vst.idx.msk @!p2 $0xffff, v36  }
0x2a8: {  	v36 =	vld @!p3 [tilespmem:s1+$0x167C0];
	_ =	sdelay $0x2  }
0x2a9: {  	s8 =	sshll.u32 @!p3 s30, $0xA  }
0x2aa: {  	(v2sf) =	vpush v35, $0xB;
	s8 =	sand.u32 @!p3 $0x3FFFFC00, s8  }
0x2ab: {  	[tilespmem:v34+s8+$0xA80 ss:$0x1] =	vst.idx.msk @!p3 $0xffff, v36  }
0x2ac: {  	v36 =	vld @!p3 [tilespmem:s1+$0x167D0];
	_ =	sdelay $0x4  }
0x2ad: {  	[tilespmem:v34+s8+$0xA90 ss:$0x1] =	vst.idx.msk @!p3 $0xffff, v36  }
0x2ae: {  	v36 =	vld @!p3 [tilespmem:s1+$0x167E0];
	_ =	sdelay $0x4  }
0x2af: {  	[tilespmem:v34+s8+$0xAA0 ss:$0x1] =	vst.idx.msk @!p3 $0xffff, v36  }
0x2b0: {  	v36 =	vld @!p3 [tilespmem:s1+$0x167F0]  }
0x2b1: {  	s1 =	spop (v2sf)  }
0x2b2: {  	s23 =	sadd.s32 $0xFFFFFFFF, s1  }
0x2b3: {  	p2 =	sgt.u32 s23, $0x1  }
0x2b4: {  	s1 =	sshll.u32 @!p2 s1, $0x6  }
0x2b5: {  	s1 =	sand.u32 @!p2 $0x3FFFFFC0, s1;
	[tilespmem:v34+s8+$0xAB0 ss:$0x1] =	vst.idx.msk @!p3 $0xffff, v36  }
0x2b6: {  	v36 =	vld @!p2 [tilespmem:s1+$0x167C0];
	_ =	sdelay $0x2  }
0x2b7: {  	s8 =	sshll.u32 @!p2 s30, $0xA  }
0x2b8: {  	(v2sf) =	vpush v35, $0xC;
	s8 =	sand.u32 @!p2 $0x3FFFFC00, s8  }
0x2b9: {  	[tilespmem:v34+s8+$0xAC0 ss:$0x1] =	vst.idx.msk @!p2 $0xffff, v36  }
0x2ba: {  	v36 =	vld @!p2 [tilespmem:s1+$0x167D0];
	_ =	sdelay $0x4  }
0x2bb: {  	[tilespmem:v34+s8+$0xAD0 ss:$0x1] =	vst.idx.msk @!p2 $0xffff, v36  }
0x2bc: {  	v36 =	vld @!p2 [tilespmem:s1+$0x167E0];
	_ =	sdelay $0x4  }
0x2bd: {  	[tilespmem:v34+s8+$0xAE0 ss:$0x1] =	vst.idx.msk @!p2 $0xffff, v36  }
0x2be: {  	v36 =	vld @!p2 [tilespmem:s1+$0x167F0]  }
0x2bf: {  	s1 =	spop (v2sf)  }
0x2c0: {  	s23 =	sadd.s32 $0xFFFFFFFF, s1  }
0x2c1: {  	p3 =	sgt.u32 s23, $0x1  }
0x2c2: {  	s1 =	sshll.u32 @!p3 s1, $0x6  }
0x2c3: {  	s1 =	sand.u32 @!p3 $0x3FFFFFC0, s1;
	[tilespmem:v34+s8+$0xAF0 ss:$0x1] =	vst.idx.msk @!p2 $0xffff, v36  }
0x2c4: {  	v36 =	vld @!p3 [tilespmem:s1+$0x167C0];
	_ =	sdelay $0x2  }
0x2c5: {  	s8 =	sshll.u32 @!p3 s30, $0xA  }
0x2c6: {  	(v2sf) =	vpush v35, $0xD;
	s8 =	sand.u32 @!p3 $0x3FFFFC00, s8  }
0x2c7: {  	[tilespmem:v34+s8+$0xB00 ss:$0x1] =	vst.idx.msk @!p3 $0xffff, v36  }
0x2c8: {  	v36 =	vld @!p3 [tilespmem:s1+$0x167D0];
	_ =	sdelay $0x4  }
0x2c9: {  	[tilespmem:v34+s8+$0xB10 ss:$0x1] =	vst.idx.msk @!p3 $0xffff, v36  }
0x2ca: {  	v36 =	vld @!p3 [tilespmem:s1+$0x167E0];
	_ =	sdelay $0x4  }
0x2cb: {  	[tilespmem:v34+s8+$0xB20 ss:$0x1] =	vst.idx.msk @!p3 $0xffff, v36  }
0x2cc: {  	v36 =	vld @!p3 [tilespmem:s1+$0x167F0]  }
0x2cd: {  	s1 =	spop (v2sf)  }
0x2ce: {  	s23 =	sadd.s32 $0xFFFFFFFF, s1  }
0x2cf: {  	p2 =	sgt.u32 s23, $0x1  }
0x2d0: {  	s1 =	sshll.u32 @!p2 s1, $0x6  }
0x2d1: {  	s1 =	sand.u32 @!p2 $0x3FFFFFC0, s1;
	[tilespmem:v34+s8+$0xB30 ss:$0x1] =	vst.idx.msk @!p3 $0xffff, v36  }
0x2d2: {  	v36 =	vld @!p2 [tilespmem:s1+$0x167C0];
	_ =	sdelay $0x2  }
0x2d3: {  	s8 =	sshll.u32 @!p2 s30, $0xA  }
0x2d4: {  	(v2sf) =	vpush v35, $0xE;
	s8 =	sand.u32 @!p2 $0x3FFFFC00, s8  }
0x2d5: {  	[tilespmem:v34+s8+$0xB40 ss:$0x1] =	vst.idx.msk @!p2 $0xffff, v36  }
0x2d6: {  	v36 =	vld @!p2 [tilespmem:s1+$0x167D0];
	_ =	sdelay $0x4  }
0x2d7: {  	[tilespmem:v34+s8+$0xB50 ss:$0x1] =	vst.idx.msk @!p2 $0xffff, v36  }
0x2d8: {  	v36 =	vld @!p2 [tilespmem:s1+$0x167E0];
	_ =	sdelay $0x4  }
0x2d9: {  	[tilespmem:v34+s8+$0xB60 ss:$0x1] =	vst.idx.msk @!p2 $0xffff, v36  }
0x2da: {  	v36 =	vld @!p2 [tilespmem:s1+$0x167F0]  }
0x2db: {  	s1 =	spop (v2sf)  }
0x2dc: {  	s23 =	sadd.s32 $0xFFFFFFFF, s1  }
0x2dd: {  	p3 =	sgt.u32 s23, $0x1  }
0x2de: {  	s1 =	sshll.u32 @!p3 s1, $0x6  }
0x2df: {  	s1 =	sand.u32 @!p3 $0x3FFFFFC0, s1;
	[tilespmem:v34+s8+$0xB70 ss:$0x1] =	vst.idx.msk @!p2 $0xffff, v36  }
0x2e0: {  	v36 =	vld @!p3 [tilespmem:s1+$0x167C0];
	_ =	sdelay $0x2  }
0x2e1: {  	s8 =	sshll.u32 @!p3 s30, $0xA  }
0x2e2: {  	(v2sf) =	vpush v35, $0xF;
	s8 =	sand.u32 @!p3 $0x3FFFFC00, s8  }
0x2e3: {  	[tilespmem:v34+s8+$0xB80 ss:$0x1] =	vst.idx.msk @!p3 $0xffff, v36  }
0x2e4: {  	v35 =	vld @!p3 [tilespmem:s1+$0x167D0];
	_ =	sdelay $0x4  }
0x2e5: {  	[tilespmem:v34+s8+$0xB90 ss:$0x1] =	vst.idx.msk @!p3 $0xffff, v35  }
0x2e6: {  	v35 =	vld @!p3 [tilespmem:s1+$0x167E0];
	_ =	sdelay $0x4  }
0x2e7: {  	[tilespmem:v34+s8+$0xBA0 ss:$0x1] =	vst.idx.msk @!p3 $0xffff, v35  }
0x2e8: {  	v35 =	vld @!p3 [tilespmem:s1+$0x167F0]  }
0x2e9: {  	s1 =	spop (v2sf)  }
0x2ea: {  	s23 =	sadd.s32 $0xFFFFFFFF, s1  }
0x2eb: {  	p2 =	sgt.u32 s23, $0x1  }
0x2ec: {  	s1 =	sshll.u32 @!p2 s1, $0x6  }
0x2ed: {  	s1 =	sand.u32 @!p2 $0x3FFFFFC0, s1;
	[tilespmem:v34+s8+$0xBB0 ss:$0x1] =	vst.idx.msk @!p3 $0xffff, v35  }
0x2ee: {  	v35 =	vld @!p2 [tilespmem:s1+$0x167C0];
	_ =	sdelay $0x2  }
0x2ef: {  	s8 =	sshll.u32 @!p2 s30, $0xA  }
0x2f0: {  	s8 =	sand.u32 @!p2 $0x3FFFFC00, s8  }
0x2f1: {  	[tilespmem:v34+s8+$0xBC0 ss:$0x1] =	vst.idx.msk @!p2 $0xffff, v35  }
0x2f2: {  	v35 =	vld @!p2 [tilespmem:s1+$0x167D0];
	_ =	sdelay $0x4  }
0x2f3: {  	[tilespmem:v34+s8+$0xBD0 ss:$0x1] =	vst.idx.msk @!p2 $0xffff, v35  }
0x2f4: {  	v35 =	vld @!p2 [tilespmem:s1+$0x167E0];
	_ =	sdelay $0x4  }
0x2f5: {  	[tilespmem:v34+s8+$0xBE0 ss:$0x1] =	vst.idx.msk @!p2 $0xffff, v35  }
0x2f6: {  	v35 =	vld @!p2 [tilespmem:s1+$0x167F0];
	_ =	sdelay $0x4  }
0x2f7: {  	[tilespmem:v34+s8+$0xBF0 ss:$0x1] =	vst.idx.msk @!p2 $0xffff, v35  }
.LBB2_9:
0x2f8: {  	_ =	sdelay $0x2  }
0x2f9: {  	s1 =	sor.u32 $0x30, s31  }
0x2fa: {  	v35 =	vld.idx.msk [tilespmem:v33+s1+$0x0 ss:$0x1], $0xffff;
	_ =	sdelay $0x4  }
0x2fb: {  	v36 =	vadd.s32 $0xFFFFFFFF, v35  }
0x2fc: {  	vm0 =	vlt.u32 v36, $0x2  }
0x2fd: {  	v36 =	vmpcnt.ones.xlane vm0;
	_ =	sdelay $0x1  }
0x2fe: {  	(v2sf) =	vpush v36, $0x0;
	_ =	sdelay $0xe  }
0x2ff: {  	s8 =	spop (v2sf)  }
0x300: {  	p2 =	slt.s32 s8, $0x1  }
.Ltmp5:
0x301: {  	_ = 	snop;
	(pc) =	sbr.rel @p2 .LBB2_11-.Ltmp5, $1  }
0x302: {  	_ =	sdelay $0x3  }
0x303: {  	(v2sf) =	vpush v35, $0x0;
	_ =	sdelay $0xe  }
0x304: {  	s8 =	spop (v2sf)  }
0x305: {  	s23 =	sadd.s32 $0xFFFFFFFF, s8  }
0x306: {  	p3 =	sgt.u32 s23, $0x1  }
0x307: {  	s8 =	sshll.u32 @!p3 s8, $0x6  }
0x308: {  	s8 =	sand.u32 @!p3 $0x3FFFFFC0, s8  }
0x309: {  	v36 =	vld @!p3 [tilespmem:s8+$0x167C0];
	_ =	sdelay $0x2  }
0x30a: {  	s1 =	sshll.u32 @!p3 s1, $0x6  }
0x30b: {  	(v2sf) =	vpush v35, $0x1;
	s1 =	sand.u32 @!p3 $0x3FFFFFC0, s1  }
0x30c: {  	[tilespmem:v34+s1+$0x0 ss:$0x1] =	vst.idx.msk @!p3 $0xffff, v36  }
0x30d: {  	v36 =	vld @!p3 [tilespmem:s8+$0x167D0];
	_ =	sdelay $0x4  }
0x30e: {  	[tilespmem:v34+s1+$0x10 ss:$0x1] =	vst.idx.msk @!p3 $0xffff, v36  }
0x30f: {  	v36 =	vld @!p3 [tilespmem:s8+$0x167E0];
	_ =	sdelay $0x4  }
0x310: {  	[tilespmem:v34+s1+$0x20 ss:$0x1] =	vst.idx.msk @!p3 $0xffff, v36  }
0x311: {  	v36 =	vld @!p3 [tilespmem:s8+$0x167F0]  }
0x312: {  	s8 =	spop (v2sf)  }
0x313: {  	s31 =	sadd.s32 $0xFFFFFFFF, s8  }
0x314: {  	p2 =	sgt.u32 s31, $0x1  }
0x315: {  	s8 =	sshll.u32 @!p2 s8, $0x6  }
0x316: {  	[tilespmem:v34+s1+$0x30 ss:$0x1] =	vst.idx.msk @!p3 $0xffff, v36;
	s1 =	sand.u32 @!p2 $0x3FFFFFC0, s8  }
0x317: {  	v36 =	vld @!p2 [tilespmem:s1+$0x167C0];
	_ =	sdelay $0x2  }
0x318: {  	s8 =	sshll.u32 @!p2 s30, $0xA  }
0x319: {  	(v2sf) =	vpush v35, $0x2;
	s8 =	sand.u32 @!p2 $0x3FFFFC00, s8  }
0x31a: {  	[tilespmem:v34+s8+$0xC40 ss:$0x1] =	vst.idx.msk @!p2 $0xffff, v36  }
0x31b: {  	v36 =	vld @!p2 [tilespmem:s1+$0x167D0];
	_ =	sdelay $0x4  }
0x31c: {  	[tilespmem:v34+s8+$0xC50 ss:$0x1] =	vst.idx.msk @!p2 $0xffff, v36  }
0x31d: {  	v36 =	vld @!p2 [tilespmem:s1+$0x167E0];
	_ =	sdelay $0x4  }
0x31e: {  	[tilespmem:v34+s8+$0xC60 ss:$0x1] =	vst.idx.msk @!p2 $0xffff, v36  }
0x31f: {  	v36 =	vld @!p2 [tilespmem:s1+$0x167F0]  }
0x320: {  	s1 =	spop (v2sf)  }
0x321: {  	s31 =	sadd.s32 $0xFFFFFFFF, s1  }
0x322: {  	p3 =	sgt.u32 s31, $0x1  }
0x323: {  	s1 =	sshll.u32 @!p3 s1, $0x6  }
0x324: {  	s1 =	sand.u32 @!p3 $0x3FFFFFC0, s1;
	[tilespmem:v34+s8+$0xC70 ss:$0x1] =	vst.idx.msk @!p2 $0xffff, v36  }
0x325: {  	v36 =	vld @!p3 [tilespmem:s1+$0x167C0];
	_ =	sdelay $0x2  }
0x326: {  	s8 =	sshll.u32 @!p3 s30, $0xA  }
0x327: {  	(v2sf) =	vpush v35, $0x3;
	s8 =	sand.u32 @!p3 $0x3FFFFC00, s8  }
0x328: {  	[tilespmem:v34+s8+$0xC80 ss:$0x1] =	vst.idx.msk @!p3 $0xffff, v36  }
0x329: {  	v36 =	vld @!p3 [tilespmem:s1+$0x167D0];
	_ =	sdelay $0x4  }
0x32a: {  	[tilespmem:v34+s8+$0xC90 ss:$0x1] =	vst.idx.msk @!p3 $0xffff, v36  }
0x32b: {  	v36 =	vld @!p3 [tilespmem:s1+$0x167E0];
	_ =	sdelay $0x4  }
0x32c: {  	[tilespmem:v34+s8+$0xCA0 ss:$0x1] =	vst.idx.msk @!p3 $0xffff, v36  }
0x32d: {  	v36 =	vld @!p3 [tilespmem:s1+$0x167F0]  }
0x32e: {  	s1 =	spop (v2sf)  }
0x32f: {  	s31 =	sadd.s32 $0xFFFFFFFF, s1  }
0x330: {  	p2 =	sgt.u32 s31, $0x1  }
0x331: {  	s1 =	sshll.u32 @!p2 s1, $0x6  }
0x332: {  	s1 =	sand.u32 @!p2 $0x3FFFFFC0, s1;
	[tilespmem:v34+s8+$0xCB0 ss:$0x1] =	vst.idx.msk @!p3 $0xffff, v36  }
0x333: {  	v36 =	vld @!p2 [tilespmem:s1+$0x167C0];
	_ =	sdelay $0x2  }
0x334: {  	s8 =	sshll.u32 @!p2 s30, $0xA  }
0x335: {  	(v2sf) =	vpush v35, $0x4;
	s8 =	sand.u32 @!p2 $0x3FFFFC00, s8  }
0x336: {  	[tilespmem:v34+s8+$0xCC0 ss:$0x1] =	vst.idx.msk @!p2 $0xffff, v36  }
0x337: {  	v36 =	vld @!p2 [tilespmem:s1+$0x167D0];
	_ =	sdelay $0x4  }
0x338: {  	[tilespmem:v34+s8+$0xCD0 ss:$0x1] =	vst.idx.msk @!p2 $0xffff, v36  }
0x339: {  	v36 =	vld @!p2 [tilespmem:s1+$0x167E0];
	_ =	sdelay $0x4  }
0x33a: {  	[tilespmem:v34+s8+$0xCE0 ss:$0x1] =	vst.idx.msk @!p2 $0xffff, v36  }
0x33b: {  	v36 =	vld @!p2 [tilespmem:s1+$0x167F0]  }
0x33c: {  	s1 =	spop (v2sf)  }
0x33d: {  	s31 =	sadd.s32 $0xFFFFFFFF, s1  }
0x33e: {  	p3 =	sgt.u32 s31, $0x1  }
0x33f: {  	s1 =	sshll.u32 @!p3 s1, $0x6  }
0x340: {  	s1 =	sand.u32 @!p3 $0x3FFFFFC0, s1;
	[tilespmem:v34+s8+$0xCF0 ss:$0x1] =	vst.idx.msk @!p2 $0xffff, v36  }
0x341: {  	v36 =	vld @!p3 [tilespmem:s1+$0x167C0];
	_ =	sdelay $0x2  }
0x342: {  	s8 =	sshll.u32 @!p3 s30, $0xA  }
0x343: {  	(v2sf) =	vpush v35, $0x5;
	s8 =	sand.u32 @!p3 $0x3FFFFC00, s8  }
0x344: {  	[tilespmem:v34+s8+$0xD00 ss:$0x1] =	vst.idx.msk @!p3 $0xffff, v36  }
0x345: {  	v36 =	vld @!p3 [tilespmem:s1+$0x167D0];
	_ =	sdelay $0x4  }
0x346: {  	[tilespmem:v34+s8+$0xD10 ss:$0x1] =	vst.idx.msk @!p3 $0xffff, v36  }
0x347: {  	v36 =	vld @!p3 [tilespmem:s1+$0x167E0];
	_ =	sdelay $0x4  }
0x348: {  	[tilespmem:v34+s8+$0xD20 ss:$0x1] =	vst.idx.msk @!p3 $0xffff, v36  }
0x349: {  	v36 =	vld @!p3 [tilespmem:s1+$0x167F0]  }
0x34a: {  	s1 =	spop (v2sf)  }
0x34b: {  	s31 =	sadd.s32 $0xFFFFFFFF, s1  }
0x34c: {  	p2 =	sgt.u32 s31, $0x1  }
0x34d: {  	s1 =	sshll.u32 @!p2 s1, $0x6  }
0x34e: {  	s1 =	sand.u32 @!p2 $0x3FFFFFC0, s1;
	[tilespmem:v34+s8+$0xD30 ss:$0x1] =	vst.idx.msk @!p3 $0xffff, v36  }
0x34f: {  	v36 =	vld @!p2 [tilespmem:s1+$0x167C0];
	_ =	sdelay $0x2  }
0x350: {  	s8 =	sshll.u32 @!p2 s30, $0xA  }
0x351: {  	(v2sf) =	vpush v35, $0x6;
	s8 =	sand.u32 @!p2 $0x3FFFFC00, s8  }
0x352: {  	[tilespmem:v34+s8+$0xD40 ss:$0x1] =	vst.idx.msk @!p2 $0xffff, v36  }
0x353: {  	v36 =	vld @!p2 [tilespmem:s1+$0x167D0];
	_ =	sdelay $0x4  }
0x354: {  	[tilespmem:v34+s8+$0xD50 ss:$0x1] =	vst.idx.msk @!p2 $0xffff, v36  }
0x355: {  	v36 =	vld @!p2 [tilespmem:s1+$0x167E0];
	_ =	sdelay $0x4  }
0x356: {  	[tilespmem:v34+s8+$0xD60 ss:$0x1] =	vst.idx.msk @!p2 $0xffff, v36  }
0x357: {  	v36 =	vld @!p2 [tilespmem:s1+$0x167F0]  }
0x358: {  	s1 =	spop (v2sf)  }
0x359: {  	s31 =	sadd.s32 $0xFFFFFFFF, s1  }
0x35a: {  	p3 =	sgt.u32 s31, $0x1  }
0x35b: {  	s1 =	sshll.u32 @!p3 s1, $0x6  }
0x35c: {  	s1 =	sand.u32 @!p3 $0x3FFFFFC0, s1;
	[tilespmem:v34+s8+$0xD70 ss:$0x1] =	vst.idx.msk @!p2 $0xffff, v36  }
0x35d: {  	v36 =	vld @!p3 [tilespmem:s1+$0x167C0];
	_ =	sdelay $0x2  }
0x35e: {  	s8 =	sshll.u32 @!p3 s30, $0xA  }
0x35f: {  	(v2sf) =	vpush v35, $0x7;
	s8 =	sand.u32 @!p3 $0x3FFFFC00, s8  }
0x360: {  	[tilespmem:v34+s8+$0xD80 ss:$0x1] =	vst.idx.msk @!p3 $0xffff, v36  }
0x361: {  	v36 =	vld @!p3 [tilespmem:s1+$0x167D0];
	_ =	sdelay $0x4  }
0x362: {  	[tilespmem:v34+s8+$0xD90 ss:$0x1] =	vst.idx.msk @!p3 $0xffff, v36  }
0x363: {  	v36 =	vld @!p3 [tilespmem:s1+$0x167E0];
	_ =	sdelay $0x4  }
0x364: {  	[tilespmem:v34+s8+$0xDA0 ss:$0x1] =	vst.idx.msk @!p3 $0xffff, v36  }
0x365: {  	v36 =	vld @!p3 [tilespmem:s1+$0x167F0]  }
0x366: {  	s1 =	spop (v2sf)  }
0x367: {  	s31 =	sadd.s32 $0xFFFFFFFF, s1  }
0x368: {  	p2 =	sgt.u32 s31, $0x1  }
0x369: {  	s1 =	sshll.u32 @!p2 s1, $0x6  }
0x36a: {  	s1 =	sand.u32 @!p2 $0x3FFFFFC0, s1;
	[tilespmem:v34+s8+$0xDB0 ss:$0x1] =	vst.idx.msk @!p3 $0xffff, v36  }
0x36b: {  	v36 =	vld @!p2 [tilespmem:s1+$0x167C0];
	_ =	sdelay $0x2  }
0x36c: {  	s8 =	sshll.u32 @!p2 s30, $0xA  }
0x36d: {  	(v2sf) =	vpush v35, $0x8;
	s8 =	sand.u32 @!p2 $0x3FFFFC00, s8  }
0x36e: {  	[tilespmem:v34+s8+$0xDC0 ss:$0x1] =	vst.idx.msk @!p2 $0xffff, v36  }
0x36f: {  	v36 =	vld @!p2 [tilespmem:s1+$0x167D0];
	_ =	sdelay $0x4  }
0x370: {  	[tilespmem:v34+s8+$0xDD0 ss:$0x1] =	vst.idx.msk @!p2 $0xffff, v36  }
0x371: {  	v36 =	vld @!p2 [tilespmem:s1+$0x167E0];
	_ =	sdelay $0x4  }
0x372: {  	[tilespmem:v34+s8+$0xDE0 ss:$0x1] =	vst.idx.msk @!p2 $0xffff, v36  }
0x373: {  	v36 =	vld @!p2 [tilespmem:s1+$0x167F0]  }
0x374: {  	s1 =	spop (v2sf)  }
0x375: {  	s31 =	sadd.s32 $0xFFFFFFFF, s1  }
0x376: {  	p3 =	sgt.u32 s31, $0x1  }
0x377: {  	s1 =	sshll.u32 @!p3 s1, $0x6  }
0x378: {  	s1 =	sand.u32 @!p3 $0x3FFFFFC0, s1;
	[tilespmem:v34+s8+$0xDF0 ss:$0x1] =	vst.idx.msk @!p2 $0xffff, v36  }
0x379: {  	v36 =	vld @!p3 [tilespmem:s1+$0x167C0];
	_ =	sdelay $0x2  }
0x37a: {  	s8 =	sshll.u32 @!p3 s30, $0xA  }
0x37b: {  	(v2sf) =	vpush v35, $0x9;
	s8 =	sand.u32 @!p3 $0x3FFFFC00, s8  }
0x37c: {  	[tilespmem:v34+s8+$0xE00 ss:$0x1] =	vst.idx.msk @!p3 $0xffff, v36  }
0x37d: {  	v36 =	vld @!p3 [tilespmem:s1+$0x167D0];
	_ =	sdelay $0x4  }
0x37e: {  	[tilespmem:v34+s8+$0xE10 ss:$0x1] =	vst.idx.msk @!p3 $0xffff, v36  }
0x37f: {  	v36 =	vld @!p3 [tilespmem:s1+$0x167E0];
	_ =	sdelay $0x4  }
0x380: {  	[tilespmem:v34+s8+$0xE20 ss:$0x1] =	vst.idx.msk @!p3 $0xffff, v36  }
0x381: {  	v36 =	vld @!p3 [tilespmem:s1+$0x167F0]  }
0x382: {  	s1 =	spop (v2sf)  }
0x383: {  	s31 =	sadd.s32 $0xFFFFFFFF, s1  }
0x384: {  	p2 =	sgt.u32 s31, $0x1  }
0x385: {  	s1 =	sshll.u32 @!p2 s1, $0x6  }
0x386: {  	s1 =	sand.u32 @!p2 $0x3FFFFFC0, s1;
	[tilespmem:v34+s8+$0xE30 ss:$0x1] =	vst.idx.msk @!p3 $0xffff, v36  }
0x387: {  	v36 =	vld @!p2 [tilespmem:s1+$0x167C0];
	_ =	sdelay $0x2  }
0x388: {  	s8 =	sshll.u32 @!p2 s30, $0xA  }
0x389: {  	(v2sf) =	vpush v35, $0xA;
	s8 =	sand.u32 @!p2 $0x3FFFFC00, s8  }
0x38a: {  	[tilespmem:v34+s8+$0xE40 ss:$0x1] =	vst.idx.msk @!p2 $0xffff, v36  }
0x38b: {  	v36 =	vld @!p2 [tilespmem:s1+$0x167D0];
	_ =	sdelay $0x4  }
0x38c: {  	[tilespmem:v34+s8+$0xE50 ss:$0x1] =	vst.idx.msk @!p2 $0xffff, v36  }
0x38d: {  	v36 =	vld @!p2 [tilespmem:s1+$0x167E0];
	_ =	sdelay $0x4  }
0x38e: {  	[tilespmem:v34+s8+$0xE60 ss:$0x1] =	vst.idx.msk @!p2 $0xffff, v36  }
0x38f: {  	v36 =	vld @!p2 [tilespmem:s1+$0x167F0]  }
0x390: {  	s1 =	spop (v2sf)  }
0x391: {  	s31 =	sadd.s32 $0xFFFFFFFF, s1  }
0x392: {  	p3 =	sgt.u32 s31, $0x1  }
0x393: {  	s1 =	sshll.u32 @!p3 s1, $0x6  }
0x394: {  	s1 =	sand.u32 @!p3 $0x3FFFFFC0, s1;
	[tilespmem:v34+s8+$0xE70 ss:$0x1] =	vst.idx.msk @!p2 $0xffff, v36  }
0x395: {  	v36 =	vld @!p3 [tilespmem:s1+$0x167C0];
	_ =	sdelay $0x2  }
0x396: {  	s8 =	sshll.u32 @!p3 s30, $0xA  }
0x397: {  	(v2sf) =	vpush v35, $0xB;
	s8 =	sand.u32 @!p3 $0x3FFFFC00, s8  }
0x398: {  	[tilespmem:v34+s8+$0xE80 ss:$0x1] =	vst.idx.msk @!p3 $0xffff, v36  }
0x399: {  	v36 =	vld @!p3 [tilespmem:s1+$0x167D0];
	_ =	sdelay $0x4  }
0x39a: {  	[tilespmem:v34+s8+$0xE90 ss:$0x1] =	vst.idx.msk @!p3 $0xffff, v36  }
0x39b: {  	v36 =	vld @!p3 [tilespmem:s1+$0x167E0];
	_ =	sdelay $0x4  }
0x39c: {  	[tilespmem:v34+s8+$0xEA0 ss:$0x1] =	vst.idx.msk @!p3 $0xffff, v36  }
0x39d: {  	v36 =	vld @!p3 [tilespmem:s1+$0x167F0]  }
0x39e: {  	s1 =	spop (v2sf)  }
0x39f: {  	s31 =	sadd.s32 $0xFFFFFFFF, s1  }
0x3a0: {  	p2 =	sgt.u32 s31, $0x1  }
0x3a1: {  	s1 =	sshll.u32 @!p2 s1, $0x6  }
0x3a2: {  	s1 =	sand.u32 @!p2 $0x3FFFFFC0, s1;
	[tilespmem:v34+s8+$0xEB0 ss:$0x1] =	vst.idx.msk @!p3 $0xffff, v36  }
0x3a3: {  	v36 =	vld @!p2 [tilespmem:s1+$0x167C0];
	_ =	sdelay $0x2  }
0x3a4: {  	s8 =	sshll.u32 @!p2 s30, $0xA  }
0x3a5: {  	(v2sf) =	vpush v35, $0xC;
	s8 =	sand.u32 @!p2 $0x3FFFFC00, s8  }
0x3a6: {  	[tilespmem:v34+s8+$0xEC0 ss:$0x1] =	vst.idx.msk @!p2 $0xffff, v36  }
0x3a7: {  	v36 =	vld @!p2 [tilespmem:s1+$0x167D0];
	_ =	sdelay $0x4  }
0x3a8: {  	[tilespmem:v34+s8+$0xED0 ss:$0x1] =	vst.idx.msk @!p2 $0xffff, v36  }
0x3a9: {  	v36 =	vld @!p2 [tilespmem:s1+$0x167E0];
	_ =	sdelay $0x4  }
0x3aa: {  	[tilespmem:v34+s8+$0xEE0 ss:$0x1] =	vst.idx.msk @!p2 $0xffff, v36  }
0x3ab: {  	v36 =	vld @!p2 [tilespmem:s1+$0x167F0]  }
0x3ac: {  	s1 =	spop (v2sf)  }
0x3ad: {  	s31 =	sadd.s32 $0xFFFFFFFF, s1  }
0x3ae: {  	p3 =	sgt.u32 s31, $0x1  }
0x3af: {  	s1 =	sshll.u32 @!p3 s1, $0x6  }
0x3b0: {  	s1 =	sand.u32 @!p3 $0x3FFFFFC0, s1;
	[tilespmem:v34+s8+$0xEF0 ss:$0x1] =	vst.idx.msk @!p2 $0xffff, v36  }
0x3b1: {  	v36 =	vld @!p3 [tilespmem:s1+$0x167C0];
	_ =	sdelay $0x2  }
0x3b2: {  	s8 =	sshll.u32 @!p3 s30, $0xA  }
0x3b3: {  	(v2sf) =	vpush v35, $0xD;
	s8 =	sand.u32 @!p3 $0x3FFFFC00, s8  }
0x3b4: {  	[tilespmem:v34+s8+$0xF00 ss:$0x1] =	vst.idx.msk @!p3 $0xffff, v36  }
0x3b5: {  	v36 =	vld @!p3 [tilespmem:s1+$0x167D0];
	_ =	sdelay $0x4  }
0x3b6: {  	[tilespmem:v34+s8+$0xF10 ss:$0x1] =	vst.idx.msk @!p3 $0xffff, v36  }
0x3b7: {  	v36 =	vld @!p3 [tilespmem:s1+$0x167E0];
	_ =	sdelay $0x4  }
0x3b8: {  	[tilespmem:v34+s8+$0xF20 ss:$0x1] =	vst.idx.msk @!p3 $0xffff, v36  }
0x3b9: {  	v36 =	vld @!p3 [tilespmem:s1+$0x167F0]  }
0x3ba: {  	s1 =	spop (v2sf)  }
0x3bb: {  	s31 =	sadd.s32 $0xFFFFFFFF, s1  }
0x3bc: {  	p2 =	sgt.u32 s31, $0x1  }
0x3bd: {  	s1 =	sshll.u32 @!p2 s1, $0x6  }
0x3be: {  	s1 =	sand.u32 @!p2 $0x3FFFFFC0, s1;
	[tilespmem:v34+s8+$0xF30 ss:$0x1] =	vst.idx.msk @!p3 $0xffff, v36  }
0x3bf: {  	v36 =	vld @!p2 [tilespmem:s1+$0x167C0];
	_ =	sdelay $0x2  }
0x3c0: {  	s8 =	sshll.u32 @!p2 s30, $0xA  }
0x3c1: {  	(v2sf) =	vpush v35, $0xE;
	s8 =	sand.u32 @!p2 $0x3FFFFC00, s8  }
0x3c2: {  	[tilespmem:v34+s8+$0xF40 ss:$0x1] =	vst.idx.msk @!p2 $0xffff, v36  }
0x3c3: {  	v36 =	vld @!p2 [tilespmem:s1+$0x167D0];
	_ =	sdelay $0x4  }
0x3c4: {  	[tilespmem:v34+s8+$0xF50 ss:$0x1] =	vst.idx.msk @!p2 $0xffff, v36  }
0x3c5: {  	v36 =	vld @!p2 [tilespmem:s1+$0x167E0];
	_ =	sdelay $0x4  }
0x3c6: {  	[tilespmem:v34+s8+$0xF60 ss:$0x1] =	vst.idx.msk @!p2 $0xffff, v36  }
0x3c7: {  	v36 =	vld @!p2 [tilespmem:s1+$0x167F0]  }
0x3c8: {  	s1 =	spop (v2sf)  }
0x3c9: {  	s31 =	sadd.s32 $0xFFFFFFFF, s1  }
0x3ca: {  	p3 =	sgt.u32 s31, $0x1  }
0x3cb: {  	s1 =	sshll.u32 @!p3 s1, $0x6  }
0x3cc: {  	s1 =	sand.u32 @!p3 $0x3FFFFFC0, s1;
	[tilespmem:v34+s8+$0xF70 ss:$0x1] =	vst.idx.msk @!p2 $0xffff, v36  }
0x3cd: {  	v36 =	vld @!p3 [tilespmem:s1+$0x167C0];
	_ =	sdelay $0x2  }
0x3ce: {  	s8 =	sshll.u32 @!p3 s30, $0xA  }
0x3cf: {  	(v2sf) =	vpush v35, $0xF;
	s8 =	sand.u32 @!p3 $0x3FFFFC00, s8  }
0x3d0: {  	[tilespmem:v34+s8+$0xF80 ss:$0x1] =	vst.idx.msk @!p3 $0xffff, v36  }
0x3d1: {  	v35 =	vld @!p3 [tilespmem:s1+$0x167D0];
	_ =	sdelay $0x4  }
0x3d2: {  	[tilespmem:v34+s8+$0xF90 ss:$0x1] =	vst.idx.msk @!p3 $0xffff, v35  }
0x3d3: {  	v35 =	vld @!p3 [tilespmem:s1+$0x167E0];
	_ =	sdelay $0x4  }
0x3d4: {  	[tilespmem:v34+s8+$0xFA0 ss:$0x1] =	vst.idx.msk @!p3 $0xffff, v35  }
0x3d5: {  	v35 =	vld @!p3 [tilespmem:s1+$0x167F0]  }
0x3d6: {  	s1 =	spop (v2sf)  }
0x3d7: {  	s31 =	sadd.s32 $0xFFFFFFFF, s1  }
0x3d8: {  	p2 =	sgt.u32 s31, $0x1  }
0x3d9: {  	s1 =	sshll.u32 @!p2 s1, $0x6  }
0x3da: {  	s1 =	sand.u32 @!p2 $0x3FFFFFC0, s1;
	[tilespmem:v34+s8+$0xFB0 ss:$0x1] =	vst.idx.msk @!p3 $0xffff, v35  }
0x3db: {  	v35 =	vld @!p2 [tilespmem:s1+$0x167C0];
	_ =	sdelay $0x2  }
0x3dc: {  	s8 =	sshll.u32 @!p2 s30, $0xA  }
0x3dd: {  	s8 =	sand.u32 @!p2 $0x3FFFFC00, s8  }
0x3de: {  	[tilespmem:v34+s8+$0xFC0 ss:$0x1] =	vst.idx.msk @!p2 $0xffff, v35  }
0x3df: {  	v35 =	vld @!p2 [tilespmem:s1+$0x167D0];
	_ =	sdelay $0x4  }
0x3e0: {  	[tilespmem:v34+s8+$0xFD0 ss:$0x1] =	vst.idx.msk @!p2 $0xffff, v35  }
0x3e1: {  	v35 =	vld @!p2 [tilespmem:s1+$0x167E0];
	_ =	sdelay $0x4  }
0x3e2: {  	[tilespmem:v34+s8+$0xFE0 ss:$0x1] =	vst.idx.msk @!p2 $0xffff, v35  }
0x3e3: {  	v35 =	vld @!p2 [tilespmem:s1+$0x167F0]  }
.Ltmp6:
0x3e4: {  	_ = 	snop;
	(pc) =	sbr.rel .LBB2_11-.Ltmp6, $2  }
0x3e5: {  	_ =	sdelay $0x2  }
0x3e6: {  	[tilespmem:v34+s8+$0xFF0 ss:$0x1] =	vst.idx.msk @!p2 $0xffff, v35  }
.LBB2_12:
0x3e7: {  	p1 =	sgt.u32 s24, $0xC2  }
0x3e8: {  	s1 =	sadd.s32 @!p1 $0x5, s24  }
0x3e9: {  	s8 =	smul.u32 @!p1 $0xAB, s1;
	_ =	sdelay $0x1  }
0x3ea: {  	s8 =	sshrl.u32 @!p1 s8, $0xA  }
0x3eb: {  	s8 =	sand.u32 @!p1 $0x3F, s8  }
0x3ec: {  	s8 =	smul.u32 @!p1 $0x6, s8;
	_ =	sdelay $0x1  }
0x3ed: {  	s8 =	ssub.s32 @!p1 s1, s8  }
0x3ee: {  	s8 =	sand.u32 @!p1 $0xFF, s8  }
0x3ef: {  	s30 =	simm.s32 @!p1 $0x80;
	s1 =	sshll.u32 @!p1 s1, $0x7;
	s23 =	sshll.u32 @!p1 s8, $0xD  }
0x3f0: {  	s1 =	sand.u32 @!p1 $0xFF80, s1;
	s8 =	sadd.s32 @!p1 $0x1, s8;
	s23 =	sadd.s32 @!p1 $0x6400, s23  }
0x3f1: {  	[tilespmem:s23], [sflag:s8] =	stream.indirect.gather @!p1 [hbm4b:s3+s30], $0x40, s1, s30, $0xb8;
	[tilespmem:$0x16880] =	vst v63  }
0x3f2: {  	s8 =	simm.s32 $0x0;
	s23 =	sshra.s32 s29, $0x2  }
0x3f3: {  	p2 =	slt.u32 @!p1 s24, $0x2;
	s1 =	sand.u32 $0x1, s24;
	v33 =	vmov s23;
	v34 =	vmov s8  }
0x3f4: {  	p1 =	por p1, !p2;
	s30 =	sadd.s32 $0x7, s1;
	v34 =	vshrl.u32 v34, $0x3  }
0x3f5: {  	_ =	swait.ge @p1 [sflag:s30], $0x2000;
	v34 =	vshll.u32 v34, v1  }
0x3f6: {  	[sflag:s30] =	ssyncset.done @p1 $0x0;
	v34 =	vbroadcast v34, $0x0  }
0x3f7: {  	[sflag:s30] =	ssyncadd.s32 @p1 $0xFFFFE000  }
0x3f8: {  	v35 =	vld.idx.msk [tilespmem:v33+s0+$0xFFFFFE10 ss:$0x1], $0xffff;
	v36 =	vadd.s32 v0, v34  }
0x3f9: {  	s1 =	smul.u32 $0x8800, s1;
	_ =	sdelay $0x1  }
0x3fa: {  	s1 =	sshrl.u32 s1, $0x2  }
0x3fb: {  	s29 =	sadd.s32 $0x12400, s1  }
0x3fc: {  	[tilespmem:v36+s29+$0x0] =	vst.idx.msk $0xffff, v35  }
0x3fd: {  	v52 =	vadd.s32 v2, v34;
	v35 =	vld.idx.msk [tilespmem:v33+s0+$0xFFFFFE20 ss:$0x1], $0xffff;
	_ =	sdelay $0x4  }
0x3fe: {  	[tilespmem:v52+s29+$0x0] =	vst.idx.msk $0xffff, v35  }
0x3ff: {  	v53 =	vadd.s32 v3, v34;
	v35 =	vld.idx.msk [tilespmem:v33+s0+$0xFFFFFE30 ss:$0x1], $0xffff;
	_ =	sdelay $0x4  }
0x400: {  	[tilespmem:v53+s29+$0x0] =	vst.idx.msk $0xffff, v35  }
0x401: {  	s23 =	simm.s32 $0x1;
	v34 =	vadd.s32 v4, v34;
	v35 =	vld.idx.msk [tilespmem:v33+s0+$0xFFFFFE40 ss:$0x1], $0xffff  }
0x402: {  	v54 =	vmov s23  }
0x403: {  	v36 =	vshrl.u32 v54, $0x3  }
0x404: {  	v36 =	vshll.u32 v36, v1  }
0x405: {  	v36 =	vbroadcast v36, $0x0  }
0x406: {  	[tilespmem:v34+s29+$0x0] =	vst.idx.msk $0xffff, v35  }
0x407: {  	v55 =	vadd.s32 v5, v36;
	v34 =	vld.idx.msk [tilespmem:v33+s0+$0xFFFFFE50 ss:$0x1], $0xffff;
	_ =	sdelay $0x4  }
0x408: {  	[tilespmem:v55+s29+$0x0] =	vst.idx.msk $0xffff, v34  }
0x409: {  	v56 =	vadd.s32 v6, v36;
	v34 =	vld.idx.msk [tilespmem:v33+s0+$0xFFFFFE60 ss:$0x1], $0xffff;
	_ =	sdelay $0x4  }
0x40a: {  	[tilespmem:v56+s29+$0x0] =	vst.idx.msk $0xffff, v34  }
0x40b: {  	v57 =	vadd.s32 v7, v36;
	v34 =	vld.idx.msk [tilespmem:v33+s0+$0xFFFFFE70 ss:$0x1], $0xffff;
	_ =	sdelay $0x4  }
0x40c: {  	[tilespmem:v57+s29+$0x0] =	vst.idx.msk $0xffff, v34  }
0x40d: {  	s8 =	simm.s32 $0x2;
	v58 =	vadd.s32 v8, v36;
	v34 =	vld.idx.msk [tilespmem:v33+s0+$0xFFFFFE80 ss:$0x1], $0xffff  }
0x40e: {  	v59 =	vmov s8  }
0x40f: {  	v36 =	vshrl.u32 v59, $0x3  }
0x410: {  	v36 =	vshll.u32 v36, v1  }
0x411: {  	v36 =	vbroadcast v36, $0x0  }
0x412: {  	[tilespmem:v58+s29+$0x0] =	vst.idx.msk $0xffff, v34  }
0x413: {  	v60 =	vadd.s32 v9, v36;
	v34 =	vld.idx.msk [tilespmem:v33+s0+$0xFFFFFE90 ss:$0x1], $0xffff;
	_ =	sdelay $0x4  }
0x414: {  	[tilespmem:v60+s29+$0x0] =	vst.idx.msk $0xffff, v34  }
0x415: {  	v61 =	vadd.s32 v10, v36;
	v34 =	vld.idx.msk [tilespmem:v33+s0+$0xFFFFFEA0 ss:$0x1], $0xffff;
	_ =	sdelay $0x4  }
0x416: {  	[tilespmem:v61+s29+$0x0] =	vst.idx.msk $0xffff, v34  }
0x417: {  	v62 =	vadd.s32 v11, v36;
	v34 =	vld.idx.msk [tilespmem:v33+s0+$0xFFFFFEB0 ss:$0x1], $0xffff;
	_ =	sdelay $0x4  }
0x418: {  	[tilespmem:v62+s29+$0x0] =	vst.idx.msk $0xffff, v34  }
0x419: {  	s23 =	simm.s32 $0x3;
	v63 =	vadd.s32 v12, v36;
	v34 =	vld.idx.msk [tilespmem:v33+s0+$0xFFFFFEC0 ss:$0x1], $0xffff  }
0x41a: {  	v40 =	vmov s23  }
0x41b: {  	v36 =	vshrl.u32 v40, $0x3  }
0x41c: {  	v36 =	vshll.u32 v36, v1  }
0x41d: {  	v36 =	vbroadcast v36, $0x0  }
0x41e: {  	[tilespmem:v63+s29+$0x0] =	vst.idx.msk $0xffff, v34  }
0x41f: {  	v41 =	vadd.s32 v13, v36;
	v34 =	vld.idx.msk [tilespmem:v33+s0+$0xFFFFFED0 ss:$0x1], $0xffff;
	_ =	sdelay $0x4  }
0x420: {  	[tilespmem:v41+s29+$0x0] =	vst.idx.msk $0xffff, v34  }
0x421: {  	v42 =	vadd.s32 v14, v36;
	v34 =	vld.idx.msk [tilespmem:v33+s0+$0xFFFFFEE0 ss:$0x1], $0xffff;
	_ =	sdelay $0x4  }
0x422: {  	[tilespmem:v42+s29+$0x0] =	vst.idx.msk $0xffff, v34  }
0x423: {  	v43 =	vadd.s32 v15, v36;
	v34 =	vld.idx.msk [tilespmem:v33+s0+$0xFFFFFEF0 ss:$0x1], $0xffff;
	_ =	sdelay $0x4  }
0x424: {  	[tilespmem:v43+s29+$0x0] =	vst.idx.msk $0xffff, v34  }
0x425: {  	s8 =	simm.s32 $0x4;
	v44 =	vadd.s32 v16, v36;
	v34 =	vld.idx.msk [tilespmem:v33+s0+$0xFFFFFF00 ss:$0x1], $0xffff  }
0x426: {  	v45 =	vmov s8  }
0x427: {  	v36 =	vshrl.u32 v45, $0x3  }
0x428: {  	v36 =	vshll.u32 v36, v1  }
0x429: {  	v36 =	vbroadcast v36, $0x0  }
0x42a: {  	[tilespmem:v44+s29+$0x0] =	vst.idx.msk $0xffff, v34  }
0x42b: {  	v46 =	vadd.s32 v17, v36;
	v34 =	vld.idx.msk [tilespmem:v33+s0+$0xFFFFFF10 ss:$0x1], $0xffff;
	_ =	sdelay $0x4  }
0x42c: {  	[tilespmem:v46+s29+$0x0] =	vst.idx.msk $0xffff, v34  }
0x42d: {  	v47 =	vadd.s32 v18, v36;
	v34 =	vld.idx.msk [tilespmem:v33+s0+$0xFFFFFF20 ss:$0x1], $0xffff;
	_ =	sdelay $0x4  }
0x42e: {  	[tilespmem:v47+s29+$0x0] =	vst.idx.msk $0xffff, v34  }
0x42f: {  	v48 =	vadd.s32 v19, v36;
	v34 =	vld.idx.msk [tilespmem:v33+s0+$0xFFFFFF30 ss:$0x1], $0xffff;
	_ =	sdelay $0x4  }
0x430: {  	[tilespmem:v48+s29+$0x0] =	vst.idx.msk $0xffff, v34  }
0x431: {  	s23 =	simm.s32 $0x5;
	v49 =	vadd.s32 v20, v36;
	v34 =	vld.idx.msk [tilespmem:v33+s0+$0xFFFFFF40 ss:$0x1], $0xffff  }
0x432: {  	v50 =	vmov s23  }
0x433: {  	v36 =	vshrl.u32 v50, $0x3  }
0x434: {  	v36 =	vshll.u32 v36, v1  }
0x435: {  	v36 =	vbroadcast v36, $0x0  }
0x436: {  	[tilespmem:v49+s29+$0x0] =	vst.idx.msk $0xffff, v34  }
0x437: {  	v51 =	vadd.s32 v21, v36;
	v34 =	vld.idx.msk [tilespmem:v33+s0+$0xFFFFFF50 ss:$0x1], $0xffff;
	_ =	sdelay $0x4  }
0x438: {  	[tilespmem:v51+s29+$0x0] =	vst.idx.msk $0xffff, v34  }
0x439: {  	v52 =	vadd.s32 v22, v36;
	v34 =	vld.idx.msk [tilespmem:v33+s0+$0xFFFFFF60 ss:$0x1], $0xffff;
	_ =	sdelay $0x4  }
0x43a: {  	[tilespmem:v52+s29+$0x0] =	vst.idx.msk $0xffff, v34  }
0x43b: {  	v53 =	vadd.s32 v23, v36;
	v34 =	vld.idx.msk [tilespmem:v33+s0+$0xFFFFFF70 ss:$0x1], $0xffff;
	_ =	sdelay $0x4  }
0x43c: {  	[tilespmem:v53+s29+$0x0] =	vst.idx.msk $0xffff, v34  }
0x43d: {  	s8 =	simm.s32 $0x6;
	v54 =	vadd.s32 v24, v36;
	v34 =	vld.idx.msk [tilespmem:v33+s0+$0xFFFFFF80 ss:$0x1], $0xffff  }
0x43e: {  	v55 =	vmov s8  }
0x43f: {  	v36 =	vshrl.u32 v55, $0x3  }
0x440: {  	v36 =	vshll.u32 v36, v1  }
0x441: {  	v36 =	vbroadcast v36, $0x0  }
0x442: {  	[tilespmem:v54+s29+$0x0] =	vst.idx.msk $0xffff, v34  }
0x443: {  	v56 =	vadd.s32 v25, v36;
	v34 =	vld.idx.msk [tilespmem:v33+s0+$0xFFFFFF90 ss:$0x1], $0xffff;
	_ =	sdelay $0x4  }
0x444: {  	[tilespmem:v56+s29+$0x0] =	vst.idx.msk $0xffff, v34  }
0x445: {  	v57 =	vadd.s32 v26, v36;
	v34 =	vld.idx.msk [tilespmem:v33+s0+$0xFFFFFFA0 ss:$0x1], $0xffff;
	_ =	sdelay $0x4  }
0x446: {  	[tilespmem:v57+s29+$0x0] =	vst.idx.msk $0xffff, v34  }
0x447: {  	v58 =	vadd.s32 v27, v36;
	v34 =	vld.idx.msk [tilespmem:v33+s0+$0xFFFFFFB0 ss:$0x1], $0xffff;
	_ =	sdelay $0x4  }
0x448: {  	[tilespmem:v58+s29+$0x0] =	vst.idx.msk $0xffff, v34  }
0x449: {  	s23 =	simm.s32 $0x7;
	v59 =	vadd.s32 v28, v36;
	v34 =	vld.idx.msk [tilespmem:v33+s0+$0xFFFFFFC0 ss:$0x1], $0xffff  }
0x44a: {  	v60 =	vmov s23  }
0x44b: {  	v36 =	vshrl.u32 v60, $0x3  }
0x44c: {  	v36 =	vshll.u32 v36, v1  }
0x44d: {  	v36 =	vbroadcast v36, $0x0  }
0x44e: {  	[tilespmem:v59+s29+$0x0] =	vst.idx.msk $0xffff, v34  }
0x44f: {  	v61 =	vadd.s32 v29, v36;
	v34 =	vld.idx.msk [tilespmem:v33+s0+$0xFFFFFFD0 ss:$0x1], $0xffff;
	_ =	sdelay $0x4  }
0x450: {  	[tilespmem:v61+s29+$0x0] =	vst.idx.msk $0xffff, v34  }
0x451: {  	v62 =	vadd.s32 v30, v36;
	v34 =	vld.idx.msk [tilespmem:v33+s0+$0xFFFFFFE0 ss:$0x1], $0xffff;
	_ =	sdelay $0x4  }
0x452: {  	[tilespmem:v62+s29+$0x0] =	vst.idx.msk $0xffff, v34  }
0x453: {  	v63 =	vadd.s32 v31, v36;
	v34 =	vld.idx.msk [tilespmem:v33+s0+$0xFFFFFFF0 ss:$0x1], $0xffff;
	_ =	sdelay $0x4  }
0x454: {  	[tilespmem:v63+s29+$0x0] =	vst.idx.msk $0xffff, v34  }
0x455: {  	v35 =	vadd.s32 v32, v36;
	v34 =	vld.idx.msk [tilespmem:v33+s0+$0x0 ss:$0x1], $0xffff  }
0x456: {  	s31 =	simm.s32 $0x8  }
0x457: {  	s1 =	simm.s32 $0x10;
	s23 =	smov.u32 s0;
	v36 =	vmov s31  }
.LBB2_13:
0x458: {  	p1 =	slt.u32 s1, $0x78;
	v36 =	vshrl.u32 v36, $0x3  }
0x459: {  	v36 =	vshll.u32 v36, v1  }
0x45a: {  	s23 =	sadd.s32 $0x200, s23;
	v36 =	vbroadcast v36, $0x0;
	[tilespmem:v35+s29+$0x0] =	vst.idx.msk $0xffff, v34  }
0x45b: {  	v34 =	vld.idx.msk [tilespmem:v33+s23+$0xFFFFFE10 ss:$0x1], $0xffff  }
0x45c: {  	v35 =	vadd.s32 v0, v36;
	_ =	sdelay $0x4  }
0x45d: {  	[tilespmem:v35+s29+$0x0] =	vst.idx.msk $0xffff, v34  }
0x45e: {  	v34 =	vld.idx.msk [tilespmem:v33+s23+$0xFFFFFE20 ss:$0x1], $0xffff  }
0x45f: {  	v35 =	vadd.s32 v2, v36;
	_ =	sdelay $0x4  }
0x460: {  	[tilespmem:v35+s29+$0x0] =	vst.idx.msk $0xffff, v34  }
0x461: {  	v34 =	vld.idx.msk [tilespmem:v33+s23+$0xFFFFFE30 ss:$0x1], $0xffff  }
0x462: {  	v35 =	vadd.s32 v3, v36;
	_ =	sdelay $0x4  }
0x463: {  	[tilespmem:v35+s29+$0x0] =	vst.idx.msk $0xffff, v34  }
0x464: {  	v34 =	vld.idx.msk [tilespmem:v33+s23+$0xFFFFFE40 ss:$0x1], $0xffff  }
0x465: {  	v35 =	vadd.s32 v4, v36  }
0x466: {  	s8 =	sadd.s32 $0x1, s31  }
0x467: {  	v36 =	vmov s8  }
0x468: {  	v36 =	vshrl.u32 v36, $0x3  }
0x469: {  	v36 =	vshll.u32 v36, v1  }
0x46a: {  	[tilespmem:v35+s29+$0x0] =	vst.idx.msk $0xffff, v34;
	v34 =	vbroadcast v36, $0x0  }
0x46b: {  	v35 =	vld.idx.msk [tilespmem:v33+s23+$0xFFFFFE50 ss:$0x1], $0xffff  }
0x46c: {  	v36 =	vadd.s32 v5, v34;
	_ =	sdelay $0x4  }
0x46d: {  	[tilespmem:v36+s29+$0x0] =	vst.idx.msk $0xffff, v35  }
0x46e: {  	v35 =	vld.idx.msk [tilespmem:v33+s23+$0xFFFFFE60 ss:$0x1], $0xffff  }
0x46f: {  	v36 =	vadd.s32 v6, v34;
	_ =	sdelay $0x4  }
0x470: {  	[tilespmem:v36+s29+$0x0] =	vst.idx.msk $0xffff, v35  }
0x471: {  	v35 =	vld.idx.msk [tilespmem:v33+s23+$0xFFFFFE70 ss:$0x1], $0xffff  }
0x472: {  	v36 =	vadd.s32 v7, v34;
	_ =	sdelay $0x4  }
0x473: {  	[tilespmem:v36+s29+$0x0] =	vst.idx.msk $0xffff, v35  }
0x474: {  	v35 =	vld.idx.msk [tilespmem:v33+s23+$0xFFFFFE80 ss:$0x1], $0xffff  }
0x475: {  	v34 =	vadd.s32 v8, v34  }
0x476: {  	s8 =	sadd.s32 $0x2, s31  }
0x477: {  	v36 =	vmov s8  }
0x478: {  	v36 =	vshrl.u32 v36, $0x3  }
0x479: {  	v36 =	vshll.u32 v36, v1  }
0x47a: {  	[tilespmem:v34+s29+$0x0] =	vst.idx.msk $0xffff, v35;
	v34 =	vbroadcast v36, $0x0  }
0x47b: {  	v35 =	vld.idx.msk [tilespmem:v33+s23+$0xFFFFFE90 ss:$0x1], $0xffff  }
0x47c: {  	v36 =	vadd.s32 v9, v34;
	_ =	sdelay $0x4  }
0x47d: {  	[tilespmem:v36+s29+$0x0] =	vst.idx.msk $0xffff, v35  }
0x47e: {  	v35 =	vld.idx.msk [tilespmem:v33+s23+$0xFFFFFEA0 ss:$0x1], $0xffff  }
0x47f: {  	v36 =	vadd.s32 v10, v34;
	_ =	sdelay $0x4  }
0x480: {  	[tilespmem:v36+s29+$0x0] =	vst.idx.msk $0xffff, v35  }
0x481: {  	v35 =	vld.idx.msk [tilespmem:v33+s23+$0xFFFFFEB0 ss:$0x1], $0xffff  }
0x482: {  	v36 =	vadd.s32 v11, v34;
	_ =	sdelay $0x4  }
0x483: {  	[tilespmem:v36+s29+$0x0] =	vst.idx.msk $0xffff, v35  }
0x484: {  	v35 =	vld.idx.msk [tilespmem:v33+s23+$0xFFFFFEC0 ss:$0x1], $0xffff  }
0x485: {  	v34 =	vadd.s32 v12, v34  }
0x486: {  	s8 =	sadd.s32 $0x3, s31  }
0x487: {  	v36 =	vmov s8  }
0x488: {  	v36 =	vshrl.u32 v36, $0x3  }
0x489: {  	v36 =	vshll.u32 v36, v1  }
0x48a: {  	[tilespmem:v34+s29+$0x0] =	vst.idx.msk $0xffff, v35;
	v34 =	vbroadcast v36, $0x0  }
0x48b: {  	v35 =	vld.idx.msk [tilespmem:v33+s23+$0xFFFFFED0 ss:$0x1], $0xffff  }
0x48c: {  	v36 =	vadd.s32 v13, v34;
	_ =	sdelay $0x4  }
0x48d: {  	[tilespmem:v36+s29+$0x0] =	vst.idx.msk $0xffff, v35  }
0x48e: {  	v35 =	vld.idx.msk [tilespmem:v33+s23+$0xFFFFFEE0 ss:$0x1], $0xffff  }
0x48f: {  	v36 =	vadd.s32 v14, v34;
	_ =	sdelay $0x4  }
0x490: {  	[tilespmem:v36+s29+$0x0] =	vst.idx.msk $0xffff, v35  }
0x491: {  	v35 =	vld.idx.msk [tilespmem:v33+s23+$0xFFFFFEF0 ss:$0x1], $0xffff  }
0x492: {  	v36 =	vadd.s32 v15, v34;
	_ =	sdelay $0x4  }
0x493: {  	[tilespmem:v36+s29+$0x0] =	vst.idx.msk $0xffff, v35  }
0x494: {  	v35 =	vld.idx.msk [tilespmem:v33+s23+$0xFFFFFF00 ss:$0x1], $0xffff  }
0x495: {  	v34 =	vadd.s32 v16, v34  }
0x496: {  	s8 =	sadd.s32 $0x4, s31  }
0x497: {  	v36 =	vmov s8  }
0x498: {  	v36 =	vshrl.u32 v36, $0x3  }
0x499: {  	v36 =	vshll.u32 v36, v1  }
0x49a: {  	[tilespmem:v34+s29+$0x0] =	vst.idx.msk $0xffff, v35;
	v34 =	vbroadcast v36, $0x0  }
0x49b: {  	v35 =	vld.idx.msk [tilespmem:v33+s23+$0xFFFFFF10 ss:$0x1], $0xffff  }
0x49c: {  	v36 =	vadd.s32 v17, v34;
	_ =	sdelay $0x4  }
0x49d: {  	[tilespmem:v36+s29+$0x0] =	vst.idx.msk $0xffff, v35  }
0x49e: {  	v35 =	vld.idx.msk [tilespmem:v33+s23+$0xFFFFFF20 ss:$0x1], $0xffff  }
0x49f: {  	v36 =	vadd.s32 v18, v34;
	_ =	sdelay $0x4  }
0x4a0: {  	[tilespmem:v36+s29+$0x0] =	vst.idx.msk $0xffff, v35  }
0x4a1: {  	v35 =	vld.idx.msk [tilespmem:v33+s23+$0xFFFFFF30 ss:$0x1], $0xffff  }
0x4a2: {  	v36 =	vadd.s32 v19, v34;
	_ =	sdelay $0x4  }
0x4a3: {  	[tilespmem:v36+s29+$0x0] =	vst.idx.msk $0xffff, v35  }
0x4a4: {  	v35 =	vld.idx.msk [tilespmem:v33+s23+$0xFFFFFF40 ss:$0x1], $0xffff  }
0x4a5: {  	v34 =	vadd.s32 v20, v34  }
0x4a6: {  	s8 =	sadd.s32 $0x5, s31  }
0x4a7: {  	v36 =	vmov s8  }
0x4a8: {  	v36 =	vshrl.u32 v36, $0x3  }
0x4a9: {  	v36 =	vshll.u32 v36, v1  }
0x4aa: {  	[tilespmem:v34+s29+$0x0] =	vst.idx.msk $0xffff, v35;
	v34 =	vbroadcast v36, $0x0  }
0x4ab: {  	v35 =	vld.idx.msk [tilespmem:v33+s23+$0xFFFFFF50 ss:$0x1], $0xffff  }
0x4ac: {  	v36 =	vadd.s32 v21, v34;
	_ =	sdelay $0x4  }
0x4ad: {  	[tilespmem:v36+s29+$0x0] =	vst.idx.msk $0xffff, v35  }
0x4ae: {  	v35 =	vld.idx.msk [tilespmem:v33+s23+$0xFFFFFF60 ss:$0x1], $0xffff  }
0x4af: {  	v36 =	vadd.s32 v22, v34;
	_ =	sdelay $0x4  }
0x4b0: {  	[tilespmem:v36+s29+$0x0] =	vst.idx.msk $0xffff, v35  }
0x4b1: {  	v35 =	vld.idx.msk [tilespmem:v33+s23+$0xFFFFFF70 ss:$0x1], $0xffff  }
0x4b2: {  	v36 =	vadd.s32 v23, v34;
	_ =	sdelay $0x4  }
0x4b3: {  	[tilespmem:v36+s29+$0x0] =	vst.idx.msk $0xffff, v35  }
0x4b4: {  	v35 =	vld.idx.msk [tilespmem:v33+s23+$0xFFFFFF80 ss:$0x1], $0xffff  }
0x4b5: {  	v34 =	vadd.s32 v24, v34  }
0x4b6: {  	s8 =	sadd.s32 $0x6, s31  }
0x4b7: {  	v36 =	vmov s8  }
0x4b8: {  	v36 =	vshrl.u32 v36, $0x3  }
0x4b9: {  	v36 =	vshll.u32 v36, v1  }
0x4ba: {  	[tilespmem:v34+s29+$0x0] =	vst.idx.msk $0xffff, v35;
	v34 =	vbroadcast v36, $0x0  }
0x4bb: {  	v35 =	vld.idx.msk [tilespmem:v33+s23+$0xFFFFFF90 ss:$0x1], $0xffff  }
0x4bc: {  	v36 =	vadd.s32 v25, v34;
	_ =	sdelay $0x4  }
0x4bd: {  	[tilespmem:v36+s29+$0x0] =	vst.idx.msk $0xffff, v35  }
0x4be: {  	v35 =	vld.idx.msk [tilespmem:v33+s23+$0xFFFFFFA0 ss:$0x1], $0xffff  }
0x4bf: {  	v36 =	vadd.s32 v26, v34;
	_ =	sdelay $0x4  }
0x4c0: {  	[tilespmem:v36+s29+$0x0] =	vst.idx.msk $0xffff, v35  }
0x4c1: {  	v35 =	vld.idx.msk [tilespmem:v33+s23+$0xFFFFFFB0 ss:$0x1], $0xffff  }
0x4c2: {  	v36 =	vadd.s32 v27, v34;
	_ =	sdelay $0x4  }
0x4c3: {  	[tilespmem:v36+s29+$0x0] =	vst.idx.msk $0xffff, v35  }
0x4c4: {  	v35 =	vld.idx.msk [tilespmem:v33+s23+$0xFFFFFFC0 ss:$0x1], $0xffff  }
0x4c5: {  	v34 =	vadd.s32 v28, v34  }
0x4c6: {  	s8 =	sadd.s32 $0x7, s31;
	s31 =	smov.u32 s1  }
0x4c7: {  	v36 =	vmov s8  }
0x4c8: {  	v36 =	vshrl.u32 v36, $0x3  }
0x4c9: {  	v36 =	vshll.u32 v36, v1  }
0x4ca: {  	[tilespmem:v34+s29+$0x0] =	vst.idx.msk $0xffff, v35;
	v35 =	vbroadcast v36, $0x0  }
0x4cb: {  	v34 =	vld.idx.msk [tilespmem:v33+s23+$0xFFFFFFD0 ss:$0x1], $0xffff  }
0x4cc: {  	v36 =	vadd.s32 v29, v35;
	_ =	sdelay $0x4  }
0x4cd: {  	[tilespmem:v36+s29+$0x0] =	vst.idx.msk $0xffff, v34  }
0x4ce: {  	v34 =	vld.idx.msk [tilespmem:v33+s23+$0xFFFFFFE0 ss:$0x1], $0xffff  }
0x4cf: {  	v36 =	vadd.s32 v30, v35;
	_ =	sdelay $0x4  }
0x4d0: {  	[tilespmem:v36+s29+$0x0] =	vst.idx.msk $0xffff, v34  }
0x4d1: {  	v34 =	vld.idx.msk [tilespmem:v33+s23+$0xFFFFFFF0 ss:$0x1], $0xffff  }
0x4d2: {  	v36 =	vadd.s32 v31, v35;
	_ =	sdelay $0x4  }
.Ltmp7:
0x4d3: {  	[tilespmem:v36+s29+$0x0] =	vst.idx.msk $0xffff, v34;
	(pc) =	sbr.rel @p1 .LBB2_13-.Ltmp7, $3  }
0x4d4: {  	v34 =	vld.idx.msk [tilespmem:v33+s23+$0x0 ss:$0x1], $0xffff  }
0x4d5: {  	v35 =	vadd.s32 v32, v35;
	_ =	sdelay $0x1  }
0x4d6: {  	s1 =	sadd.s32 $0x8, s1;
	v36 =	vmov s31  }
0x4d7: {  	_ = 	snop  }
0x4d8: {  	v36 =	vshrl.u32 v36, $0x3  }
0x4d9: {  	v36 =	vshll.u32 v36, v1  }
0x4da: {  	v36 =	vbroadcast v36, $0x0  }
0x4db: {  	s1 =	sadd.s32 $0x200, s23;
	[tilespmem:v35+s29+$0x0] =	vst.idx.msk $0xffff, v34  }
0x4dc: {  	v34 =	vld.idx.msk [tilespmem:v33+s1+$0xFFFFFE10 ss:$0x1], $0xffff;
	v49 =	vadd.s32 v0, v36;
	_ =	sdelay $0x4  }
0x4dd: {  	[tilespmem:v49+s29+$0x0] =	vst.idx.msk $0xffff, v34  }
0x4de: {  	v50 =	vadd.s32 v2, v36;
	v34 =	vld.idx.msk [tilespmem:v33+s1+$0xFFFFFE20 ss:$0x1], $0xffff;
	_ =	sdelay $0x4  }
0x4df: {  	[tilespmem:v50+s29+$0x0] =	vst.idx.msk $0xffff, v34  }
0x4e0: {  	v51 =	vadd.s32 v3, v36;
	v34 =	vld.idx.msk [tilespmem:v33+s1+$0xFFFFFE30 ss:$0x1], $0xffff;
	_ =	sdelay $0x4  }
0x4e1: {  	[tilespmem:v51+s29+$0x0] =	vst.idx.msk $0xffff, v34  }
0x4e2: {  	s8 =	sadd.s32 $0x1, s31;
	v52 =	vadd.s32 v4, v36;
	v34 =	vld.idx.msk [tilespmem:v33+s1+$0xFFFFFE40 ss:$0x1], $0xffff  }
0x4e3: {  	v53 =	vmov s8  }
0x4e4: {  	v36 =	vshrl.u32 v53, $0x3  }
0x4e5: {  	v36 =	vshll.u32 v36, v1  }
0x4e6: {  	v36 =	vbroadcast v36, $0x0  }
0x4e7: {  	[tilespmem:v52+s29+$0x0] =	vst.idx.msk $0xffff, v34  }
0x4e8: {  	v54 =	vadd.s32 v5, v36;
	v34 =	vld.idx.msk [tilespmem:v33+s1+$0xFFFFFE50 ss:$0x1], $0xffff;
	_ =	sdelay $0x4  }
0x4e9: {  	[tilespmem:v54+s29+$0x0] =	vst.idx.msk $0xffff, v34  }
0x4ea: {  	v55 =	vadd.s32 v6, v36;
	v34 =	vld.idx.msk [tilespmem:v33+s1+$0xFFFFFE60 ss:$0x1], $0xffff;
	_ =	sdelay $0x4  }
0x4eb: {  	[tilespmem:v55+s29+$0x0] =	vst.idx.msk $0xffff, v34  }
0x4ec: {  	v56 =	vadd.s32 v7, v36;
	v34 =	vld.idx.msk [tilespmem:v33+s1+$0xFFFFFE70 ss:$0x1], $0xffff;
	_ =	sdelay $0x4  }
0x4ed: {  	[tilespmem:v56+s29+$0x0] =	vst.idx.msk $0xffff, v34  }
0x4ee: {  	s23 =	sadd.s32 $0x2, s31;
	v57 =	vadd.s32 v8, v36;
	v34 =	vld.idx.msk [tilespmem:v33+s1+$0xFFFFFE80 ss:$0x1], $0xffff  }
0x4ef: {  	v58 =	vmov s23  }
0x4f0: {  	v36 =	vshrl.u32 v58, $0x3  }
0x4f1: {  	v36 =	vshll.u32 v36, v1  }
0x4f2: {  	v36 =	vbroadcast v36, $0x0  }
0x4f3: {  	[tilespmem:v57+s29+$0x0] =	vst.idx.msk $0xffff, v34  }
0x4f4: {  	v59 =	vadd.s32 v9, v36;
	v34 =	vld.idx.msk [tilespmem:v33+s1+$0xFFFFFE90 ss:$0x1], $0xffff;
	_ =	sdelay $0x4  }
0x4f5: {  	[tilespmem:v59+s29+$0x0] =	vst.idx.msk $0xffff, v34  }
0x4f6: {  	v60 =	vadd.s32 v10, v36;
	v34 =	vld.idx.msk [tilespmem:v33+s1+$0xFFFFFEA0 ss:$0x1], $0xffff;
	_ =	sdelay $0x4  }
0x4f7: {  	[tilespmem:v60+s29+$0x0] =	vst.idx.msk $0xffff, v34  }
0x4f8: {  	v61 =	vadd.s32 v11, v36;
	v34 =	vld.idx.msk [tilespmem:v33+s1+$0xFFFFFEB0 ss:$0x1], $0xffff;
	_ =	sdelay $0x4  }
0x4f9: {  	[tilespmem:v61+s29+$0x0] =	vst.idx.msk $0xffff, v34  }
0x4fa: {  	s23 =	sadd.s32 $0x3, s31;
	v62 =	vadd.s32 v12, v36;
	v34 =	vld.idx.msk [tilespmem:v33+s1+$0xFFFFFEC0 ss:$0x1], $0xffff  }
0x4fb: {  	v63 =	vmov s23  }
0x4fc: {  	v36 =	vshrl.u32 v63, $0x3  }
0x4fd: {  	v36 =	vshll.u32 v36, v1  }
0x4fe: {  	v36 =	vbroadcast v36, $0x0  }
0x4ff: {  	[tilespmem:v62+s29+$0x0] =	vst.idx.msk $0xffff, v34  }
0x500: {  	v39 =	vadd.s32 v13, v36;
	v34 =	vld.idx.msk [tilespmem:v33+s1+$0xFFFFFED0 ss:$0x1], $0xffff;
	_ =	sdelay $0x4  }
0x501: {  	[tilespmem:v39+s29+$0x0] =	vst.idx.msk $0xffff, v34  }
0x502: {  	v40 =	vadd.s32 v14, v36;
	v34 =	vld.idx.msk [tilespmem:v33+s1+$0xFFFFFEE0 ss:$0x1], $0xffff;
	_ =	sdelay $0x4  }
0x503: {  	[tilespmem:v40+s29+$0x0] =	vst.idx.msk $0xffff, v34  }
0x504: {  	v41 =	vadd.s32 v15, v36;
	v34 =	vld.idx.msk [tilespmem:v33+s1+$0xFFFFFEF0 ss:$0x1], $0xffff;
	_ =	sdelay $0x4  }
0x505: {  	[tilespmem:v41+s29+$0x0] =	vst.idx.msk $0xffff, v34  }
0x506: {  	s23 =	sadd.s32 $0x4, s31;
	v42 =	vadd.s32 v16, v36;
	v34 =	vld.idx.msk [tilespmem:v33+s1+$0xFFFFFF00 ss:$0x1], $0xffff  }
0x507: {  	v43 =	vmov s23  }
0x508: {  	v36 =	vshrl.u32 v43, $0x3  }
0x509: {  	v36 =	vshll.u32 v36, v1  }
0x50a: {  	v36 =	vbroadcast v36, $0x0  }
0x50b: {  	[tilespmem:v42+s29+$0x0] =	vst.idx.msk $0xffff, v34  }
0x50c: {  	v44 =	vadd.s32 v17, v36;
	v34 =	vld.idx.msk [tilespmem:v33+s1+$0xFFFFFF10 ss:$0x1], $0xffff;
	_ =	sdelay $0x4  }
0x50d: {  	[tilespmem:v44+s29+$0x0] =	vst.idx.msk $0xffff, v34  }
0x50e: {  	v45 =	vadd.s32 v18, v36;
	v34 =	vld.idx.msk [tilespmem:v33+s1+$0xFFFFFF20 ss:$0x1], $0xffff;
	_ =	sdelay $0x4  }
0x50f: {  	[tilespmem:v45+s29+$0x0] =	vst.idx.msk $0xffff, v34  }
0x510: {  	v46 =	vadd.s32 v19, v36;
	v34 =	vld.idx.msk [tilespmem:v33+s1+$0xFFFFFF30 ss:$0x1], $0xffff;
	_ =	sdelay $0x4  }
0x511: {  	[tilespmem:v46+s29+$0x0] =	vst.idx.msk $0xffff, v34  }
0x512: {  	s23 =	sadd.s32 $0x5, s31;
	v47 =	vadd.s32 v20, v36;
	v34 =	vld.idx.msk [tilespmem:v33+s1+$0xFFFFFF40 ss:$0x1], $0xffff  }
0x513: {  	v48 =	vmov s23  }
0x514: {  	v36 =	vshrl.u32 v48, $0x3  }
0x515: {  	v36 =	vshll.u32 v36, v1  }
0x516: {  	v36 =	vbroadcast v36, $0x0  }
0x517: {  	[tilespmem:v47+s29+$0x0] =	vst.idx.msk $0xffff, v34  }
0x518: {  	v49 =	vadd.s32 v21, v36;
	v34 =	vld.idx.msk [tilespmem:v33+s1+$0xFFFFFF50 ss:$0x1], $0xffff;
	_ =	sdelay $0x4  }
0x519: {  	[tilespmem:v49+s29+$0x0] =	vst.idx.msk $0xffff, v34  }
0x51a: {  	v50 =	vadd.s32 v22, v36;
	v34 =	vld.idx.msk [tilespmem:v33+s1+$0xFFFFFF60 ss:$0x1], $0xffff;
	_ =	sdelay $0x4  }
0x51b: {  	[tilespmem:v50+s29+$0x0] =	vst.idx.msk $0xffff, v34  }
0x51c: {  	v51 =	vadd.s32 v23, v36;
	v34 =	vld.idx.msk [tilespmem:v33+s1+$0xFFFFFF70 ss:$0x1], $0xffff;
	_ =	sdelay $0x4  }
0x51d: {  	[tilespmem:v51+s29+$0x0] =	vst.idx.msk $0xffff, v34  }
0x51e: {  	s23 =	sadd.s32 $0x6, s31;
	v52 =	vadd.s32 v24, v36;
	v34 =	vld.idx.msk [tilespmem:v33+s1+$0xFFFFFF80 ss:$0x1], $0xffff  }
0x51f: {  	v53 =	vmov s23  }
0x520: {  	v36 =	vshrl.u32 v53, $0x3  }
0x521: {  	v36 =	vshll.u32 v36, v1  }
0x522: {  	v36 =	vbroadcast v36, $0x0  }
0x523: {  	[tilespmem:v52+s29+$0x0] =	vst.idx.msk $0xffff, v34  }
0x524: {  	v54 =	vadd.s32 v25, v36;
	v34 =	vld.idx.msk [tilespmem:v33+s1+$0xFFFFFF90 ss:$0x1], $0xffff;
	_ =	sdelay $0x4  }
0x525: {  	[tilespmem:v54+s29+$0x0] =	vst.idx.msk $0xffff, v34  }
0x526: {  	v55 =	vadd.s32 v26, v36;
	v34 =	vld.idx.msk [tilespmem:v33+s1+$0xFFFFFFA0 ss:$0x1], $0xffff;
	_ =	sdelay $0x4  }
0x527: {  	[tilespmem:v55+s29+$0x0] =	vst.idx.msk $0xffff, v34  }
0x528: {  	v56 =	vadd.s32 v27, v36;
	v34 =	vld.idx.msk [tilespmem:v33+s1+$0xFFFFFFB0 ss:$0x1], $0xffff;
	_ =	sdelay $0x4  }
0x529: {  	[tilespmem:v56+s29+$0x0] =	vst.idx.msk $0xffff, v34  }
0x52a: {  	s31 =	sadd.s32 $0x7, s31;
	v57 =	vadd.s32 v28, v36;
	v34 =	vld.idx.msk [tilespmem:v33+s1+$0xFFFFFFC0 ss:$0x1], $0xffff  }
0x52b: {  	v58 =	vmov s31  }
0x52c: {  	v36 =	vshrl.u32 v58, $0x3  }
0x52d: {  	v36 =	vshll.u32 v36, v1  }
0x52e: {  	v36 =	vbroadcast v36, $0x0  }
0x52f: {  	[tilespmem:v57+s29+$0x0] =	vst.idx.msk $0xffff, v34  }
0x530: {  	v59 =	vadd.s32 v29, v36;
	v34 =	vld.idx.msk [tilespmem:v33+s1+$0xFFFFFFD0 ss:$0x1], $0xffff;
	_ =	sdelay $0x4  }
0x531: {  	[tilespmem:v59+s29+$0x0] =	vst.idx.msk $0xffff, v34  }
0x532: {  	v60 =	vadd.s32 v30, v36;
	v34 =	vld.idx.msk [tilespmem:v33+s1+$0xFFFFFFE0 ss:$0x1], $0xffff;
	_ =	sdelay $0x4  }
0x533: {  	[tilespmem:v60+s29+$0x0] =	vst.idx.msk $0xffff, v34  }
0x534: {  	v61 =	vadd.s32 v31, v36;
	v34 =	vld.idx.msk [tilespmem:v33+s1+$0xFFFFFFF0 ss:$0x1], $0xffff;
	_ =	sdelay $0x4  }
0x535: {  	[tilespmem:v61+s29+$0x0] =	vst.idx.msk $0xffff, v34  }
0x536: {  	v63 =	vadd.s32 v32, v36;
	v62 =	vld.idx.msk [tilespmem:v33+s1+$0x0 ss:$0x1], $0xffff;
	_ =	sdelay $0x3  }
0x537: {  	s8 =	sshll.u32 s26, $0x11;
	s23 =	sadd.s32 s28, s6  }
0x538: {  	s1 =	sadd.s32 s8, s23;
	s8 =	sadd.s32 $0x0, s25;
	[tilespmem:v63+s29+$0x0] =	vst.idx.msk $0xffff, v62  }
0x539: {  	[hbm4b:s1+s2] =	stream.linear.scatter [tilespmem:s8], [sflag:s30], $0x80, $0x38;
	[tilespmem:$0x16880] =	vst v63  }
0x53a: {  	s26 =	sadd.s32 $0x88, s8;
	s31 =	sadd.s32 $0x10, s1  }
0x53b: {  	[hbm4b:s31+s2] =	stream.linear.scatter [tilespmem:s26], [sflag:s30], $0x80, $0x38;
	[tilespmem:$0x16880] =	vst v63  }
0x53c: {  	s26 =	sadd.s32 $0x110, s8;
	s31 =	sadd.s32 $0x20, s1  }
0x53d: {  	[hbm4b:s31+s2] =	stream.linear.scatter [tilespmem:s26], [sflag:s30], $0x80, $0x38;
	[tilespmem:$0x16880] =	vst v63  }
0x53e: {  	s26 =	sadd.s32 $0x198, s8;
	s31 =	sadd.s32 $0x30, s1  }
0x53f: {  	[hbm4b:s31+s2] =	stream.linear.scatter [tilespmem:s26], [sflag:s30], $0x80, $0x38;
	[tilespmem:$0x16880] =	vst v63  }
0x540: {  	s26 =	sadd.s32 $0x220, s8;
	s31 =	sadd.s32 $0x40, s1  }
0x541: {  	[hbm4b:s31+s2] =	stream.linear.scatter [tilespmem:s26], [sflag:s30], $0x80, $0x38;
	[tilespmem:$0x16880] =	vst v63  }
0x542: {  	s23 =	simm.s32 $0x440;
	s26 =	sadd.s32 $0x2A8, s8;
	s31 =	sadd.s32 $0x50, s1  }
0x543: {  	[hbm4b:s31+s2] =	stream.linear.scatter [tilespmem:s26], [sflag:s30], $0x80, $0x38;
	[tilespmem:$0x16880] =	vst v63  }
0x544: {  	s28 =	sadd.s32 $0x3B8, s8;
	s26 =	sadd.s32 $0x330, s8;
	s31 =	sadd.s32 $0x60, s1  }
0x545: {  	[hbm4b:s31+s2] =	stream.linear.scatter [tilespmem:s26], [sflag:s30], $0x80, $0x38;
	[tilespmem:$0x16880] =	vst v63  }
0x546: {  	s29 =	sadd.s32 $0x70, s1;
	s1 =	sadd.s32 $0x4000, s1;
	s26 =	simm.s32 $0x2200  }
.LBB2_15:
0x547: {  	[hbm4b:s29+s2] =	stream.linear.scatter [tilespmem:s28], [sflag:s30], $0x80, $0x38;
	[tilespmem:$0x16880] =	vst v63  }
0x548: {  	s8 =	smov.u32 s26  }
0x549: {  	s31 =	sadd.s32 $0x1100, s26;
	s28 =	sadd.s32 s23, s25;
	s23 =	sshra.s32 s8, $0x2  }
0x54a: {  	[hbm4b:s1+s2] =	stream.linear.scatter [tilespmem:s28], [sflag:s30], $0x80, $0x38;
	[tilespmem:$0x16880] =	vst v63  }
0x54b: {  	p1 =	sne.s32 s26, $0x7700;
	s26 =	sadd.s32 $0x10, s1;
	s8 =	sadd.s32 $0x88, s28  }
0x54c: {  	[hbm4b:s26+s2] =	stream.linear.scatter [tilespmem:s8], [sflag:s30], $0x80, $0x38;
	[tilespmem:$0x16880] =	vst v63  }
0x54d: {  	s8 =	sadd.s32 $0x110, s28;
	s26 =	sadd.s32 $0x20, s1  }
0x54e: {  	[hbm4b:s26+s2] =	stream.linear.scatter [tilespmem:s8], [sflag:s30], $0x80, $0x38;
	[tilespmem:$0x16880] =	vst v63  }
0x54f: {  	s8 =	sadd.s32 $0x198, s28;
	s26 =	sadd.s32 $0x30, s1  }
0x550: {  	[hbm4b:s26+s2] =	stream.linear.scatter [tilespmem:s8], [sflag:s30], $0x80, $0x38;
	[tilespmem:$0x16880] =	vst v63  }
0x551: {  	s8 =	sadd.s32 $0x220, s28;
	s26 =	sadd.s32 $0x40, s1  }
0x552: {  	[hbm4b:s26+s2] =	stream.linear.scatter [tilespmem:s8], [sflag:s30], $0x80, $0x38;
	[tilespmem:$0x16880] =	vst v63  }
.Ltmp8:
0x553: {  	s8 =	sadd.s32 $0x2A8, s28;
	s26 =	sadd.s32 $0x50, s1;
	(pc) =	sbr.rel @p1 .LBB2_15-.Ltmp8, $4  }
0x554: {  	[hbm4b:s26+s2] =	stream.linear.scatter [tilespmem:s8], [sflag:s30], $0x80, $0x38;
	[tilespmem:$0x16880] =	vst v63  }
0x555: {  	s29 =	sadd.s32 $0x70, s1;
	s8 =	sadd.s32 $0x330, s28;
	s26 =	sadd.s32 $0x60, s1  }
0x556: {  	[hbm4b:s26+s2] =	stream.linear.scatter [tilespmem:s8], [sflag:s30], $0x80, $0x38;
	[tilespmem:$0x16880] =	vst v63  }
0x557: {  	s28 =	sadd.s32 $0x3B8, s28;
	s1 =	sadd.s32 $0x4000, s1;
	s26 =	smov.u32 s31  }
0x558: {  	[hbm4b:s29+s2] =	stream.linear.scatter [tilespmem:s28], [sflag:s30], $0x80, $0x38;
	[tilespmem:$0x16880] =	vst v63  }
0x559: {  	s8 =	sadd.s32 s23, s25  }
0x55a: {  	[hbm4b:s1+s2] =	stream.linear.scatter [tilespmem:s8], [sflag:s30], $0x80, $0x38;
	[tilespmem:$0x16880] =	vst v63  }
0x55b: {  	s28 =	sadd.s32 $0x10, s1;
	s23 =	sadd.s32 $0x88, s8  }
0x55c: {  	[hbm4b:s28+s2] =	stream.linear.scatter [tilespmem:s23], [sflag:s30], $0x80, $0x38;
	[tilespmem:$0x16880] =	vst v63  }
0x55d: {  	s31 =	sadd.s32 $0x20, s1;
	s29 =	sadd.s32 $0x110, s8  }
0x55e: {  	[hbm4b:s31+s2] =	stream.linear.scatter [tilespmem:s29], [sflag:s30], $0x80, $0x38;
	[tilespmem:$0x16880] =	vst v63  }
0x55f: {  	s26 =	sadd.s32 $0x198, s8;
	s28 =	sadd.s32 $0x30, s1  }
0x560: {  	[hbm4b:s28+s2] =	stream.linear.scatter [tilespmem:s26], [sflag:s30], $0x80, $0x38;
	[tilespmem:$0x16880] =	vst v63  }
0x561: {  	s24 =	sadd.s32 $0x1, s24;
	s29 =	sadd.s32 $0x220, s8;
	s31 =	sadd.s32 $0x40, s1  }
0x562: {  	[hbm4b:s31+s2] =	stream.linear.scatter [tilespmem:s29], [sflag:s30], $0x80, $0x38;
	[tilespmem:$0x16880] =	vst v63  }
0x563: {  	s25 =	sadd.s32 $0x2A8, s8;
	p1 =	sne.s32 s24, $0xC8;
	s26 =	sadd.s32 $0x50, s1  }
0x564: {  	[hbm4b:s26+s2] =	stream.linear.scatter [tilespmem:s25], [sflag:s30], $0x80, $0x38;
	[tilespmem:$0x16880] =	vst v63  }
.Ltmp9:
0x565: {  	_ = 	snop;
	(pc) =	sbr.rel @p1 .LBB2_2-.Ltmp9, $4  }
0x566: {  	s0 =	sadd.s32 $0x2000, s0;
	s28 =	sadd.s32 $0x330, s8;
	s29 =	sadd.s32 $0x60, s1  }
0x567: {  	[hbm4b:s29+s2] =	stream.linear.scatter [tilespmem:s28], [sflag:s30], $0x80, $0x38;
	[tilespmem:$0x16880] =	vst v63  }
0x568: {  	p0 =	por !p0, !p0;
	s8 =	sadd.s32 $0x3B8, s8;
	s31 =	sadd.s32 $0x70, s1  }
0x569: {  	[hbm4b:s31+s2] =	stream.linear.scatter [tilespmem:s8], [sflag:s30], $0x80, $0x38;
	[tilespmem:$0x16880] =	vst v63  }
0x56a: {  	s22 =	sadd.s32 $0x1, s22  }
0x56b: {  	_ =	swait.ge [sflag:s20], $0x2000;
	p0 =	sne.s32 s22, s7  }
.Ltmp10:
0x56c: {  	[sflag:s20] =	ssyncset.done $0x0;
	(pc) =	sbr.rel @p0 .LBB2_1-.Ltmp10, $4  }
0x56d: {  	[sflag:s20] =	ssyncadd.s32 $0xFFFFE000  }
0x56e: {  	_ =	swait.ge [sflag:s21], $0x2000  }
0x56f: {  	[sflag:s21] =	ssyncset.done $0x0  }
0x570: {  	[sflag:s21] =	ssyncadd.s32 $0xFFFFE000  }
0x571: {  	_ =	sfence.sel $0x180000  }
0x572: {  	[bflag:$0x0] =	sbarrier.arrive $0xFFFF  }
0x573: {  	_ =	strace $0x90000047  }
0x574: {  	s0 =	stileid.u32;
	[bflag:$0x2] =	sbarrier.arrive $0xFFFF  }
0x575: {  	p0 =	sne.s32 s0, $0x0;
	s0 =	rddreg [dreg:$0x2]  }
0x576: {  	s0 =	sadd.s32 @!p0 $0x100000, s0  }
0x577: {  	[sflag:s0] =	ssyncadd.tile.s32 @!p0 $0x1;
	_ =	shalt  }
.Lfunc_end2:
_tile_overlayer_lowered:
.L_overlay_start_2:
0x578: {  	(tag) =	ssettag $0x2  }
0x579: {  	s0 =	rddreg [dreg:$0x0];
	s2 =	stileid.u32  }
0x57a: {  	s1 =	rddreg [dreg:$0x1];
	p0 =	sne.s32 s2, $0x0  }
0x57b: {  	s3 =	rddreg [dreg:$0x2];
	[bflag:$0x3] =	sbarrier.arrive $0xFFFF;
	s2 =	simm.s32 @!p0 $0x1C09  }
0x57c: {  	[timem:s3], [sflag:s2] =	dma.local @!p0 [hbm:s0], s1  }
0x57d: {  	s0 =	simm.s32 @!p0 $0x9  }
0x57e: {  	_ =	swait.ge @!p0 [sflag:s0], s1  }
0x57f: {  	s1 =	ssub.s32 @!p0 $0x0, s1;
	[sflag:s0] =	ssyncset.done @!p0 $0x0  }
0x580: {  	[sflag:s0] =	ssyncadd.s32 @!p0 s1  }
0x581: {  	[bflag:$0x3] =	sbarrier.arrive $0xFFFF  }
0x582: {  	_ =	shalt  }

</sc_bundles>
